<compile_context>
chip_gen: v7x
topology: tpu7x:2x2x1
jax: 0.10.2.dev20260603
libtpu: 0.0.44.dev20260713+nightly
codegen_flags: <defaults>
</compile_context>

<pallas_src>
import functools
import jax
import jax.numpy as jnp
from jax import lax
from jax.experimental import pallas as pl
from jax.experimental.pallas import tpu as pltpu
from jax.experimental.pallas import tpu_sc as plsc

N = 10000
E = 320000
D = 128
DE = 16
DEPTH = 3

NC = 2
NS = 16
EPT = E // (NC * NS)
CH = 40
NCHUNK = EPT // CH
G = 80
NG = N // G

NB = 2000
BE = 8000



def _sc_body(hA, srcg, dstg, eB, zeros, out,
             si0, si1, si2, sd0, sd1, sd2, g0, g1, g2, e0, e1, e2, agg,
             ssi0, ssi1, ssi2, ssd0, ssd1, ssd2,
             sg0, sg1, sg2, se0, se1, se2, sct0, sct1, sct2):
    c = lax.axis_index("c")
    s = lax.axis_index("s")
    wid = c * NS + s
    base0 = wid * EPT

    sibufs = (si0, si1, si2)
    sdbufs = (sd0, sd1, sd2)
    gbufs = (g0, g1, g2)
    ebufs = (e0, e1, e2)
    sisems = (ssi0, ssi1, ssi2)
    sdsems = (ssd0, ssd1, ssd2)
    gsems = (sg0, sg1, sg2)
    esems = (se0, se1, se2)
    sctsems = (sct0, sct1, sct2)

    def issue_src(k, b):
        pltpu.async_copy(srcg.at[pl.ds(base0 + k * CH, CH)],
                         sibufs[b], sisems[b])

    def issue_dst(k, b):
        pltpu.async_copy(dstg.at[pl.ds(base0 + k * CH, CH)],
                         sdbufs[b], sdsems[b])

    def issue_main(k, b):
        pltpu.async_copy(hA.at[sibufs[b]], gbufs[b], gsems[b])
        pltpu.async_copy(eB.at[pl.ds(base0 + k * CH, CH)], ebufs[b], esems[b])

    def wait_main(k, b):
        pltpu.make_async_copy(hA.at[sibufs[b]], gbufs[b], gsems[b]).wait()
        pltpu.make_async_copy(eB.at[pl.ds(base0 + k * CH, CH)],
                              ebufs[b], esems[b]).wait()

    def wait_src(b):
        pltpu.make_async_copy(srcg.at[pl.ds(base0, CH)],
                              sibufs[b], sisems[b]).wait()

    def wait_sct(b):
        pltpu.make_async_copy(gbufs[b], agg.at[sdbufs[b]], sctsems[b]).wait()

    issue_src(0, 0)
    issue_src(1, 1)
    issue_src(2, 2)
    issue_dst(0, 0)
    issue_dst(1, 1)
    wait_src(0)
    issue_main(0, 0)
    wait_src(1)
    issue_main(1, 1)

    def init_body(j, carry):
        k = s + NS * j

        @pl.when(k < NG)
        def _():
            pltpu.sync_copy(zeros.at[pl.ds(k * G, G)], agg.at[pl.ds(k * G, G)])

        return carry

    lax.fori_loop(0, (NG + NS - 1) // NS, init_body, 0)
    plsc.subcore_barrier()

    def process(k, b):
        nb2 = (b + 2) % 3

        wait_main(k, b)

        @pl.when(k + 3 < NCHUNK)
        def _():
            issue_src(k + 3, b)

        @pl.when((k >= 1) & (k + 2 < NCHUNK))
        def _():
            wait_sct(nb2)

        @pl.when(k + 2 < NCHUNK)
        def _():
            wait_src(nb2)
            issue_main(k + 2, nb2)
            issue_dst(k + 2, nb2)

        gath_v = gbufs[b]
        eB_v = ebufs[b]

        def row_body(r, rcarry):
            for cc in range(D // 16):
                z = gath_v[r, pl.ds(cc * 16, 16)] + eB_v[r, pl.ds(cc * 16, 16)]
                gath_v[r, pl.ds(cc * 16, 16)] = jnp.maximum(z, 0.1 * z)
            return rcarry

        lax.fori_loop(0, CH, row_body, 0)

        pltpu.make_async_copy(dstg.at[pl.ds(base0, CH)],
                              sdbufs[b], sdsems[b]).wait()
        pltpu.async_copy(gath_v, agg.at[sdbufs[b]], sctsems[b], add=True)

    def chunk_body(i, carry):
        process(3 * i, 0)
        process(3 * i + 1, 1)
        process(3 * i + 2, 2)
        return carry

    lax.fori_loop(0, (NCHUNK - 1) // 3, chunk_body, 0)
    process(NCHUNK - 1, (NCHUNK - 1) % 3)
    wait_sct((NCHUNK - 3) % 3)
    wait_sct((NCHUNK - 2) % 3)
    wait_sct((NCHUNK - 1) % 3)
    plsc.subcore_barrier()

    def wb_body(j, carry):
        k = s + NS * j

        @pl.when(k < NG)
        def _():
            pltpu.sync_copy(agg.at[pl.ds(k * G, G)],
                            out.at[c, pl.ds(k * G, G)])

        return carry

    lax.fori_loop(0, (NG + NS - 1) // NS, wb_body, 0)


_sc_aggregate = pl.kernel(
    _sc_body,
    out_type=jax.ShapeDtypeStruct((NC, N, D), jnp.float32),
    mesh=plsc.VectorSubcoreMesh(core_axis_name="c", subcore_axis_name="s",
                                num_cores=NC, num_subcores=NS),
    scratch_types=(
        [pltpu.VMEM((CH,), jnp.int32)] * 6
        + [pltpu.VMEM((CH, D), jnp.float32)] * 6
        + [pltpu.VMEM_SHARED((N, D), jnp.float32)]
        + [pltpu.SemaphoreType.DMA] * 15
    ),
)




def _prep_body(x_r, wp_r, bp_r, u2a_r, h_r, ha_r):
    h = jnp.dot(x_r[...], wp_r[...], preferred_element_type=jnp.float32)
    h = h + bp_r[...]
    h_r[...] = h
    ha_r[...] = jnp.dot(h, u2a_r[...], preferred_element_type=jnp.float32)


_tc_prep = pl.pallas_call(
    _prep_body,
    grid=(N // NB,),
    in_specs=[
        pl.BlockSpec((NB, D), lambda i: (i, 0)),
        pl.BlockSpec((D, D), lambda i: (0, 0)),
        pl.BlockSpec((1, D), lambda i: (0, 0)),
        pl.BlockSpec((D, D), lambda i: (0, 0)),
    ],
    out_specs=[
        pl.BlockSpec((NB, D), lambda i: (i, 0)),
        pl.BlockSpec((NB, D), lambda i: (i, 0)),
    ],
    out_shape=[
        jax.ShapeDtypeStruct((N, D), jnp.float32),
        jax.ShapeDtypeStruct((N, D), jnp.float32),
    ],
)


def _eb_body(ea_r, u2e_r, b2_r, eb_r):
    eb_r[...] = (jnp.dot(ea_r[...], u2e_r[...],
                         preferred_element_type=jnp.float32) + b2_r[...])


_tc_eb = pl.pallas_call(
    _eb_body,
    grid=(E // BE,),
    in_specs=[
        pl.BlockSpec((BE, DE), lambda j: (j, 0)),
        pl.BlockSpec((DE, D), lambda j: (0, 0)),
        pl.BlockSpec((1, D), lambda j: (0, 0)),
    ],
    out_specs=pl.BlockSpec((BE, D), lambda j: (j, 0)),
    out_shape=jax.ShapeDtypeStruct((E, D), jnp.float32),
)


def _upd_body_mid(h_r, agg_r, u1a_r, u1b_r, b1_r, u2a_r, hn_r, han_r):
    a = agg_r[0] + agg_r[1]
    hn = jnp.dot(h_r[...], u1a_r[...], preferred_element_type=jnp.float32)
    hn = hn + jnp.dot(a, u1b_r[...], preferred_element_type=jnp.float32)
    hn = hn + b1_r[...]
    hn_r[...] = hn
    han_r[...] = jnp.dot(hn, u2a_r[...], preferred_element_type=jnp.float32)


_tc_update_mid = pl.pallas_call(
    _upd_body_mid,
    grid=(N // NB,),
    in_specs=[
        pl.BlockSpec((NB, D), lambda i: (i, 0)),
        pl.BlockSpec((NC, NB, D), lambda i: (0, i, 0)),
        pl.BlockSpec((D, D), lambda i: (0, 0)),
        pl.BlockSpec((D, D), lambda i: (0, 0)),
        pl.BlockSpec((1, D), lambda i: (0, 0)),
        pl.BlockSpec((D, D), lambda i: (0, 0)),
    ],
    out_specs=[
        pl.BlockSpec((NB, D), lambda i: (i, 0)),
        pl.BlockSpec((NB, D), lambda i: (i, 0)),
    ],
    out_shape=[
        jax.ShapeDtypeStruct((N, D), jnp.float32),
        jax.ShapeDtypeStruct((N, D), jnp.float32),
    ],
)


def _upd_body_last(h_r, agg_r, u1a_r, u1b_r, b1_r, hn_r):
    a = agg_r[0] + agg_r[1]
    hn = jnp.dot(h_r[...], u1a_r[...], preferred_element_type=jnp.float32)
    hn = hn + jnp.dot(a, u1b_r[...], preferred_element_type=jnp.float32)
    hn_r[...] = hn + b1_r[...]


_tc_update_last = pl.pallas_call(
    _upd_body_last,
    grid=(N // NB,),
    in_specs=[
        pl.BlockSpec((NB, D), lambda i: (i, 0)),
        pl.BlockSpec((NC, NB, D), lambda i: (0, i, 0)),
        pl.BlockSpec((D, D), lambda i: (0, 0)),
        pl.BlockSpec((D, D), lambda i: (0, 0)),
        pl.BlockSpec((1, D), lambda i: (0, 0)),
    ],
    out_specs=pl.BlockSpec((NB, D), lambda i: (i, 0)),
    out_shape=jax.ShapeDtypeStruct((N, D), jnp.float32),
)




def kernel(x, edge_index, edge_attr, W_proj, b_proj, U2_W, U2_b, U1_W, U1_b):
    src = edge_index[0]
    dst = edge_index[1]
    bp = b_proj.reshape(1, D)
    zeros = jnp.zeros((N, D), jnp.float32)

    h, hA = _tc_prep(x, W_proj, bp, U2_W[0, :D, :])
    eBs = [_tc_eb(edge_attr, U2_W[i, D:, :], U2_b[i].reshape(1, D))
           for i in range(DEPTH)]
    for i in range(DEPTH):
        agg = _sc_aggregate(hA, src, dst, eBs[i], zeros)
        if i < DEPTH - 1:
            h, hA = _tc_update_mid(h, agg, U1_W[i, :D, :], U1_W[i, D:, :],
                                   U1_b[i].reshape(1, D), U2_W[i + 1, :D, :])
        else:
            h = _tc_update_last(h, agg, U1_W[i, :D, :], U1_W[i, D:, :],
                                U1_b[i].reshape(1, D))
    return h

# --- scband reference (transcript-rebuilt; emitter-appended) ---
"""Pipeline reference for scband-graph-neural-network-simple-29300266893460 (READ-ONLY COPY).

The authoritative reference and input builder live on the scoring server;
editing this copy changes nothing except your own understanding.
"""

import jax, jax.numpy as jnp
import numpy as np

N = 10000
E = 320000
D = 128
DE = 16
DEPTH = 3


def setup_inputs(seed: int = 0) -> dict:
    key = jax.random.key(seed)
    ks = jax.random.split(key, 10)
    x = jax.random.normal(ks[0], (N, D), dtype=jnp.float32)
    edge_index = jax.random.randint(ks[1], (2, E), 0, N)
    edge_attr = jax.random.normal(ks[2], (E, DE), dtype=jnp.float32)
    W_proj = jax.random.normal(ks[3], (D, D), dtype=jnp.float32) * 0.05
    b_proj = jax.random.normal(ks[4], (D,), dtype=jnp.float32) * 0.05
    U2_W = jax.random.normal(ks[5], (DEPTH, D + DE, D), dtype=jnp.float32) * 0.05
    U2_b = jax.random.normal(ks[6], (DEPTH, D), dtype=jnp.float32) * 0.05
    U1_W = jax.random.normal(ks[7], (DEPTH, 2 * D, D), dtype=jnp.float32) * 0.05
    U1_b = jax.random.normal(ks[8], (DEPTH, D), dtype=jnp.float32) * 0.05
    return {"x": x, "edge_index": edge_index, "edge_attr": edge_attr,
            "W_proj": W_proj, "b_proj": b_proj,
            "U2_W": U2_W, "U2_b": U2_b, "U1_W": U1_W, "U1_b": U1_b}


def _leaky_relu(z):
    return jnp.where(z > 0, z, 0.1 * z)


def reference(x, edge_index, edge_attr, W_proj, b_proj, U2_W, U2_b, U1_W, U1_b):
    # proj
    h = x @ W_proj + b_proj
    src = edge_index[0]
    dst = edge_index[1]
    for i in range(DEPTH):
        # message: gather source node features, concat edge_attr, Linear + LeakyReLU(0.1)
        x_j = jnp.take(h, src, axis=0)
        z = jnp.concatenate([x_j, edge_attr], axis=-1)
        msg = _leaky_relu(z @ U2_W[i] + U2_b[i])
        # aggregate: scatter-add to destination nodes
        agg = jax.ops.segment_sum(msg, dst, num_segments=N)
        # update: concat [x, message] -> Linear
        h = jnp.concatenate([h, agg], axis=-1) @ U1_W[i] + U1_b[i]
    return h

if __name__ == "__main__":
    import jax
    _d = setup_inputs()
    print(jax.jit(kernel)(*tuple(_d.values())))

</pallas_src>

<mosaic_0001>
#map = affine_map<(d0, d1) -> (0, 0)>
#map1 = affine_map<(d0, d1) -> (0)>
#map2 = affine_map<(d0, d1) -> (0, 0, 0)>
module attributes {stable_mosaic.version = 14 : i64} {
  func.func @_sc_body(%arg0: i32, %arg1: i32, %arg2: memref<10000x128xf32, #tpu.memory_space<hbm>>, %arg3: memref<320000xi32, #tpu.memory_space<hbm>>, %arg4: memref<320000xi32, #tpu.memory_space<hbm>>, %arg5: memref<320000x128xf32, #tpu.memory_space<hbm>>, %arg6: memref<10000x128xf32, #tpu.memory_space<hbm>>, %arg7: memref<2x10000x128xf32, #tpu.memory_space<hbm>>, %arg8: memref<40xi32, #tpu.memory_space<vmem>>, %arg9: memref<40xi32, #tpu.memory_space<vmem>>, %arg10: memref<40xi32, #tpu.memory_space<vmem>>, %arg11: memref<40xi32, #tpu.memory_space<vmem>>, %arg12: memref<40xi32, #tpu.memory_space<vmem>>, %arg13: memref<40xi32, #tpu.memory_space<vmem>>, %arg14: memref<40x128xf32, #tpu.memory_space<vmem>>, %arg15: memref<40x128xf32, #tpu.memory_space<vmem>>, %arg16: memref<40x128xf32, #tpu.memory_space<vmem>>, %arg17: memref<40x128xf32, #tpu.memory_space<vmem>>, %arg18: memref<40x128xf32, #tpu.memory_space<vmem>>, %arg19: memref<40x128xf32, #tpu.memory_space<vmem>>, %arg20: memref<10000x128xf32, #tpu.memory_space<vmem_shared>>, %arg21: memref<!tpu.dma_semaphore, #tpu.memory_space<semaphore_mem>>, %arg22: memref<!tpu.dma_semaphore, #tpu.memory_space<semaphore_mem>>, %arg23: memref<!tpu.dma_semaphore, #tpu.memory_space<semaphore_mem>>, %arg24: memref<!tpu.dma_semaphore, #tpu.memory_space<semaphore_mem>>, %arg25: memref<!tpu.dma_semaphore, #tpu.memory_space<semaphore_mem>>, %arg26: memref<!tpu.dma_semaphore, #tpu.memory_space<semaphore_mem>>, %arg27: memref<!tpu.dma_semaphore, #tpu.memory_space<semaphore_mem>>, %arg28: memref<!tpu.dma_semaphore, #tpu.memory_space<semaphore_mem>>, %arg29: memref<!tpu.dma_semaphore, #tpu.memory_space<semaphore_mem>>, %arg30: memref<!tpu.dma_semaphore, #tpu.memory_space<semaphore_mem>>, %arg31: memref<!tpu.dma_semaphore, #tpu.memory_space<semaphore_mem>>, %arg32: memref<!tpu.dma_semaphore, #tpu.memory_space<semaphore_mem>>, %arg33: memref<!tpu.dma_semaphore, #tpu.memory_space<semaphore_mem>>, %arg34: memref<!tpu.dma_semaphore, #tpu.memory_space<semaphore_mem>>, %arg35: memref<!tpu.dma_semaphore, #tpu.memory_space<semaphore_mem>>) attributes {dimension_semantics = [#tpu.dimension_semantics<core_parallel>, #tpu.dimension_semantics<subcore_parallel>], iteration_bounds = array<i64: 2, 16>, scalar_prefetch = 0 : i64, scratch_operands = 28 : i64, tpu.core_type = #tpu.core_type<sc_vector_subcore>, window_params = [{transform_indices = #map}, {transform_indices = #map1}, {transform_indices = #map1}, {transform_indices = #map}, {transform_indices = #map}, {transform_indices = #map2}]} {
    %mul3A = arith.constant 16 : i32
    %mul3A_0 = arith.muli %arg0, %mul3A : i32
    %add3A = arith.addi %mul3A_0, %arg1 : i32
    %mul3A_1 = arith.constant 10000 : i32
    %mul3A_2 = arith.muli %add3A, %mul3A_1 : i32
    %add3A_3 = arith.constant 0 : i32
    %add3A_4 = arith.addi %mul3A_2, %add3A_3 : i32
    %dma_start3A = tpu.memref_slice %arg3[%add3A_4] : memref<320000xi32, #tpu.memory_space<hbm>> -> memref<40xi32, #tpu.memory_space<hbm>>
    %dma_start3A_5 = tpu.memref_slice %arg3[%add3A_4] : memref<320000xi32, #tpu.memory_space<hbm>> -> memref<40xi32, #tpu.memory_space<hbm>>
    tpu.enqueue_dma source(%dma_start3A_5 : memref<40xi32, #tpu.memory_space<hbm>>) target(%arg8 : memref<40xi32, #tpu.memory_space<vmem>>) target_semaphore(%arg21 : memref<!tpu.dma_semaphore, #tpu.memory_space<semaphore_mem>>)
    %add3A_6 = arith.constant 40 : i32
    %add3A_7 = arith.addi %mul3A_2, %add3A_6 : i32
    %dma_start3A_8 = tpu.memref_slice %arg3[%add3A_7] : memref<320000xi32, #tpu.memory_space<hbm>> -> memref<40xi32, #tpu.memory_space<hbm>>
    %dma_start3A_9 = tpu.memref_slice %arg3[%add3A_7] : memref<320000xi32, #tpu.memory_space<hbm>> -> memref<40xi32, #tpu.memory_space<hbm>>
    tpu.enqueue_dma source(%dma_start3A_9 : memref<40xi32, #tpu.memory_space<hbm>>) target(%arg9 : memref<40xi32, #tpu.memory_space<vmem>>) target_semaphore(%arg22 : memref<!tpu.dma_semaphore, #tpu.memory_space<semaphore_mem>>)
    %add3A_10 = arith.constant 80 : i32
    %add3A_11 = arith.addi %mul3A_2, %add3A_10 : i32
    %dma_start3A_12 = tpu.memref_slice %arg3[%add3A_11] : memref<320000xi32, #tpu.memory_space<hbm>> -> memref<40xi32, #tpu.memory_space<hbm>>
    %dma_start3A_13 = tpu.memref_slice %arg3[%add3A_11] : memref<320000xi32, #tpu.memory_space<hbm>> -> memref<40xi32, #tpu.memory_space<hbm>>
    tpu.enqueue_dma source(%dma_start3A_13 : memref<40xi32, #tpu.memory_space<hbm>>) target(%arg10 : memref<40xi32, #tpu.memory_space<vmem>>) target_semaphore(%arg23 : memref<!tpu.dma_semaphore, #tpu.memory_space<semaphore_mem>>)
    %add3A_14 = arith.constant 0 : i32
    %add3A_15 = arith.addi %mul3A_2, %add3A_14 : i32
    %dma_start3A_16 = tpu.memref_slice %arg4[%add3A_15] : memref<320000xi32, #tpu.memory_space<hbm>> -> memref<40xi32, #tpu.memory_space<hbm>>
    %dma_start3A_17 = tpu.memref_slice %arg4[%add3A_15] : memref<320000xi32, #tpu.memory_space<hbm>> -> memref<40xi32, #tpu.memory_space<hbm>>
    tpu.enqueue_dma source(%dma_start3A_17 : memref<40xi32, #tpu.memory_space<hbm>>) target(%arg11 : memref<40xi32, #tpu.memory_space<vmem>>) target_semaphore(%arg24 : memref<!tpu.dma_semaphore, #tpu.memory_space<semaphore_mem>>)
    %add3A_18 = arith.constant 40 : i32
    %add3A_19 = arith.addi %mul3A_2, %add3A_18 : i32
    %dma_start3A_20 = tpu.memref_slice %arg4[%add3A_19] : memref<320000xi32, #tpu.memory_space<hbm>> -> memref<40xi32, #tpu.memory_space<hbm>>
    %dma_start3A_21 = tpu.memref_slice %arg4[%add3A_19] : memref<320000xi32, #tpu.memory_space<hbm>> -> memref<40xi32, #tpu.memory_space<hbm>>
    tpu.enqueue_dma source(%dma_start3A_21 : memref<40xi32, #tpu.memory_space<hbm>>) target(%arg12 : memref<40xi32, #tpu.memory_space<vmem>>) target_semaphore(%arg25 : memref<!tpu.dma_semaphore, #tpu.memory_space<semaphore_mem>>)
    %dma_wait3A = tpu.memref_slice %arg3[%mul3A_2] : memref<320000xi32, #tpu.memory_space<hbm>> -> memref<40xi32, #tpu.memory_space<hbm>>
    %dma_wait3A_22 = tpu.memref_slice %arg3[%mul3A_2] : memref<320000xi32, #tpu.memory_space<hbm>> -> memref<40xi32, #tpu.memory_space<hbm>>
    tpu.wait_dma2 semaphore(%arg21 : memref<!tpu.dma_semaphore, #tpu.memory_space<semaphore_mem>>) src(%dma_wait3A_22 : memref<40xi32, #tpu.memory_space<hbm>>) dst(%arg8 : memref<40xi32, #tpu.memory_space<vmem>>)
    %dma_start3A_23 = arith.constant 0 : i32
    %dma_start3A_24 = arith.constant 0 : i32
    %dma_start3A_25 = tpu.memref_slice %arg2[%dma_start3A_23, %dma_start3A_24] : memref<10000x128xf32, #tpu.memory_space<hbm>> -> memref<10000x128xf32, #tpu.memory_space<hbm>>
    tpu.enqueue_indirect_dma source(%dma_start3A_25 : memref<10000x128xf32, #tpu.memory_space<hbm>>) target(%arg14 : memref<40x128xf32, #tpu.memory_space<vmem>>) offsets(%arg8 : memref<40xi32, #tpu.memory_space<vmem>>) semaphore(%arg27 : memref<!tpu.dma_semaphore, #tpu.memory_space<semaphore_mem>>)
    %add3A_26 = arith.constant 0 : i32
    %add3A_27 = arith.addi %mul3A_2, %add3A_26 : i32
    %dma_start3A_28 = arith.constant 0 : i32
    %dma_start3A_29 = tpu.memref_slice %arg5[%add3A_27, %dma_start3A_28] : memref<320000x128xf32, #tpu.memory_space<hbm>> -> memref<40x128xf32, #tpu.memory_space<hbm>>
    %dma_start3A_30 = arith.constant 0 : i32
    %dma_start3A_31 = tpu.memref_slice %arg5[%add3A_27, %dma_start3A_30] : memref<320000x128xf32, #tpu.memory_space<hbm>> -> memref<40x128xf32, #tpu.memory_space<hbm>>
    tpu.enqueue_dma source(%dma_start3A_31 : memref<40x128xf32, #tpu.memory_space<hbm>>) target(%arg17 : memref<40x128xf32, #tpu.memory_space<vmem>>) target_semaphore(%arg30 : memref<!tpu.dma_semaphore, #tpu.memory_space<semaphore_mem>>)
    %dma_wait3A_32 = tpu.memref_slice %arg3[%mul3A_2] : memref<320000xi32, #tpu.memory_space<hbm>> -> memref<40xi32, #tpu.memory_space<hbm>>
    %dma_wait3A_33 = tpu.memref_slice %arg3[%mul3A_2] : memref<320000xi32, #tpu.memory_space<hbm>> -> memref<40xi32, #tpu.memory_space<hbm>>
    tpu.wait_dma2 semaphore(%arg22 : memref<!tpu.dma_semaphore, #tpu.memory_space<semaphore_mem>>) src(%dma_wait3A_33 : memref<40xi32, #tpu.memory_space<hbm>>) dst(%arg9 : memref<40xi32, #tpu.memory_space<vmem>>)
    %dma_start3A_34 = arith.constant 0 : i32
    %dma_start3A_35 = arith.constant 0 : i32
    %dma_start3A_36 = tpu.memref_slice %arg2[%dma_start3A_34, %dma_start3A_35] : memref<10000x128xf32, #tpu.memory_space<hbm>> -> memref<10000x128xf32, #tpu.memory_space<hbm>>
    tpu.enqueue_indirect_dma source(%dma_start3A_36 : memref<10000x128xf32, #tpu.memory_space<hbm>>) target(%arg15 : memref<40x128xf32, #tpu.memory_space<vmem>>) offsets(%arg9 : memref<40xi32, #tpu.memory_space<vmem>>) semaphore(%arg28 : memref<!tpu.dma_semaphore, #tpu.memory_space<semaphore_mem>>)
    %add3A_37 = arith.constant 40 : i32
    %add3A_38 = arith.addi %mul3A_2, %add3A_37 : i32
    %dma_start3A_39 = arith.constant 0 : i32
    %dma_start3A_40 = tpu.memref_slice %arg5[%add3A_38, %dma_start3A_39] : memref<320000x128xf32, #tpu.memory_space<hbm>> -> memref<40x128xf32, #tpu.memory_space<hbm>>
    %dma_start3A_41 = arith.constant 0 : i32
    %dma_start3A_42 = tpu.memref_slice %arg5[%add3A_38, %dma_start3A_41] : memref<320000x128xf32, #tpu.memory_space<hbm>> -> memref<40x128xf32, #tpu.memory_space<hbm>>
    tpu.enqueue_dma source(%dma_start3A_42 : memref<40x128xf32, #tpu.memory_space<hbm>>) target(%arg18 : memref<40x128xf32, #tpu.memory_space<vmem>>) target_semaphore(%arg31 : memref<!tpu.dma_semaphore, #tpu.memory_space<semaphore_mem>>)
    %scan3A = arith.constant 0 : i32
    %scan3A_43 = arith.constant 0 : i32
    %scan3A_44 = arith.constant 8 : i32
    %scan3A_45 = arith.addi %scan3A_43, %scan3A_44 : i32
    %scan3A_46 = arith.constant 1 : i32
    scf.for %scan3A_90 = %scan3A_43 to %scan3A_45 step %scan3A_46  : i32 {
      %mul3A_91 = arith.constant 16 : i32
      %mul3A_92 = arith.muli %mul3A_91, %scan3A_90 : i32
      %add3A_93 = arith.addi %arg1, %mul3A_92 : i32
      %lt3A = arith.constant 125 : i32
      %lt3A_94 = arith.cmpi slt, %add3A_93, %lt3A : i32
      %convert_element_type3A = arith.extui %lt3A_94 : i1 to i32
      %cond3A = arith.constant 0 : i32
      %cond3A_95 = arith.cmpi ne, %convert_element_type3A, %cond3A : i32
      scf.if %cond3A_95 {
        %mul3A_96 = arith.constant 80 : i32
        %mul3A_97 = arith.muli %add3A_93, %mul3A_96 : i32
        %mul3A_98 = arith.constant 80 : i32
        %mul3A_99 = arith.muli %add3A_93, %mul3A_98 : i32
        "tpu.region"() ({
          %run_scoped3A = tpu.sem_alloc : memref<!tpu.dma_semaphore, #tpu.memory_space<semaphore_mem>>
          %dma_start3A_100 = arith.constant 0 : i32
          %dma_start3A_101 = tpu.memref_slice %arg20[%mul3A_99, %dma_start3A_100] : memref<10000x128xf32, #tpu.memory_space<vmem_shared>> -> memref<80x128xf32, #tpu.memory_space<vmem_shared>>
          %dma_start3A_102 = arith.constant 0 : i32
          %dma_start3A_103 = tpu.memref_slice %arg6[%mul3A_97, %dma_start3A_102] : memref<10000x128xf32, #tpu.memory_space<hbm>> -> memref<80x128xf32, #tpu.memory_space<hbm>>
          tpu.enqueue_dma source(%dma_start3A_103 : memref<80x128xf32, #tpu.memory_space<hbm>>) target(%dma_start3A_101 : memref<80x128xf32, #tpu.memory_space<vmem_shared>>) target_semaphore(%run_scoped3A : memref<!tpu.dma_semaphore, #tpu.memory_space<semaphore_mem>>)
          %dma_wait3A_104 = arith.constant 0 : i32
          %dma_wait3A_105 = tpu.memref_slice %arg20[%mul3A_99, %dma_wait3A_104] : memref<10000x128xf32, #tpu.memory_space<vmem_shared>> -> memref<80x128xf32, #tpu.memory_space<vmem_shared>>
          %dma_wait3A_106 = arith.constant 0 : i32
          %dma_wait3A_107 = tpu.memref_slice %arg6[%mul3A_97, %dma_wait3A_106] : memref<10000x128xf32, #tpu.memory_space<hbm>> -> memref<80x128xf32, #tpu.memory_space<hbm>>
          tpu.wait_dma2 semaphore(%run_scoped3A : memref<!tpu.dma_semaphore, #tpu.memory_space<semaphore_mem>>) src(%dma_wait3A_107 : memref<80x128xf32, #tpu.memory_space<hbm>>) dst(%dma_wait3A_105 : memref<80x128xf32, #tpu.memory_space<vmem_shared>>)
          tpu.yield
        }) : () -> ()
      } else {
      }
    }
    %scan3A_47 = arith.constant 8 : i32
    %barrier3A = arith.constant 0 : index
    tpu.barrier barrier_id(%barrier3A)
    %scan3A_48 = arith.constant 0 : i32
    %scan3A_49 = arith.constant 0 : i32
    %scan3A_50 = arith.constant 83 : i32
    %scan3A_51 = arith.addi %scan3A_49, %scan3A_50 : i32
    %scan3A_52 = arith.constant 1 : i32
    scf.for %scan3A_90 = %scan3A_49 to %scan3A_51 step %scan3A_52  : i32 {
      %mul3A_91 = arith.constant 3 : i32
      %mul3A_92 = arith.muli %mul3A_91, %scan3A_90 : i32
      %dma_wait3A_93 = arith.constant 0 : i32
      %dma_wait3A_94 = arith.constant 0 : i32
      %dma_wait3A_95 = tpu.memref_slice %arg2[%dma_wait3A_93, %dma_wait3A_94] : memref<10000x128xf32, #tpu.memory_space<hbm>> -> memref<10000x128xf32, #tpu.memory_space<hbm>>
      tpu.wait_indirect_dma semaphore(%arg27 : memref<!tpu.dma_semaphore, #tpu.memory_space<semaphore_mem>>) src(%dma_wait3A_95 : memref<10000x128xf32, #tpu.memory_space<hbm>>) dst(%arg14 : memref<40x128xf32, #tpu.memory_space<vmem>>)
      %mul3A_96 = arith.constant 40 : i32
      %mul3A_97 = arith.muli %mul3A_92, %mul3A_96 : i32
      %add3A_98 = arith.addi %mul3A_2, %mul3A_97 : i32
      %dma_wait3A_99 = arith.constant 0 : i32
      %dma_wait3A_100 = tpu.memref_slice %arg5[%add3A_98, %dma_wait3A_99] : memref<320000x128xf32, #tpu.memory_space<hbm>> -> memref<40x128xf32, #tpu.memory_space<hbm>>
      %dma_wait3A_101 = arith.constant 0 : i32
      %dma_wait3A_102 = tpu.memref_slice %arg5[%add3A_98, %dma_wait3A_101] : memref<320000x128xf32, #tpu.memory_space<hbm>> -> memref<40x128xf32, #tpu.memory_space<hbm>>
      tpu.wait_dma2 semaphore(%arg30 : memref<!tpu.dma_semaphore, #tpu.memory_space<semaphore_mem>>) src(%dma_wait3A_102 : memref<40x128xf32, #tpu.memory_space<hbm>>) dst(%arg17 : memref<40x128xf32, #tpu.memory_space<vmem>>)
      %add3A_103 = arith.constant 3 : i32
      %add3A_104 = arith.addi %mul3A_92, %add3A_103 : i32
      %lt3A = arith.constant 250 : i32
      %lt3A_105 = arith.cmpi slt, %add3A_104, %lt3A : i32
      %convert_element_type3A = arith.extui %lt3A_105 : i1 to i32
      %cond3A = arith.constant 0 : i32
      %cond3A_106 = arith.cmpi ne, %convert_element_type3A, %cond3A : i32
      scf.if %cond3A_106 {
        %add3A_231 = arith.constant 3 : i32
        %add3A_232 = arith.addi %mul3A_92, %add3A_231 : i32
        %mul3A_233 = arith.constant 40 : i32
        %mul3A_234 = arith.muli %add3A_232, %mul3A_233 : i32
        %add3A_235 = arith.addi %mul3A_2, %mul3A_234 : i32
        %dma_start3A_236 = tpu.memref_slice %arg3[%add3A_235] : memref<320000xi32, #tpu.memory_space<hbm>> -> memref<40xi32, #tpu.memory_space<hbm>>
        %dma_start3A_237 = tpu.memref_slice %arg3[%add3A_235] : memref<320000xi32, #tpu.memory_space<hbm>> -> memref<40xi32, #tpu.memory_space<hbm>>
        tpu.enqueue_dma source(%dma_start3A_237 : memref<40xi32, #tpu.memory_space<hbm>>) target(%arg8 : memref<40xi32, #tpu.memory_space<vmem>>) target_semaphore(%arg21 : memref<!tpu.dma_semaphore, #tpu.memory_space<semaphore_mem>>)
      } else {
      }
      %ge3A = arith.constant 1 : i32
      %ge3A_107 = arith.cmpi sge, %mul3A_92, %ge3A : i32
      %add3A_108 = arith.constant 2 : i32
      %add3A_109 = arith.addi %mul3A_92, %add3A_108 : i32
      %lt3A_110 = arith.constant 250 : i32
      %lt3A_111 = arith.cmpi slt, %add3A_109, %lt3A_110 : i32
      %and3A = arith.andi %ge3A_107, %lt3A_111 : i1
      %convert_element_type3A_112 = arith.extui %and3A : i1 to i32
      %cond3A_113 = arith.constant 0 : i32
      %cond3A_114 = arith.cmpi ne, %convert_element_type3A_112, %cond3A_113 : i32
      scf.if %cond3A_114 {
        %dma_wait3A_231 = arith.constant 0 : i32
        %dma_wait3A_232 = arith.constant 0 : i32
        %dma_wait3A_233 = tpu.memref_slice %arg20[%dma_wait3A_231, %dma_wait3A_232] : memref<10000x128xf32, #tpu.memory_space<vmem_shared>> -> memref<10000x128xf32, #tpu.memory_space<vmem_shared>>
        tpu.wait_indirect_dma semaphore(%arg35 : memref<!tpu.dma_semaphore, #tpu.memory_space<semaphore_mem>>) src(%arg16 : memref<40x128xf32, #tpu.memory_space<vmem>>) dst(%dma_wait3A_233 : memref<10000x128xf32, #tpu.memory_space<vmem_shared>>)
      } else {
      }
      %add3A_115 = arith.constant 2 : i32
      %add3A_116 = arith.addi %mul3A_92, %add3A_115 : i32
      %lt3A_117 = arith.constant 250 : i32
      %lt3A_118 = arith.cmpi slt, %add3A_116, %lt3A_117 : i32
      %convert_element_type3A_119 = arith.extui %lt3A_118 : i1 to i32
      %cond3A_120 = arith.constant 0 : i32
      %cond3A_121 = arith.cmpi ne, %convert_element_type3A_119, %cond3A_120 : i32
      scf.if %cond3A_121 {
        %dma_wait3A_231 = tpu.memref_slice %arg3[%mul3A_2] : memref<320000xi32, #tpu.memory_space<hbm>> -> memref<40xi32, #tpu.memory_space<hbm>>
        %dma_wait3A_232 = tpu.memref_slice %arg3[%mul3A_2] : memref<320000xi32, #tpu.memory_space<hbm>> -> memref<40xi32, #tpu.memory_space<hbm>>
        tpu.wait_dma2 semaphore(%arg23 : memref<!tpu.dma_semaphore, #tpu.memory_space<semaphore_mem>>) src(%dma_wait3A_232 : memref<40xi32, #tpu.memory_space<hbm>>) dst(%arg10 : memref<40xi32, #tpu.memory_space<vmem>>)
        %add3A_233 = arith.constant 2 : i32
        %add3A_234 = arith.addi %mul3A_92, %add3A_233 : i32
        %dma_start3A_235 = arith.constant 0 : i32
        %dma_start3A_236 = arith.constant 0 : i32
        %dma_start3A_237 = tpu.memref_slice %arg2[%dma_start3A_235, %dma_start3A_236] : memref<10000x128xf32, #tpu.memory_space<hbm>> -> memref<10000x128xf32, #tpu.memory_space<hbm>>
        tpu.enqueue_indirect_dma source(%dma_start3A_237 : memref<10000x128xf32, #tpu.memory_space<hbm>>) target(%arg16 : memref<40x128xf32, #tpu.memory_space<vmem>>) offsets(%arg10 : memref<40xi32, #tpu.memory_space<vmem>>) semaphore(%arg29 : memref<!tpu.dma_semaphore, #tpu.memory_space<semaphore_mem>>)
        %mul3A_238 = arith.constant 40 : i32
        %mul3A_239 = arith.muli %add3A_234, %mul3A_238 : i32
        %add3A_240 = arith.addi %mul3A_2, %mul3A_239 : i32
        %dma_start3A_241 = arith.constant 0 : i32
        %dma_start3A_242 = tpu.memref_slice %arg5[%add3A_240, %dma_start3A_241] : memref<320000x128xf32, #tpu.memory_space<hbm>> -> memref<40x128xf32, #tpu.memory_space<hbm>>
        %dma_start3A_243 = arith.constant 0 : i32
        %dma_start3A_244 = tpu.memref_slice %arg5[%add3A_240, %dma_start3A_243] : memref<320000x128xf32, #tpu.memory_space<hbm>> -> memref<40x128xf32, #tpu.memory_space<hbm>>
        tpu.enqueue_dma source(%dma_start3A_244 : memref<40x128xf32, #tpu.memory_space<hbm>>) target(%arg19 : memref<40x128xf32, #tpu.memory_space<vmem>>) target_semaphore(%arg32 : memref<!tpu.dma_semaphore, #tpu.memory_space<semaphore_mem>>)
        %add3A_245 = arith.constant 2 : i32
        %add3A_246 = arith.addi %mul3A_92, %add3A_245 : i32
        %mul3A_247 = arith.constant 40 : i32
        %mul3A_248 = arith.muli %add3A_246, %mul3A_247 : i32
        %add3A_249 = arith.addi %mul3A_2, %mul3A_248 : i32
        %dma_start3A_250 = tpu.memref_slice %arg4[%add3A_249] : memref<320000xi32, #tpu.memory_space<hbm>> -> memref<40xi32, #tpu.memory_space<hbm>>
        %dma_start3A_251 = tpu.memref_slice %arg4[%add3A_249] : memref<320000xi32, #tpu.memory_space<hbm>> -> memref<40xi32, #tpu.memory_space<hbm>>
        tpu.enqueue_dma source(%dma_start3A_251 : memref<40xi32, #tpu.memory_space<hbm>>) target(%arg13 : memref<40xi32, #tpu.memory_space<vmem>>) target_semaphore(%arg26 : memref<!tpu.dma_semaphore, #tpu.memory_space<semaphore_mem>>)
      } else {
      }
      %scan3A_122 = arith.constant 0 : i32
      %scan3A_123 = arith.constant 0 : i32
      %scan3A_124 = arith.constant 40 : i32
      %scan3A_125 = arith.addi %scan3A_123, %scan3A_124 : i32
      %scan3A_126 = arith.constant 1 : i32
      scf.for %scan3A_231 = %scan3A_123 to %scan3A_125 step %scan3A_126  : i32 {
        %get3A = arith.index_cast %scan3A_231 : i32 to index
        %get3A_232 = arith.constant 0 : index
        %get3A_233 = tpu.vector_load %arg14[%get3A, %get3A_232] {strides = array<i32>} : memref<40x128xf32, #tpu.memory_space<vmem>>, vector<1x16xf32>,
        %get3A_234 = vector.shape_cast %get3A_233 : vector<1x16xf32> to vector<16xf32>
        %get3A_235 = arith.index_cast %scan3A_231 : i32 to index
        %get3A_236 = arith.constant 0 : index
        %get3A_237 = tpu.vector_load %arg17[%get3A_235, %get3A_236] {strides = array<i32>} : memref<40x128xf32, #tpu.memory_space<vmem>>, vector<1x16xf32>,
        %get3A_238 = vector.shape_cast %get3A_237 : vector<1x16xf32> to vector<16xf32>
        %add3A_239 = arith.addf %get3A_234, %get3A_238 : vector<16xf32>
        %mul3A_240 = arith.constant 1.000000e-01 : f32
        %mul3A_241 = vector.broadcast %mul3A_240 : f32 to vector<16xf32>
        %mul3A_242 = arith.mulf %mul3A_241, %add3A_239 : vector<16xf32>
        %max3A = arith.maximumf %add3A_239, %mul3A_242 : vector<16xf32>
        %swap3A = arith.index_cast %scan3A_231 : i32 to index
        %swap3A_243 = arith.constant 0 : index
        %swap3A_244 = tpu.vector_load %arg14[%swap3A, %swap3A_243] {strides = array<i32>} : memref<40x128xf32, #tpu.memory_space<vmem>>, vector<1x16xf32>,
        %swap3A_245 = vector.shape_cast %swap3A_244 : vector<1x16xf32> to vector<16xf32>
        %swap3A_246 = vector.shape_cast %max3A : vector<16xf32> to vector<1x16xf32>
        tpu.vector_store %arg14[%swap3A, %swap3A_243], %swap3A_246 {strides = array<i32>} : memref<40x128xf32, #tpu.memory_space<vmem>>, vector<1x16xf32>,
        %get3A_247 = arith.index_cast %scan3A_231 : i32 to index
        %get3A_248 = arith.constant 16 : index
        %get3A_249 = tpu.vector_load %arg14[%get3A_247, %get3A_248] {strides = array<i32>} : memref<40x128xf32, #tpu.memory_space<vmem>>, vector<1x16xf32>,
        %get3A_250 = vector.shape_cast %get3A_249 : vector<1x16xf32> to vector<16xf32>
        %get3A_251 = arith.index_cast %scan3A_231 : i32 to index
        %get3A_252 = arith.constant 16 : index
        %get3A_253 = tpu.vector_load %arg17[%get3A_251, %get3A_252] {strides = array<i32>} : memref<40x128xf32, #tpu.memory_space<vmem>>, vector<1x16xf32>,
        %get3A_254 = vector.shape_cast %get3A_253 : vector<1x16xf32> to vector<16xf32>
        %add3A_255 = arith.addf %get3A_250, %get3A_254 : vector<16xf32>
        %mul3A_256 = arith.constant 1.000000e-01 : f32
        %mul3A_257 = vector.broadcast %mul3A_256 : f32 to vector<16xf32>
        %mul3A_258 = arith.mulf %mul3A_257, %add3A_255 : vector<16xf32>
        %max3A_259 = arith.maximumf %add3A_255, %mul3A_258 : vector<16xf32>
        %swap3A_260 = arith.index_cast %scan3A_231 : i32 to index
        %swap3A_261 = arith.constant 16 : index
        %swap3A_262 = tpu.vector_load %arg14[%swap3A_260, %swap3A_261] {strides = array<i32>} : memref<40x128xf32, #tpu.memory_space<vmem>>, vector<1x16xf32>,
        %swap3A_263 = vector.shape_cast %swap3A_262 : vector<1x16xf32> to vector<16xf32>
        %swap3A_264 = vector.shape_cast %max3A_259 : vector<16xf32> to vector<1x16xf32>
        tpu.vector_store %arg14[%swap3A_260, %swap3A_261], %swap3A_264 {strides = array<i32>} : memref<40x128xf32, #tpu.memory_space<vmem>>, vector<1x16xf32>,
        %get3A_265 = arith.index_cast %scan3A_231 : i32 to index
        %get3A_266 = arith.constant 32 : index
        %get3A_267 = tpu.vector_load %arg14[%get3A_265, %get3A_266] {strides = array<i32>} : memref<40x128xf32, #tpu.memory_space<vmem>>, vector<1x16xf32>,
        %get3A_268 = vector.shape_cast %get3A_267 : vector<1x16xf32> to vector<16xf32>
        %get3A_269 = arith.index_cast %scan3A_231 : i32 to index
        %get3A_270 = arith.constant 32 : index
        %get3A_271 = tpu.vector_load %arg17[%get3A_269, %get3A_270] {strides = array<i32>} : memref<40x128xf32, #tpu.memory_space<vmem>>, vector<1x16xf32>,
        %get3A_272 = vector.shape_cast %get3A_271 : vector<1x16xf32> to vector<16xf32>
        %add3A_273 = arith.addf %get3A_268, %get3A_272 : vector<16xf32>
        %mul3A_274 = arith.constant 1.000000e-01 : f32
        %mul3A_275 = vector.broadcast %mul3A_274 : f32 to vector<16xf32>
        %mul3A_276 = arith.mulf %mul3A_275, %add3A_273 : vector<16xf32>
        %max3A_277 = arith.maximumf %add3A_273, %mul3A_276 : vector<16xf32>
        %swap3A_278 = arith.index_cast %scan3A_231 : i32 to index
        %swap3A_279 = arith.constant 32 : index
        %swap3A_280 = tpu.vector_load %arg14[%swap3A_278, %swap3A_279] {strides = array<i32>} : memref<40x128xf32, #tpu.memory_space<vmem>>, vector<1x16xf32>,
        %swap3A_281 = vector.shape_cast %swap3A_280 : vector<1x16xf32> to vector<16xf32>
        %swap3A_282 = vector.shape_cast %max3A_277 : vector<16xf32> to vector<1x16xf32>
        tpu.vector_store %arg14[%swap3A_278, %swap3A_279], %swap3A_282 {strides = array<i32>} : memref<40x128xf32, #tpu.memory_space<vmem>>, vector<1x16xf32>,
        %get3A_283 = arith.index_cast %scan3A_231 : i32 to index
        %get3A_284 = arith.constant 48 : index
        %get3A_285 = tpu.vector_load %arg14[%get3A_283, %get3A_284] {strides = array<i32>} : memref<40x128xf32, #tpu.memory_space<vmem>>, vector<1x16xf32>,
        %get3A_286 = vector.shape_cast %get3A_285 : vector<1x16xf32> to vector<16xf32>
        %get3A_287 = arith.index_cast %scan3A_231 : i32 to index
        %get3A_288 = arith.constant 48 : index
        %get3A_289 = tpu.vector_load %arg17[%get3A_287, %get3A_288] {strides = array<i32>} : memref<40x128xf32, #tpu.memory_space<vmem>>, vector<1x16xf32>,
        %get3A_290 = vector.shape_cast %get3A_289 : vector<1x16xf32> to vector<16xf32>
        %add3A_291 = arith.addf %get3A_286, %get3A_290 : vector<16xf32>
        %mul3A_292 = arith.constant 1.000000e-01 : f32
        %mul3A_293 = vector.broadcast %mul3A_292 : f32 to vector<16xf32>
        %mul3A_294 = arith.mulf %mul3A_293, %add3A_291 : vector<16xf32>
        %max3A_295 = arith.maximumf %add3A_291, %mul3A_294 : vector<16xf32>
        %swap3A_296 = arith.index_cast %scan3A_231 : i32 to index
        %swap3A_297 = arith.constant 48 : index
        %swap3A_298 = tpu.vector_load %arg14[%swap3A_296, %swap3A_297] {strides = array<i32>} : memref<40x128xf32, #tpu.memory_space<vmem>>, vector<1x16xf32>,
        %swap3A_299 = vector.shape_cast %swap3A_298 : vector<1x16xf32> to vector<16xf32>
        %swap3A_300 = vector.shape_cast %max3A_295 : vector<16xf32> to vector<1x16xf32>
        tpu.vector_store %arg14[%swap3A_296, %swap3A_297], %swap3A_300 {strides = array<i32>} : memref<40x128xf32, #tpu.memory_space<vmem>>, vector<1x16xf32>,
        %get3A_301 = arith.index_cast %scan3A_231 : i32 to index
        %get3A_302 = arith.constant 64 : index
        %get3A_303 = tpu.vector_load %arg14[%get3A_301, %get3A_302] {strides = array<i32>} : memref<40x128xf32, #tpu.memory_space<vmem>>, vector<1x16xf32>,
        %get3A_304 = vector.shape_cast %get3A_303 : vector<1x16xf32> to vector<16xf32>
        %get3A_305 = arith.index_cast %scan3A_231 : i32 to index
        %get3A_306 = arith.constant 64 : index
        %get3A_307 = tpu.vector_load %arg17[%get3A_305, %get3A_306] {strides = array<i32>} : memref<40x128xf32, #tpu.memory_space<vmem>>, vector<1x16xf32>,
        %get3A_308 = vector.shape_cast %get3A_307 : vector<1x16xf32> to vector<16xf32>
        %add3A_309 = arith.addf %get3A_304, %get3A_308 : vector<16xf32>
        %mul3A_310 = arith.constant 1.000000e-01 : f32
        %mul3A_311 = vector.broadcast %mul3A_310 : f32 to vector<16xf32>
        %mul3A_312 = arith.mulf %mul3A_311, %add3A_309 : vector<16xf32>
        %max3A_313 = arith.maximumf %add3A_309, %mul3A_312 : vector<16xf32>
        %swap3A_314 = arith.index_cast %scan3A_231 : i32 to index
        %swap3A_315 = arith.constant 64 : index
        %swap3A_316 = tpu.vector_load %arg14[%swap3A_314, %swap3A_315] {strides = array<i32>} : memref<40x128xf32, #tpu.memory_space<vmem>>, vector<1x16xf32>,
        %swap3A_317 = vector.shape_cast %swap3A_316 : vector<1x16xf32> to vector<16xf32>
        %swap3A_318 = vector.shape_cast %max3A_313 : vector<16xf32> to vector<1x16xf32>
        tpu.vector_store %arg14[%swap3A_314, %swap3A_315], %swap3A_318 {strides = array<i32>} : memref<40x128xf32, #tpu.memory_space<vmem>>, vector<1x16xf32>,
        %get3A_319 = arith.index_cast %scan3A_231 : i32 to index
        %get3A_320 = arith.constant 80 : index
        %get3A_321 = tpu.vector_load %arg14[%get3A_319, %get3A_320] {strides = array<i32>} : memref<40x128xf32, #tpu.memory_space<vmem>>, vector<1x16xf32>,
        %get3A_322 = vector.shape_cast %get3A_321 : vector<1x16xf32> to vector<16xf32>
        %get3A_323 = arith.index_cast %scan3A_231 : i32 to index
        %get3A_324 = arith.constant 80 : index
        %get3A_325 = tpu.vector_load %arg17[%get3A_323, %get3A_324] {strides = array<i32>} : memref<40x128xf32, #tpu.memory_space<vmem>>, vector<1x16xf32>,
        %get3A_326 = vector.shape_cast %get3A_325 : vector<1x16xf32> to vector<16xf32>
        %add3A_327 = arith.addf %get3A_322, %get3A_326 : vector<16xf32>
        %mul3A_328 = arith.constant 1.000000e-01 : f32
        %mul3A_329 = vector.broadcast %mul3A_328 : f32 to vector<16xf32>
        %mul3A_330 = arith.mulf %mul3A_329, %add3A_327 : vector<16xf32>
        %max3A_331 = arith.maximumf %add3A_327, %mul3A_330 : vector<16xf32>
        %swap3A_332 = arith.index_cast %scan3A_231 : i32 to index
        %swap3A_333 = arith.constant 80 : index
        %swap3A_334 = tpu.vector_load %arg14[%swap3A_332, %swap3A_333] {strides = array<i32>} : memref<40x128xf32, #tpu.memory_space<vmem>>, vector<1x16xf32>,
        %swap3A_335 = vector.shape_cast %swap3A_334 : vector<1x16xf32> to vector<16xf32>
        %swap3A_336 = vector.shape_cast %max3A_331 : vector<16xf32> to vector<1x16xf32>
        tpu.vector_store %arg14[%swap3A_332, %swap3A_333], %swap3A_336 {strides = array<i32>} : memref<40x128xf32, #tpu.memory_space<vmem>>, vector<1x16xf32>,
        %get3A_337 = arith.index_cast %scan3A_231 : i32 to index
        %get3A_338 = arith.constant 96 : index
        %get3A_339 = tpu.vector_load %arg14[%get3A_337, %get3A_338] {strides = array<i32>} : memref<40x128xf32, #tpu.memory_space<vmem>>, vector<1x16xf32>,
        %get3A_340 = vector.shape_cast %get3A_339 : vector<1x16xf32> to vector<16xf32>
        %get3A_341 = arith.index_cast %scan3A_231 : i32 to index
        %get3A_342 = arith.constant 96 : index
        %get3A_343 = tpu.vector_load %arg17[%get3A_341, %get3A_342] {strides = array<i32>} : memref<40x128xf32, #tpu.memory_space<vmem>>, vector<1x16xf32>,
        %get3A_344 = vector.shape_cast %get3A_343 : vector<1x16xf32> to vector<16xf32>
        %add3A_345 = arith.addf %get3A_340, %get3A_344 : vector<16xf32>
        %mul3A_346 = arith.constant 1.000000e-01 : f32
        %mul3A_347 = vector.broadcast %mul3A_346 : f32 to vector<16xf32>
        %mul3A_348 = arith.mulf %mul3A_347, %add3A_345 : vector<16xf32>
        %max3A_349 = arith.maximumf %add3A_345, %mul3A_348 : vector<16xf32>
        %swap3A_350 = arith.index_cast %scan3A_231 : i32 to index
        %swap3A_351 = arith.constant 96 : index
        %swap3A_352 = tpu.vector_load %arg14[%swap3A_350, %swap3A_351] {strides = array<i32>} : memref<40x128xf32, #tpu.memory_space<vmem>>, vector<1x16xf32>,
        %swap3A_353 = vector.shape_cast %swap3A_352 : vector<1x16xf32> to vector<16xf32>
        %swap3A_354 = vector.shape_cast %max3A_349 : vector<16xf32> to vector<1x16xf32>
        tpu.vector_store %arg14[%swap3A_350, %swap3A_351], %swap3A_354 {strides = array<i32>} : memref<40x128xf32, #tpu.memory_space<vmem>>, vector<1x16xf32>,
        %get3A_355 = arith.index_cast %scan3A_231 : i32 to index
        %get3A_356 = arith.constant 112 : index
        %get3A_357 = tpu.vector_load %arg14[%get3A_355, %get3A_356] {strides = array<i32>} : memref<40x128xf32, #tpu.memory_space<vmem>>, vector<1x16xf32>,
        %get3A_358 = vector.shape_cast %get3A_357 : vector<1x16xf32> to vector<16xf32>
        %get3A_359 = arith.index_cast %scan3A_231 : i32 to index
        %get3A_360 = arith.constant 112 : index
        %get3A_361 = tpu.vector_load %arg17[%get3A_359, %get3A_360] {strides = array<i32>} : memref<40x128xf32, #tpu.memory_space<vmem>>, vector<1x16xf32>,
        %get3A_362 = vector.shape_cast %get3A_361 : vector<1x16xf32> to vector<16xf32>
        %add3A_363 = arith.addf %get3A_358, %get3A_362 : vector<16xf32>
        %mul3A_364 = arith.constant 1.000000e-01 : f32
        %mul3A_365 = vector.broadcast %mul3A_364 : f32 to vector<16xf32>
        %mul3A_366 = arith.mulf %mul3A_365, %add3A_363 : vector<16xf32>
        %max3A_367 = arith.maximumf %add3A_363, %mul3A_366 : vector<16xf32>
        %swap3A_368 = arith.index_cast %scan3A_231 : i32 to index
        %swap3A_369 = arith.constant 112 : index
        %swap3A_370 = tpu.vector_load %arg14[%swap3A_368, %swap3A_369] {strides = array<i32>} : memref<40x128xf32, #tpu.memory_space<vmem>>, vector<1x16xf32>,
        %swap3A_371 = vector.shape_cast %swap3A_370 : vector<1x16xf32> to vector<16xf32>
        %swap3A_372 = vector.shape_cast %max3A_367 : vector<16xf32> to vector<1x16xf32>
        tpu.vector_store %arg14[%swap3A_368, %swap3A_369], %swap3A_372 {strides = array<i32>} : memref<40x128xf32, #tpu.memory_space<vmem>>, vector<1x16xf32>,
      }
      %scan3A_127 = arith.constant 40 : i32
      %dma_wait3A_128 = tpu.memref_slice %arg4[%mul3A_2] : memref<320000xi32, #tpu.memory_space<hbm>> -> memref<40xi32, #tpu.memory_space<hbm>>
      %dma_wait3A_129 = tpu.memref_slice %arg4[%mul3A_2] : memref<320000xi32, #tpu.memory_space<hbm>> -> memref<40xi32, #tpu.memory_space<hbm>>
      tpu.wait_dma2 semaphore(%arg24 : memref<!tpu.dma_semaphore, #tpu.memory_space<semaphore_mem>>) src(%dma_wait3A_129 : memref<40xi32, #tpu.memory_space<hbm>>) dst(%arg11 : memref<40xi32, #tpu.memory_space<vmem>>)
      %dma_start3A_130 = arith.constant 0 : i32
      %dma_start3A_131 = arith.constant 0 : i32
      %dma_start3A_132 = tpu.memref_slice %arg20[%dma_start3A_130, %dma_start3A_131] : memref<10000x128xf32, #tpu.memory_space<vmem_shared>> -> memref<10000x128xf32, #tpu.memory_space<vmem_shared>>
      tpu.enqueue_indirect_dma source(%arg14 : memref<40x128xf32, #tpu.memory_space<vmem>>) target(%dma_start3A_132 : memref<10000x128xf32, #tpu.memory_space<vmem_shared>>) offsets(%arg11 : memref<40xi32, #tpu.memory_space<vmem>>) semaphore(%arg33 : memref<!tpu.dma_semaphore, #tpu.memory_space<semaphore_mem>>) {add = true}
      %mul3A_133 = arith.constant 3 : i32
      %mul3A_134 = arith.muli %mul3A_133, %scan3A_90 : i32
      %add3A_135 = arith.constant 1 : i32
      %add3A_136 = arith.addi %mul3A_134, %add3A_135 : i32
      %dma_wait3A_137 = arith.constant 0 : i32
      %dma_wait3A_138 = arith.constant 0 : i32
      %dma_wait3A_139 = tpu.memref_slice %arg2[%dma_wait3A_137, %dma_wait3A_138] : memref<10000x128xf32, #tpu.memory_space<hbm>> -> memref<10000x128xf32, #tpu.memory_space<hbm>>
      tpu.wait_indirect_dma semaphore(%arg28 : memref<!tpu.dma_semaphore, #tpu.memory_space<semaphore_mem>>) src(%dma_wait3A_139 : memref<10000x128xf32, #tpu.memory_space<hbm>>) dst(%arg15 : memref<40x128xf32, #tpu.memory_space<vmem>>)
      %mul3A_140 = arith.constant 40 : i32
      %mul3A_141 = arith.muli %add3A_136, %mul3A_140 : i32
      %add3A_142 = arith.addi %mul3A_2, %mul3A_141 : i32
      %dma_wait3A_143 = arith.constant 0 : i32
      %dma_wait3A_144 = tpu.memref_slice %arg5[%add3A_142, %dma_wait3A_143] : memref<320000x128xf32, #tpu.memory_space<hbm>> -> memref<40x128xf32, #tpu.memory_space<hbm>>
      %dma_wait3A_145 = arith.constant 0 : i32
      %dma_wait3A_146 = tpu.memref_slice %arg5[%add3A_142, %dma_wait3A_145] : memref<320000x128xf32, #tpu.memory_space<hbm>> -> memref<40x128xf32, #tpu.memory_space<hbm>>
      tpu.wait_dma2 semaphore(%arg31 : memref<!tpu.dma_semaphore, #tpu.memory_space<semaphore_mem>>) src(%dma_wait3A_146 : memref<40x128xf32, #tpu.memory_space<hbm>>) dst(%arg18 : memref<40x128xf32, #tpu.memory_space<vmem>>)
      %add3A_147 = arith.constant 3 : i32
      %add3A_148 = arith.addi %add3A_136, %add3A_147 : i32
      %lt3A_149 = arith.constant 250 : i32
      %lt3A_150 = arith.cmpi slt, %add3A_148, %lt3A_149 : i32
      %convert_element_type3A_151 = arith.extui %lt3A_150 : i1 to i32
      %cond3A_152 = arith.constant 0 : i32
      %cond3A_153 = arith.cmpi ne, %convert_element_type3A_151, %cond3A_152 : i32
      scf.if %cond3A_153 {
        %add3A_231 = arith.constant 3 : i32
        %add3A_232 = arith.addi %add3A_136, %add3A_231 : i32
        %mul3A_233 = arith.constant 40 : i32
        %mul3A_234 = arith.muli %add3A_232, %mul3A_233 : i32
        %add3A_235 = arith.addi %mul3A_2, %mul3A_234 : i32
        %dma_start3A_236 = tpu.memref_slice %arg3[%add3A_235] : memref<320000xi32, #tpu.memory_space<hbm>> -> memref<40xi32, #tpu.memory_space<hbm>>
        %dma_start3A_237 = tpu.memref_slice %arg3[%add3A_235] : memref<320000xi32, #tpu.memory_space<hbm>> -> memref<40xi32, #tpu.memory_space<hbm>>
        tpu.enqueue_dma source(%dma_start3A_237 : memref<40xi32, #tpu.memory_space<hbm>>) target(%arg9 : memref<40xi32, #tpu.memory_space<vmem>>) target_semaphore(%arg22 : memref<!tpu.dma_semaphore, #tpu.memory_space<semaphore_mem>>)
      } else {
      }
      %ge3A_154 = arith.constant 1 : i32
      %ge3A_155 = arith.cmpi sge, %add3A_136, %ge3A_154 : i32
      %add3A_156 = arith.constant 2 : i32
      %add3A_157 = arith.addi %add3A_136, %add3A_156 : i32
      %lt3A_158 = arith.constant 250 : i32
      %lt3A_159 = arith.cmpi slt, %add3A_157, %lt3A_158 : i32
      %and3A_160 = arith.andi %ge3A_155, %lt3A_159 : i1
      %convert_element_type3A_161 = arith.extui %and3A_160 : i1 to i32
      %cond3A_162 = arith.constant 0 : i32
      %cond3A_163 = arith.cmpi ne, %convert_element_type3A_161, %cond3A_162 : i32
      scf.if %cond3A_163 {
        %dma_wait3A_231 = arith.constant 0 : i32
        %dma_wait3A_232 = arith.constant 0 : i32
        %dma_wait3A_233 = tpu.memref_slice %arg20[%dma_wait3A_231, %dma_wait3A_232] : memref<10000x128xf32, #tpu.memory_space<vmem_shared>> -> memref<10000x128xf32, #tpu.memory_space<vmem_shared>>
        tpu.wait_indirect_dma semaphore(%arg33 : memref<!tpu.dma_semaphore, #tpu.memory_space<semaphore_mem>>) src(%arg14 : memref<40x128xf32, #tpu.memory_space<vmem>>) dst(%dma_wait3A_233 : memref<10000x128xf32, #tpu.memory_space<vmem_shared>>)
      } else {
      }
      %add3A_164 = arith.constant 2 : i32
      %add3A_165 = arith.addi %add3A_136, %add3A_164 : i32
      %lt3A_166 = arith.constant 250 : i32
      %lt3A_167 = arith.cmpi slt, %add3A_165, %lt3A_166 : i32
      %convert_element_type3A_168 = arith.extui %lt3A_167 : i1 to i32
      %cond3A_169 = arith.constant 0 : i32
      %cond3A_170 = arith.cmpi ne, %convert_element_type3A_168, %cond3A_169 : i32
      scf.if %cond3A_170 {
        %dma_wait3A_231 = tpu.memref_slice %arg3[%mul3A_2] : memref<320000xi32, #tpu.memory_space<hbm>> -> memref<40xi32, #tpu.memory_space<hbm>>
        %dma_wait3A_232 = tpu.memref_slice %arg3[%mul3A_2] : memref<320000xi32, #tpu.memory_space<hbm>> -> memref<40xi32, #tpu.memory_space<hbm>>
        tpu.wait_dma2 semaphore(%arg21 : memref<!tpu.dma_semaphore, #tpu.memory_space<semaphore_mem>>) src(%dma_wait3A_232 : memref<40xi32, #tpu.memory_space<hbm>>) dst(%arg8 : memref<40xi32, #tpu.memory_space<vmem>>)
        %add3A_233 = arith.constant 2 : i32
        %add3A_234 = arith.addi %add3A_136, %add3A_233 : i32
        %dma_start3A_235 = arith.constant 0 : i32
        %dma_start3A_236 = arith.constant 0 : i32
        %dma_start3A_237 = tpu.memref_slice %arg2[%dma_start3A_235, %dma_start3A_236] : memref<10000x128xf32, #tpu.memory_space<hbm>> -> memref<10000x128xf32, #tpu.memory_space<hbm>>
        tpu.enqueue_indirect_dma source(%dma_start3A_237 : memref<10000x128xf32, #tpu.memory_space<hbm>>) target(%arg14 : memref<40x128xf32, #tpu.memory_space<vmem>>) offsets(%arg8 : memref<40xi32, #tpu.memory_space<vmem>>) semaphore(%arg27 : memref<!tpu.dma_semaphore, #tpu.memory_space<semaphore_mem>>)
        %mul3A_238 = arith.constant 40 : i32
        %mul3A_239 = arith.muli %add3A_234, %mul3A_238 : i32
        %add3A_240 = arith.addi %mul3A_2, %mul3A_239 : i32
        %dma_start3A_241 = arith.constant 0 : i32
        %dma_start3A_242 = tpu.memref_slice %arg5[%add3A_240, %dma_start3A_241] : memref<320000x128xf32, #tpu.memory_space<hbm>> -> memref<40x128xf32, #tpu.memory_space<hbm>>
        %dma_start3A_243 = arith.constant 0 : i32
        %dma_start3A_244 = tpu.memref_slice %arg5[%add3A_240, %dma_start3A_243] : memref<320000x128xf32, #tpu.memory_space<hbm>> -> memref<40x128xf32, #tpu.memory_space<hbm>>
        tpu.enqueue_dma source(%dma_start3A_244 : memref<40x128xf32, #tpu.memory_space<hbm>>) target(%arg17 : memref<40x128xf32, #tpu.memory_space<vmem>>) target_semaphore(%arg30 : memref<!tpu.dma_semaphore, #tpu.memory_space<semaphore_mem>>)
        %add3A_245 = arith.constant 2 : i32
        %add3A_246 = arith.addi %add3A_136, %add3A_245 : i32
        %mul3A_247 = arith.constant 40 : i32
        %mul3A_248 = arith.muli %add3A_246, %mul3A_247 : i32
        %add3A_249 = arith.addi %mul3A_2, %mul3A_248 : i32
        %dma_start3A_250 = tpu.memref_slice %arg4[%add3A_249] : memref<320000xi32, #tpu.memory_space<hbm>> -> memref<40xi32, #tpu.memory_space<hbm>>
        %dma_start3A_251 = tpu.memref_slice %arg4[%add3A_249] : memref<320000xi32, #tpu.memory_space<hbm>> -> memref<40xi32, #tpu.memory_space<hbm>>
        tpu.enqueue_dma source(%dma_start3A_251 : memref<40xi32, #tpu.memory_space<hbm>>) target(%arg11 : memref<40xi32, #tpu.memory_space<vmem>>) target_semaphore(%arg24 : memref<!tpu.dma_semaphore, #tpu.memory_space<semaphore_mem>>)
      } else {
      }
      %scan3A_171 = arith.constant 0 : i32
      %scan3A_172 = arith.constant 0 : i32
      %scan3A_173 = arith.constant 40 : i32
      %scan3A_174 = arith.addi %scan3A_172, %scan3A_173 : i32
      %scan3A_175 = arith.constant 1 : i32
      scf.for %scan3A_231 = %scan3A_172 to %scan3A_174 step %scan3A_175  : i32 {
        %get3A = arith.index_cast %scan3A_231 : i32 to index
        %get3A_232 = arith.constant 0 : index
        %get3A_233 = tpu.vector_load %arg15[%get3A, %get3A_232] {strides = array<i32>} : memref<40x128xf32, #tpu.memory_space<vmem>>, vector<1x16xf32>,
        %get3A_234 = vector.shape_cast %get3A_233 : vector<1x16xf32> to vector<16xf32>
        %get3A_235 = arith.index_cast %scan3A_231 : i32 to index
        %get3A_236 = arith.constant 0 : index
        %get3A_237 = tpu.vector_load %arg18[%get3A_235, %get3A_236] {strides = array<i32>} : memref<40x128xf32, #tpu.memory_space<vmem>>, vector<1x16xf32>,
        %get3A_238 = vector.shape_cast %get3A_237 : vector<1x16xf32> to vector<16xf32>
        %add3A_239 = arith.addf %get3A_234, %get3A_238 : vector<16xf32>
        %mul3A_240 = arith.constant 1.000000e-01 : f32
        %mul3A_241 = vector.broadcast %mul3A_240 : f32 to vector<16xf32>
        %mul3A_242 = arith.mulf %mul3A_241, %add3A_239 : vector<16xf32>
        %max3A = arith.maximumf %add3A_239, %mul3A_242 : vector<16xf32>
        %swap3A = arith.index_cast %scan3A_231 : i32 to index
        %swap3A_243 = arith.constant 0 : index
        %swap3A_244 = tpu.vector_load %arg15[%swap3A, %swap3A_243] {strides = array<i32>} : memref<40x128xf32, #tpu.memory_space<vmem>>, vector<1x16xf32>,
        %swap3A_245 = vector.shape_cast %swap3A_244 : vector<1x16xf32> to vector<16xf32>
        %swap3A_246 = vector.shape_cast %max3A : vector<16xf32> to vector<1x16xf32>
        tpu.vector_store %arg15[%swap3A, %swap3A_243], %swap3A_246 {strides = array<i32>} : memref<40x128xf32, #tpu.memory_space<vmem>>, vector<1x16xf32>,
        %get3A_247 = arith.index_cast %scan3A_231 : i32 to index
        %get3A_248 = arith.constant 16 : index
        %get3A_249 = tpu.vector_load %arg15[%get3A_247, %get3A_248] {strides = array<i32>} : memref<40x128xf32, #tpu.memory_space<vmem>>, vector<1x16xf32>,
        %get3A_250 = vector.shape_cast %get3A_249 : vector<1x16xf32> to vector<16xf32>
        %get3A_251 = arith.index_cast %scan3A_231 : i32 to index
        %get3A_252 = arith.constant 16 : index
        %get3A_253 = tpu.vector_load %arg18[%get3A_251, %get3A_252] {strides = array<i32>} : memref<40x128xf32, #tpu.memory_space<vmem>>, vector<1x16xf32>,
        %get3A_254 = vector.shape_cast %get3A_253 : vector<1x16xf32> to vector<16xf32>
        %add3A_255 = arith.addf %get3A_250, %get3A_254 : vector<16xf32>
        %mul3A_256 = arith.constant 1.000000e-01 : f32
        %mul3A_257 = vector.broadcast %mul3A_256 : f32 to vector<16xf32>
        %mul3A_258 = arith.mulf %mul3A_257, %add3A_255 : vector<16xf32>
        %max3A_259 = arith.maximumf %add3A_255, %mul3A_258 : vector<16xf32>
        %swap3A_260 = arith.index_cast %scan3A_231 : i32 to index
        %swap3A_261 = arith.constant 16 : index
        %swap3A_262 = tpu.vector_load %arg15[%swap3A_260, %swap3A_261] {strides = array<i32>} : memref<40x128xf32, #tpu.memory_space<vmem>>, vector<1x16xf32>,
        %swap3A_263 = vector.shape_cast %swap3A_262 : vector<1x16xf32> to vector<16xf32>
        %swap3A_264 = vector.shape_cast %max3A_259 : vector<16xf32> to vector<1x16xf32>
        tpu.vector_store %arg15[%swap3A_260, %swap3A_261], %swap3A_264 {strides = array<i32>} : memref<40x128xf32, #tpu.memory_space<vmem>>, vector<1x16xf32>,
        %get3A_265 = arith.index_cast %scan3A_231 : i32 to index
        %get3A_266 = arith.constant 32 : index
        %get3A_267 = tpu.vector_load %arg15[%get3A_265, %get3A_266] {strides = array<i32>} : memref<40x128xf32, #tpu.memory_space<vmem>>, vector<1x16xf32>,
        %get3A_268 = vector.shape_cast %get3A_267 : vector<1x16xf32> to vector<16xf32>
        %get3A_269 = arith.index_cast %scan3A_231 : i32 to index
        %get3A_270 = arith.constant 32 : index
        %get3A_271 = tpu.vector_load %arg18[%get3A_269, %get3A_270] {strides = array<i32>} : memref<40x128xf32, #tpu.memory_space<vmem>>, vector<1x16xf32>,
        %get3A_272 = vector.shape_cast %get3A_271 : vector<1x16xf32> to vector<16xf32>
        %add3A_273 = arith.addf %get3A_268, %get3A_272 : vector<16xf32>
        %mul3A_274 = arith.constant 1.000000e-01 : f32
        %mul3A_275 = vector.broadcast %mul3A_274 : f32 to vector<16xf32>
        %mul3A_276 = arith.mulf %mul3A_275, %add3A_273 : vector<16xf32>
        %max3A_277 = arith.maximumf %add3A_273, %mul3A_276 : vector<16xf32>
        %swap3A_278 = arith.index_cast %scan3A_231 : i32 to index
        %swap3A_279 = arith.constant 32 : index
        %swap3A_280 = tpu.vector_load %arg15[%swap3A_278, %swap3A_279] {strides = array<i32>} : memref<40x128xf32, #tpu.memory_space<vmem>>, vector<1x16xf32>,
        %swap3A_281 = vector.shape_cast %swap3A_280 : vector<1x16xf32> to vector<16xf32>
        %swap3A_282 = vector.shape_cast %max3A_277 : vector<16xf32> to vector<1x16xf32>
        tpu.vector_store %arg15[%swap3A_278, %swap3A_279], %swap3A_282 {strides = array<i32>} : memref<40x128xf32, #tpu.memory_space<vmem>>, vector<1x16xf32>,
        %get3A_283 = arith.index_cast %scan3A_231 : i32 to index
        %get3A_284 = arith.constant 48 : index
        %get3A_285 = tpu.vector_load %arg15[%get3A_283, %get3A_284] {strides = array<i32>} : memref<40x128xf32, #tpu.memory_space<vmem>>, vector<1x16xf32>,
        %get3A_286 = vector.shape_cast %get3A_285 : vector<1x16xf32> to vector<16xf32>
        %get3A_287 = arith.index_cast %scan3A_231 : i32 to index
        %get3A_288 = arith.constant 48 : index
        %get3A_289 = tpu.vector_load %arg18[%get3A_287, %get3A_288] {strides = array<i32>} : memref<40x128xf32, #tpu.memory_space<vmem>>, vector<1x16xf32>,
        %get3A_290 = vector.shape_cast %get3A_289 : vector<1x16xf32> to vector<16xf32>
        %add3A_291 = arith.addf %get3A_286, %get3A_290 : vector<16xf32>
        %mul3A_292 = arith.constant 1.000000e-01 : f32
        %mul3A_293 = vector.broadcast %mul3A_292 : f32 to vector<16xf32>
        %mul3A_294 = arith.mulf %mul3A_293, %add3A_291 : vector<16xf32>
        %max3A_295 = arith.maximumf %add3A_291, %mul3A_294 : vector<16xf32>
        %swap3A_296 = arith.index_cast %scan3A_231 : i32 to index
        %swap3A_297 = arith.constant 48 : index
        %swap3A_298 = tpu.vector_load %arg15[%swap3A_296, %swap3A_297] {strides = array<i32>} : memref<40x128xf32, #tpu.memory_space<vmem>>, vector<1x16xf32>,
        %swap3A_299 = vector.shape_cast %swap3A_298 : vector<1x16xf32> to vector<16xf32>
        %swap3A_300 = vector.shape_cast %max3A_295 : vector<16xf32> to vector<1x16xf32>
        tpu.vector_store %arg15[%swap3A_296, %swap3A_297], %swap3A_300 {strides = array<i32>} : memref<40x128xf32, #tpu.memory_space<vmem>>, vector<1x16xf32>,
        %get3A_301 = arith.index_cast %scan3A_231 : i32 to index
        %get3A_302 = arith.constant 64 : index
        %get3A_303 = tpu.vector_load %arg15[%get3A_301, %get3A_302] {strides = array<i32>} : memref<40x128xf32, #tpu.memory_space<vmem>>, vector<1x16xf32>,
        %get3A_304 = vector.shape_cast %get3A_303 : vector<1x16xf32> to vector<16xf32>
        %get3A_305 = arith.index_cast %scan3A_231 : i32 to index
        %get3A_306 = arith.constant 64 : index
        %get3A_307 = tpu.vector_load %arg18[%get3A_305, %get3A_306] {strides = array<i32>} : memref<40x128xf32, #tpu.memory_space<vmem>>, vector<1x16xf32>,
        %get3A_308 = vector.shape_cast %get3A_307 : vector<1x16xf32> to vector<16xf32>
        %add3A_309 = arith.addf %get3A_304, %get3A_308 : vector<16xf32>
        %mul3A_310 = arith.constant 1.000000e-01 : f32
        %mul3A_311 = vector.broadcast %mul3A_310 : f32 to vector<16xf32>
        %mul3A_312 = arith.mulf %mul3A_311, %add3A_309 : vector<16xf32>
        %max3A_313 = arith.maximumf %add3A_309, %mul3A_312 : vector<16xf32>
        %swap3A_314 = arith.index_cast %scan3A_231 : i32 to index
        %swap3A_315 = arith.constant 64 : index
        %swap3A_316 = tpu.vector_load %arg15[%swap3A_314, %swap3A_315] {strides = array<i32>} : memref<40x128xf32, #tpu.memory_space<vmem>>, vector<1x16xf32>,
        %swap3A_317 = vector.shape_cast %swap3A_316 : vector<1x16xf32> to vector<16xf32>
        %swap3A_318 = vector.shape_cast %max3A_313 : vector<16xf32> to vector<1x16xf32>
        tpu.vector_store %arg15[%swap3A_314, %swap3A_315], %swap3A_318 {strides = array<i32>} : memref<40x128xf32, #tpu.memory_space<vmem>>, vector<1x16xf32>,
        %get3A_319 = arith.index_cast %scan3A_231 : i32 to index
        %get3A_320 = arith.constant 80 : index
        %get3A_321 = tpu.vector_load %arg15[%get3A_319, %get3A_320] {strides = array<i32>} : memref<40x128xf32, #tpu.memory_space<vmem>>, vector<1x16xf32>,
        %get3A_322 = vector.shape_cast %get3A_321 : vector<1x16xf32> to vector<16xf32>
        %get3A_323 = arith.index_cast %scan3A_231 : i32 to index
        %get3A_324 = arith.constant 80 : index
        %get3A_325 = tpu.vector_load %arg18[%get3A_323, %get3A_324] {strides = array<i32>} : memref<40x128xf32, #tpu.memory_space<vmem>>, vector<1x16xf32>,
        %get3A_326 = vector.shape_cast %get3A_325 : vector<1x16xf32> to vector<16xf32>
        %add3A_327 = arith.addf %get3A_322, %get3A_326 : vector<16xf32>
        %mul3A_328 = arith.constant 1.000000e-01 : f32
        %mul3A_329 = vector.broadcast %mul3A_328 : f32 to vector<16xf32>
        %mul3A_330 = arith.mulf %mul3A_329, %add3A_327 : vector<16xf32>
        %max3A_331 = arith.maximumf %add3A_327, %mul3A_330 : vector<16xf32>
        %swap3A_332 = arith.index_cast %scan3A_231 : i32 to index
        %swap3A_333 = arith.constant 80 : index
        %swap3A_334 = tpu.vector_load %arg15[%swap3A_332, %swap3A_333] {strides = array<i32>} : memref<40x128xf32, #tpu.memory_space<vmem>>, vector<1x16xf32>,
        %swap3A_335 = vector.shape_cast %swap3A_334 : vector<1x16xf32> to vector<16xf32>
        %swap3A_336 = vector.shape_cast %max3A_331 : vector<16xf32> to vector<1x16xf32>
        tpu.vector_store %arg15[%swap3A_332, %swap3A_333], %swap3A_336 {strides = array<i32>} : memref<40x128xf32, #tpu.memory_space<vmem>>, vector<1x16xf32>,
        %get3A_337 = arith.index_cast %scan3A_231 : i32 to index
        %get3A_338 = arith.constant 96 : index
        %get3A_339 = tpu.vector_load %arg15[%get3A_337, %get3A_338] {strides = array<i32>} : memref<40x128xf32, #tpu.memory_space<vmem>>, vector<1x16xf32>,
        %get3A_340 = vector.shape_cast %get3A_339 : vector<1x16xf32> to vector<16xf32>
        %get3A_341 = arith.index_cast %scan3A_231 : i32 to index
        %get3A_342 = arith.constant 96 : index
        %get3A_343 = tpu.vector_load %arg18[%get3A_341, %get3A_342] {strides = array<i32>} : memref<40x128xf32, #tpu.memory_space<vmem>>, vector<1x16xf32>,
        %get3A_344 = vector.shape_cast %get3A_343 : vector<1x16xf32> to vector<16xf32>
        %add3A_345 = arith.addf %get3A_340, %get3A_344 : vector<16xf32>
        %mul3A_346 = arith.constant 1.000000e-01 : f32
        %mul3A_347 = vector.broadcast %mul3A_346 : f32 to vector<16xf32>
        %mul3A_348 = arith.mulf %mul3A_347, %add3A_345 : vector<16xf32>
        %max3A_349 = arith.maximumf %add3A_345, %mul3A_348 : vector<16xf32>
        %swap3A_350 = arith.index_cast %scan3A_231 : i32 to index
        %swap3A_351 = arith.constant 96 : index
        %swap3A_352 = tpu.vector_load %arg15[%swap3A_350, %swap3A_351] {strides = array<i32>} : memref<40x128xf32, #tpu.memory_space<vmem>>, vector<1x16xf32>,
        %swap3A_353 = vector.shape_cast %swap3A_352 : vector<1x16xf32> to vector<16xf32>
        %swap3A_354 = vector.shape_cast %max3A_349 : vector<16xf32> to vector<1x16xf32>
        tpu.vector_store %arg15[%swap3A_350, %swap3A_351], %swap3A_354 {strides = array<i32>} : memref<40x128xf32, #tpu.memory_space<vmem>>, vector<1x16xf32>,
        %get3A_355 = arith.index_cast %scan3A_231 : i32 to index
        %get3A_356 = arith.constant 112 : index
        %get3A_357 = tpu.vector_load %arg15[%get3A_355, %get3A_356] {strides = array<i32>} : memref<40x128xf32, #tpu.memory_space<vmem>>, vector<1x16xf32>,
        %get3A_358 = vector.shape_cast %get3A_357 : vector<1x16xf32> to vector<16xf32>
        %get3A_359 = arith.index_cast %scan3A_231 : i32 to index
        %get3A_360 = arith.constant 112 : index
        %get3A_361 = tpu.vector_load %arg18[%get3A_359, %get3A_360] {strides = array<i32>} : memref<40x128xf32, #tpu.memory_space<vmem>>, vector<1x16xf32>,
        %get3A_362 = vector.shape_cast %get3A_361 : vector<1x16xf32> to vector<16xf32>
        %add3A_363 = arith.addf %get3A_358, %get3A_362 : vector<16xf32>
        %mul3A_364 = arith.constant 1.000000e-01 : f32
        %mul3A_365 = vector.broadcast %mul3A_364 : f32 to vector<16xf32>
        %mul3A_366 = arith.mulf %mul3A_365, %add3A_363 : vector<16xf32>
        %max3A_367 = arith.maximumf %add3A_363, %mul3A_366 : vector<16xf32>
        %swap3A_368 = arith.index_cast %scan3A_231 : i32 to index
        %swap3A_369 = arith.constant 112 : index
        %swap3A_370 = tpu.vector_load %arg15[%swap3A_368, %swap3A_369] {strides = array<i32>} : memref<40x128xf32, #tpu.memory_space<vmem>>, vector<1x16xf32>,
        %swap3A_371 = vector.shape_cast %swap3A_370 : vector<1x16xf32> to vector<16xf32>
        %swap3A_372 = vector.shape_cast %max3A_367 : vector<16xf32> to vector<1x16xf32>
        tpu.vector_store %arg15[%swap3A_368, %swap3A_369], %swap3A_372 {strides = array<i32>} : memref<40x128xf32, #tpu.memory_space<vmem>>, vector<1x16xf32>,
      }
      %scan3A_176 = arith.constant 40 : i32
      %dma_wait3A_177 = tpu.memref_slice %arg4[%mul3A_2] : memref<320000xi32, #tpu.memory_space<hbm>> -> memref<40xi32, #tpu.memory_space<hbm>>
      %dma_wait3A_178 = tpu.memref_slice %arg4[%mul3A_2] : memref<320000xi32, #tpu.memory_space<hbm>> -> memref<40xi32, #tpu.memory_space<hbm>>
      tpu.wait_dma2 semaphore(%arg25 : memref<!tpu.dma_semaphore, #tpu.memory_space<semaphore_mem>>) src(%dma_wait3A_178 : memref<40xi32, #tpu.memory_space<hbm>>) dst(%arg12 : memref<40xi32, #tpu.memory_space<vmem>>)
      %dma_start3A_179 = arith.constant 0 : i32
      %dma_start3A_180 = arith.constant 0 : i32
      %dma_start3A_181 = tpu.memref_slice %arg20[%dma_start3A_179, %dma_start3A_180] : memref<10000x128xf32, #tpu.memory_space<vmem_shared>> -> memref<10000x128xf32, #tpu.memory_space<vmem_shared>>
      tpu.enqueue_indirect_dma source(%arg15 : memref<40x128xf32, #tpu.memory_space<vmem>>) target(%dma_start3A_181 : memref<10000x128xf32, #tpu.memory_space<vmem_shared>>) offsets(%arg12 : memref<40xi32, #tpu.memory_space<vmem>>) semaphore(%arg34 : memref<!tpu.dma_semaphore, #tpu.memory_space<semaphore_mem>>) {add = true}
      %mul3A_182 = arith.constant 3 : i32
      %mul3A_183 = arith.muli %mul3A_182, %scan3A_90 : i32
      %add3A_184 = arith.constant 2 : i32
      %add3A_185 = arith.addi %mul3A_183, %add3A_184 : i32
      %dma_wait3A_186 = arith.constant 0 : i32
      %dma_wait3A_187 = arith.constant 0 : i32
      %dma_wait3A_188 = tpu.memref_slice %arg2[%dma_wait3A_186, %dma_wait3A_187] : memref<10000x128xf32, #tpu.memory_space<hbm>> -> memref<10000x128xf32, #tpu.memory_space<hbm>>
      tpu.wait_indirect_dma semaphore(%arg29 : memref<!tpu.dma_semaphore, #tpu.memory_space<semaphore_mem>>) src(%dma_wait3A_188 : memref<10000x128xf32, #tpu.memory_space<hbm>>) dst(%arg16 : memref<40x128xf32, #tpu.memory_space<vmem>>)
      %mul3A_189 = arith.constant 40 : i32
      %mul3A_190 = arith.muli %add3A_185, %mul3A_189 : i32
      %add3A_191 = arith.addi %mul3A_2, %mul3A_190 : i32
      %dma_wait3A_192 = arith.constant 0 : i32
      %dma_wait3A_193 = tpu.memref_slice %arg5[%add3A_191, %dma_wait3A_192] : memref<320000x128xf32, #tpu.memory_space<hbm>> -> memref<40x128xf32, #tpu.memory_space<hbm>>
      %dma_wait3A_194 = arith.constant 0 : i32
      %dma_wait3A_195 = tpu.memref_slice %arg5[%add3A_191, %dma_wait3A_194] : memref<320000x128xf32, #tpu.memory_space<hbm>> -> memref<40x128xf32, #tpu.memory_space<hbm>>
      tpu.wait_dma2 semaphore(%arg32 : memref<!tpu.dma_semaphore, #tpu.memory_space<semaphore_mem>>) src(%dma_wait3A_195 : memref<40x128xf32, #tpu.memory_space<hbm>>) dst(%arg19 : memref<40x128xf32, #tpu.memory_space<vmem>>)
      %add3A_196 = arith.constant 3 : i32
      %add3A_197 = arith.addi %add3A_185, %add3A_196 : i32
      %lt3A_198 = arith.constant 250 : i32
      %lt3A_199 = arith.cmpi slt, %add3A_197, %lt3A_198 : i32
      %convert_element_type3A_200 = arith.extui %lt3A_199 : i1 to i32
      %cond3A_201 = arith.constant 0 : i32
      %cond3A_202 = arith.cmpi ne, %convert_element_type3A_200, %cond3A_201 : i32
      scf.if %cond3A_202 {
        %add3A_231 = arith.constant 3 : i32
        %add3A_232 = arith.addi %add3A_185, %add3A_231 : i32
        %mul3A_233 = arith.constant 40 : i32
        %mul3A_234 = arith.muli %add3A_232, %mul3A_233 : i32
        %add3A_235 = arith.addi %mul3A_2, %mul3A_234 : i32
        %dma_start3A_236 = tpu.memref_slice %arg3[%add3A_235] : memref<320000xi32, #tpu.memory_space<hbm>> -> memref<40xi32, #tpu.memory_space<hbm>>
        %dma_start3A_237 = tpu.memref_slice %arg3[%add3A_235] : memref<320000xi32, #tpu.memory_space<hbm>> -> memref<40xi32, #tpu.memory_space<hbm>>
        tpu.enqueue_dma source(%dma_start3A_237 : memref<40xi32, #tpu.memory_space<hbm>>) target(%arg10 : memref<40xi32, #tpu.memory_space<vmem>>) target_semaphore(%arg23 : memref<!tpu.dma_semaphore, #tpu.memory_space<semaphore_mem>>)
      } else {
      }
      %ge3A_203 = arith.constant 1 : i32
      %ge3A_204 = arith.cmpi sge, %add3A_185, %ge3A_203 : i32
      %add3A_205 = arith.constant 2 : i32
      %add3A_206 = arith.addi %add3A_185, %add3A_205 : i32
      %lt3A_207 = arith.constant 250 : i32
      %lt3A_208 = arith.cmpi slt, %add3A_206, %lt3A_207 : i32
      %and3A_209 = arith.andi %ge3A_204, %lt3A_208 : i1
      %convert_element_type3A_210 = arith.extui %and3A_209 : i1 to i32
      %cond3A_211 = arith.constant 0 : i32
      %cond3A_212 = arith.cmpi ne, %convert_element_type3A_210, %cond3A_211 : i32
      scf.if %cond3A_212 {
        %dma_wait3A_231 = arith.constant 0 : i32
        %dma_wait3A_232 = arith.constant 0 : i32
        %dma_wait3A_233 = tpu.memref_slice %arg20[%dma_wait3A_231, %dma_wait3A_232] : memref<10000x128xf32, #tpu.memory_space<vmem_shared>> -> memref<10000x128xf32, #tpu.memory_space<vmem_shared>>
        tpu.wait_indirect_dma semaphore(%arg34 : memref<!tpu.dma_semaphore, #tpu.memory_space<semaphore_mem>>) src(%arg15 : memref<40x128xf32, #tpu.memory_space<vmem>>) dst(%dma_wait3A_233 : memref<10000x128xf32, #tpu.memory_space<vmem_shared>>)
      } else {
      }
      %add3A_213 = arith.constant 2 : i32
      %add3A_214 = arith.addi %add3A_185, %add3A_213 : i32
      %lt3A_215 = arith.constant 250 : i32
      %lt3A_216 = arith.cmpi slt, %add3A_214, %lt3A_215 : i32
      %convert_element_type3A_217 = arith.extui %lt3A_216 : i1 to i32
      %cond3A_218 = arith.constant 0 : i32
      %cond3A_219 = arith.cmpi ne, %convert_element_type3A_217, %cond3A_218 : i32
      scf.if %cond3A_219 {
        %dma_wait3A_231 = tpu.memref_slice %arg3[%mul3A_2] : memref<320000xi32, #tpu.memory_space<hbm>> -> memref<40xi32, #tpu.memory_space<hbm>>
        %dma_wait3A_232 = tpu.memref_slice %arg3[%mul3A_2] : memref<320000xi32, #tpu.memory_space<hbm>> -> memref<40xi32, #tpu.memory_space<hbm>>
        tpu.wait_dma2 semaphore(%arg22 : memref<!tpu.dma_semaphore, #tpu.memory_space<semaphore_mem>>) src(%dma_wait3A_232 : memref<40xi32, #tpu.memory_space<hbm>>) dst(%arg9 : memref<40xi32, #tpu.memory_space<vmem>>)
        %add3A_233 = arith.constant 2 : i32
        %add3A_234 = arith.addi %add3A_185, %add3A_233 : i32
        %dma_start3A_235 = arith.constant 0 : i32
        %dma_start3A_236 = arith.constant 0 : i32
        %dma_start3A_237 = tpu.memref_slice %arg2[%dma_start3A_235, %dma_start3A_236] : memref<10000x128xf32, #tpu.memory_space<hbm>> -> memref<10000x128xf32, #tpu.memory_space<hbm>>
        tpu.enqueue_indirect_dma source(%dma_start3A_237 : memref<10000x128xf32, #tpu.memory_space<hbm>>) target(%arg15 : memref<40x128xf32, #tpu.memory_space<vmem>>) offsets(%arg9 : memref<40xi32, #tpu.memory_space<vmem>>) semaphore(%arg28 : memref<!tpu.dma_semaphore, #tpu.memory_space<semaphore_mem>>)
        %mul3A_238 = arith.constant 40 : i32
        %mul3A_239 = arith.muli %add3A_234, %mul3A_238 : i32
        %add3A_240 = arith.addi %mul3A_2, %mul3A_239 : i32
        %dma_start3A_241 = arith.constant 0 : i32
        %dma_start3A_242 = tpu.memref_slice %arg5[%add3A_240, %dma_start3A_241] : memref<320000x128xf32, #tpu.memory_space<hbm>> -> memref<40x128xf32, #tpu.memory_space<hbm>>
        %dma_start3A_243 = arith.constant 0 : i32
        %dma_start3A_244 = tpu.memref_slice %arg5[%add3A_240, %dma_start3A_243] : memref<320000x128xf32, #tpu.memory_space<hbm>> -> memref<40x128xf32, #tpu.memory_space<hbm>>
        tpu.enqueue_dma source(%dma_start3A_244 : memref<40x128xf32, #tpu.memory_space<hbm>>) target(%arg18 : memref<40x128xf32, #tpu.memory_space<vmem>>) target_semaphore(%arg31 : memref<!tpu.dma_semaphore, #tpu.memory_space<semaphore_mem>>)
        %add3A_245 = arith.constant 2 : i32
        %add3A_246 = arith.addi %add3A_185, %add3A_245 : i32
        %mul3A_247 = arith.constant 40 : i32
        %mul3A_248 = arith.muli %add3A_246, %mul3A_247 : i32
        %add3A_249 = arith.addi %mul3A_2, %mul3A_248 : i32
        %dma_start3A_250 = tpu.memref_slice %arg4[%add3A_249] : memref<320000xi32, #tpu.memory_space<hbm>> -> memref<40xi32, #tpu.memory_space<hbm>>
        %dma_start3A_251 = tpu.memref_slice %arg4[%add3A_249] : memref<320000xi32, #tpu.memory_space<hbm>> -> memref<40xi32, #tpu.memory_space<hbm>>
        tpu.enqueue_dma source(%dma_start3A_251 : memref<40xi32, #tpu.memory_space<hbm>>) target(%arg12 : memref<40xi32, #tpu.memory_space<vmem>>) target_semaphore(%arg25 : memref<!tpu.dma_semaphore, #tpu.memory_space<semaphore_mem>>)
      } else {
      }
      %scan3A_220 = arith.constant 0 : i32
      %scan3A_221 = arith.constant 0 : i32
      %scan3A_222 = arith.constant 40 : i32
      %scan3A_223 = arith.addi %scan3A_221, %scan3A_222 : i32
      %scan3A_224 = arith.constant 1 : i32
      scf.for %scan3A_231 = %scan3A_221 to %scan3A_223 step %scan3A_224  : i32 {
        %get3A = arith.index_cast %scan3A_231 : i32 to index
        %get3A_232 = arith.constant 0 : index
        %get3A_233 = tpu.vector_load %arg16[%get3A, %get3A_232] {strides = array<i32>} : memref<40x128xf32, #tpu.memory_space<vmem>>, vector<1x16xf32>,
        %get3A_234 = vector.shape_cast %get3A_233 : vector<1x16xf32> to vector<16xf32>
        %get3A_235 = arith.index_cast %scan3A_231 : i32 to index
        %get3A_236 = arith.constant 0 : index
        %get3A_237 = tpu.vector_load %arg19[%get3A_235, %get3A_236] {strides = array<i32>} : memref<40x128xf32, #tpu.memory_space<vmem>>, vector<1x16xf32>,
        %get3A_238 = vector.shape_cast %get3A_237 : vector<1x16xf32> to vector<16xf32>
        %add3A_239 = arith.addf %get3A_234, %get3A_238 : vector<16xf32>
        %mul3A_240 = arith.constant 1.000000e-01 : f32
        %mul3A_241 = vector.broadcast %mul3A_240 : f32 to vector<16xf32>
        %mul3A_242 = arith.mulf %mul3A_241, %add3A_239 : vector<16xf32>
        %max3A = arith.maximumf %add3A_239, %mul3A_242 : vector<16xf32>
        %swap3A = arith.index_cast %scan3A_231 : i32 to index
        %swap3A_243 = arith.constant 0 : index
        %swap3A_244 = tpu.vector_load %arg16[%swap3A, %swap3A_243] {strides = array<i32>} : memref<40x128xf32, #tpu.memory_space<vmem>>, vector<1x16xf32>,
        %swap3A_245 = vector.shape_cast %swap3A_244 : vector<1x16xf32> to vector<16xf32>
        %swap3A_246 = vector.shape_cast %max3A : vector<16xf32> to vector<1x16xf32>
        tpu.vector_store %arg16[%swap3A, %swap3A_243], %swap3A_246 {strides = array<i32>} : memref<40x128xf32, #tpu.memory_space<vmem>>, vector<1x16xf32>,
        %get3A_247 = arith.index_cast %scan3A_231 : i32 to index
        %get3A_248 = arith.constant 16 : index
        %get3A_249 = tpu.vector_load %arg16[%get3A_247, %get3A_248] {strides = array<i32>} : memref<40x128xf32, #tpu.memory_space<vmem>>, vector<1x16xf32>,
        %get3A_250 = vector.shape_cast %get3A_249 : vector<1x16xf32> to vector<16xf32>
        %get3A_251 = arith.index_cast %scan3A_231 : i32 to index
        %get3A_252 = arith.constant 16 : index
        %get3A_253 = tpu.vector_load %arg19[%get3A_251, %get3A_252] {strides = array<i32>} : memref<40x128xf32, #tpu.memory_space<vmem>>, vector<1x16xf32>,
        %get3A_254 = vector.shape_cast %get3A_253 : vector<1x16xf32> to vector<16xf32>
        %add3A_255 = arith.addf %get3A_250, %get3A_254 : vector<16xf32>
        %mul3A_256 = arith.constant 1.000000e-01 : f32
        %mul3A_257 = vector.broadcast %mul3A_256 : f32 to vector<16xf32>
        %mul3A_258 = arith.mulf %mul3A_257, %add3A_255 : vector<16xf32>
        %max3A_259 = arith.maximumf %add3A_255, %mul3A_258 : vector<16xf32>
        %swap3A_260 = arith.index_cast %scan3A_231 : i32 to index
        %swap3A_261 = arith.constant 16 : index
        %swap3A_262 = tpu.vector_load %arg16[%swap3A_260, %swap3A_261] {strides = array<i32>} : memref<40x128xf32, #tpu.memory_space<vmem>>, vector<1x16xf32>,
        %swap3A_263 = vector.shape_cast %swap3A_262 : vector<1x16xf32> to vector<16xf32>
        %swap3A_264 = vector.shape_cast %max3A_259 : vector<16xf32> to vector<1x16xf32>
        tpu.vector_store %arg16[%swap3A_260, %swap3A_261], %swap3A_264 {strides = array<i32>} : memref<40x128xf32, #tpu.memory_space<vmem>>, vector<1x16xf32>,
        %get3A_265 = arith.index_cast %scan3A_231 : i32 to index
        %get3A_266 = arith.constant 32 : index
        %get3A_267 = tpu.vector_load %arg16[%get3A_265, %get3A_266] {strides = array<i32>} : memref<40x128xf32, #tpu.memory_space<vmem>>, vector<1x16xf32>,
        %get3A_268 = vector.shape_cast %get3A_267 : vector<1x16xf32> to vector<16xf32>
        %get3A_269 = arith.index_cast %scan3A_231 : i32 to index
        %get3A_270 = arith.constant 32 : index
        %get3A_271 = tpu.vector_load %arg19[%get3A_269, %get3A_270] {strides = array<i32>} : memref<40x128xf32, #tpu.memory_space<vmem>>, vector<1x16xf32>,
        %get3A_272 = vector.shape_cast %get3A_271 : vector<1x16xf32> to vector<16xf32>
        %add3A_273 = arith.addf %get3A_268, %get3A_272 : vector<16xf32>
        %mul3A_274 = arith.constant 1.000000e-01 : f32
        %mul3A_275 = vector.broadcast %mul3A_274 : f32 to vector<16xf32>
        %mul3A_276 = arith.mulf %mul3A_275, %add3A_273 : vector<16xf32>
        %max3A_277 = arith.maximumf %add3A_273, %mul3A_276 : vector<16xf32>
        %swap3A_278 = arith.index_cast %scan3A_231 : i32 to index
        %swap3A_279 = arith.constant 32 : index
        %swap3A_280 = tpu.vector_load %arg16[%swap3A_278, %swap3A_279] {strides = array<i32>} : memref<40x128xf32, #tpu.memory_space<vmem>>, vector<1x16xf32>,
        %swap3A_281 = vector.shape_cast %swap3A_280 : vector<1x16xf32> to vector<16xf32>
        %swap3A_282 = vector.shape_cast %max3A_277 : vector<16xf32> to vector<1x16xf32>
        tpu.vector_store %arg16[%swap3A_278, %swap3A_279], %swap3A_282 {strides = array<i32>} : memref<40x128xf32, #tpu.memory_space<vmem>>, vector<1x16xf32>,
        %get3A_283 = arith.index_cast %scan3A_231 : i32 to index
        %get3A_284 = arith.constant 48 : index
        %get3A_285 = tpu.vector_load %arg16[%get3A_283, %get3A_284] {strides = array<i32>} : memref<40x128xf32, #tpu.memory_space<vmem>>, vector<1x16xf32>,
        %get3A_286 = vector.shape_cast %get3A_285 : vector<1x16xf32> to vector<16xf32>
        %get3A_287 = arith.index_cast %scan3A_231 : i32 to index
        %get3A_288 = arith.constant 48 : index
        %get3A_289 = tpu.vector_load %arg19[%get3A_287, %get3A_288] {strides = array<i32>} : memref<40x128xf32, #tpu.memory_space<vmem>>, vector<1x16xf32>,
        %get3A_290 = vector.shape_cast %get3A_289 : vector<1x16xf32> to vector<16xf32>
        %add3A_291 = arith.addf %get3A_286, %get3A_290 : vector<16xf32>
        %mul3A_292 = arith.constant 1.000000e-01 : f32
        %mul3A_293 = vector.broadcast %mul3A_292 : f32 to vector<16xf32>
        %mul3A_294 = arith.mulf %mul3A_293, %add3A_291 : vector<16xf32>
        %max3A_295 = arith.maximumf %add3A_291, %mul3A_294 : vector<16xf32>
        %swap3A_296 = arith.index_cast %scan3A_231 : i32 to index
        %swap3A_297 = arith.constant 48 : index
        %swap3A_298 = tpu.vector_load %arg16[%swap3A_296, %swap3A_297] {strides = array<i32>} : memref<40x128xf32, #tpu.memory_space<vmem>>, vector<1x16xf32>,
        %swap3A_299 = vector.shape_cast %swap3A_298 : vector<1x16xf32> to vector<16xf32>
        %swap3A_300 = vector.shape_cast %max3A_295 : vector<16xf32> to vector<1x16xf32>
        tpu.vector_store %arg16[%swap3A_296, %swap3A_297], %swap3A_300 {strides = array<i32>} : memref<40x128xf32, #tpu.memory_space<vmem>>, vector<1x16xf32>,
        %get3A_301 = arith.index_cast %scan3A_231 : i32 to index
        %get3A_302 = arith.constant 64 : index
        %get3A_303 = tpu.vector_load %arg16[%get3A_301, %get3A_302] {strides = array<i32>} : memref<40x128xf32, #tpu.memory_space<vmem>>, vector<1x16xf32>,
        %get3A_304 = vector.shape_cast %get3A_303 : vector<1x16xf32> to vector<16xf32>
        %get3A_305 = arith.index_cast %scan3A_231 : i32 to index
        %get3A_306 = arith.constant 64 : index
        %get3A_307 = tpu.vector_load %arg19[%get3A_305, %get3A_306] {strides = array<i32>} : memref<40x128xf32, #tpu.memory_space<vmem>>, vector<1x16xf32>,
        %get3A_308 = vector.shape_cast %get3A_307 : vector<1x16xf32> to vector<16xf32>
        %add3A_309 = arith.addf %get3A_304, %get3A_308 : vector<16xf32>
        %mul3A_310 = arith.constant 1.000000e-01 : f32
        %mul3A_311 = vector.broadcast %mul3A_310 : f32 to vector<16xf32>
        %mul3A_312 = arith.mulf %mul3A_311, %add3A_309 : vector<16xf32>
        %max3A_313 = arith.maximumf %add3A_309, %mul3A_312 : vector<16xf32>
        %swap3A_314 = arith.index_cast %scan3A_231 : i32 to index
        %swap3A_315 = arith.constant 64 : index
        %swap3A_316 = tpu.vector_load %arg16[%swap3A_314, %swap3A_315] {strides = array<i32>} : memref<40x128xf32, #tpu.memory_space<vmem>>, vector<1x16xf32>,
        %swap3A_317 = vector.shape_cast %swap3A_316 : vector<1x16xf32> to vector<16xf32>
        %swap3A_318 = vector.shape_cast %max3A_313 : vector<16xf32> to vector<1x16xf32>
        tpu.vector_store %arg16[%swap3A_314, %swap3A_315], %swap3A_318 {strides = array<i32>} : memref<40x128xf32, #tpu.memory_space<vmem>>, vector<1x16xf32>,
        %get3A_319 = arith.index_cast %scan3A_231 : i32 to index
        %get3A_320 = arith.constant 80 : index
        %get3A_321 = tpu.vector_load %arg16[%get3A_319, %get3A_320] {strides = array<i32>} : memref<40x128xf32, #tpu.memory_space<vmem>>, vector<1x16xf32>,
        %get3A_322 = vector.shape_cast %get3A_321 : vector<1x16xf32> to vector<16xf32>
        %get3A_323 = arith.index_cast %scan3A_231 : i32 to index
        %get3A_324 = arith.constant 80 : index
        %get3A_325 = tpu.vector_load %arg19[%get3A_323, %get3A_324] {strides = array<i32>} : memref<40x128xf32, #tpu.memory_space<vmem>>, vector<1x16xf32>,
        %get3A_326 = vector.shape_cast %get3A_325 : vector<1x16xf32> to vector<16xf32>
        %add3A_327 = arith.addf %get3A_322, %get3A_326 : vector<16xf32>
        %mul3A_328 = arith.constant 1.000000e-01 : f32
        %mul3A_329 = vector.broadcast %mul3A_328 : f32 to vector<16xf32>
        %mul3A_330 = arith.mulf %mul3A_329, %add3A_327 : vector<16xf32>
        %max3A_331 = arith.maximumf %add3A_327, %mul3A_330 : vector<16xf32>
        %swap3A_332 = arith.index_cast %scan3A_231 : i32 to index
        %swap3A_333 = arith.constant 80 : index
        %swap3A_334 = tpu.vector_load %arg16[%swap3A_332, %swap3A_333] {strides = array<i32>} : memref<40x128xf32, #tpu.memory_space<vmem>>, vector<1x16xf32>,
        %swap3A_335 = vector.shape_cast %swap3A_334 : vector<1x16xf32> to vector<16xf32>
        %swap3A_336 = vector.shape_cast %max3A_331 : vector<16xf32> to vector<1x16xf32>
        tpu.vector_store %arg16[%swap3A_332, %swap3A_333], %swap3A_336 {strides = array<i32>} : memref<40x128xf32, #tpu.memory_space<vmem>>, vector<1x16xf32>,
        %get3A_337 = arith.index_cast %scan3A_231 : i32 to index
        %get3A_338 = arith.constant 96 : index
        %get3A_339 = tpu.vector_load %arg16[%get3A_337, %get3A_338] {strides = array<i32>} : memref<40x128xf32, #tpu.memory_space<vmem>>, vector<1x16xf32>,
        %get3A_340 = vector.shape_cast %get3A_339 : vector<1x16xf32> to vector<16xf32>
        %get3A_341 = arith.index_cast %scan3A_231 : i32 to index
        %get3A_342 = arith.constant 96 : index
        %get3A_343 = tpu.vector_load %arg19[%get3A_341, %get3A_342] {strides = array<i32>} : memref<40x128xf32, #tpu.memory_space<vmem>>, vector<1x16xf32>,
        %get3A_344 = vector.shape_cast %get3A_343 : vector<1x16xf32> to vector<16xf32>
        %add3A_345 = arith.addf %get3A_340, %get3A_344 : vector<16xf32>
        %mul3A_346 = arith.constant 1.000000e-01 : f32
        %mul3A_347 = vector.broadcast %mul3A_346 : f32 to vector<16xf32>
        %mul3A_348 = arith.mulf %mul3A_347, %add3A_345 : vector<16xf32>
        %max3A_349 = arith.maximumf %add3A_345, %mul3A_348 : vector<16xf32>
        %swap3A_350 = arith.index_cast %scan3A_231 : i32 to index
        %swap3A_351 = arith.constant 96 : index
        %swap3A_352 = tpu.vector_load %arg16[%swap3A_350, %swap3A_351] {strides = array<i32>} : memref<40x128xf32, #tpu.memory_space<vmem>>, vector<1x16xf32>,
        %swap3A_353 = vector.shape_cast %swap3A_352 : vector<1x16xf32> to vector<16xf32>
        %swap3A_354 = vector.shape_cast %max3A_349 : vector<16xf32> to vector<1x16xf32>
        tpu.vector_store %arg16[%swap3A_350, %swap3A_351], %swap3A_354 {strides = array<i32>} : memref<40x128xf32, #tpu.memory_space<vmem>>, vector<1x16xf32>,
        %get3A_355 = arith.index_cast %scan3A_231 : i32 to index
        %get3A_356 = arith.constant 112 : index
        %get3A_357 = tpu.vector_load %arg16[%get3A_355, %get3A_356] {strides = array<i32>} : memref<40x128xf32, #tpu.memory_space<vmem>>, vector<1x16xf32>,
        %get3A_358 = vector.shape_cast %get3A_357 : vector<1x16xf32> to vector<16xf32>
        %get3A_359 = arith.index_cast %scan3A_231 : i32 to index
        %get3A_360 = arith.constant 112 : index
        %get3A_361 = tpu.vector_load %arg19[%get3A_359, %get3A_360] {strides = array<i32>} : memref<40x128xf32, #tpu.memory_space<vmem>>, vector<1x16xf32>,
        %get3A_362 = vector.shape_cast %get3A_361 : vector<1x16xf32> to vector<16xf32>
        %add3A_363 = arith.addf %get3A_358, %get3A_362 : vector<16xf32>
        %mul3A_364 = arith.constant 1.000000e-01 : f32
        %mul3A_365 = vector.broadcast %mul3A_364 : f32 to vector<16xf32>
        %mul3A_366 = arith.mulf %mul3A_365, %add3A_363 : vector<16xf32>
        %max3A_367 = arith.maximumf %add3A_363, %mul3A_366 : vector<16xf32>
        %swap3A_368 = arith.index_cast %scan3A_231 : i32 to index
        %swap3A_369 = arith.constant 112 : index
        %swap3A_370 = tpu.vector_load %arg16[%swap3A_368, %swap3A_369] {strides = array<i32>} : memref<40x128xf32, #tpu.memory_space<vmem>>, vector<1x16xf32>,
        %swap3A_371 = vector.shape_cast %swap3A_370 : vector<1x16xf32> to vector<16xf32>
        %swap3A_372 = vector.shape_cast %max3A_367 : vector<16xf32> to vector<1x16xf32>
        tpu.vector_store %arg16[%swap3A_368, %swap3A_369], %swap3A_372 {strides = array<i32>} : memref<40x128xf32, #tpu.memory_space<vmem>>, vector<1x16xf32>,
      }
      %scan3A_225 = arith.constant 40 : i32
      %dma_wait3A_226 = tpu.memref_slice %arg4[%mul3A_2] : memref<320000xi32, #tpu.memory_space<hbm>> -> memref<40xi32, #tpu.memory_space<hbm>>
      %dma_wait3A_227 = tpu.memref_slice %arg4[%mul3A_2] : memref<320000xi32, #tpu.memory_space<hbm>> -> memref<40xi32, #tpu.memory_space<hbm>>
      tpu.wait_dma2 semaphore(%arg26 : memref<!tpu.dma_semaphore, #tpu.memory_space<semaphore_mem>>) src(%dma_wait3A_227 : memref<40xi32, #tpu.memory_space<hbm>>) dst(%arg13 : memref<40xi32, #tpu.memory_space<vmem>>)
      %dma_start3A_228 = arith.constant 0 : i32
      %dma_start3A_229 = arith.constant 0 : i32
      %dma_start3A_230 = tpu.memref_slice %arg20[%dma_start3A_228, %dma_start3A_229] : memref<10000x128xf32, #tpu.memory_space<vmem_shared>> -> memref<10000x128xf32, #tpu.memory_space<vmem_shared>>
      tpu.enqueue_indirect_dma source(%arg16 : memref<40x128xf32, #tpu.memory_space<vmem>>) target(%dma_start3A_230 : memref<10000x128xf32, #tpu.memory_space<vmem_shared>>) offsets(%arg13 : memref<40xi32, #tpu.memory_space<vmem>>) semaphore(%arg35 : memref<!tpu.dma_semaphore, #tpu.memory_space<semaphore_mem>>) {add = true}
    }
    %scan3A_53 = arith.constant 83 : i32
    %dma_wait3A_54 = arith.constant 0 : i32
    %dma_wait3A_55 = arith.constant 0 : i32
    %dma_wait3A_56 = tpu.memref_slice %arg2[%dma_wait3A_54, %dma_wait3A_55] : memref<10000x128xf32, #tpu.memory_space<hbm>> -> memref<10000x128xf32, #tpu.memory_space<hbm>>
    tpu.wait_indirect_dma semaphore(%arg27 : memref<!tpu.dma_semaphore, #tpu.memory_space<semaphore_mem>>) src(%dma_wait3A_56 : memref<10000x128xf32, #tpu.memory_space<hbm>>) dst(%arg14 : memref<40x128xf32, #tpu.memory_space<vmem>>)
    %add3A_57 = arith.constant 9960 : i32
    %add3A_58 = arith.addi %mul3A_2, %add3A_57 : i32
    %dma_wait3A_59 = arith.constant 0 : i32
    %dma_wait3A_60 = tpu.memref_slice %arg5[%add3A_58, %dma_wait3A_59] : memref<320000x128xf32, #tpu.memory_space<hbm>> -> memref<40x128xf32, #tpu.memory_space<hbm>>
    %dma_wait3A_61 = arith.constant 0 : i32
    %dma_wait3A_62 = tpu.memref_slice %arg5[%add3A_58, %dma_wait3A_61] : memref<320000x128xf32, #tpu.memory_space<hbm>> -> memref<40x128xf32, #tpu.memory_space<hbm>>
    tpu.wait_dma2 semaphore(%arg30 : memref<!tpu.dma_semaphore, #tpu.memory_space<semaphore_mem>>) src(%dma_wait3A_62 : memref<40x128xf32, #tpu.memory_space<hbm>>) dst(%arg17 : memref<40x128xf32, #tpu.memory_space<vmem>>)
    %scan3A_63 = arith.constant 0 : i32
    %scan3A_64 = arith.constant 0 : i32
    %scan3A_65 = arith.constant 40 : i32
    %scan3A_66 = arith.addi %scan3A_64, %scan3A_65 : i32
    %scan3A_67 = arith.constant 1 : i32
    scf.for %scan3A_90 = %scan3A_64 to %scan3A_66 step %scan3A_67  : i32 {
      %get3A = arith.index_cast %scan3A_90 : i32 to index
      %get3A_91 = arith.constant 0 : index
      %get3A_92 = tpu.vector_load %arg14[%get3A, %get3A_91] {strides = array<i32>} : memref<40x128xf32, #tpu.memory_space<vmem>>, vector<1x16xf32>,
      %get3A_93 = vector.shape_cast %get3A_92 : vector<1x16xf32> to vector<16xf32>
      %get3A_94 = arith.index_cast %scan3A_90 : i32 to index
      %get3A_95 = arith.constant 0 : index
      %get3A_96 = tpu.vector_load %arg17[%get3A_94, %get3A_95] {strides = array<i32>} : memref<40x128xf32, #tpu.memory_space<vmem>>, vector<1x16xf32>,
      %get3A_97 = vector.shape_cast %get3A_96 : vector<1x16xf32> to vector<16xf32>
      %add3A_98 = arith.addf %get3A_93, %get3A_97 : vector<16xf32>
      %mul3A_99 = arith.constant 1.000000e-01 : f32
      %mul3A_100 = vector.broadcast %mul3A_99 : f32 to vector<16xf32>
      %mul3A_101 = arith.mulf %mul3A_100, %add3A_98 : vector<16xf32>
      %max3A = arith.maximumf %add3A_98, %mul3A_101 : vector<16xf32>
      %swap3A = arith.index_cast %scan3A_90 : i32 to index
      %swap3A_102 = arith.constant 0 : index
      %swap3A_103 = tpu.vector_load %arg14[%swap3A, %swap3A_102] {strides = array<i32>} : memref<40x128xf32, #tpu.memory_space<vmem>>, vector<1x16xf32>,
      %swap3A_104 = vector.shape_cast %swap3A_103 : vector<1x16xf32> to vector<16xf32>
      %swap3A_105 = vector.shape_cast %max3A : vector<16xf32> to vector<1x16xf32>
      tpu.vector_store %arg14[%swap3A, %swap3A_102], %swap3A_105 {strides = array<i32>} : memref<40x128xf32, #tpu.memory_space<vmem>>, vector<1x16xf32>,
      %get3A_106 = arith.index_cast %scan3A_90 : i32 to index
      %get3A_107 = arith.constant 16 : index
      %get3A_108 = tpu.vector_load %arg14[%get3A_106, %get3A_107] {strides = array<i32>} : memref<40x128xf32, #tpu.memory_space<vmem>>, vector<1x16xf32>,
      %get3A_109 = vector.shape_cast %get3A_108 : vector<1x16xf32> to vector<16xf32>
      %get3A_110 = arith.index_cast %scan3A_90 : i32 to index
      %get3A_111 = arith.constant 16 : index
      %get3A_112 = tpu.vector_load %arg17[%get3A_110, %get3A_111] {strides = array<i32>} : memref<40x128xf32, #tpu.memory_space<vmem>>, vector<1x16xf32>,
      %get3A_113 = vector.shape_cast %get3A_112 : vector<1x16xf32> to vector<16xf32>
      %add3A_114 = arith.addf %get3A_109, %get3A_113 : vector<16xf32>
      %mul3A_115 = arith.constant 1.000000e-01 : f32
      %mul3A_116 = vector.broadcast %mul3A_115 : f32 to vector<16xf32>
      %mul3A_117 = arith.mulf %mul3A_116, %add3A_114 : vector<16xf32>
      %max3A_118 = arith.maximumf %add3A_114, %mul3A_117 : vector<16xf32>
      %swap3A_119 = arith.index_cast %scan3A_90 : i32 to index
      %swap3A_120 = arith.constant 16 : index
      %swap3A_121 = tpu.vector_load %arg14[%swap3A_119, %swap3A_120] {strides = array<i32>} : memref<40x128xf32, #tpu.memory_space<vmem>>, vector<1x16xf32>,
      %swap3A_122 = vector.shape_cast %swap3A_121 : vector<1x16xf32> to vector<16xf32>
      %swap3A_123 = vector.shape_cast %max3A_118 : vector<16xf32> to vector<1x16xf32>
      tpu.vector_store %arg14[%swap3A_119, %swap3A_120], %swap3A_123 {strides = array<i32>} : memref<40x128xf32, #tpu.memory_space<vmem>>, vector<1x16xf32>,
      %get3A_124 = arith.index_cast %scan3A_90 : i32 to index
      %get3A_125 = arith.constant 32 : index
      %get3A_126 = tpu.vector_load %arg14[%get3A_124, %get3A_125] {strides = array<i32>} : memref<40x128xf32, #tpu.memory_space<vmem>>, vector<1x16xf32>,
      %get3A_127 = vector.shape_cast %get3A_126 : vector<1x16xf32> to vector<16xf32>
      %get3A_128 = arith.index_cast %scan3A_90 : i32 to index
      %get3A_129 = arith.constant 32 : index
      %get3A_130 = tpu.vector_load %arg17[%get3A_128, %get3A_129] {strides = array<i32>} : memref<40x128xf32, #tpu.memory_space<vmem>>, vector<1x16xf32>,
      %get3A_131 = vector.shape_cast %get3A_130 : vector<1x16xf32> to vector<16xf32>
      %add3A_132 = arith.addf %get3A_127, %get3A_131 : vector<16xf32>
      %mul3A_133 = arith.constant 1.000000e-01 : f32
      %mul3A_134 = vector.broadcast %mul3A_133 : f32 to vector<16xf32>
      %mul3A_135 = arith.mulf %mul3A_134, %add3A_132 : vector<16xf32>
      %max3A_136 = arith.maximumf %add3A_132, %mul3A_135 : vector<16xf32>
      %swap3A_137 = arith.index_cast %scan3A_90 : i32 to index
      %swap3A_138 = arith.constant 32 : index
      %swap3A_139 = tpu.vector_load %arg14[%swap3A_137, %swap3A_138] {strides = array<i32>} : memref<40x128xf32, #tpu.memory_space<vmem>>, vector<1x16xf32>,
      %swap3A_140 = vector.shape_cast %swap3A_139 : vector<1x16xf32> to vector<16xf32>
      %swap3A_141 = vector.shape_cast %max3A_136 : vector<16xf32> to vector<1x16xf32>
      tpu.vector_store %arg14[%swap3A_137, %swap3A_138], %swap3A_141 {strides = array<i32>} : memref<40x128xf32, #tpu.memory_space<vmem>>, vector<1x16xf32>,
      %get3A_142 = arith.index_cast %scan3A_90 : i32 to index
      %get3A_143 = arith.constant 48 : index
      %get3A_144 = tpu.vector_load %arg14[%get3A_142, %get3A_143] {strides = array<i32>} : memref<40x128xf32, #tpu.memory_space<vmem>>, vector<1x16xf32>,
      %get3A_145 = vector.shape_cast %get3A_144 : vector<1x16xf32> to vector<16xf32>
      %get3A_146 = arith.index_cast %scan3A_90 : i32 to index
      %get3A_147 = arith.constant 48 : index
      %get3A_148 = tpu.vector_load %arg17[%get3A_146, %get3A_147] {strides = array<i32>} : memref<40x128xf32, #tpu.memory_space<vmem>>, vector<1x16xf32>,
      %get3A_149 = vector.shape_cast %get3A_148 : vector<1x16xf32> to vector<16xf32>
      %add3A_150 = arith.addf %get3A_145, %get3A_149 : vector<16xf32>
      %mul3A_151 = arith.constant 1.000000e-01 : f32
      %mul3A_152 = vector.broadcast %mul3A_151 : f32 to vector<16xf32>
      %mul3A_153 = arith.mulf %mul3A_152, %add3A_150 : vector<16xf32>
      %max3A_154 = arith.maximumf %add3A_150, %mul3A_153 : vector<16xf32>
      %swap3A_155 = arith.index_cast %scan3A_90 : i32 to index
      %swap3A_156 = arith.constant 48 : index
      %swap3A_157 = tpu.vector_load %arg14[%swap3A_155, %swap3A_156] {strides = array<i32>} : memref<40x128xf32, #tpu.memory_space<vmem>>, vector<1x16xf32>,
      %swap3A_158 = vector.shape_cast %swap3A_157 : vector<1x16xf32> to vector<16xf32>
      %swap3A_159 = vector.shape_cast %max3A_154 : vector<16xf32> to vector<1x16xf32>
      tpu.vector_store %arg14[%swap3A_155, %swap3A_156], %swap3A_159 {strides = array<i32>} : memref<40x128xf32, #tpu.memory_space<vmem>>, vector<1x16xf32>,
      %get3A_160 = arith.index_cast %scan3A_90 : i32 to index
      %get3A_161 = arith.constant 64 : index
      %get3A_162 = tpu.vector_load %arg14[%get3A_160, %get3A_161] {strides = array<i32>} : memref<40x128xf32, #tpu.memory_space<vmem>>, vector<1x16xf32>,
      %get3A_163 = vector.shape_cast %get3A_162 : vector<1x16xf32> to vector<16xf32>
      %get3A_164 = arith.index_cast %scan3A_90 : i32 to index
      %get3A_165 = arith.constant 64 : index
      %get3A_166 = tpu.vector_load %arg17[%get3A_164, %get3A_165] {strides = array<i32>} : memref<40x128xf32, #tpu.memory_space<vmem>>, vector<1x16xf32>,
      %get3A_167 = vector.shape_cast %get3A_166 : vector<1x16xf32> to vector<16xf32>
      %add3A_168 = arith.addf %get3A_163, %get3A_167 : vector<16xf32>
      %mul3A_169 = arith.constant 1.000000e-01 : f32
      %mul3A_170 = vector.broadcast %mul3A_169 : f32 to vector<16xf32>
      %mul3A_171 = arith.mulf %mul3A_170, %add3A_168 : vector<16xf32>
      %max3A_172 = arith.maximumf %add3A_168, %mul3A_171 : vector<16xf32>
      %swap3A_173 = arith.index_cast %scan3A_90 : i32 to index
      %swap3A_174 = arith.constant 64 : index
      %swap3A_175 = tpu.vector_load %arg14[%swap3A_173, %swap3A_174] {strides = array<i32>} : memref<40x128xf32, #tpu.memory_space<vmem>>, vector<1x16xf32>,
      %swap3A_176 = vector.shape_cast %swap3A_175 : vector<1x16xf32> to vector<16xf32>
      %swap3A_177 = vector.shape_cast %max3A_172 : vector<16xf32> to vector<1x16xf32>
      tpu.vector_store %arg14[%swap3A_173, %swap3A_174], %swap3A_177 {strides = array<i32>} : memref<40x128xf32, #tpu.memory_space<vmem>>, vector<1x16xf32>,
      %get3A_178 = arith.index_cast %scan3A_90 : i32 to index
      %get3A_179 = arith.constant 80 : index
      %get3A_180 = tpu.vector_load %arg14[%get3A_178, %get3A_179] {strides = array<i32>} : memref<40x128xf32, #tpu.memory_space<vmem>>, vector<1x16xf32>,
      %get3A_181 = vector.shape_cast %get3A_180 : vector<1x16xf32> to vector<16xf32>
      %get3A_182 = arith.index_cast %scan3A_90 : i32 to index
      %get3A_183 = arith.constant 80 : index
      %get3A_184 = tpu.vector_load %arg17[%get3A_182, %get3A_183] {strides = array<i32>} : memref<40x128xf32, #tpu.memory_space<vmem>>, vector<1x16xf32>,
      %get3A_185 = vector.shape_cast %get3A_184 : vector<1x16xf32> to vector<16xf32>
      %add3A_186 = arith.addf %get3A_181, %get3A_185 : vector<16xf32>
      %mul3A_187 = arith.constant 1.000000e-01 : f32
      %mul3A_188 = vector.broadcast %mul3A_187 : f32 to vector<16xf32>
      %mul3A_189 = arith.mulf %mul3A_188, %add3A_186 : vector<16xf32>
      %max3A_190 = arith.maximumf %add3A_186, %mul3A_189 : vector<16xf32>
      %swap3A_191 = arith.index_cast %scan3A_90 : i32 to index
      %swap3A_192 = arith.constant 80 : index
      %swap3A_193 = tpu.vector_load %arg14[%swap3A_191, %swap3A_192] {strides = array<i32>} : memref<40x128xf32, #tpu.memory_space<vmem>>, vector<1x16xf32>,
      %swap3A_194 = vector.shape_cast %swap3A_193 : vector<1x16xf32> to vector<16xf32>
      %swap3A_195 = vector.shape_cast %max3A_190 : vector<16xf32> to vector<1x16xf32>
      tpu.vector_store %arg14[%swap3A_191, %swap3A_192], %swap3A_195 {strides = array<i32>} : memref<40x128xf32, #tpu.memory_space<vmem>>, vector<1x16xf32>,
      %get3A_196 = arith.index_cast %scan3A_90 : i32 to index
      %get3A_197 = arith.constant 96 : index
      %get3A_198 = tpu.vector_load %arg14[%get3A_196, %get3A_197] {strides = array<i32>} : memref<40x128xf32, #tpu.memory_space<vmem>>, vector<1x16xf32>,
      %get3A_199 = vector.shape_cast %get3A_198 : vector<1x16xf32> to vector<16xf32>
      %get3A_200 = arith.index_cast %scan3A_90 : i32 to index
      %get3A_201 = arith.constant 96 : index
      %get3A_202 = tpu.vector_load %arg17[%get3A_200, %get3A_201] {strides = array<i32>} : memref<40x128xf32, #tpu.memory_space<vmem>>, vector<1x16xf32>,
      %get3A_203 = vector.shape_cast %get3A_202 : vector<1x16xf32> to vector<16xf32>
      %add3A_204 = arith.addf %get3A_199, %get3A_203 : vector<16xf32>
      %mul3A_205 = arith.constant 1.000000e-01 : f32
      %mul3A_206 = vector.broadcast %mul3A_205 : f32 to vector<16xf32>
      %mul3A_207 = arith.mulf %mul3A_206, %add3A_204 : vector<16xf32>
      %max3A_208 = arith.maximumf %add3A_204, %mul3A_207 : vector<16xf32>
      %swap3A_209 = arith.index_cast %scan3A_90 : i32 to index
      %swap3A_210 = arith.constant 96 : index
      %swap3A_211 = tpu.vector_load %arg14[%swap3A_209, %swap3A_210] {strides = array<i32>} : memref<40x128xf32, #tpu.memory_space<vmem>>, vector<1x16xf32>,
      %swap3A_212 = vector.shape_cast %swap3A_211 : vector<1x16xf32> to vector<16xf32>
      %swap3A_213 = vector.shape_cast %max3A_208 : vector<16xf32> to vector<1x16xf32>
      tpu.vector_store %arg14[%swap3A_209, %swap3A_210], %swap3A_213 {strides = array<i32>} : memref<40x128xf32, #tpu.memory_space<vmem>>, vector<1x16xf32>,
      %get3A_214 = arith.index_cast %scan3A_90 : i32 to index
      %get3A_215 = arith.constant 112 : index
      %get3A_216 = tpu.vector_load %arg14[%get3A_214, %get3A_215] {strides = array<i32>} : memref<40x128xf32, #tpu.memory_space<vmem>>, vector<1x16xf32>,
      %get3A_217 = vector.shape_cast %get3A_216 : vector<1x16xf32> to vector<16xf32>
      %get3A_218 = arith.index_cast %scan3A_90 : i32 to index
      %get3A_219 = arith.constant 112 : index
      %get3A_220 = tpu.vector_load %arg17[%get3A_218, %get3A_219] {strides = array<i32>} : memref<40x128xf32, #tpu.memory_space<vmem>>, vector<1x16xf32>,
      %get3A_221 = vector.shape_cast %get3A_220 : vector<1x16xf32> to vector<16xf32>
      %add3A_222 = arith.addf %get3A_217, %get3A_221 : vector<16xf32>
      %mul3A_223 = arith.constant 1.000000e-01 : f32
      %mul3A_224 = vector.broadcast %mul3A_223 : f32 to vector<16xf32>
      %mul3A_225 = arith.mulf %mul3A_224, %add3A_222 : vector<16xf32>
      %max3A_226 = arith.maximumf %add3A_222, %mul3A_225 : vector<16xf32>
      %swap3A_227 = arith.index_cast %scan3A_90 : i32 to index
      %swap3A_228 = arith.constant 112 : index
      %swap3A_229 = tpu.vector_load %arg14[%swap3A_227, %swap3A_228] {strides = array<i32>} : memref<40x128xf32, #tpu.memory_space<vmem>>, vector<1x16xf32>,
      %swap3A_230 = vector.shape_cast %swap3A_229 : vector<1x16xf32> to vector<16xf32>
      %swap3A_231 = vector.shape_cast %max3A_226 : vector<16xf32> to vector<1x16xf32>
      tpu.vector_store %arg14[%swap3A_227, %swap3A_228], %swap3A_231 {strides = array<i32>} : memref<40x128xf32, #tpu.memory_space<vmem>>, vector<1x16xf32>,
    }
    %scan3A_68 = arith.constant 40 : i32
    %dma_wait3A_69 = tpu.memref_slice %arg4[%mul3A_2] : memref<320000xi32, #tpu.memory_space<hbm>> -> memref<40xi32, #tpu.memory_space<hbm>>
    %dma_wait3A_70 = tpu.memref_slice %arg4[%mul3A_2] : memref<320000xi32, #tpu.memory_space<hbm>> -> memref<40xi32, #tpu.memory_space<hbm>>
    tpu.wait_dma2 semaphore(%arg24 : memref<!tpu.dma_semaphore, #tpu.memory_space<semaphore_mem>>) src(%dma_wait3A_70 : memref<40xi32, #tpu.memory_space<hbm>>) dst(%arg11 : memref<40xi32, #tpu.memory_space<vmem>>)
    %dma_start3A_71 = arith.constant 0 : i32
    %dma_start3A_72 = arith.constant 0 : i32
    %dma_start3A_73 = tpu.memref_slice %arg20[%dma_start3A_71, %dma_start3A_72] : memref<10000x128xf32, #tpu.memory_space<vmem_shared>> -> memref<10000x128xf32, #tpu.memory_space<vmem_shared>>
    tpu.enqueue_indirect_dma source(%arg14 : memref<40x128xf32, #tpu.memory_space<vmem>>) target(%dma_start3A_73 : memref<10000x128xf32, #tpu.memory_space<vmem_shared>>) offsets(%arg11 : memref<40xi32, #tpu.memory_space<vmem>>) semaphore(%arg33 : memref<!tpu.dma_semaphore, #tpu.memory_space<semaphore_mem>>) {add = true}
    %dma_wait3A_74 = arith.constant 0 : i32
    %dma_wait3A_75 = arith.constant 0 : i32
    %dma_wait3A_76 = tpu.memref_slice %arg20[%dma_wait3A_74, %dma_wait3A_75] : memref<10000x128xf32, #tpu.memory_space<vmem_shared>> -> memref<10000x128xf32, #tpu.memory_space<vmem_shared>>
    tpu.wait_indirect_dma semaphore(%arg34 : memref<!tpu.dma_semaphore, #tpu.memory_space<semaphore_mem>>) src(%arg15 : memref<40x128xf32, #tpu.memory_space<vmem>>) dst(%dma_wait3A_76 : memref<10000x128xf32, #tpu.memory_space<vmem_shared>>)
    %dma_wait3A_77 = arith.constant 0 : i32
    %dma_wait3A_78 = arith.constant 0 : i32
    %dma_wait3A_79 = tpu.memref_slice %arg20[%dma_wait3A_77, %dma_wait3A_78] : memref<10000x128xf32, #tpu.memory_space<vmem_shared>> -> memref<10000x128xf32, #tpu.memory_space<vmem_shared>>
    tpu.wait_indirect_dma semaphore(%arg35 : memref<!tpu.dma_semaphore, #tpu.memory_space<semaphore_mem>>) src(%arg16 : memref<40x128xf32, #tpu.memory_space<vmem>>) dst(%dma_wait3A_79 : memref<10000x128xf32, #tpu.memory_space<vmem_shared>>)
    %dma_wait3A_80 = arith.constant 0 : i32
    %dma_wait3A_81 = arith.constant 0 : i32
    %dma_wait3A_82 = tpu.memref_slice %arg20[%dma_wait3A_80, %dma_wait3A_81] : memref<10000x128xf32, #tpu.memory_space<vmem_shared>> -> memref<10000x128xf32, #tpu.memory_space<vmem_shared>>
    tpu.wait_indirect_dma semaphore(%arg33 : memref<!tpu.dma_semaphore, #tpu.memory_space<semaphore_mem>>) src(%arg14 : memref<40x128xf32, #tpu.memory_space<vmem>>) dst(%dma_wait3A_82 : memref<10000x128xf32, #tpu.memory_space<vmem_shared>>)
    %barrier3A_83 = arith.constant 0 : index
    tpu.barrier barrier_id(%barrier3A_83)
    %scan3A_84 = arith.constant 0 : i32
    %scan3A_85 = arith.constant 0 : i32
    %scan3A_86 = arith.constant 8 : i32
    %scan3A_87 = arith.addi %scan3A_85, %scan3A_86 : i32
    %scan3A_88 = arith.constant 1 : i32
    scf.for %scan3A_90 = %scan3A_85 to %scan3A_87 step %scan3A_88  : i32 {
      %mul3A_91 = arith.constant 16 : i32
      %mul3A_92 = arith.muli %mul3A_91, %scan3A_90 : i32
      %add3A_93 = arith.addi %arg1, %mul3A_92 : i32
      %lt3A = arith.constant 125 : i32
      %lt3A_94 = arith.cmpi slt, %add3A_93, %lt3A : i32
      %convert_element_type3A = arith.extui %lt3A_94 : i1 to i32
      %cond3A = arith.constant 0 : i32
      %cond3A_95 = arith.cmpi ne, %convert_element_type3A, %cond3A : i32
      scf.if %cond3A_95 {
        %mul3A_96 = arith.constant 80 : i32
        %mul3A_97 = arith.muli %add3A_93, %mul3A_96 : i32
        %mul3A_98 = arith.constant 80 : i32
        %mul3A_99 = arith.muli %add3A_93, %mul3A_98 : i32
        "tpu.region"() ({
          %run_scoped3A = tpu.sem_alloc : memref<!tpu.dma_semaphore, #tpu.memory_space<semaphore_mem>>
          %dma_start3A_100 = arith.constant 0 : i32
          %dma_start3A_101 = tpu.memref_slice %arg7[%arg0, %mul3A_99, %dma_start3A_100] : memref<2x10000x128xf32, #tpu.memory_space<hbm>> -> memref<1x80x128xf32, #tpu.memory_space<hbm>>
          %dma_start3A_102 = tpu.memref_squeeze %dma_start3A_101 : memref<1x80x128xf32, #tpu.memory_space<hbm>> -> memref<80x128xf32, #tpu.memory_space<hbm>>
          %dma_start3A_103 = arith.constant 0 : i32
          %dma_start3A_104 = tpu.memref_slice %arg20[%mul3A_97, %dma_start3A_103] : memref<10000x128xf32, #tpu.memory_space<vmem_shared>> -> memref<80x128xf32, #tpu.memory_space<vmem_shared>>
          tpu.enqueue_dma source(%dma_start3A_104 : memref<80x128xf32, #tpu.memory_space<vmem_shared>>) target(%dma_start3A_102 : memref<80x128xf32, #tpu.memory_space<hbm>>) target_semaphore(%run_scoped3A : memref<!tpu.dma_semaphore, #tpu.memory_space<semaphore_mem>>)
          %dma_wait3A_105 = arith.constant 0 : i32
          %dma_wait3A_106 = tpu.memref_slice %arg7[%arg0, %mul3A_99, %dma_wait3A_105] : memref<2x10000x128xf32, #tpu.memory_space<hbm>> -> memref<1x80x128xf32, #tpu.memory_space<hbm>>
          %dma_wait3A_107 = tpu.memref_squeeze %dma_wait3A_106 : memref<1x80x128xf32, #tpu.memory_space<hbm>> -> memref<80x128xf32, #tpu.memory_space<hbm>>
          %dma_wait3A_108 = arith.constant 0 : i32
          %dma_wait3A_109 = tpu.memref_slice %arg20[%mul3A_97, %dma_wait3A_108] : memref<10000x128xf32, #tpu.memory_space<vmem_shared>> -> memref<80x128xf32, #tpu.memory_space<vmem_shared>>
          tpu.wait_dma2 semaphore(%run_scoped3A : memref<!tpu.dma_semaphore, #tpu.memory_space<semaphore_mem>>) src(%dma_wait3A_109 : memref<80x128xf32, #tpu.memory_space<vmem_shared>>) dst(%dma_wait3A_107 : memref<80x128xf32, #tpu.memory_space<hbm>>)
          tpu.yield
        }) : () -> ()
      } else {
      }
    }
    %scan3A_89 = arith.constant 8 : i32
    return
  }
}

#map = affine_map<(d0, d1) -> (0, 0)>
#map1 = affine_map<(d0, d1) -> (0)>
#map2 = affine_map<(d0, d1) -> (0, 0, 0)>
module attributes {stable_mosaic.version = 14 : i64} {
  func.func @_sc_body(%arg0: i32, %arg1: i32, %arg2: memref<10000x128xf32, #tpu.memory_space<hbm>>, %arg3: memref<320000xi32, #tpu.memory_space<hbm>>, %arg4: memref<320000xi32, #tpu.memory_space<hbm>>, %arg5: memref<320000x128xf32, #tpu.memory_space<hbm>>, %arg6: memref<10000x128xf32, #tpu.memory_space<hbm>>, %arg7: memref<2x10000x128xf32, #tpu.memory_space<hbm>>, %arg8: memref<40xi32, #tpu.memory_space<vmem>>, %arg9: memref<40xi32, #tpu.memory_space<vmem>>, %arg10: memref<40xi32, #tpu.memory_space<vmem>>, %arg11: memref<40xi32, #tpu.memory_space<vmem>>, %arg12: memref<40xi32, #tpu.memory_space<vmem>>, %arg13: memref<40xi32, #tpu.memory_space<vmem>>, %arg14: memref<40x128xf32, #tpu.memory_space<vmem>>, %arg15: memref<40x128xf32, #tpu.memory_space<vmem>>, %arg16: memref<40x128xf32, #tpu.memory_space<vmem>>, %arg17: memref<40x128xf32, #tpu.memory_space<vmem>>, %arg18: memref<40x128xf32, #tpu.memory_space<vmem>>, %arg19: memref<40x128xf32, #tpu.memory_space<vmem>>, %arg20: memref<10000x128xf32, #tpu.memory_space<vmem_shared>>, %arg21: memref<!tpu.dma_semaphore, #tpu.memory_space<semaphore_mem>>, %arg22: memref<!tpu.dma_semaphore, #tpu.memory_space<semaphore_mem>>, %arg23: memref<!tpu.dma_semaphore, #tpu.memory_space<semaphore_mem>>, %arg24: memref<!tpu.dma_semaphore, #tpu.memory_space<semaphore_mem>>, %arg25: memref<!tpu.dma_semaphore, #tpu.memory_space<semaphore_mem>>, %arg26: memref<!tpu.dma_semaphore, #tpu.memory_space<semaphore_mem>>, %arg27: memref<!tpu.dma_semaphore, #tpu.memory_space<semaphore_mem>>, %arg28: memref<!tpu.dma_semaphore, #tpu.memory_space<semaphore_mem>>, %arg29: memref<!tpu.dma_semaphore, #tpu.memory_space<semaphore_mem>>, %arg30: memref<!tpu.dma_semaphore, #tpu.memory_space<semaphore_mem>>, %arg31: memref<!tpu.dma_semaphore, #tpu.memory_space<semaphore_mem>>, %arg32: memref<!tpu.dma_semaphore, #tpu.memory_space<semaphore_mem>>, %arg33: memref<!tpu.dma_semaphore, #tpu.memory_space<semaphore_mem>>, %arg34: memref<!tpu.dma_semaphore, #tpu.memory_space<semaphore_mem>>, %arg35: memref<!tpu.dma_semaphore, #tpu.memory_space<semaphore_mem>>) attributes {dimension_semantics = [#tpu.dimension_semantics<core_parallel>, #tpu.dimension_semantics<subcore_parallel>], iteration_bounds = array<i64: 2, 16>, scalar_prefetch = 0 : i64, scratch_operands = 28 : i64, tpu.core_type = #tpu.core_type<sc_vector_subcore>, window_params = [{transform_indices = #map}, {transform_indices = #map1}, {transform_indices = #map1}, {transform_indices = #map}, {transform_indices = #map}, {transform_indices = #map2}]} {
    %mul3A = arith.constant 16 : i32
    %mul3A_0 = arith.muli %arg0, %mul3A : i32
    %add3A = arith.addi %mul3A_0, %arg1 : i32
    %mul3A_1 = arith.constant 10000 : i32
    %mul3A_2 = arith.muli %add3A, %mul3A_1 : i32
    %add3A_3 = arith.constant 0 : i32
    %add3A_4 = arith.addi %mul3A_2, %add3A_3 : i32
    %dma_start3A = tpu.memref_slice %arg3[%add3A_4] : memref<320000xi32, #tpu.memory_space<hbm>> -> memref<40xi32, #tpu.memory_space<hbm>>
    %dma_start3A_5 = tpu.memref_slice %arg3[%add3A_4] : memref<320000xi32, #tpu.memory_space<hbm>> -> memref<40xi32, #tpu.memory_space<hbm>>
    tpu.enqueue_dma source(%dma_start3A_5 : memref<40xi32, #tpu.memory_space<hbm>>) target(%arg8 : memref<40xi32, #tpu.memory_space<vmem>>) target_semaphore(%arg21 : memref<!tpu.dma_semaphore, #tpu.memory_space<semaphore_mem>>)
    %add3A_6 = arith.constant 40 : i32
    %add3A_7 = arith.addi %mul3A_2, %add3A_6 : i32
    %dma_start3A_8 = tpu.memref_slice %arg3[%add3A_7] : memref<320000xi32, #tpu.memory_space<hbm>> -> memref<40xi32, #tpu.memory_space<hbm>>
    %dma_start3A_9 = tpu.memref_slice %arg3[%add3A_7] : memref<320000xi32, #tpu.memory_space<hbm>> -> memref<40xi32, #tpu.memory_space<hbm>>
    tpu.enqueue_dma source(%dma_start3A_9 : memref<40xi32, #tpu.memory_space<hbm>>) target(%arg9 : memref<40xi32, #tpu.memory_space<vmem>>) target_semaphore(%arg22 : memref<!tpu.dma_semaphore, #tpu.memory_space<semaphore_mem>>)
    %add3A_10 = arith.constant 80 : i32
    %add3A_11 = arith.addi %mul3A_2, %add3A_10 : i32
    %dma_start3A_12 = tpu.memref_slice %arg3[%add3A_11] : memref<320000xi32, #tpu.memory_space<hbm>> -> memref<40xi32, #tpu.memory_space<hbm>>
    %dma_start3A_13 = tpu.memref_slice %arg3[%add3A_11] : memref<320000xi32, #tpu.memory_space<hbm>> -> memref<40xi32, #tpu.memory_space<hbm>>
    tpu.enqueue_dma source(%dma_start3A_13 : memref<40xi32, #tpu.memory_space<hbm>>) target(%arg10 : memref<40xi32, #tpu.memory_space<vmem>>) target_semaphore(%arg23 : memref<!tpu.dma_semaphore, #tpu.memory_space<semaphore_mem>>)
    %add3A_14 = arith.constant 0 : i32
    %add3A_15 = arith.addi %mul3A_2, %add3A_14 : i32
    %dma_start3A_16 = tpu.memref_slice %arg4[%add3A_15] : memref<320000xi32, #tpu.memory_space<hbm>> -> memref<40xi32, #tpu.memory_space<hbm>>
    %dma_start3A_17 = tpu.memref_slice %arg4[%add3A_15] : memref<320000xi32, #tpu.memory_space<hbm>> -> memref<40xi32, #tpu.memory_space<hbm>>
    tpu.enqueue_dma source(%dma_start3A_17 : memref<40xi32, #tpu.memory_space<hbm>>) target(%arg11 : memref<40xi32, #tpu.memory_space<vmem>>) target_semaphore(%arg24 : memref<!tpu.dma_semaphore, #tpu.memory_space<semaphore_mem>>)
    %add3A_18 = arith.constant 40 : i32
    %add3A_19 = arith.addi %mul3A_2, %add3A_18 : i32
    %dma_start3A_20 = tpu.memref_slice %arg4[%add3A_19] : memref<320000xi32, #tpu.memory_space<hbm>> -> memref<40xi32, #tpu.memory_space<hbm>>
    %dma_start3A_21 = tpu.memref_slice %arg4[%add3A_19] : memref<320000xi32, #tpu.memory_space<hbm>> -> memref<40xi32, #tpu.memory_space<hbm>>
    tpu.enqueue_dma source(%dma_start3A_21 : memref<40xi32, #tpu.memory_space<hbm>>) target(%arg12 : memref<40xi32, #tpu.memory_space<vmem>>) target_semaphore(%arg25 : memref<!tpu.dma_semaphore, #tpu.memory_space<semaphore_mem>>)
    %dma_wait3A = tpu.memref_slice %arg3[%mul3A_2] : memref<320000xi32, #tpu.memory_space<hbm>> -> memref<40xi32, #tpu.memory_space<hbm>>
    %dma_wait3A_22 = tpu.memref_slice %arg3[%mul3A_2] : memref<320000xi32, #tpu.memory_space<hbm>> -> memref<40xi32, #tpu.memory_space<hbm>>
    tpu.wait_dma2 semaphore(%arg21 : memref<!tpu.dma_semaphore, #tpu.memory_space<semaphore_mem>>) src(%dma_wait3A_22 : memref<40xi32, #tpu.memory_space<hbm>>) dst(%arg8 : memref<40xi32, #tpu.memory_space<vmem>>)
    %dma_start3A_23 = arith.constant 0 : i32
    %dma_start3A_24 = arith.constant 0 : i32
    %dma_start3A_25 = tpu.memref_slice %arg2[%dma_start3A_23, %dma_start3A_24] : memref<10000x128xf32, #tpu.memory_space<hbm>> -> memref<10000x128xf32, #tpu.memory_space<hbm>>
    tpu.enqueue_indirect_dma source(%dma_start3A_25 : memref<10000x128xf32, #tpu.memory_space<hbm>>) target(%arg14 : memref<40x128xf32, #tpu.memory_space<vmem>>) offsets(%arg8 : memref<40xi32, #tpu.memory_space<vmem>>) semaphore(%arg27 : memref<!tpu.dma_semaphore, #tpu.memory_space<semaphore_mem>>)
    %add3A_26 = arith.constant 0 : i32
    %add3A_27 = arith.addi %mul3A_2, %add3A_26 : i32
    %dma_start3A_28 = arith.constant 0 : i32
    %dma_start3A_29 = tpu.memref_slice %arg5[%add3A_27, %dma_start3A_28] : memref<320000x128xf32, #tpu.memory_space<hbm>> -> memref<40x128xf32, #tpu.memory_space<hbm>>
    %dma_start3A_30 = arith.constant 0 : i32
    %dma_start3A_31 = tpu.memref_slice %arg5[%add3A_27, %dma_start3A_30] : memref<320000x128xf32, #tpu.memory_space<hbm>> -> memref<40x128xf32, #tpu.memory_space<hbm>>
    tpu.enqueue_dma source(%dma_start3A_31 : memref<40x128xf32, #tpu.memory_space<hbm>>) target(%arg17 : memref<40x128xf32, #tpu.memory_space<vmem>>) target_semaphore(%arg30 : memref<!tpu.dma_semaphore, #tpu.memory_space<semaphore_mem>>)
    %dma_wait3A_32 = tpu.memref_slice %arg3[%mul3A_2] : memref<320000xi32, #tpu.memory_space<hbm>> -> memref<40xi32, #tpu.memory_space<hbm>>
    %dma_wait3A_33 = tpu.memref_slice %arg3[%mul3A_2] : memref<320000xi32, #tpu.memory_space<hbm>> -> memref<40xi32, #tpu.memory_space<hbm>>
    tpu.wait_dma2 semaphore(%arg22 : memref<!tpu.dma_semaphore, #tpu.memory_space<semaphore_mem>>) src(%dma_wait3A_33 : memref<40xi32, #tpu.memory_space<hbm>>) dst(%arg9 : memref<40xi32, #tpu.memory_space<vmem>>)
    %dma_start3A_34 = arith.constant 0 : i32
    %dma_start3A_35 = arith.constant 0 : i32
    %dma_start3A_36 = tpu.memref_slice %arg2[%dma_start3A_34, %dma_start3A_35] : memref<10000x128xf32, #tpu.memory_space<hbm>> -> memref<10000x128xf32, #tpu.memory_space<hbm>>
    tpu.enqueue_indirect_dma source(%dma_start3A_36 : memref<10000x128xf32, #tpu.memory_space<hbm>>) target(%arg15 : memref<40x128xf32, #tpu.memory_space<vmem>>) offsets(%arg9 : memref<40xi32, #tpu.memory_space<vmem>>) semaphore(%arg28 : memref<!tpu.dma_semaphore, #tpu.memory_space<semaphore_mem>>)
    %add3A_37 = arith.constant 40 : i32
    %add3A_38 = arith.addi %mul3A_2, %add3A_37 : i32
    %dma_start3A_39 = arith.constant 0 : i32
    %dma_start3A_40 = tpu.memref_slice %arg5[%add3A_38, %dma_start3A_39] : memref<320000x128xf32, #tpu.memory_space<hbm>> -> memref<40x128xf32, #tpu.memory_space<hbm>>
    %dma_start3A_41 = arith.constant 0 : i32
    %dma_start3A_42 = tpu.memref_slice %arg5[%add3A_38, %dma_start3A_41] : memref<320000x128xf32, #tpu.memory_space<hbm>> -> memref<40x128xf32, #tpu.memory_space<hbm>>
    tpu.enqueue_dma source(%dma_start3A_42 : memref<40x128xf32, #tpu.memory_space<hbm>>) target(%arg18 : memref<40x128xf32, #tpu.memory_space<vmem>>) target_semaphore(%arg31 : memref<!tpu.dma_semaphore, #tpu.memory_space<semaphore_mem>>)
    %scan3A = arith.constant 0 : i32
    %scan3A_43 = arith.constant 0 : i32
    %scan3A_44 = arith.constant 8 : i32
    %scan3A_45 = arith.addi %scan3A_43, %scan3A_44 : i32
    %scan3A_46 = arith.constant 1 : i32
    scf.for %scan3A_90 = %scan3A_43 to %scan3A_45 step %scan3A_46  : i32 {
      %mul3A_91 = arith.constant 16 : i32
      %mul3A_92 = arith.muli %mul3A_91, %scan3A_90 : i32
      %add3A_93 = arith.addi %arg1, %mul3A_92 : i32
      %lt3A = arith.constant 125 : i32
      %lt3A_94 = arith.cmpi slt, %add3A_93, %lt3A : i32
      %convert_element_type3A = arith.extui %lt3A_94 : i1 to i32
      %cond3A = arith.constant 0 : i32
      %cond3A_95 = arith.cmpi ne, %convert_element_type3A, %cond3A : i32
      scf.if %cond3A_95 {
        %mul3A_96 = arith.constant 80 : i32
        %mul3A_97 = arith.muli %add3A_93, %mul3A_96 : i32
        %mul3A_98 = arith.constant 80 : i32
        %mul3A_99 = arith.muli %add3A_93, %mul3A_98 : i32
        "tpu.region"() ({
          %run_scoped3A = tpu.sem_alloc : memref<!tpu.dma_semaphore, #tpu.memory_space<semaphore_mem>>
          %dma_start3A_100 = arith.constant 0 : i32
          %dma_start3A_101 = tpu.memref_slice %arg20[%mul3A_99, %dma_start3A_100] : memref<10000x128xf32, #tpu.memory_space<vmem_shared>> -> memref<80x128xf32, #tpu.memory_space<vmem_shared>>
          %dma_start3A_102 = arith.constant 0 : i32
          %dma_start3A_103 = tpu.memref_slice %arg6[%mul3A_97, %dma_start3A_102] : memref<10000x128xf32, #tpu.memory_space<hbm>> -> memref<80x128xf32, #tpu.memory_space<hbm>>
          tpu.enqueue_dma source(%dma_start3A_103 : memref<80x128xf32, #tpu.memory_space<hbm>>) target(%dma_start3A_101 : memref<80x128xf32, #tpu.memory_space<vmem_shared>>) target_semaphore(%run_scoped3A : memref<!tpu.dma_semaphore, #tpu.memory_space<semaphore_mem>>)
          %dma_wait3A_104 = arith.constant 0 : i32
          %dma_wait3A_105 = tpu.memref_slice %arg20[%mul3A_99, %dma_wait3A_104] : memref<10000x128xf32, #tpu.memory_space<vmem_shared>> -> memref<80x128xf32, #tpu.memory_space<vmem_shared>>
          %dma_wait3A_106 = arith.constant 0 : i32
          %dma_wait3A_107 = tpu.memref_slice %arg6[%mul3A_97, %dma_wait3A_106] : memref<10000x128xf32, #tpu.memory_space<hbm>> -> memref<80x128xf32, #tpu.memory_space<hbm>>
          tpu.wait_dma2 semaphore(%run_scoped3A : memref<!tpu.dma_semaphore, #tpu.memory_space<semaphore_mem>>) src(%dma_wait3A_107 : memref<80x128xf32, #tpu.memory_space<hbm>>) dst(%dma_wait3A_105 : memref<80x128xf32, #tpu.memory_space<vmem_shared>>)
          tpu.yield
        }) : () -> ()
      } else {
      }
    }
    %scan3A_47 = arith.constant 8 : i32
    %barrier3A = arith.constant 0 : index
    tpu.barrier barrier_id(%barrier3A)
    %scan3A_48 = arith.constant 0 : i32
    %scan3A_49 = arith.constant 0 : i32
    %scan3A_50 = arith.constant 83 : i32
    %scan3A_51 = arith.addi %scan3A_49, %scan3A_50 : i32
    %scan3A_52 = arith.constant 1 : i32
    scf.for %scan3A_90 = %scan3A_49 to %scan3A_51 step %scan3A_52  : i32 {
      %mul3A_91 = arith.constant 3 : i32
      %mul3A_92 = arith.muli %mul3A_91, %scan3A_90 : i32
      %dma_wait3A_93 = arith.constant 0 : i32
      %dma_wait3A_94 = arith.constant 0 : i32
      %dma_wait3A_95 = tpu.memref_slice %arg2[%dma_wait3A_93, %dma_wait3A_94] : memref<10000x128xf32, #tpu.memory_space<hbm>> -> memref<10000x128xf32, #tpu.memory_space<hbm>>
      tpu.wait_indirect_dma semaphore(%arg27 : memref<!tpu.dma_semaphore, #tpu.memory_space<semaphore_mem>>) src(%dma_wait3A_95 : memref<10000x128xf32, #tpu.memory_space<hbm>>) dst(%arg14 : memref<40x128xf32, #tpu.memory_space<vmem>>)
      %mul3A_96 = arith.constant 40 : i32
      %mul3A_97 = arith.muli %mul3A_92, %mul3A_96 : i32
      %add3A_98 = arith.addi %mul3A_2, %mul3A_97 : i32
      %dma_wait3A_99 = arith.constant 0 : i32
      %dma_wait3A_100 = tpu.memref_slice %arg5[%add3A_98, %dma_wait3A_99] : memref<320000x128xf32, #tpu.memory_space<hbm>> -> memref<40x128xf32, #tpu.memory_space<hbm>>
      %dma_wait3A_101 = arith.constant 0 : i32
      %dma_wait3A_102 = tpu.memref_slice %arg5[%add3A_98, %dma_wait3A_101] : memref<320000x128xf32, #tpu.memory_space<hbm>> -> memref<40x128xf32, #tpu.memory_space<hbm>>
      tpu.wait_dma2 semaphore(%arg30 : memref<!tpu.dma_semaphore, #tpu.memory_space<semaphore_mem>>) src(%dma_wait3A_102 : memref<40x128xf32, #tpu.memory_space<hbm>>) dst(%arg17 : memref<40x128xf32, #tpu.memory_space<vmem>>)
      %add3A_103 = arith.constant 3 : i32
      %add3A_104 = arith.addi %mul3A_92, %add3A_103 : i32
      %lt3A = arith.constant 250 : i32
      %lt3A_105 = arith.cmpi slt, %add3A_104, %lt3A : i32
      %convert_element_type3A = arith.extui %lt3A_105 : i1 to i32
      %cond3A = arith.constant 0 : i32
      %cond3A_106 = arith.cmpi ne, %convert_element_type3A, %cond3A : i32
      scf.if %cond3A_106 {
        %add3A_231 = arith.constant 3 : i32
        %add3A_232 = arith.addi %mul3A_92, %add3A_231 : i32
        %mul3A_233 = arith.constant 40 : i32
        %mul3A_234 = arith.muli %add3A_232, %mul3A_233 : i32
        %add3A_235 = arith.addi %mul3A_2, %mul3A_234 : i32
        %dma_start3A_236 = tpu.memref_slice %arg3[%add3A_235] : memref<320000xi32, #tpu.memory_space<hbm>> -> memref<40xi32, #tpu.memory_space<hbm>>
        %dma_start3A_237 = tpu.memref_slice %arg3[%add3A_235] : memref<320000xi32, #tpu.memory_space<hbm>> -> memref<40xi32, #tpu.memory_space<hbm>>
        tpu.enqueue_dma source(%dma_start3A_237 : memref<40xi32, #tpu.memory_space<hbm>>) target(%arg8 : memref<40xi32, #tpu.memory_space<vmem>>) target_semaphore(%arg21 : memref<!tpu.dma_semaphore, #tpu.memory_space<semaphore_mem>>)
      } else {
      }
      %ge3A = arith.constant 1 : i32
      %ge3A_107 = arith.cmpi sge, %mul3A_92, %ge3A : i32
      %add3A_108 = arith.constant 2 : i32
      %add3A_109 = arith.addi %mul3A_92, %add3A_108 : i32
      %lt3A_110 = arith.constant 250 : i32
      %lt3A_111 = arith.cmpi slt, %add3A_109, %lt3A_110 : i32
      %and3A = arith.andi %ge3A_107, %lt3A_111 : i1
      %convert_element_type3A_112 = arith.extui %and3A : i1 to i32
      %cond3A_113 = arith.constant 0 : i32
      %cond3A_114 = arith.cmpi ne, %convert_element_type3A_112, %cond3A_113 : i32
      scf.if %cond3A_114 {
        %dma_wait3A_231 = arith.constant 0 : i32
        %dma_wait3A_232 = arith.constant 0 : i32
        %dma_wait3A_233 = tpu.memref_slice %arg20[%dma_wait3A_231, %dma_wait3A_232] : memref<10000x128xf32, #tpu.memory_space<vmem_shared>> -> memref<10000x128xf32, #tpu.memory_space<vmem_shared>>
        tpu.wait_indirect_dma semaphore(%arg35 : memref<!tpu.dma_semaphore, #tpu.memory_space<semaphore_mem>>) src(%arg16 : memref<40x128xf32, #tpu.memory_space<vmem>>) dst(%dma_wait3A_233 : memref<10000x128xf32, #tpu.memory_space<vmem_shared>>)
      } else {
      }
      %add3A_115 = arith.constant 2 : i32
      %add3A_116 = arith.addi %mul3A_92, %add3A_115 : i32
      %lt3A_117 = arith.constant 250 : i32
      %lt3A_118 = arith.cmpi slt, %add3A_116, %lt3A_117 : i32
      %convert_element_type3A_119 = arith.extui %lt3A_118 : i1 to i32
      %cond3A_120 = arith.constant 0 : i32
      %cond3A_121 = arith.cmpi ne, %convert_element_type3A_119, %cond3A_120 : i32
      scf.if %cond3A_121 {
        %dma_wait3A_231 = tpu.memref_slice %arg3[%mul3A_2] : memref<320000xi32, #tpu.memory_space<hbm>> -> memref<40xi32, #tpu.memory_space<hbm>>
        %dma_wait3A_232 = tpu.memref_slice %arg3[%mul3A_2] : memref<320000xi32, #tpu.memory_space<hbm>> -> memref<40xi32, #tpu.memory_space<hbm>>
        tpu.wait_dma2 semaphore(%arg23 : memref<!tpu.dma_semaphore, #tpu.memory_space<semaphore_mem>>) src(%dma_wait3A_232 : memref<40xi32, #tpu.memory_space<hbm>>) dst(%arg10 : memref<40xi32, #tpu.memory_space<vmem>>)
        %add3A_233 = arith.constant 2 : i32
        %add3A_234 = arith.addi %mul3A_92, %add3A_233 : i32
        %dma_start3A_235 = arith.constant 0 : i32
        %dma_start3A_236 = arith.constant 0 : i32
        %dma_start3A_237 = tpu.memref_slice %arg2[%dma_start3A_235, %dma_start3A_236] : memref<10000x128xf32, #tpu.memory_space<hbm>> -> memref<10000x128xf32, #tpu.memory_space<hbm>>
        tpu.enqueue_indirect_dma source(%dma_start3A_237 : memref<10000x128xf32, #tpu.memory_space<hbm>>) target(%arg16 : memref<40x128xf32, #tpu.memory_space<vmem>>) offsets(%arg10 : memref<40xi32, #tpu.memory_space<vmem>>) semaphore(%arg29 : memref<!tpu.dma_semaphore, #tpu.memory_space<semaphore_mem>>)
        %mul3A_238 = arith.constant 40 : i32
        %mul3A_239 = arith.muli %add3A_234, %mul3A_238 : i32
        %add3A_240 = arith.addi %mul3A_2, %mul3A_239 : i32
        %dma_start3A_241 = arith.constant 0 : i32
        %dma_start3A_242 = tpu.memref_slice %arg5[%add3A_240, %dma_start3A_241] : memref<320000x128xf32, #tpu.memory_space<hbm>> -> memref<40x128xf32, #tpu.memory_space<hbm>>
        %dma_start3A_243 = arith.constant 0 : i32
        %dma_start3A_244 = tpu.memref_slice %arg5[%add3A_240, %dma_start3A_243] : memref<320000x128xf32, #tpu.memory_space<hbm>> -> memref<40x128xf32, #tpu.memory_space<hbm>>
        tpu.enqueue_dma source(%dma_start3A_244 : memref<40x128xf32, #tpu.memory_space<hbm>>) target(%arg19 : memref<40x128xf32, #tpu.memory_space<vmem>>) target_semaphore(%arg32 : memref<!tpu.dma_semaphore, #tpu.memory_space<semaphore_mem>>)
        %add3A_245 = arith.constant 2 : i32
        %add3A_246 = arith.addi %mul3A_92, %add3A_245 : i32
        %mul3A_247 = arith.constant 40 : i32
        %mul3A_248 = arith.muli %add3A_246, %mul3A_247 : i32
        %add3A_249 = arith.addi %mul3A_2, %mul3A_248 : i32
        %dma_start3A_250 = tpu.memref_slice %arg4[%add3A_249] : memref<320000xi32, #tpu.memory_space<hbm>> -> memref<40xi32, #tpu.memory_space<hbm>>
        %dma_start3A_251 = tpu.memref_slice %arg4[%add3A_249] : memref<320000xi32, #tpu.memory_space<hbm>> -> memref<40xi32, #tpu.memory_space<hbm>>
        tpu.enqueue_dma source(%dma_start3A_251 : memref<40xi32, #tpu.memory_space<hbm>>) target(%arg13 : memref<40xi32, #tpu.memory_space<vmem>>) target_semaphore(%arg26 : memref<!tpu.dma_semaphore, #tpu.memory_space<semaphore_mem>>)
      } else {
      }
      %scan3A_122 = arith.constant 0 : i32
      %scan3A_123 = arith.constant 0 : i32
      %scan3A_124 = arith.constant 40 : i32
      %scan3A_125 = arith.addi %scan3A_123, %scan3A_124 : i32
      %scan3A_126 = arith.constant 1 : i32
      scf.for %scan3A_231 = %scan3A_123 to %scan3A_125 step %scan3A_126  : i32 {
        %get3A = arith.index_cast %scan3A_231 : i32 to index
        %get3A_232 = arith.constant 0 : index
        %get3A_233 = tpu.vector_load %arg14[%get3A, %get3A_232] {strides = array<i32>} : memref<40x128xf32, #tpu.memory_space<vmem>>, vector<1x16xf32>,
        %get3A_234 = vector.shape_cast %get3A_233 : vector<1x16xf32> to vector<16xf32>
        %get3A_235 = arith.index_cast %scan3A_231 : i32 to index
        %get3A_236 = arith.constant 0 : index
        %get3A_237 = tpu.vector_load %arg17[%get3A_235, %get3A_236] {strides = array<i32>} : memref<40x128xf32, #tpu.memory_space<vmem>>, vector<1x16xf32>,
        %get3A_238 = vector.shape_cast %get3A_237 : vector<1x16xf32> to vector<16xf32>
        %add3A_239 = arith.addf %get3A_234, %get3A_238 : vector<16xf32>
        %mul3A_240 = arith.constant 1.000000e-01 : f32
        %mul3A_241 = vector.broadcast %mul3A_240 : f32 to vector<16xf32>
        %mul3A_242 = arith.mulf %mul3A_241, %add3A_239 : vector<16xf32>
        %max3A = arith.maximumf %add3A_239, %mul3A_242 : vector<16xf32>
        %swap3A = arith.index_cast %scan3A_231 : i32 to index
        %swap3A_243 = arith.constant 0 : index
        %swap3A_244 = tpu.vector_load %arg14[%swap3A, %swap3A_243] {strides = array<i32>} : memref<40x128xf32, #tpu.memory_space<vmem>>, vector<1x16xf32>,
        %swap3A_245 = vector.shape_cast %swap3A_244 : vector<1x16xf32> to vector<16xf32>
        %swap3A_246 = vector.shape_cast %max3A : vector<16xf32> to vector<1x16xf32>
        tpu.vector_store %arg14[%swap3A, %swap3A_243], %swap3A_246 {strides = array<i32>} : memref<40x128xf32, #tpu.memory_space<vmem>>, vector<1x16xf32>,
        %get3A_247 = arith.index_cast %scan3A_231 : i32 to index
        %get3A_248 = arith.constant 16 : index
        %get3A_249 = tpu.vector_load %arg14[%get3A_247, %get3A_248] {strides = array<i32>} : memref<40x128xf32, #tpu.memory_space<vmem>>, vector<1x16xf32>,
        %get3A_250 = vector.shape_cast %get3A_249 : vector<1x16xf32> to vector<16xf32>
        %get3A_251 = arith.index_cast %scan3A_231 : i32 to index
        %get3A_252 = arith.constant 16 : index
        %get3A_253 = tpu.vector_load %arg17[%get3A_251, %get3A_252] {strides = array<i32>} : memref<40x128xf32, #tpu.memory_space<vmem>>, vector<1x16xf32>,
        %get3A_254 = vector.shape_cast %get3A_253 : vector<1x16xf32> to vector<16xf32>
        %add3A_255 = arith.addf %get3A_250, %get3A_254 : vector<16xf32>
        %mul3A_256 = arith.constant 1.000000e-01 : f32
        %mul3A_257 = vector.broadcast %mul3A_256 : f32 to vector<16xf32>
        %mul3A_258 = arith.mulf %mul3A_257, %add3A_255 : vector<16xf32>
        %max3A_259 = arith.maximumf %add3A_255, %mul3A_258 : vector<16xf32>
        %swap3A_260 = arith.index_cast %scan3A_231 : i32 to index
        %swap3A_261 = arith.constant 16 : index
        %swap3A_262 = tpu.vector_load %arg14[%swap3A_260, %swap3A_261] {strides = array<i32>} : memref<40x128xf32, #tpu.memory_space<vmem>>, vector<1x16xf32>,
        %swap3A_263 = vector.shape_cast %swap3A_262 : vector<1x16xf32> to vector<16xf32>
        %swap3A_264 = vector.shape_cast %max3A_259 : vector<16xf32> to vector<1x16xf32>
        tpu.vector_store %arg14[%swap3A_260, %swap3A_261], %swap3A_264 {strides = array<i32>} : memref<40x128xf32, #tpu.memory_space<vmem>>, vector<1x16xf32>,
        %get3A_265 = arith.index_cast %scan3A_231 : i32 to index
        %get3A_266 = arith.constant 32 : index
        %get3A_267 = tpu.vector_load %arg14[%get3A_265, %get3A_266] {strides = array<i32>} : memref<40x128xf32, #tpu.memory_space<vmem>>, vector<1x16xf32>,
        %get3A_268 = vector.shape_cast %get3A_267 : vector<1x16xf32> to vector<16xf32>
        %get3A_269 = arith.index_cast %scan3A_231 : i32 to index
        %get3A_270 = arith.constant 32 : index
        %get3A_271 = tpu.vector_load %arg17[%get3A_269, %get3A_270] {strides = array<i32>} : memref<40x128xf32, #tpu.memory_space<vmem>>, vector<1x16xf32>,
        %get3A_272 = vector.shape_cast %get3A_271 : vector<1x16xf32> to vector<16xf32>
        %add3A_273 = arith.addf %get3A_268, %get3A_272 : vector<16xf32>
        %mul3A_274 = arith.constant 1.000000e-01 : f32
        %mul3A_275 = vector.broadcast %mul3A_274 : f32 to vector<16xf32>
        %mul3A_276 = arith.mulf %mul3A_275, %add3A_273 : vector<16xf32>
        %max3A_277 = arith.maximumf %add3A_273, %mul3A_276 : vector<16xf32>
        %swap3A_278 = arith.index_cast %scan3A_231 : i32 to index
        %swap3A_279 = arith.constant 32 : index
        %swap3A_280 = tpu.vector_load %arg14[%swap3A_278, %swap3A_279] {strides = array<i32>} : memref<40x128xf32, #tpu.memory_space<vmem>>, vector<1x16xf32>,
        %swap3A_281 = vector.shape_cast %swap3A_280 : vector<1x16xf32> to vector<16xf32>
        %swap3A_282 = vector.shape_cast %max3A_277 : vector<16xf32> to vector<1x16xf32>
        tpu.vector_store %arg14[%swap3A_278, %swap3A_279], %swap3A_282 {strides = array<i32>} : memref<40x128xf32, #tpu.memory_space<vmem>>, vector<1x16xf32>,
        %get3A_283 = arith.index_cast %scan3A_231 : i32 to index
        %get3A_284 = arith.constant 48 : index
        %get3A_285 = tpu.vector_load %arg14[%get3A_283, %get3A_284] {strides = array<i32>} : memref<40x128xf32, #tpu.memory_space<vmem>>, vector<1x16xf32>,
        %get3A_286 = vector.shape_cast %get3A_285 : vector<1x16xf32> to vector<16xf32>
        %get3A_287 = arith.index_cast %scan3A_231 : i32 to index
        %get3A_288 = arith.constant 48 : index
        %get3A_289 = tpu.vector_load %arg17[%get3A_287, %get3A_288] {strides = array<i32>} : memref<40x128xf32, #tpu.memory_space<vmem>>, vector<1x16xf32>,
        %get3A_290 = vector.shape_cast %get3A_289 : vector<1x16xf32> to vector<16xf32>
        %add3A_291 = arith.addf %get3A_286, %get3A_290 : vector<16xf32>
        %mul3A_292 = arith.constant 1.000000e-01 : f32
        %mul3A_293 = vector.broadcast %mul3A_292 : f32 to vector<16xf32>
        %mul3A_294 = arith.mulf %mul3A_293, %add3A_291 : vector<16xf32>
        %max3A_295 = arith.maximumf %add3A_291, %mul3A_294 : vector<16xf32>
        %swap3A_296 = arith.index_cast %scan3A_231 : i32 to index
        %swap3A_297 = arith.constant 48 : index
        %swap3A_298 = tpu.vector_load %arg14[%swap3A_296, %swap3A_297] {strides = array<i32>} : memref<40x128xf32, #tpu.memory_space<vmem>>, vector<1x16xf32>,
        %swap3A_299 = vector.shape_cast %swap3A_298 : vector<1x16xf32> to vector<16xf32>
        %swap3A_300 = vector.shape_cast %max3A_295 : vector<16xf32> to vector<1x16xf32>
        tpu.vector_store %arg14[%swap3A_296, %swap3A_297], %swap3A_300 {strides = array<i32>} : memref<40x128xf32, #tpu.memory_space<vmem>>, vector<1x16xf32>,
        %get3A_301 = arith.index_cast %scan3A_231 : i32 to index
        %get3A_302 = arith.constant 64 : index
        %get3A_303 = tpu.vector_load %arg14[%get3A_301, %get3A_302] {strides = array<i32>} : memref<40x128xf32, #tpu.memory_space<vmem>>, vector<1x16xf32>,
        %get3A_304 = vector.shape_cast %get3A_303 : vector<1x16xf32> to vector<16xf32>
        %get3A_305 = arith.index_cast %scan3A_231 : i32 to index
        %get3A_306 = arith.constant 64 : index
        %get3A_307 = tpu.vector_load %arg17[%get3A_305, %get3A_306] {strides = array<i32>} : memref<40x128xf32, #tpu.memory_space<vmem>>, vector<1x16xf32>,
        %get3A_308 = vector.shape_cast %get3A_307 : vector<1x16xf32> to vector<16xf32>
        %add3A_309 = arith.addf %get3A_304, %get3A_308 : vector<16xf32>
        %mul3A_310 = arith.constant 1.000000e-01 : f32
        %mul3A_311 = vector.broadcast %mul3A_310 : f32 to vector<16xf32>
        %mul3A_312 = arith.mulf %mul3A_311, %add3A_309 : vector<16xf32>
        %max3A_313 = arith.maximumf %add3A_309, %mul3A_312 : vector<16xf32>
        %swap3A_314 = arith.index_cast %scan3A_231 : i32 to index
        %swap3A_315 = arith.constant 64 : index
        %swap3A_316 = tpu.vector_load %arg14[%swap3A_314, %swap3A_315] {strides = array<i32>} : memref<40x128xf32, #tpu.memory_space<vmem>>, vector<1x16xf32>,
        %swap3A_317 = vector.shape_cast %swap3A_316 : vector<1x16xf32> to vector<16xf32>
        %swap3A_318 = vector.shape_cast %max3A_313 : vector<16xf32> to vector<1x16xf32>
        tpu.vector_store %arg14[%swap3A_314, %swap3A_315], %swap3A_318 {strides = array<i32>} : memref<40x128xf32, #tpu.memory_space<vmem>>, vector<1x16xf32>,
        %get3A_319 = arith.index_cast %scan3A_231 : i32 to index
        %get3A_320 = arith.constant 80 : index
        %get3A_321 = tpu.vector_load %arg14[%get3A_319, %get3A_320] {strides = array<i32>} : memref<40x128xf32, #tpu.memory_space<vmem>>, vector<1x16xf32>,
        %get3A_322 = vector.shape_cast %get3A_321 : vector<1x16xf32> to vector<16xf32>
        %get3A_323 = arith.index_cast %scan3A_231 : i32 to index
        %get3A_324 = arith.constant 80 : index
        %get3A_325 = tpu.vector_load %arg17[%get3A_323, %get3A_324] {strides = array<i32>} : memref<40x128xf32, #tpu.memory_space<vmem>>, vector<1x16xf32>,
        %get3A_326 = vector.shape_cast %get3A_325 : vector<1x16xf32> to vector<16xf32>
        %add3A_327 = arith.addf %get3A_322, %get3A_326 : vector<16xf32>
        %mul3A_328 = arith.constant 1.000000e-01 : f32
        %mul3A_329 = vector.broadcast %mul3A_328 : f32 to vector<16xf32>
        %mul3A_330 = arith.mulf %mul3A_329, %add3A_327 : vector<16xf32>
        %max3A_331 = arith.maximumf %add3A_327, %mul3A_330 : vector<16xf32>
        %swap3A_332 = arith.index_cast %scan3A_231 : i32 to index
        %swap3A_333 = arith.constant 80 : index
        %swap3A_334 = tpu.vector_load %arg14[%swap3A_332, %swap3A_333] {strides = array<i32>} : memref<40x128xf32, #tpu.memory_space<vmem>>, vector<1x16xf32>,
        %swap3A_335 = vector.shape_cast %swap3A_334 : vector<1x16xf32> to vector<16xf32>
        %swap3A_336 = vector.shape_cast %max3A_331 : vector<16xf32> to vector<1x16xf32>
        tpu.vector_store %arg14[%swap3A_332, %swap3A_333], %swap3A_336 {strides = array<i32>} : memref<40x128xf32, #tpu.memory_space<vmem>>, vector<1x16xf32>,
        %get3A_337 = arith.index_cast %scan3A_231 : i32 to index
        %get3A_338 = arith.constant 96 : index
        %get3A_339 = tpu.vector_load %arg14[%get3A_337, %get3A_338] {strides = array<i32>} : memref<40x128xf32, #tpu.memory_space<vmem>>, vector<1x16xf32>,
        %get3A_340 = vector.shape_cast %get3A_339 : vector<1x16xf32> to vector<16xf32>
        %get3A_341 = arith.index_cast %scan3A_231 : i32 to index
        %get3A_342 = arith.constant 96 : index
        %get3A_343 = tpu.vector_load %arg17[%get3A_341, %get3A_342] {strides = array<i32>} : memref<40x128xf32, #tpu.memory_space<vmem>>, vector<1x16xf32>,
        %get3A_344 = vector.shape_cast %get3A_343 : vector<1x16xf32> to vector<16xf32>
        %add3A_345 = arith.addf %get3A_340, %get3A_344 : vector<16xf32>
        %mul3A_346 = arith.constant 1.000000e-01 : f32
        %mul3A_347 = vector.broadcast %mul3A_346 : f32 to vector<16xf32>
        %mul3A_348 = arith.mulf %mul3A_347, %add3A_345 : vector<16xf32>
        %max3A_349 = arith.maximumf %add3A_345, %mul3A_348 : vector<16xf32>
        %swap3A_350 = arith.index_cast %scan3A_231 : i32 to index
        %swap3A_351 = arith.constant 96 : index
        %swap3A_352 = tpu.vector_load %arg14[%swap3A_350, %swap3A_351] {strides = array<i32>} : memref<40x128xf32, #tpu.memory_space<vmem>>, vector<1x16xf32>,
        %swap3A_353 = vector.shape_cast %swap3A_352 : vector<1x16xf32> to vector<16xf32>
        %swap3A_354 = vector.shape_cast %max3A_349 : vector<16xf32> to vector<1x16xf32>
        tpu.vector_store %arg14[%swap3A_350, %swap3A_351], %swap3A_354 {strides = array<i32>} : memref<40x128xf32, #tpu.memory_space<vmem>>, vector<1x16xf32>,
        %get3A_355 = arith.index_cast %scan3A_231 : i32 to index
        %get3A_356 = arith.constant 112 : index
        %get3A_357 = tpu.vector_load %arg14[%get3A_355, %get3A_356] {strides = array<i32>} : memref<40x128xf32, #tpu.memory_space<vmem>>, vector<1x16xf32>,
        %get3A_358 = vector.shape_cast %get3A_357 : vector<1x16xf32> to vector<16xf32>
        %get3A_359 = arith.index_cast %scan3A_231 : i32 to index
        %get3A_360 = arith.constant 112 : index
        %get3A_361 = tpu.vector_load %arg17[%get3A_359, %get3A_360] {strides = array<i32>} : memref<40x128xf32, #tpu.memory_space<vmem>>, vector<1x16xf32>,
        %get3A_362 = vector.shape_cast %get3A_361 : vector<1x16xf32> to vector<16xf32>
        %add3A_363 = arith.addf %get3A_358, %get3A_362 : vector<16xf32>
        %mul3A_364 = arith.constant 1.000000e-01 : f32
        %mul3A_365 = vector.broadcast %mul3A_364 : f32 to vector<16xf32>
        %mul3A_366 = arith.mulf %mul3A_365, %add3A_363 : vector<16xf32>
        %max3A_367 = arith.maximumf %add3A_363, %mul3A_366 : vector<16xf32>
        %swap3A_368 = arith.index_cast %scan3A_231 : i32 to index
        %swap3A_369 = arith.constant 112 : index
        %swap3A_370 = tpu.vector_load %arg14[%swap3A_368, %swap3A_369] {strides = array<i32>} : memref<40x128xf32, #tpu.memory_space<vmem>>, vector<1x16xf32>,
        %swap3A_371 = vector.shape_cast %swap3A_370 : vector<1x16xf32> to vector<16xf32>
        %swap3A_372 = vector.shape_cast %max3A_367 : vector<16xf32> to vector<1x16xf32>
        tpu.vector_store %arg14[%swap3A_368, %swap3A_369], %swap3A_372 {strides = array<i32>} : memref<40x128xf32, #tpu.memory_space<vmem>>, vector<1x16xf32>,
      }
      %scan3A_127 = arith.constant 40 : i32
      %dma_wait3A_128 = tpu.memref_slice %arg4[%mul3A_2] : memref<320000xi32, #tpu.memory_space<hbm>> -> memref<40xi32, #tpu.memory_space<hbm>>
      %dma_wait3A_129 = tpu.memref_slice %arg4[%mul3A_2] : memref<320000xi32, #tpu.memory_space<hbm>> -> memref<40xi32, #tpu.memory_space<hbm>>
      tpu.wait_dma2 semaphore(%arg24 : memref<!tpu.dma_semaphore, #tpu.memory_space<semaphore_mem>>) src(%dma_wait3A_129 : memref<40xi32, #tpu.memory_space<hbm>>) dst(%arg11 : memref<40xi32, #tpu.memory_space<vmem>>)
      %dma_start3A_130 = arith.constant 0 : i32
      %dma_start3A_131 = arith.constant 0 : i32
      %dma_start3A_132 = tpu.memref_slice %arg20[%dma_start3A_130, %dma_start3A_131] : memref<10000x128xf32, #tpu.memory_space<vmem_shared>> -> memref<10000x128xf32, #tpu.memory_space<vmem_shared>>
      tpu.enqueue_indirect_dma source(%arg14 : memref<40x128xf32, #tpu.memory_space<vmem>>) target(%dma_start3A_132 : memref<10000x128xf32, #tpu.memory_space<vmem_shared>>) offsets(%arg11 : memref<40xi32, #tpu.memory_space<vmem>>) semaphore(%arg33 : memref<!tpu.dma_semaphore, #tpu.memory_space<semaphore_mem>>) {add = true}
      %mul3A_133 = arith.constant 3 : i32
      %mul3A_134 = arith.muli %mul3A_133, %scan3A_90 : i32
      %add3A_135 = arith.constant 1 : i32
      %add3A_136 = arith.addi %mul3A_134, %add3A_135 : i32
      %dma_wait3A_137 = arith.constant 0 : i32
      %dma_wait3A_138 = arith.constant 0 : i32
      %dma_wait3A_139 = tpu.memref_slice %arg2[%dma_wait3A_137, %dma_wait3A_138] : memref<10000x128xf32, #tpu.memory_space<hbm>> -> memref<10000x128xf32, #tpu.memory_space<hbm>>
      tpu.wait_indirect_dma semaphore(%arg28 : memref<!tpu.dma_semaphore, #tpu.memory_space<semaphore_mem>>) src(%dma_wait3A_139 : memref<10000x128xf32, #tpu.memory_space<hbm>>) dst(%arg15 : memref<40x128xf32, #tpu.memory_space<vmem>>)
      %mul3A_140 = arith.constant 40 : i32
      %mul3A_141 = arith.muli %add3A_136, %mul3A_140 : i32
      %add3A_142 = arith.addi %mul3A_2, %mul3A_141 : i32
      %dma_wait3A_143 = arith.constant 0 : i32
      %dma_wait3A_144 = tpu.memref_slice %arg5[%add3A_142, %dma_wait3A_143] : memref<320000x128xf32, #tpu.memory_space<hbm>> -> memref<40x128xf32, #tpu.memory_space<hbm>>
      %dma_wait3A_145 = arith.constant 0 : i32
      %dma_wait3A_146 = tpu.memref_slice %arg5[%add3A_142, %dma_wait3A_145] : memref<320000x128xf32, #tpu.memory_space<hbm>> -> memref<40x128xf32, #tpu.memory_space<hbm>>
      tpu.wait_dma2 semaphore(%arg31 : memref<!tpu.dma_semaphore, #tpu.memory_space<semaphore_mem>>) src(%dma_wait3A_146 : memref<40x128xf32, #tpu.memory_space<hbm>>) dst(%arg18 : memref<40x128xf32, #tpu.memory_space<vmem>>)
      %add3A_147 = arith.constant 3 : i32
      %add3A_148 = arith.addi %add3A_136, %add3A_147 : i32
      %lt3A_149 = arith.constant 250 : i32
      %lt3A_150 = arith.cmpi slt, %add3A_148, %lt3A_149 : i32
      %convert_element_type3A_151 = arith.extui %lt3A_150 : i1 to i32
      %cond3A_152 = arith.constant 0 : i32
      %cond3A_153 = arith.cmpi ne, %convert_element_type3A_151, %cond3A_152 : i32
      scf.if %cond3A_153 {
        %add3A_231 = arith.constant 3 : i32
        %add3A_232 = arith.addi %add3A_136, %add3A_231 : i32
        %mul3A_233 = arith.constant 40 : i32
        %mul3A_234 = arith.muli %add3A_232, %mul3A_233 : i32
        %add3A_235 = arith.addi %mul3A_2, %mul3A_234 : i32
        %dma_start3A_236 = tpu.memref_slice %arg3[%add3A_235] : memref<320000xi32, #tpu.memory_space<hbm>> -> memref<40xi32, #tpu.memory_space<hbm>>
        %dma_start3A_237 = tpu.memref_slice %arg3[%add3A_235] : memref<320000xi32, #tpu.memory_space<hbm>> -> memref<40xi32, #tpu.memory_space<hbm>>
        tpu.enqueue_dma source(%dma_start3A_237 : memref<40xi32, #tpu.memory_space<hbm>>) target(%arg9 : memref<40xi32, #tpu.memory_space<vmem>>) target_semaphore(%arg22 : memref<!tpu.dma_semaphore, #tpu.memory_space<semaphore_mem>>)
      } else {
      }
      %ge3A_154 = arith.constant 1 : i32
      %ge3A_155 = arith.cmpi sge, %add3A_136, %ge3A_154 : i32
      %add3A_156 = arith.constant 2 : i32
      %add3A_157 = arith.addi %add3A_136, %add3A_156 : i32
      %lt3A_158 = arith.constant 250 : i32
      %lt3A_159 = arith.cmpi slt, %add3A_157, %lt3A_158 : i32
      %and3A_160 = arith.andi %ge3A_155, %lt3A_159 : i1
      %convert_element_type3A_161 = arith.extui %and3A_160 : i1 to i32
      %cond3A_162 = arith.constant 0 : i32
      %cond3A_163 = arith.cmpi ne, %convert_element_type3A_161, %cond3A_162 : i32
      scf.if %cond3A_163 {
        %dma_wait3A_231 = arith.constant 0 : i32
        %dma_wait3A_232 = arith.constant 0 : i32
        %dma_wait3A_233 = tpu.memref_slice %arg20[%dma_wait3A_231, %dma_wait3A_232] : memref<10000x128xf32, #tpu.memory_space<vmem_shared>> -> memref<10000x128xf32, #tpu.memory_space<vmem_shared>>
        tpu.wait_indirect_dma semaphore(%arg33 : memref<!tpu.dma_semaphore, #tpu.memory_space<semaphore_mem>>) src(%arg14 : memref<40x128xf32, #tpu.memory_space<vmem>>) dst(%dma_wait3A_233 : memref<10000x128xf32, #tpu.memory_space<vmem_shared>>)
      } else {
      }
      %add3A_164 = arith.constant 2 : i32
      %add3A_165 = arith.addi %add3A_136, %add3A_164 : i32
      %lt3A_166 = arith.constant 250 : i32
      %lt3A_167 = arith.cmpi slt, %add3A_165, %lt3A_166 : i32
      %convert_element_type3A_168 = arith.extui %lt3A_167 : i1 to i32
      %cond3A_169 = arith.constant 0 : i32
      %cond3A_170 = arith.cmpi ne, %convert_element_type3A_168, %cond3A_169 : i32
      scf.if %cond3A_170 {
        %dma_wait3A_231 = tpu.memref_slice %arg3[%mul3A_2] : memref<320000xi32, #tpu.memory_space<hbm>> -> memref<40xi32, #tpu.memory_space<hbm>>
        %dma_wait3A_232 = tpu.memref_slice %arg3[%mul3A_2] : memref<320000xi32, #tpu.memory_space<hbm>> -> memref<40xi32, #tpu.memory_space<hbm>>
        tpu.wait_dma2 semaphore(%arg21 : memref<!tpu.dma_semaphore, #tpu.memory_space<semaphore_mem>>) src(%dma_wait3A_232 : memref<40xi32, #tpu.memory_space<hbm>>) dst(%arg8 : memref<40xi32, #tpu.memory_space<vmem>>)
        %add3A_233 = arith.constant 2 : i32
        %add3A_234 = arith.addi %add3A_136, %add3A_233 : i32
        %dma_start3A_235 = arith.constant 0 : i32
        %dma_start3A_236 = arith.constant 0 : i32
        %dma_start3A_237 = tpu.memref_slice %arg2[%dma_start3A_235, %dma_start3A_236] : memref<10000x128xf32, #tpu.memory_space<hbm>> -> memref<10000x128xf32, #tpu.memory_space<hbm>>
        tpu.enqueue_indirect_dma source(%dma_start3A_237 : memref<10000x128xf32, #tpu.memory_space<hbm>>) target(%arg14 : memref<40x128xf32, #tpu.memory_space<vmem>>) offsets(%arg8 : memref<40xi32, #tpu.memory_space<vmem>>) semaphore(%arg27 : memref<!tpu.dma_semaphore, #tpu.memory_space<semaphore_mem>>)
        %mul3A_238 = arith.constant 40 : i32
        %mul3A_239 = arith.muli %add3A_234, %mul3A_238 : i32
        %add3A_240 = arith.addi %mul3A_2, %mul3A_239 : i32
        %dma_start3A_241 = arith.constant 0 : i32
        %dma_start3A_242 = tpu.memref_slice %arg5[%add3A_240, %dma_start3A_241] : memref<320000x128xf32, #tpu.memory_space<hbm>> -> memref<40x128xf32, #tpu.memory_space<hbm>>
        %dma_start3A_243 = arith.constant 0 : i32
        %dma_start3A_244 = tpu.memref_slice %arg5[%add3A_240, %dma_start3A_243] : memref<320000x128xf32, #tpu.memory_space<hbm>> -> memref<40x128xf32, #tpu.memory_space<hbm>>
        tpu.enqueue_dma source(%dma_start3A_244 : memref<40x128xf32, #tpu.memory_space<hbm>>) target(%arg17 : memref<40x128xf32, #tpu.memory_space<vmem>>) target_semaphore(%arg30 : memref<!tpu.dma_semaphore, #tpu.memory_space<semaphore_mem>>)
        %add3A_245 = arith.constant 2 : i32
        %add3A_246 = arith.addi %add3A_136, %add3A_245 : i32
        %mul3A_247 = arith.constant 40 : i32
        %mul3A_248 = arith.muli %add3A_246, %mul3A_247 : i32
        %add3A_249 = arith.addi %mul3A_2, %mul3A_248 : i32
        %dma_start3A_250 = tpu.memref_slice %arg4[%add3A_249] : memref<320000xi32, #tpu.memory_space<hbm>> -> memref<40xi32, #tpu.memory_space<hbm>>
        %dma_start3A_251 = tpu.memref_slice %arg4[%add3A_249] : memref<320000xi32, #tpu.memory_space<hbm>> -> memref<40xi32, #tpu.memory_space<hbm>>
        tpu.enqueue_dma source(%dma_start3A_251 : memref<40xi32, #tpu.memory_space<hbm>>) target(%arg11 : memref<40xi32, #tpu.memory_space<vmem>>) target_semaphore(%arg24 : memref<!tpu.dma_semaphore, #tpu.memory_space<semaphore_mem>>)
      } else {
      }
      %scan3A_171 = arith.constant 0 : i32
      %scan3A_172 = arith.constant 0 : i32
      %scan3A_173 = arith.constant 40 : i32
      %scan3A_174 = arith.addi %scan3A_172, %scan3A_173 : i32
      %scan3A_175 = arith.constant 1 : i32
      scf.for %scan3A_231 = %scan3A_172 to %scan3A_174 step %scan3A_175  : i32 {
        %get3A = arith.index_cast %scan3A_231 : i32 to index
        %get3A_232 = arith.constant 0 : index
        %get3A_233 = tpu.vector_load %arg15[%get3A, %get3A_232] {strides = array<i32>} : memref<40x128xf32, #tpu.memory_space<vmem>>, vector<1x16xf32>,
        %get3A_234 = vector.shape_cast %get3A_233 : vector<1x16xf32> to vector<16xf32>
        %get3A_235 = arith.index_cast %scan3A_231 : i32 to index
        %get3A_236 = arith.constant 0 : index
        %get3A_237 = tpu.vector_load %arg18[%get3A_235, %get3A_236] {strides = array<i32>} : memref<40x128xf32, #tpu.memory_space<vmem>>, vector<1x16xf32>,
        %get3A_238 = vector.shape_cast %get3A_237 : vector<1x16xf32> to vector<16xf32>
        %add3A_239 = arith.addf %get3A_234, %get3A_238 : vector<16xf32>
        %mul3A_240 = arith.constant 1.000000e-01 : f32
        %mul3A_241 = vector.broadcast %mul3A_240 : f32 to vector<16xf32>
        %mul3A_242 = arith.mulf %mul3A_241, %add3A_239 : vector<16xf32>
        %max3A = arith.maximumf %add3A_239, %mul3A_242 : vector<16xf32>
        %swap3A = arith.index_cast %scan3A_231 : i32 to index
        %swap3A_243 = arith.constant 0 : index
        %swap3A_244 = tpu.vector_load %arg15[%swap3A, %swap3A_243] {strides = array<i32>} : memref<40x128xf32, #tpu.memory_space<vmem>>, vector<1x16xf32>,
        %swap3A_245 = vector.shape_cast %swap3A_244 : vector<1x16xf32> to vector<16xf32>
        %swap3A_246 = vector.shape_cast %max3A : vector<16xf32> to vector<1x16xf32>
        tpu.vector_store %arg15[%swap3A, %swap3A_243], %swap3A_246 {strides = array<i32>} : memref<40x128xf32, #tpu.memory_space<vmem>>, vector<1x16xf32>,
        %get3A_247 = arith.index_cast %scan3A_231 : i32 to index
        %get3A_248 = arith.constant 16 : index
        %get3A_249 = tpu.vector_load %arg15[%get3A_247, %get3A_248] {strides = array<i32>} : memref<40x128xf32, #tpu.memory_space<vmem>>, vector<1x16xf32>,
        %get3A_250 = vector.shape_cast %get3A_249 : vector<1x16xf32> to vector<16xf32>
        %get3A_251 = arith.index_cast %scan3A_231 : i32 to index
        %get3A_252 = arith.constant 16 : index
        %get3A_253 = tpu.vector_load %arg18[%get3A_251, %get3A_252] {strides = array<i32>} : memref<40x128xf32, #tpu.memory_space<vmem>>, vector<1x16xf32>,
        %get3A_254 = vector.shape_cast %get3A_253 : vector<1x16xf32> to vector<16xf32>
        %add3A_255 = arith.addf %get3A_250, %get3A_254 : vector<16xf32>
        %mul3A_256 = arith.constant 1.000000e-01 : f32
        %mul3A_257 = vector.broadcast %mul3A_256 : f32 to vector<16xf32>
        %mul3A_258 = arith.mulf %mul3A_257, %add3A_255 : vector<16xf32>
        %max3A_259 = arith.maximumf %add3A_255, %mul3A_258 : vector<16xf32>
        %swap3A_260 = arith.index_cast %scan3A_231 : i32 to index
        %swap3A_261 = arith.constant 16 : index
        %swap3A_262 = tpu.vector_load %arg15[%swap3A_260, %swap3A_261] {strides = array<i32>} : memref<40x128xf32, #tpu.memory_space<vmem>>, vector<1x16xf32>,
        %swap3A_263 = vector.shape_cast %swap3A_262 : vector<1x16xf32> to vector<16xf32>
        %swap3A_264 = vector.shape_cast %max3A_259 : vector<16xf32> to vector<1x16xf32>
        tpu.vector_store %arg15[%swap3A_260, %swap3A_261], %swap3A_264 {strides = array<i32>} : memref<40x128xf32, #tpu.memory_space<vmem>>, vector<1x16xf32>,
        %get3A_265 = arith.index_cast %scan3A_231 : i32 to index
        %get3A_266 = arith.constant 32 : index
        %get3A_267 = tpu.vector_load %arg15[%get3A_265, %get3A_266] {strides = array<i32>} : memref<40x128xf32, #tpu.memory_space<vmem>>, vector<1x16xf32>,
        %get3A_268 = vector.shape_cast %get3A_267 : vector<1x16xf32> to vector<16xf32>
        %get3A_269 = arith.index_cast %scan3A_231 : i32 to index
        %get3A_270 = arith.constant 32 : index
        %get3A_271 = tpu.vector_load %arg18[%get3A_269, %get3A_270] {strides = array<i32>} : memref<40x128xf32, #tpu.memory_space<vmem>>, vector<1x16xf32>,
        %get3A_272 = vector.shape_cast %get3A_271 : vector<1x16xf32> to vector<16xf32>
        %add3A_273 = arith.addf %get3A_268, %get3A_272 : vector<16xf32>
        %mul3A_274 = arith.constant 1.000000e-01 : f32
        %mul3A_275 = vector.broadcast %mul3A_274 : f32 to vector<16xf32>
        %mul3A_276 = arith.mulf %mul3A_275, %add3A_273 : vector<16xf32>
        %max3A_277 = arith.maximumf %add3A_273, %mul3A_276 : vector<16xf32>
        %swap3A_278 = arith.index_cast %scan3A_231 : i32 to index
        %swap3A_279 = arith.constant 32 : index
        %swap3A_280 = tpu.vector_load %arg15[%swap3A_278, %swap3A_279] {strides = array<i32>} : memref<40x128xf32, #tpu.memory_space<vmem>>, vector<1x16xf32>,
        %swap3A_281 = vector.shape_cast %swap3A_280 : vector<1x16xf32> to vector<16xf32>
        %swap3A_282 = vector.shape_cast %max3A_277 : vector<16xf32> to vector<1x16xf32>
        tpu.vector_store %arg15[%swap3A_278, %swap3A_279], %swap3A_282 {strides = array<i32>} : memref<40x128xf32, #tpu.memory_space<vmem>>, vector<1x16xf32>,
        %get3A_283 = arith.index_cast %scan3A_231 : i32 to index
        %get3A_284 = arith.constant 48 : index
        %get3A_285 = tpu.vector_load %arg15[%get3A_283, %get3A_284] {strides = array<i32>} : memref<40x128xf32, #tpu.memory_space<vmem>>, vector<1x16xf32>,
        %get3A_286 = vector.shape_cast %get3A_285 : vector<1x16xf32> to vector<16xf32>
        %get3A_287 = arith.index_cast %scan3A_231 : i32 to index
        %get3A_288 = arith.constant 48 : index
        %get3A_289 = tpu.vector_load %arg18[%get3A_287, %get3A_288] {strides = array<i32>} : memref<40x128xf32, #tpu.memory_space<vmem>>, vector<1x16xf32>,
        %get3A_290 = vector.shape_cast %get3A_289 : vector<1x16xf32> to vector<16xf32>
        %add3A_291 = arith.addf %get3A_286, %get3A_290 : vector<16xf32>
        %mul3A_292 = arith.constant 1.000000e-01 : f32
        %mul3A_293 = vector.broadcast %mul3A_292 : f32 to vector<16xf32>
        %mul3A_294 = arith.mulf %mul3A_293, %add3A_291 : vector<16xf32>
        %max3A_295 = arith.maximumf %add3A_291, %mul3A_294 : vector<16xf32>
        %swap3A_296 = arith.index_cast %scan3A_231 : i32 to index
        %swap3A_297 = arith.constant 48 : index
        %swap3A_298 = tpu.vector_load %arg15[%swap3A_296, %swap3A_297] {strides = array<i32>} : memref<40x128xf32, #tpu.memory_space<vmem>>, vector<1x16xf32>,
        %swap3A_299 = vector.shape_cast %swap3A_298 : vector<1x16xf32> to vector<16xf32>
        %swap3A_300 = vector.shape_cast %max3A_295 : vector<16xf32> to vector<1x16xf32>
        tpu.vector_store %arg15[%swap3A_296, %swap3A_297], %swap3A_300 {strides = array<i32>} : memref<40x128xf32, #tpu.memory_space<vmem>>, vector<1x16xf32>,
        %get3A_301 = arith.index_cast %scan3A_231 : i32 to index
        %get3A_302 = arith.constant 64 : index
        %get3A_303 = tpu.vector_load %arg15[%get3A_301, %get3A_302] {strides = array<i32>} : memref<40x128xf32, #tpu.memory_space<vmem>>, vector<1x16xf32>,
        %get3A_304 = vector.shape_cast %get3A_303 : vector<1x16xf32> to vector<16xf32>
        %get3A_305 = arith.index_cast %scan3A_231 : i32 to index
        %get3A_306 = arith.constant 64 : index
        %get3A_307 = tpu.vector_load %arg18[%get3A_305, %get3A_306] {strides = array<i32>} : memref<40x128xf32, #tpu.memory_space<vmem>>, vector<1x16xf32>,
        %get3A_308 = vector.shape_cast %get3A_307 : vector<1x16xf32> to vector<16xf32>
        %add3A_309 = arith.addf %get3A_304, %get3A_308 : vector<16xf32>
        %mul3A_310 = arith.constant 1.000000e-01 : f32
        %mul3A_311 = vector.broadcast %mul3A_310 : f32 to vector<16xf32>
        %mul3A_312 = arith.mulf %mul3A_311, %add3A_309 : vector<16xf32>
        %max3A_313 = arith.maximumf %add3A_309, %mul3A_312 : vector<16xf32>
        %swap3A_314 = arith.index_cast %scan3A_231 : i32 to index
        %swap3A_315 = arith.constant 64 : index
        %swap3A_316 = tpu.vector_load %arg15[%swap3A_314, %swap3A_315] {strides = array<i32>} : memref<40x128xf32, #tpu.memory_space<vmem>>, vector<1x16xf32>,
        %swap3A_317 = vector.shape_cast %swap3A_316 : vector<1x16xf32> to vector<16xf32>
        %swap3A_318 = vector.shape_cast %max3A_313 : vector<16xf32> to vector<1x16xf32>
        tpu.vector_store %arg15[%swap3A_314, %swap3A_315], %swap3A_318 {strides = array<i32>} : memref<40x128xf32, #tpu.memory_space<vmem>>, vector<1x16xf32>,
        %get3A_319 = arith.index_cast %scan3A_231 : i32 to index
        %get3A_320 = arith.constant 80 : index
        %get3A_321 = tpu.vector_load %arg15[%get3A_319, %get3A_320] {strides = array<i32>} : memref<40x128xf32, #tpu.memory_space<vmem>>, vector<1x16xf32>,
        %get3A_322 = vector.shape_cast %get3A_321 : vector<1x16xf32> to vector<16xf32>
        %get3A_323 = arith.index_cast %scan3A_231 : i32 to index
        %get3A_324 = arith.constant 80 : index
        %get3A_325 = tpu.vector_load %arg18[%get3A_323, %get3A_324] {strides = array<i32>} : memref<40x128xf32, #tpu.memory_space<vmem>>, vector<1x16xf32>,
        %get3A_326 = vector.shape_cast %get3A_325 : vector<1x16xf32> to vector<16xf32>
        %add3A_327 = arith.addf %get3A_322, %get3A_326 : vector<16xf32>
        %mul3A_328 = arith.constant 1.000000e-01 : f32
        %mul3A_329 = vector.broadcast %mul3A_328 : f32 to vector<16xf32>
        %mul3A_330 = arith.mulf %mul3A_329, %add3A_327 : vector<16xf32>
        %max3A_331 = arith.maximumf %add3A_327, %mul3A_330 : vector<16xf32>
        %swap3A_332 = arith.index_cast %scan3A_231 : i32 to index
        %swap3A_333 = arith.constant 80 : index
        %swap3A_334 = tpu.vector_load %arg15[%swap3A_332, %swap3A_333] {strides = array<i32>} : memref<40x128xf32, #tpu.memory_space<vmem>>, vector<1x16xf32>,
        %swap3A_335 = vector.shape_cast %swap3A_334 : vector<1x16xf32> to vector<16xf32>
        %swap3A_336 = vector.shape_cast %max3A_331 : vector<16xf32> to vector<1x16xf32>
        tpu.vector_store %arg15[%swap3A_332, %swap3A_333], %swap3A_336 {strides = array<i32>} : memref<40x128xf32, #tpu.memory_space<vmem>>, vector<1x16xf32>,
        %get3A_337 = arith.index_cast %scan3A_231 : i32 to index
        %get3A_338 = arith.constant 96 : index
        %get3A_339 = tpu.vector_load %arg15[%get3A_337, %get3A_338] {strides = array<i32>} : memref<40x128xf32, #tpu.memory_space<vmem>>, vector<1x16xf32>,
        %get3A_340 = vector.shape_cast %get3A_339 : vector<1x16xf32> to vector<16xf32>
        %get3A_341 = arith.index_cast %scan3A_231 : i32 to index
        %get3A_342 = arith.constant 96 : index
        %get3A_343 = tpu.vector_load %arg18[%get3A_341, %get3A_342] {strides = array<i32>} : memref<40x128xf32, #tpu.memory_space<vmem>>, vector<1x16xf32>,
        %get3A_344 = vector.shape_cast %get3A_343 : vector<1x16xf32> to vector<16xf32>
        %add3A_345 = arith.addf %get3A_340, %get3A_344 : vector<16xf32>
        %mul3A_346 = arith.constant 1.000000e-01 : f32
        %mul3A_347 = vector.broadcast %mul3A_346 : f32 to vector<16xf32>
        %mul3A_348 = arith.mulf %mul3A_347, %add3A_345 : vector<16xf32>
        %max3A_349 = arith.maximumf %add3A_345, %mul3A_348 : vector<16xf32>
        %swap3A_350 = arith.index_cast %scan3A_231 : i32 to index
        %swap3A_351 = arith.constant 96 : index
        %swap3A_352 = tpu.vector_load %arg15[%swap3A_350, %swap3A_351] {strides = array<i32>} : memref<40x128xf32, #tpu.memory_space<vmem>>, vector<1x16xf32>,
        %swap3A_353 = vector.shape_cast %swap3A_352 : vector<1x16xf32> to vector<16xf32>
        %swap3A_354 = vector.shape_cast %max3A_349 : vector<16xf32> to vector<1x16xf32>
        tpu.vector_store %arg15[%swap3A_350, %swap3A_351], %swap3A_354 {strides = array<i32>} : memref<40x128xf32, #tpu.memory_space<vmem>>, vector<1x16xf32>,
        %get3A_355 = arith.index_cast %scan3A_231 : i32 to index
        %get3A_356 = arith.constant 112 : index
        %get3A_357 = tpu.vector_load %arg15[%get3A_355, %get3A_356] {strides = array<i32>} : memref<40x128xf32, #tpu.memory_space<vmem>>, vector<1x16xf32>,
        %get3A_358 = vector.shape_cast %get3A_357 : vector<1x16xf32> to vector<16xf32>
        %get3A_359 = arith.index_cast %scan3A_231 : i32 to index
        %get3A_360 = arith.constant 112 : index
        %get3A_361 = tpu.vector_load %arg18[%get3A_359, %get3A_360] {strides = array<i32>} : memref<40x128xf32, #tpu.memory_space<vmem>>, vector<1x16xf32>,
        %get3A_362 = vector.shape_cast %get3A_361 : vector<1x16xf32> to vector<16xf32>
        %add3A_363 = arith.addf %get3A_358, %get3A_362 : vector<16xf32>
        %mul3A_364 = arith.constant 1.000000e-01 : f32
        %mul3A_365 = vector.broadcast %mul3A_364 : f32 to vector<16xf32>
        %mul3A_366 = arith.mulf %mul3A_365, %add3A_363 : vector<16xf32>
        %max3A_367 = arith.maximumf %add3A_363, %mul3A_366 : vector<16xf32>
        %swap3A_368 = arith.index_cast %scan3A_231 : i32 to index
        %swap3A_369 = arith.constant 112 : index
        %swap3A_370 = tpu.vector_load %arg15[%swap3A_368, %swap3A_369] {strides = array<i32>} : memref<40x128xf32, #tpu.memory_space<vmem>>, vector<1x16xf32>,
        %swap3A_371 = vector.shape_cast %swap3A_370 : vector<1x16xf32> to vector<16xf32>
        %swap3A_372 = vector.shape_cast %max3A_367 : vector<16xf32> to vector<1x16xf32>
        tpu.vector_store %arg15[%swap3A_368, %swap3A_369], %swap3A_372 {strides = array<i32>} : memref<40x128xf32, #tpu.memory_space<vmem>>, vector<1x16xf32>,
      }
      %scan3A_176 = arith.constant 40 : i32
      %dma_wait3A_177 = tpu.memref_slice %arg4[%mul3A_2] : memref<320000xi32, #tpu.memory_space<hbm>> -> memref<40xi32, #tpu.memory_space<hbm>>
      %dma_wait3A_178 = tpu.memref_slice %arg4[%mul3A_2] : memref<320000xi32, #tpu.memory_space<hbm>> -> memref<40xi32, #tpu.memory_space<hbm>>
      tpu.wait_dma2 semaphore(%arg25 : memref<!tpu.dma_semaphore, #tpu.memory_space<semaphore_mem>>) src(%dma_wait3A_178 : memref<40xi32, #tpu.memory_space<hbm>>) dst(%arg12 : memref<40xi32, #tpu.memory_space<vmem>>)
      %dma_start3A_179 = arith.constant 0 : i32
      %dma_start3A_180 = arith.constant 0 : i32
      %dma_start3A_181 = tpu.memref_slice %arg20[%dma_start3A_179, %dma_start3A_180] : memref<10000x128xf32, #tpu.memory_space<vmem_shared>> -> memref<10000x128xf32, #tpu.memory_space<vmem_shared>>
      tpu.enqueue_indirect_dma source(%arg15 : memref<40x128xf32, #tpu.memory_space<vmem>>) target(%dma_start3A_181 : memref<10000x128xf32, #tpu.memory_space<vmem_shared>>) offsets(%arg12 : memref<40xi32, #tpu.memory_space<vmem>>) semaphore(%arg34 : memref<!tpu.dma_semaphore, #tpu.memory_space<semaphore_mem>>) {add = true}
      %mul3A_182 = arith.constant 3 : i32
      %mul3A_183 = arith.muli %mul3A_182, %scan3A_90 : i32
      %add3A_184 = arith.constant 2 : i32
      %add3A_185 = arith.addi %mul3A_183, %add3A_184 : i32
      %dma_wait3A_186 = arith.constant 0 : i32
      %dma_wait3A_187 = arith.constant 0 : i32
      %dma_wait3A_188 = tpu.memref_slice %arg2[%dma_wait3A_186, %dma_wait3A_187] : memref<10000x128xf32, #tpu.memory_space<hbm>> -> memref<10000x128xf32, #tpu.memory_space<hbm>>
      tpu.wait_indirect_dma semaphore(%arg29 : memref<!tpu.dma_semaphore, #tpu.memory_space<semaphore_mem>>) src(%dma_wait3A_188 : memref<10000x128xf32, #tpu.memory_space<hbm>>) dst(%arg16 : memref<40x128xf32, #tpu.memory_space<vmem>>)
      %mul3A_189 = arith.constant 40 : i32
      %mul3A_190 = arith.muli %add3A_185, %mul3A_189 : i32
      %add3A_191 = arith.addi %mul3A_2, %mul3A_190 : i32
      %dma_wait3A_192 = arith.constant 0 : i32
      %dma_wait3A_193 = tpu.memref_slice %arg5[%add3A_191, %dma_wait3A_192] : memref<320000x128xf32, #tpu.memory_space<hbm>> -> memref<40x128xf32, #tpu.memory_space<hbm>>
      %dma_wait3A_194 = arith.constant 0 : i32
      %dma_wait3A_195 = tpu.memref_slice %arg5[%add3A_191, %dma_wait3A_194] : memref<320000x128xf32, #tpu.memory_space<hbm>> -> memref<40x128xf32, #tpu.memory_space<hbm>>
      tpu.wait_dma2 semaphore(%arg32 : memref<!tpu.dma_semaphore, #tpu.memory_space<semaphore_mem>>) src(%dma_wait3A_195 : memref<40x128xf32, #tpu.memory_space<hbm>>) dst(%arg19 : memref<40x128xf32, #tpu.memory_space<vmem>>)
      %add3A_196 = arith.constant 3 : i32
      %add3A_197 = arith.addi %add3A_185, %add3A_196 : i32
      %lt3A_198 = arith.constant 250 : i32
      %lt3A_199 = arith.cmpi slt, %add3A_197, %lt3A_198 : i32
      %convert_element_type3A_200 = arith.extui %lt3A_199 : i1 to i32
      %cond3A_201 = arith.constant 0 : i32
      %cond3A_202 = arith.cmpi ne, %convert_element_type3A_200, %cond3A_201 : i32
      scf.if %cond3A_202 {
        %add3A_231 = arith.constant 3 : i32
        %add3A_232 = arith.addi %add3A_185, %add3A_231 : i32
        %mul3A_233 = arith.constant 40 : i32
        %mul3A_234 = arith.muli %add3A_232, %mul3A_233 : i32
        %add3A_235 = arith.addi %mul3A_2, %mul3A_234 : i32
        %dma_start3A_236 = tpu.memref_slice %arg3[%add3A_235] : memref<320000xi32, #tpu.memory_space<hbm>> -> memref<40xi32, #tpu.memory_space<hbm>>
        %dma_start3A_237 = tpu.memref_slice %arg3[%add3A_235] : memref<320000xi32, #tpu.memory_space<hbm>> -> memref<40xi32, #tpu.memory_space<hbm>>
        tpu.enqueue_dma source(%dma_start3A_237 : memref<40xi32, #tpu.memory_space<hbm>>) target(%arg10 : memref<40xi32, #tpu.memory_space<vmem>>) target_semaphore(%arg23 : memref<!tpu.dma_semaphore, #tpu.memory_space<semaphore_mem>>)
      } else {
      }
      %ge3A_203 = arith.constant 1 : i32
      %ge3A_204 = arith.cmpi sge, %add3A_185, %ge3A_203 : i32
      %add3A_205 = arith.constant 2 : i32
      %add3A_206 = arith.addi %add3A_185, %add3A_205 : i32
      %lt3A_207 = arith.constant 250 : i32
      %lt3A_208 = arith.cmpi slt, %add3A_206, %lt3A_207 : i32
      %and3A_209 = arith.andi %ge3A_204, %lt3A_208 : i1
      %convert_element_type3A_210 = arith.extui %and3A_209 : i1 to i32
      %cond3A_211 = arith.constant 0 : i32
      %cond3A_212 = arith.cmpi ne, %convert_element_type3A_210, %cond3A_211 : i32
      scf.if %cond3A_212 {
        %dma_wait3A_231 = arith.constant 0 : i32
        %dma_wait3A_232 = arith.constant 0 : i32
        %dma_wait3A_233 = tpu.memref_slice %arg20[%dma_wait3A_231, %dma_wait3A_232] : memref<10000x128xf32, #tpu.memory_space<vmem_shared>> -> memref<10000x128xf32, #tpu.memory_space<vmem_shared>>
        tpu.wait_indirect_dma semaphore(%arg34 : memref<!tpu.dma_semaphore, #tpu.memory_space<semaphore_mem>>) src(%arg15 : memref<40x128xf32, #tpu.memory_space<vmem>>) dst(%dma_wait3A_233 : memref<10000x128xf32, #tpu.memory_space<vmem_shared>>)
      } else {
      }
      %add3A_213 = arith.constant 2 : i32
      %add3A_214 = arith.addi %add3A_185, %add3A_213 : i32
      %lt3A_215 = arith.constant 250 : i32
      %lt3A_216 = arith.cmpi slt, %add3A_214, %lt3A_215 : i32
      %convert_element_type3A_217 = arith.extui %lt3A_216 : i1 to i32
      %cond3A_218 = arith.constant 0 : i32
      %cond3A_219 = arith.cmpi ne, %convert_element_type3A_217, %cond3A_218 : i32
      scf.if %cond3A_219 {
        %dma_wait3A_231 = tpu.memref_slice %arg3[%mul3A_2] : memref<320000xi32, #tpu.memory_space<hbm>> -> memref<40xi32, #tpu.memory_space<hbm>>
        %dma_wait3A_232 = tpu.memref_slice %arg3[%mul3A_2] : memref<320000xi32, #tpu.memory_space<hbm>> -> memref<40xi32, #tpu.memory_space<hbm>>
        tpu.wait_dma2 semaphore(%arg22 : memref<!tpu.dma_semaphore, #tpu.memory_space<semaphore_mem>>) src(%dma_wait3A_232 : memref<40xi32, #tpu.memory_space<hbm>>) dst(%arg9 : memref<40xi32, #tpu.memory_space<vmem>>)
        %add3A_233 = arith.constant 2 : i32
        %add3A_234 = arith.addi %add3A_185, %add3A_233 : i32
        %dma_start3A_235 = arith.constant 0 : i32
        %dma_start3A_236 = arith.constant 0 : i32
        %dma_start3A_237 = tpu.memref_slice %arg2[%dma_start3A_235, %dma_start3A_236] : memref<10000x128xf32, #tpu.memory_space<hbm>> -> memref<10000x128xf32, #tpu.memory_space<hbm>>
        tpu.enqueue_indirect_dma source(%dma_start3A_237 : memref<10000x128xf32, #tpu.memory_space<hbm>>) target(%arg15 : memref<40x128xf32, #tpu.memory_space<vmem>>) offsets(%arg9 : memref<40xi32, #tpu.memory_space<vmem>>) semaphore(%arg28 : memref<!tpu.dma_semaphore, #tpu.memory_space<semaphore_mem>>)
        %mul3A_238 = arith.constant 40 : i32
        %mul3A_239 = arith.muli %add3A_234, %mul3A_238 : i32
        %add3A_240 = arith.addi %mul3A_2, %mul3A_239 : i32
        %dma_start3A_241 = arith.constant 0 : i32
        %dma_start3A_242 = tpu.memref_slice %arg5[%add3A_240, %dma_start3A_241] : memref<320000x128xf32, #tpu.memory_space<hbm>> -> memref<40x128xf32, #tpu.memory_space<hbm>>
        %dma_start3A_243 = arith.constant 0 : i32
        %dma_start3A_244 = tpu.memref_slice %arg5[%add3A_240, %dma_start3A_243] : memref<320000x128xf32, #tpu.memory_space<hbm>> -> memref<40x128xf32, #tpu.memory_space<hbm>>
        tpu.enqueue_dma source(%dma_start3A_244 : memref<40x128xf32, #tpu.memory_space<hbm>>) target(%arg18 : memref<40x128xf32, #tpu.memory_space<vmem>>) target_semaphore(%arg31 : memref<!tpu.dma_semaphore, #tpu.memory_space<semaphore_mem>>)
        %add3A_245 = arith.constant 2 : i32
        %add3A_246 = arith.addi %add3A_185, %add3A_245 : i32
        %mul3A_247 = arith.constant 40 : i32
        %mul3A_248 = arith.muli %add3A_246, %mul3A_247 : i32
        %add3A_249 = arith.addi %mul3A_2, %mul3A_248 : i32
        %dma_start3A_250 = tpu.memref_slice %arg4[%add3A_249] : memref<320000xi32, #tpu.memory_space<hbm>> -> memref<40xi32, #tpu.memory_space<hbm>>
        %dma_start3A_251 = tpu.memref_slice %arg4[%add3A_249] : memref<320000xi32, #tpu.memory_space<hbm>> -> memref<40xi32, #tpu.memory_space<hbm>>
        tpu.enqueue_dma source(%dma_start3A_251 : memref<40xi32, #tpu.memory_space<hbm>>) target(%arg12 : memref<40xi32, #tpu.memory_space<vmem>>) target_semaphore(%arg25 : memref<!tpu.dma_semaphore, #tpu.memory_space<semaphore_mem>>)
      } else {
      }
      %scan3A_220 = arith.constant 0 : i32
      %scan3A_221 = arith.constant 0 : i32
      %scan3A_222 = arith.constant 40 : i32
      %scan3A_223 = arith.addi %scan3A_221, %scan3A_222 : i32
      %scan3A_224 = arith.constant 1 : i32
      scf.for %scan3A_231 = %scan3A_221 to %scan3A_223 step %scan3A_224  : i32 {
        %get3A = arith.index_cast %scan3A_231 : i32 to index
        %get3A_232 = arith.constant 0 : index
        %get3A_233 = tpu.vector_load %arg16[%get3A, %get3A_232] {strides = array<i32>} : memref<40x128xf32, #tpu.memory_space<vmem>>, vector<1x16xf32>,
        %get3A_234 = vector.shape_cast %get3A_233 : vector<1x16xf32> to vector<16xf32>
        %get3A_235 = arith.index_cast %scan3A_231 : i32 to index
        %get3A_236 = arith.constant 0 : index
        %get3A_237 = tpu.vector_load %arg19[%get3A_235, %get3A_236] {strides = array<i32>} : memref<40x128xf32, #tpu.memory_space<vmem>>, vector<1x16xf32>,
        %get3A_238 = vector.shape_cast %get3A_237 : vector<1x16xf32> to vector<16xf32>
        %add3A_239 = arith.addf %get3A_234, %get3A_238 : vector<16xf32>
        %mul3A_240 = arith.constant 1.000000e-01 : f32
        %mul3A_241 = vector.broadcast %mul3A_240 : f32 to vector<16xf32>
        %mul3A_242 = arith.mulf %mul3A_241, %add3A_239 : vector<16xf32>
        %max3A = arith.maximumf %add3A_239, %mul3A_242 : vector<16xf32>
        %swap3A = arith.index_cast %scan3A_231 : i32 to index
        %swap3A_243 = arith.constant 0 : index
        %swap3A_244 = tpu.vector_load %arg16[%swap3A, %swap3A_243] {strides = array<i32>} : memref<40x128xf32, #tpu.memory_space<vmem>>, vector<1x16xf32>,
        %swap3A_245 = vector.shape_cast %swap3A_244 : vector<1x16xf32> to vector<16xf32>
        %swap3A_246 = vector.shape_cast %max3A : vector<16xf32> to vector<1x16xf32>
        tpu.vector_store %arg16[%swap3A, %swap3A_243], %swap3A_246 {strides = array<i32>} : memref<40x128xf32, #tpu.memory_space<vmem>>, vector<1x16xf32>,
        %get3A_247 = arith.index_cast %scan3A_231 : i32 to index
        %get3A_248 = arith.constant 16 : index
        %get3A_249 = tpu.vector_load %arg16[%get3A_247, %get3A_248] {strides = array<i32>} : memref<40x128xf32, #tpu.memory_space<vmem>>, vector<1x16xf32>,
        %get3A_250 = vector.shape_cast %get3A_249 : vector<1x16xf32> to vector<16xf32>
        %get3A_251 = arith.index_cast %scan3A_231 : i32 to index
        %get3A_252 = arith.constant 16 : index
        %get3A_253 = tpu.vector_load %arg19[%get3A_251, %get3A_252] {strides = array<i32>} : memref<40x128xf32, #tpu.memory_space<vmem>>, vector<1x16xf32>,
        %get3A_254 = vector.shape_cast %get3A_253 : vector<1x16xf32> to vector<16xf32>
        %add3A_255 = arith.addf %get3A_250, %get3A_254 : vector<16xf32>
        %mul3A_256 = arith.constant 1.000000e-01 : f32
        %mul3A_257 = vector.broadcast %mul3A_256 : f32 to vector<16xf32>
        %mul3A_258 = arith.mulf %mul3A_257, %add3A_255 : vector<16xf32>
        %max3A_259 = arith.maximumf %add3A_255, %mul3A_258 : vector<16xf32>
        %swap3A_260 = arith.index_cast %scan3A_231 : i32 to index
        %swap3A_261 = arith.constant 16 : index
        %swap3A_262 = tpu.vector_load %arg16[%swap3A_260, %swap3A_261] {strides = array<i32>} : memref<40x128xf32, #tpu.memory_space<vmem>>, vector<1x16xf32>,
        %swap3A_263 = vector.shape_cast %swap3A_262 : vector<1x16xf32> to vector<16xf32>
        %swap3A_264 = vector.shape_cast %max3A_259 : vector<16xf32> to vector<1x16xf32>
        tpu.vector_store %arg16[%swap3A_260, %swap3A_261], %swap3A_264 {strides = array<i32>} : memref<40x128xf32, #tpu.memory_space<vmem>>, vector<1x16xf32>,
        %get3A_265 = arith.index_cast %scan3A_231 : i32 to index
        %get3A_266 = arith.constant 32 : index
        %get3A_267 = tpu.vector_load %arg16[%get3A_265, %get3A_266] {strides = array<i32>} : memref<40x128xf32, #tpu.memory_space<vmem>>, vector<1x16xf32>,
        %get3A_268 = vector.shape_cast %get3A_267 : vector<1x16xf32> to vector<16xf32>
        %get3A_269 = arith.index_cast %scan3A_231 : i32 to index
        %get3A_270 = arith.constant 32 : index
        %get3A_271 = tpu.vector_load %arg19[%get3A_269, %get3A_270] {strides = array<i32>} : memref<40x128xf32, #tpu.memory_space<vmem>>, vector<1x16xf32>,
        %get3A_272 = vector.shape_cast %get3A_271 : vector<1x16xf32> to vector<16xf32>
        %add3A_273 = arith.addf %get3A_268, %get3A_272 : vector<16xf32>
        %mul3A_274 = arith.constant 1.000000e-01 : f32
        %mul3A_275 = vector.broadcast %mul3A_274 : f32 to vector<16xf32>
        %mul3A_276 = arith.mulf %mul3A_275, %add3A_273 : vector<16xf32>
        %max3A_277 = arith.maximumf %add3A_273, %mul3A_276 : vector<16xf32>
        %swap3A_278 = arith.index_cast %scan3A_231 : i32 to index
        %swap3A_279 = arith.constant 32 : index
        %swap3A_280 = tpu.vector_load %arg16[%swap3A_278, %swap3A_279] {strides = array<i32>} : memref<40x128xf32, #tpu.memory_space<vmem>>, vector<1x16xf32>,
        %swap3A_281 = vector.shape_cast %swap3A_280 : vector<1x16xf32> to vector<16xf32>
        %swap3A_282 = vector.shape_cast %max3A_277 : vector<16xf32> to vector<1x16xf32>
        tpu.vector_store %arg16[%swap3A_278, %swap3A_279], %swap3A_282 {strides = array<i32>} : memref<40x128xf32, #tpu.memory_space<vmem>>, vector<1x16xf32>,
        %get3A_283 = arith.index_cast %scan3A_231 : i32 to index
        %get3A_284 = arith.constant 48 : index
        %get3A_285 = tpu.vector_load %arg16[%get3A_283, %get3A_284] {strides = array<i32>} : memref<40x128xf32, #tpu.memory_space<vmem>>, vector<1x16xf32>,
        %get3A_286 = vector.shape_cast %get3A_285 : vector<1x16xf32> to vector<16xf32>
        %get3A_287 = arith.index_cast %scan3A_231 : i32 to index
        %get3A_288 = arith.constant 48 : index
        %get3A_289 = tpu.vector_load %arg19[%get3A_287, %get3A_288] {strides = array<i32>} : memref<40x128xf32, #tpu.memory_space<vmem>>, vector<1x16xf32>,
        %get3A_290 = vector.shape_cast %get3A_289 : vector<1x16xf32> to vector<16xf32>
        %add3A_291 = arith.addf %get3A_286, %get3A_290 : vector<16xf32>
        %mul3A_292 = arith.constant 1.000000e-01 : f32
        %mul3A_293 = vector.broadcast %mul3A_292 : f32 to vector<16xf32>
        %mul3A_294 = arith.mulf %mul3A_293, %add3A_291 : vector<16xf32>
        %max3A_295 = arith.maximumf %add3A_291, %mul3A_294 : vector<16xf32>
        %swap3A_296 = arith.index_cast %scan3A_231 : i32 to index
        %swap3A_297 = arith.constant 48 : index
        %swap3A_298 = tpu.vector_load %arg16[%swap3A_296, %swap3A_297] {strides = array<i32>} : memref<40x128xf32, #tpu.memory_space<vmem>>, vector<1x16xf32>,
        %swap3A_299 = vector.shape_cast %swap3A_298 : vector<1x16xf32> to vector<16xf32>
        %swap3A_300 = vector.shape_cast %max3A_295 : vector<16xf32> to vector<1x16xf32>
        tpu.vector_store %arg16[%swap3A_296, %swap3A_297], %swap3A_300 {strides = array<i32>} : memref<40x128xf32, #tpu.memory_space<vmem>>, vector<1x16xf32>,
        %get3A_301 = arith.index_cast %scan3A_231 : i32 to index
        %get3A_302 = arith.constant 64 : index
        %get3A_303 = tpu.vector_load %arg16[%get3A_301, %get3A_302] {strides = array<i32>} : memref<40x128xf32, #tpu.memory_space<vmem>>, vector<1x16xf32>,
        %get3A_304 = vector.shape_cast %get3A_303 : vector<1x16xf32> to vector<16xf32>
        %get3A_305 = arith.index_cast %scan3A_231 : i32 to index
        %get3A_306 = arith.constant 64 : index
        %get3A_307 = tpu.vector_load %arg19[%get3A_305, %get3A_306] {strides = array<i32>} : memref<40x128xf32, #tpu.memory_space<vmem>>, vector<1x16xf32>,
        %get3A_308 = vector.shape_cast %get3A_307 : vector<1x16xf32> to vector<16xf32>
        %add3A_309 = arith.addf %get3A_304, %get3A_308 : vector<16xf32>
        %mul3A_310 = arith.constant 1.000000e-01 : f32
        %mul3A_311 = vector.broadcast %mul3A_310 : f32 to vector<16xf32>
        %mul3A_312 = arith.mulf %mul3A_311, %add3A_309 : vector<16xf32>
        %max3A_313 = arith.maximumf %add3A_309, %mul3A_312 : vector<16xf32>
        %swap3A_314 = arith.index_cast %scan3A_231 : i32 to index
        %swap3A_315 = arith.constant 64 : index
        %swap3A_316 = tpu.vector_load %arg16[%swap3A_314, %swap3A_315] {strides = array<i32>} : memref<40x128xf32, #tpu.memory_space<vmem>>, vector<1x16xf32>,
        %swap3A_317 = vector.shape_cast %swap3A_316 : vector<1x16xf32> to vector<16xf32>
        %swap3A_318 = vector.shape_cast %max3A_313 : vector<16xf32> to vector<1x16xf32>
        tpu.vector_store %arg16[%swap3A_314, %swap3A_315], %swap3A_318 {strides = array<i32>} : memref<40x128xf32, #tpu.memory_space<vmem>>, vector<1x16xf32>,
        %get3A_319 = arith.index_cast %scan3A_231 : i32 to index
        %get3A_320 = arith.constant 80 : index
        %get3A_321 = tpu.vector_load %arg16[%get3A_319, %get3A_320] {strides = array<i32>} : memref<40x128xf32, #tpu.memory_space<vmem>>, vector<1x16xf32>,
        %get3A_322 = vector.shape_cast %get3A_321 : vector<1x16xf32> to vector<16xf32>
        %get3A_323 = arith.index_cast %scan3A_231 : i32 to index
        %get3A_324 = arith.constant 80 : index
        %get3A_325 = tpu.vector_load %arg19[%get3A_323, %get3A_324] {strides = array<i32>} : memref<40x128xf32, #tpu.memory_space<vmem>>, vector<1x16xf32>,
        %get3A_326 = vector.shape_cast %get3A_325 : vector<1x16xf32> to vector<16xf32>
        %add3A_327 = arith.addf %get3A_322, %get3A_326 : vector<16xf32>
        %mul3A_328 = arith.constant 1.000000e-01 : f32
        %mul3A_329 = vector.broadcast %mul3A_328 : f32 to vector<16xf32>
        %mul3A_330 = arith.mulf %mul3A_329, %add3A_327 : vector<16xf32>
        %max3A_331 = arith.maximumf %add3A_327, %mul3A_330 : vector<16xf32>
        %swap3A_332 = arith.index_cast %scan3A_231 : i32 to index
        %swap3A_333 = arith.constant 80 : index
        %swap3A_334 = tpu.vector_load %arg16[%swap3A_332, %swap3A_333] {strides = array<i32>} : memref<40x128xf32, #tpu.memory_space<vmem>>, vector<1x16xf32>,
        %swap3A_335 = vector.shape_cast %swap3A_334 : vector<1x16xf32> to vector<16xf32>
        %swap3A_336 = vector.shape_cast %max3A_331 : vector<16xf32> to vector<1x16xf32>
        tpu.vector_store %arg16[%swap3A_332, %swap3A_333], %swap3A_336 {strides = array<i32>} : memref<40x128xf32, #tpu.memory_space<vmem>>, vector<1x16xf32>,
        %get3A_337 = arith.index_cast %scan3A_231 : i32 to index
        %get3A_338 = arith.constant 96 : index
        %get3A_339 = tpu.vector_load %arg16[%get3A_337, %get3A_338] {strides = array<i32>} : memref<40x128xf32, #tpu.memory_space<vmem>>, vector<1x16xf32>,
        %get3A_340 = vector.shape_cast %get3A_339 : vector<1x16xf32> to vector<16xf32>
        %get3A_341 = arith.index_cast %scan3A_231 : i32 to index
        %get3A_342 = arith.constant 96 : index
        %get3A_343 = tpu.vector_load %arg19[%get3A_341, %get3A_342] {strides = array<i32>} : memref<40x128xf32, #tpu.memory_space<vmem>>, vector<1x16xf32>,
        %get3A_344 = vector.shape_cast %get3A_343 : vector<1x16xf32> to vector<16xf32>
        %add3A_345 = arith.addf %get3A_340, %get3A_344 : vector<16xf32>
        %mul3A_346 = arith.constant 1.000000e-01 : f32
        %mul3A_347 = vector.broadcast %mul3A_346 : f32 to vector<16xf32>
        %mul3A_348 = arith.mulf %mul3A_347, %add3A_345 : vector<16xf32>
        %max3A_349 = arith.maximumf %add3A_345, %mul3A_348 : vector<16xf32>
        %swap3A_350 = arith.index_cast %scan3A_231 : i32 to index
        %swap3A_351 = arith.constant 96 : index
        %swap3A_352 = tpu.vector_load %arg16[%swap3A_350, %swap3A_351] {strides = array<i32>} : memref<40x128xf32, #tpu.memory_space<vmem>>, vector<1x16xf32>,
        %swap3A_353 = vector.shape_cast %swap3A_352 : vector<1x16xf32> to vector<16xf32>
        %swap3A_354 = vector.shape_cast %max3A_349 : vector<16xf32> to vector<1x16xf32>
        tpu.vector_store %arg16[%swap3A_350, %swap3A_351], %swap3A_354 {strides = array<i32>} : memref<40x128xf32, #tpu.memory_space<vmem>>, vector<1x16xf32>,
        %get3A_355 = arith.index_cast %scan3A_231 : i32 to index
        %get3A_356 = arith.constant 112 : index
        %get3A_357 = tpu.vector_load %arg16[%get3A_355, %get3A_356] {strides = array<i32>} : memref<40x128xf32, #tpu.memory_space<vmem>>, vector<1x16xf32>,
        %get3A_358 = vector.shape_cast %get3A_357 : vector<1x16xf32> to vector<16xf32>
        %get3A_359 = arith.index_cast %scan3A_231 : i32 to index
        %get3A_360 = arith.constant 112 : index
        %get3A_361 = tpu.vector_load %arg19[%get3A_359, %get3A_360] {strides = array<i32>} : memref<40x128xf32, #tpu.memory_space<vmem>>, vector<1x16xf32>,
        %get3A_362 = vector.shape_cast %get3A_361 : vector<1x16xf32> to vector<16xf32>
        %add3A_363 = arith.addf %get3A_358, %get3A_362 : vector<16xf32>
        %mul3A_364 = arith.constant 1.000000e-01 : f32
        %mul3A_365 = vector.broadcast %mul3A_364 : f32 to vector<16xf32>
        %mul3A_366 = arith.mulf %mul3A_365, %add3A_363 : vector<16xf32>
        %max3A_367 = arith.maximumf %add3A_363, %mul3A_366 : vector<16xf32>
        %swap3A_368 = arith.index_cast %scan3A_231 : i32 to index
        %swap3A_369 = arith.constant 112 : index
        %swap3A_370 = tpu.vector_load %arg16[%swap3A_368, %swap3A_369] {strides = array<i32>} : memref<40x128xf32, #tpu.memory_space<vmem>>, vector<1x16xf32>,
        %swap3A_371 = vector.shape_cast %swap3A_370 : vector<1x16xf32> to vector<16xf32>
        %swap3A_372 = vector.shape_cast %max3A_367 : vector<16xf32> to vector<1x16xf32>
        tpu.vector_store %arg16[%swap3A_368, %swap3A_369], %swap3A_372 {strides = array<i32>} : memref<40x128xf32, #tpu.memory_space<vmem>>, vector<1x16xf32>,
      }
      %scan3A_225 = arith.constant 40 : i32
      %dma_wait3A_226 = tpu.memref_slice %arg4[%mul3A_2] : memref<320000xi32, #tpu.memory_space<hbm>> -> memref<40xi32, #tpu.memory_space<hbm>>
      %dma_wait3A_227 = tpu.memref_slice %arg4[%mul3A_2] : memref<320000xi32, #tpu.memory_space<hbm>> -> memref<40xi32, #tpu.memory_space<hbm>>
      tpu.wait_dma2 semaphore(%arg26 : memref<!tpu.dma_semaphore, #tpu.memory_space<semaphore_mem>>) src(%dma_wait3A_227 : memref<40xi32, #tpu.memory_space<hbm>>) dst(%arg13 : memref<40xi32, #tpu.memory_space<vmem>>)
      %dma_start3A_228 = arith.constant 0 : i32
      %dma_start3A_229 = arith.constant 0 : i32
      %dma_start3A_230 = tpu.memref_slice %arg20[%dma_start3A_228, %dma_start3A_229] : memref<10000x128xf32, #tpu.memory_space<vmem_shared>> -> memref<10000x128xf32, #tpu.memory_space<vmem_shared>>
      tpu.enqueue_indirect_dma source(%arg16 : memref<40x128xf32, #tpu.memory_space<vmem>>) target(%dma_start3A_230 : memref<10000x128xf32, #tpu.memory_space<vmem_shared>>) offsets(%arg13 : memref<40xi32, #tpu.memory_space<vmem>>) semaphore(%arg35 : memref<!tpu.dma_semaphore, #tpu.memory_space<semaphore_mem>>) {add = true}
    }
    %scan3A_53 = arith.constant 83 : i32
    %dma_wait3A_54 = arith.constant 0 : i32
    %dma_wait3A_55 = arith.constant 0 : i32
    %dma_wait3A_56 = tpu.memref_slice %arg2[%dma_wait3A_54, %dma_wait3A_55] : memref<10000x128xf32, #tpu.memory_space<hbm>> -> memref<10000x128xf32, #tpu.memory_space<hbm>>
    tpu.wait_indirect_dma semaphore(%arg27 : memref<!tpu.dma_semaphore, #tpu.memory_space<semaphore_mem>>) src(%dma_wait3A_56 : memref<10000x128xf32, #tpu.memory_space<hbm>>) dst(%arg14 : memref<40x128xf32, #tpu.memory_space<vmem>>)
    %add3A_57 = arith.constant 9960 : i32
    %add3A_58 = arith.addi %mul3A_2, %add3A_57 : i32
    %dma_wait3A_59 = arith.constant 0 : i32
    %dma_wait3A_60 = tpu.memref_slice %arg5[%add3A_58, %dma_wait3A_59] : memref<320000x128xf32, #tpu.memory_space<hbm>> -> memref<40x128xf32, #tpu.memory_space<hbm>>
    %dma_wait3A_61 = arith.constant 0 : i32
    %dma_wait3A_62 = tpu.memref_slice %arg5[%add3A_58, %dma_wait3A_61] : memref<320000x128xf32, #tpu.memory_space<hbm>> -> memref<40x128xf32, #tpu.memory_space<hbm>>
    tpu.wait_dma2 semaphore(%arg30 : memref<!tpu.dma_semaphore, #tpu.memory_space<semaphore_mem>>) src(%dma_wait3A_62 : memref<40x128xf32, #tpu.memory_space<hbm>>) dst(%arg17 : memref<40x128xf32, #tpu.memory_space<vmem>>)
    %scan3A_63 = arith.constant 0 : i32
    %scan3A_64 = arith.constant 0 : i32
    %scan3A_65 = arith.constant 40 : i32
    %scan3A_66 = arith.addi %scan3A_64, %scan3A_65 : i32
    %scan3A_67 = arith.constant 1 : i32
    scf.for %scan3A_90 = %scan3A_64 to %scan3A_66 step %scan3A_67  : i32 {
      %get3A = arith.index_cast %scan3A_90 : i32 to index
      %get3A_91 = arith.constant 0 : index
      %get3A_92 = tpu.vector_load %arg14[%get3A, %get3A_91] {strides = array<i32>} : memref<40x128xf32, #tpu.memory_space<vmem>>, vector<1x16xf32>,
      %get3A_93 = vector.shape_cast %get3A_92 : vector<1x16xf32> to vector<16xf32>
      %get3A_94 = arith.index_cast %scan3A_90 : i32 to index
      %get3A_95 = arith.constant 0 : index
      %get3A_96 = tpu.vector_load %arg17[%get3A_94, %get3A_95] {strides = array<i32>} : memref<40x128xf32, #tpu.memory_space<vmem>>, vector<1x16xf32>,
      %get3A_97 = vector.shape_cast %get3A_96 : vector<1x16xf32> to vector<16xf32>
      %add3A_98 = arith.addf %get3A_93, %get3A_97 : vector<16xf32>
      %mul3A_99 = arith.constant 1.000000e-01 : f32
      %mul3A_100 = vector.broadcast %mul3A_99 : f32 to vector<16xf32>
      %mul3A_101 = arith.mulf %mul3A_100, %add3A_98 : vector<16xf32>
      %max3A = arith.maximumf %add3A_98, %mul3A_101 : vector<16xf32>
      %swap3A = arith.index_cast %scan3A_90 : i32 to index
      %swap3A_102 = arith.constant 0 : index
      %swap3A_103 = tpu.vector_load %arg14[%swap3A, %swap3A_102] {strides = array<i32>} : memref<40x128xf32, #tpu.memory_space<vmem>>, vector<1x16xf32>,
      %swap3A_104 = vector.shape_cast %swap3A_103 : vector<1x16xf32> to vector<16xf32>
      %swap3A_105 = vector.shape_cast %max3A : vector<16xf32> to vector<1x16xf32>
      tpu.vector_store %arg14[%swap3A, %swap3A_102], %swap3A_105 {strides = array<i32>} : memref<40x128xf32, #tpu.memory_space<vmem>>, vector<1x16xf32>,
      %get3A_106 = arith.index_cast %scan3A_90 : i32 to index
      %get3A_107 = arith.constant 16 : index
      %get3A_108 = tpu.vector_load %arg14[%get3A_106, %get3A_107] {strides = array<i32>} : memref<40x128xf32, #tpu.memory_space<vmem>>, vector<1x16xf32>,
      %get3A_109 = vector.shape_cast %get3A_108 : vector<1x16xf32> to vector<16xf32>
      %get3A_110 = arith.index_cast %scan3A_90 : i32 to index
      %get3A_111 = arith.constant 16 : index
      %get3A_112 = tpu.vector_load %arg17[%get3A_110, %get3A_111] {strides = array<i32>} : memref<40x128xf32, #tpu.memory_space<vmem>>, vector<1x16xf32>,
      %get3A_113 = vector.shape_cast %get3A_112 : vector<1x16xf32> to vector<16xf32>
      %add3A_114 = arith.addf %get3A_109, %get3A_113 : vector<16xf32>
      %mul3A_115 = arith.constant 1.000000e-01 : f32
      %mul3A_116 = vector.broadcast %mul3A_115 : f32 to vector<16xf32>
      %mul3A_117 = arith.mulf %mul3A_116, %add3A_114 : vector<16xf32>
      %max3A_118 = arith.maximumf %add3A_114, %mul3A_117 : vector<16xf32>
      %swap3A_119 = arith.index_cast %scan3A_90 : i32 to index
      %swap3A_120 = arith.constant 16 : index
      %swap3A_121 = tpu.vector_load %arg14[%swap3A_119, %swap3A_120] {strides = array<i32>} : memref<40x128xf32, #tpu.memory_space<vmem>>, vector<1x16xf32>,
      %swap3A_122 = vector.shape_cast %swap3A_121 : vector<1x16xf32> to vector<16xf32>
      %swap3A_123 = vector.shape_cast %max3A_118 : vector<16xf32> to vector<1x16xf32>
      tpu.vector_store %arg14[%swap3A_119, %swap3A_120], %swap3A_123 {strides = array<i32>} : memref<40x128xf32, #tpu.memory_space<vmem>>, vector<1x16xf32>,
      %get3A_124 = arith.index_cast %scan3A_90 : i32 to index
      %get3A_125 = arith.constant 32 : index
      %get3A_126 = tpu.vector_load %arg14[%get3A_124, %get3A_125] {strides = array<i32>} : memref<40x128xf32, #tpu.memory_space<vmem>>, vector<1x16xf32>,
      %get3A_127 = vector.shape_cast %get3A_126 : vector<1x16xf32> to vector<16xf32>
      %get3A_128 = arith.index_cast %scan3A_90 : i32 to index
      %get3A_129 = arith.constant 32 : index
      %get3A_130 = tpu.vector_load %arg17[%get3A_128, %get3A_129] {strides = array<i32>} : memref<40x128xf32, #tpu.memory_space<vmem>>, vector<1x16xf32>,
      %get3A_131 = vector.shape_cast %get3A_130 : vector<1x16xf32> to vector<16xf32>
      %add3A_132 = arith.addf %get3A_127, %get3A_131 : vector<16xf32>
      %mul3A_133 = arith.constant 1.000000e-01 : f32
      %mul3A_134 = vector.broadcast %mul3A_133 : f32 to vector<16xf32>
      %mul3A_135 = arith.mulf %mul3A_134, %add3A_132 : vector<16xf32>
      %max3A_136 = arith.maximumf %add3A_132, %mul3A_135 : vector<16xf32>
      %swap3A_137 = arith.index_cast %scan3A_90 : i32 to index
      %swap3A_138 = arith.constant 32 : index
      %swap3A_139 = tpu.vector_load %arg14[%swap3A_137, %swap3A_138] {strides = array<i32>} : memref<40x128xf32, #tpu.memory_space<vmem>>, vector<1x16xf32>,
      %swap3A_140 = vector.shape_cast %swap3A_139 : vector<1x16xf32> to vector<16xf32>
      %swap3A_141 = vector.shape_cast %max3A_136 : vector<16xf32> to vector<1x16xf32>
      tpu.vector_store %arg14[%swap3A_137, %swap3A_138], %swap3A_141 {strides = array<i32>} : memref<40x128xf32, #tpu.memory_space<vmem>>, vector<1x16xf32>,
      %get3A_142 = arith.index_cast %scan3A_90 : i32 to index
      %get3A_143 = arith.constant 48 : index
      %get3A_144 = tpu.vector_load %arg14[%get3A_142, %get3A_143] {strides = array<i32>} : memref<40x128xf32, #tpu.memory_space<vmem>>, vector<1x16xf32>,
      %get3A_145 = vector.shape_cast %get3A_144 : vector<1x16xf32> to vector<16xf32>
      %get3A_146 = arith.index_cast %scan3A_90 : i32 to index
      %get3A_147 = arith.constant 48 : index
      %get3A_148 = tpu.vector_load %arg17[%get3A_146, %get3A_147] {strides = array<i32>} : memref<40x128xf32, #tpu.memory_space<vmem>>, vector<1x16xf32>,
      %get3A_149 = vector.shape_cast %get3A_148 : vector<1x16xf32> to vector<16xf32>
      %add3A_150 = arith.addf %get3A_145, %get3A_149 : vector<16xf32>
      %mul3A_151 = arith.constant 1.000000e-01 : f32
      %mul3A_152 = vector.broadcast %mul3A_151 : f32 to vector<16xf32>
      %mul3A_153 = arith.mulf %mul3A_152, %add3A_150 : vector<16xf32>
      %max3A_154 = arith.maximumf %add3A_150, %mul3A_153 : vector<16xf32>
      %swap3A_155 = arith.index_cast %scan3A_90 : i32 to index
      %swap3A_156 = arith.constant 48 : index
      %swap3A_157 = tpu.vector_load %arg14[%swap3A_155, %swap3A_156] {strides = array<i32>} : memref<40x128xf32, #tpu.memory_space<vmem>>, vector<1x16xf32>,
      %swap3A_158 = vector.shape_cast %swap3A_157 : vector<1x16xf32> to vector<16xf32>
      %swap3A_159 = vector.shape_cast %max3A_154 : vector<16xf32> to vector<1x16xf32>
      tpu.vector_store %arg14[%swap3A_155, %swap3A_156], %swap3A_159 {strides = array<i32>} : memref<40x128xf32, #tpu.memory_space<vmem>>, vector<1x16xf32>,
      %get3A_160 = arith.index_cast %scan3A_90 : i32 to index
      %get3A_161 = arith.constant 64 : index
      %get3A_162 = tpu.vector_load %arg14[%get3A_160, %get3A_161] {strides = array<i32>} : memref<40x128xf32, #tpu.memory_space<vmem>>, vector<1x16xf32>,
      %get3A_163 = vector.shape_cast %get3A_162 : vector<1x16xf32> to vector<16xf32>
      %get3A_164 = arith.index_cast %scan3A_90 : i32 to index
      %get3A_165 = arith.constant 64 : index
      %get3A_166 = tpu.vector_load %arg17[%get3A_164, %get3A_165] {strides = array<i32>} : memref<40x128xf32, #tpu.memory_space<vmem>>, vector<1x16xf32>,
      %get3A_167 = vector.shape_cast %get3A_166 : vector<1x16xf32> to vector<16xf32>
      %add3A_168 = arith.addf %get3A_163, %get3A_167 : vector<16xf32>
      %mul3A_169 = arith.constant 1.000000e-01 : f32
      %mul3A_170 = vector.broadcast %mul3A_169 : f32 to vector<16xf32>
      %mul3A_171 = arith.mulf %mul3A_170, %add3A_168 : vector<16xf32>
      %max3A_172 = arith.maximumf %add3A_168, %mul3A_171 : vector<16xf32>
      %swap3A_173 = arith.index_cast %scan3A_90 : i32 to index
      %swap3A_174 = arith.constant 64 : index
      %swap3A_175 = tpu.vector_load %arg14[%swap3A_173, %swap3A_174] {strides = array<i32>} : memref<40x128xf32, #tpu.memory_space<vmem>>, vector<1x16xf32>,
      %swap3A_176 = vector.shape_cast %swap3A_175 : vector<1x16xf32> to vector<16xf32>
      %swap3A_177 = vector.shape_cast %max3A_172 : vector<16xf32> to vector<1x16xf32>
      tpu.vector_store %arg14[%swap3A_173, %swap3A_174], %swap3A_177 {strides = array<i32>} : memref<40x128xf32, #tpu.memory_space<vmem>>, vector<1x16xf32>,
      %get3A_178 = arith.index_cast %scan3A_90 : i32 to index
      %get3A_179 = arith.constant 80 : index
      %get3A_180 = tpu.vector_load %arg14[%get3A_178, %get3A_179] {strides = array<i32>} : memref<40x128xf32, #tpu.memory_space<vmem>>, vector<1x16xf32>,
      %get3A_181 = vector.shape_cast %get3A_180 : vector<1x16xf32> to vector<16xf32>
      %get3A_182 = arith.index_cast %scan3A_90 : i32 to index
      %get3A_183 = arith.constant 80 : index
      %get3A_184 = tpu.vector_load %arg17[%get3A_182, %get3A_183] {strides = array<i32>} : memref<40x128xf32, #tpu.memory_space<vmem>>, vector<1x16xf32>,
      %get3A_185 = vector.shape_cast %get3A_184 : vector<1x16xf32> to vector<16xf32>
      %add3A_186 = arith.addf %get3A_181, %get3A_185 : vector<16xf32>
      %mul3A_187 = arith.constant 1.000000e-01 : f32
      %mul3A_188 = vector.broadcast %mul3A_187 : f32 to vector<16xf32>
      %mul3A_189 = arith.mulf %mul3A_188, %add3A_186 : vector<16xf32>
      %max3A_190 = arith.maximumf %add3A_186, %mul3A_189 : vector<16xf32>
      %swap3A_191 = arith.index_cast %scan3A_90 : i32 to index
      %swap3A_192 = arith.constant 80 : index
      %swap3A_193 = tpu.vector_load %arg14[%swap3A_191, %swap3A_192] {strides = array<i32>} : memref<40x128xf32, #tpu.memory_space<vmem>>, vector<1x16xf32>,
      %swap3A_194 = vector.shape_cast %swap3A_193 : vector<1x16xf32> to vector<16xf32>
      %swap3A_195 = vector.shape_cast %max3A_190 : vector<16xf32> to vector<1x16xf32>
      tpu.vector_store %arg14[%swap3A_191, %swap3A_192], %swap3A_195 {strides = array<i32>} : memref<40x128xf32, #tpu.memory_space<vmem>>, vector<1x16xf32>,
      %get3A_196 = arith.index_cast %scan3A_90 : i32 to index
      %get3A_197 = arith.constant 96 : index
      %get3A_198 = tpu.vector_load %arg14[%get3A_196, %get3A_197] {strides = array<i32>} : memref<40x128xf32, #tpu.memory_space<vmem>>, vector<1x16xf32>,
      %get3A_199 = vector.shape_cast %get3A_198 : vector<1x16xf32> to vector<16xf32>
      %get3A_200 = arith.index_cast %scan3A_90 : i32 to index
      %get3A_201 = arith.constant 96 : index
      %get3A_202 = tpu.vector_load %arg17[%get3A_200, %get3A_201] {strides = array<i32>} : memref<40x128xf32, #tpu.memory_space<vmem>>, vector<1x16xf32>,
      %get3A_203 = vector.shape_cast %get3A_202 : vector<1x16xf32> to vector<16xf32>
      %add3A_204 = arith.addf %get3A_199, %get3A_203 : vector<16xf32>
      %mul3A_205 = arith.constant 1.000000e-01 : f32
      %mul3A_206 = vector.broadcast %mul3A_205 : f32 to vector<16xf32>
      %mul3A_207 = arith.mulf %mul3A_206, %add3A_204 : vector<16xf32>
      %max3A_208 = arith.maximumf %add3A_204, %mul3A_207 : vector<16xf32>
      %swap3A_209 = arith.index_cast %scan3A_90 : i32 to index
      %swap3A_210 = arith.constant 96 : index
      %swap3A_211 = tpu.vector_load %arg14[%swap3A_209, %swap3A_210] {strides = array<i32>} : memref<40x128xf32, #tpu.memory_space<vmem>>, vector<1x16xf32>,
      %swap3A_212 = vector.shape_cast %swap3A_211 : vector<1x16xf32> to vector<16xf32>
      %swap3A_213 = vector.shape_cast %max3A_208 : vector<16xf32> to vector<1x16xf32>
      tpu.vector_store %arg14[%swap3A_209, %swap3A_210], %swap3A_213 {strides = array<i32>} : memref<40x128xf32, #tpu.memory_space<vmem>>, vector<1x16xf32>,
      %get3A_214 = arith.index_cast %scan3A_90 : i32 to index
      %get3A_215 = arith.constant 112 : index
      %get3A_216 = tpu.vector_load %arg14[%get3A_214, %get3A_215] {strides = array<i32>} : memref<40x128xf32, #tpu.memory_space<vmem>>, vector<1x16xf32>,
      %get3A_217 = vector.shape_cast %get3A_216 : vector<1x16xf32> to vector<16xf32>
      %get3A_218 = arith.index_cast %scan3A_90 : i32 to index
      %get3A_219 = arith.constant 112 : index
      %get3A_220 = tpu.vector_load %arg17[%get3A_218, %get3A_219] {strides = array<i32>} : memref<40x128xf32, #tpu.memory_space<vmem>>, vector<1x16xf32>,
      %get3A_221 = vector.shape_cast %get3A_220 : vector<1x16xf32> to vector<16xf32>
      %add3A_222 = arith.addf %get3A_217, %get3A_221 : vector<16xf32>
      %mul3A_223 = arith.constant 1.000000e-01 : f32
      %mul3A_224 = vector.broadcast %mul3A_223 : f32 to vector<16xf32>
      %mul3A_225 = arith.mulf %mul3A_224, %add3A_222 : vector<16xf32>
      %max3A_226 = arith.maximumf %add3A_222, %mul3A_225 : vector<16xf32>
      %swap3A_227 = arith.index_cast %scan3A_90 : i32 to index
      %swap3A_228 = arith.constant 112 : index
      %swap3A_229 = tpu.vector_load %arg14[%swap3A_227, %swap3A_228] {strides = array<i32>} : memref<40x128xf32, #tpu.memory_space<vmem>>, vector<1x16xf32>,
      %swap3A_230 = vector.shape_cast %swap3A_229 : vector<1x16xf32> to vector<16xf32>
      %swap3A_231 = vector.shape_cast %max3A_226 : vector<16xf32> to vector<1x16xf32>
      tpu.vector_store %arg14[%swap3A_227, %swap3A_228], %swap3A_231 {strides = array<i32>} : memref<40x128xf32, #tpu.memory_space<vmem>>, vector<1x16xf32>,
    }
    %scan3A_68 = arith.constant 40 : i32
    %dma_wait3A_69 = tpu.memref_slice %arg4[%mul3A_2] : memref<320000xi32, #tpu.memory_space<hbm>> -> memref<40xi32, #tpu.memory_space<hbm>>
    %dma_wait3A_70 = tpu.memref_slice %arg4[%mul3A_2] : memref<320000xi32, #tpu.memory_space<hbm>> -> memref<40xi32, #tpu.memory_space<hbm>>
    tpu.wait_dma2 semaphore(%arg24 : memref<!tpu.dma_semaphore, #tpu.memory_space<semaphore_mem>>) src(%dma_wait3A_70 : memref<40xi32, #tpu.memory_space<hbm>>) dst(%arg11 : memref<40xi32, #tpu.memory_space<vmem>>)
    %dma_start3A_71 = arith.constant 0 : i32
    %dma_start3A_72 = arith.constant 0 : i32
    %dma_start3A_73 = tpu.memref_slice %arg20[%dma_start3A_71, %dma_start3A_72] : memref<10000x128xf32, #tpu.memory_space<vmem_shared>> -> memref<10000x128xf32, #tpu.memory_space<vmem_shared>>
    tpu.enqueue_indirect_dma source(%arg14 : memref<40x128xf32, #tpu.memory_space<vmem>>) target(%dma_start3A_73 : memref<10000x128xf32, #tpu.memory_space<vmem_shared>>) offsets(%arg11 : memref<40xi32, #tpu.memory_space<vmem>>) semaphore(%arg33 : memref<!tpu.dma_semaphore, #tpu.memory_space<semaphore_mem>>) {add = true}
    %dma_wait3A_74 = arith.constant 0 : i32
    %dma_wait3A_75 = arith.constant 0 : i32
    %dma_wait3A_76 = tpu.memref_slice %arg20[%dma_wait3A_74, %dma_wait3A_75] : memref<10000x128xf32, #tpu.memory_space<vmem_shared>> -> memref<10000x128xf32, #tpu.memory_space<vmem_shared>>
    tpu.wait_indirect_dma semaphore(%arg34 : memref<!tpu.dma_semaphore, #tpu.memory_space<semaphore_mem>>) src(%arg15 : memref<40x128xf32, #tpu.memory_space<vmem>>) dst(%dma_wait3A_76 : memref<10000x128xf32, #tpu.memory_space<vmem_shared>>)
    %dma_wait3A_77 = arith.constant 0 : i32
    %dma_wait3A_78 = arith.constant 0 : i32
    %dma_wait3A_79 = tpu.memref_slice %arg20[%dma_wait3A_77, %dma_wait3A_78] : memref<10000x128xf32, #tpu.memory_space<vmem_shared>> -> memref<10000x128xf32, #tpu.memory_space<vmem_shared>>
    tpu.wait_indirect_dma semaphore(%arg35 : memref<!tpu.dma_semaphore, #tpu.memory_space<semaphore_mem>>) src(%arg16 : memref<40x128xf32, #tpu.memory_space<vmem>>) dst(%dma_wait3A_79 : memref<10000x128xf32, #tpu.memory_space<vmem_shared>>)
    %dma_wait3A_80 = arith.constant 0 : i32
    %dma_wait3A_81 = arith.constant 0 : i32
    %dma_wait3A_82 = tpu.memref_slice %arg20[%dma_wait3A_80, %dma_wait3A_81] : memref<10000x128xf32, #tpu.memory_space<vmem_shared>> -> memref<10000x128xf32, #tpu.memory_space<vmem_shared>>
    tpu.wait_indirect_dma semaphore(%arg33 : memref<!tpu.dma_semaphore, #tpu.memory_space<semaphore_mem>>) src(%arg14 : memref<40x128xf32, #tpu.memory_space<vmem>>) dst(%dma_wait3A_82 : memref<10000x128xf32, #tpu.memory_space<vmem_shared>>)
    %barrier3A_83 = arith.constant 0 : index
    tpu.barrier barrier_id(%barrier3A_83)
    %scan3A_84 = arith.constant 0 : i32
    %scan3A_85 = arith.constant 0 : i32
    %scan3A_86 = arith.constant 8 : i32
    %scan3A_87 = arith.addi %scan3A_85, %scan3A_86 : i32
    %scan3A_88 = arith.constant 1 : i32
    scf.for %scan3A_90 = %scan3A_85 to %scan3A_87 step %scan3A_88  : i32 {
      %mul3A_91 = arith.constant 16 : i32
      %mul3A_92 = arith.muli %mul3A_91, %scan3A_90 : i32
      %add3A_93 = arith.addi %arg1, %mul3A_92 : i32
      %lt3A = arith.constant 125 : i32
      %lt3A_94 = arith.cmpi slt, %add3A_93, %lt3A : i32
      %convert_element_type3A = arith.extui %lt3A_94 : i1 to i32
      %cond3A = arith.constant 0 : i32
      %cond3A_95 = arith.cmpi ne, %convert_element_type3A, %cond3A : i32
      scf.if %cond3A_95 {
        %mul3A_96 = arith.constant 80 : i32
        %mul3A_97 = arith.muli %add3A_93, %mul3A_96 : i32
        %mul3A_98 = arith.constant 80 : i32
        %mul3A_99 = arith.muli %add3A_93, %mul3A_98 : i32
        "tpu.region"() ({
          %run_scoped3A = tpu.sem_alloc : memref<!tpu.dma_semaphore, #tpu.memory_space<semaphore_mem>>
          %dma_start3A_100 = arith.constant 0 : i32
          %dma_start3A_101 = tpu.memref_slice %arg7[%arg0, %mul3A_99, %dma_start3A_100] : memref<2x10000x128xf32, #tpu.memory_space<hbm>> -> memref<1x80x128xf32, #tpu.memory_space<hbm>>
          %dma_start3A_102 = tpu.memref_squeeze %dma_start3A_101 : memref<1x80x128xf32, #tpu.memory_space<hbm>> -> memref<80x128xf32, #tpu.memory_space<hbm>>
          %dma_start3A_103 = arith.constant 0 : i32
          %dma_start3A_104 = tpu.memref_slice %arg20[%mul3A_97, %dma_start3A_103] : memref<10000x128xf32, #tpu.memory_space<vmem_shared>> -> memref<80x128xf32, #tpu.memory_space<vmem_shared>>
          tpu.enqueue_dma source(%dma_start3A_104 : memref<80x128xf32, #tpu.memory_space<vmem_shared>>) target(%dma_start3A_102 : memref<80x128xf32, #tpu.memory_space<hbm>>) target_semaphore(%run_scoped3A : memref<!tpu.dma_semaphore, #tpu.memory_space<semaphore_mem>>)
          %dma_wait3A_105 = arith.constant 0 : i32
          %dma_wait3A_106 = tpu.memref_slice %arg7[%arg0, %mul3A_99, %dma_wait3A_105] : memref<2x10000x128xf32, #tpu.memory_space<hbm>> -> memref<1x80x128xf32, #tpu.memory_space<hbm>>
          %dma_wait3A_107 = tpu.memref_squeeze %dma_wait3A_106 : memref<1x80x128xf32, #tpu.memory_space<hbm>> -> memref<80x128xf32, #tpu.memory_space<hbm>>
          %dma_wait3A_108 = arith.constant 0 : i32
          %dma_wait3A_109 = tpu.memref_slice %arg20[%mul3A_97, %dma_wait3A_108] : memref<10000x128xf32, #tpu.memory_space<vmem_shared>> -> memref<80x128xf32, #tpu.memory_space<vmem_shared>>
          tpu.wait_dma2 semaphore(%run_scoped3A : memref<!tpu.dma_semaphore, #tpu.memory_space<semaphore_mem>>) src(%dma_wait3A_109 : memref<80x128xf32, #tpu.memory_space<vmem_shared>>) dst(%dma_wait3A_107 : memref<80x128xf32, #tpu.memory_space<hbm>>)
          tpu.yield
        }) : () -> ()
      } else {
      }
    }
    %scan3A_89 = arith.constant 8 : i32
    return
  }
}

#map = affine_map<(d0, d1) -> (0, 0)>
#map1 = affine_map<(d0, d1) -> (0)>
#map2 = affine_map<(d0, d1) -> (0, 0, 0)>
module attributes {stable_mosaic.version = 14 : i64} {
  func.func @_sc_body(%arg0: i32, %arg1: i32, %arg2: memref<10000x128xf32, #tpu.memory_space<hbm>>, %arg3: memref<320000xi32, #tpu.memory_space<hbm>>, %arg4: memref<320000xi32, #tpu.memory_space<hbm>>, %arg5: memref<320000x128xf32, #tpu.memory_space<hbm>>, %arg6: memref<10000x128xf32, #tpu.memory_space<hbm>>, %arg7: memref<2x10000x128xf32, #tpu.memory_space<hbm>>, %arg8: memref<40xi32, #tpu.memory_space<vmem>>, %arg9: memref<40xi32, #tpu.memory_space<vmem>>, %arg10: memref<40xi32, #tpu.memory_space<vmem>>, %arg11: memref<40xi32, #tpu.memory_space<vmem>>, %arg12: memref<40xi32, #tpu.memory_space<vmem>>, %arg13: memref<40xi32, #tpu.memory_space<vmem>>, %arg14: memref<40x128xf32, #tpu.memory_space<vmem>>, %arg15: memref<40x128xf32, #tpu.memory_space<vmem>>, %arg16: memref<40x128xf32, #tpu.memory_space<vmem>>, %arg17: memref<40x128xf32, #tpu.memory_space<vmem>>, %arg18: memref<40x128xf32, #tpu.memory_space<vmem>>, %arg19: memref<40x128xf32, #tpu.memory_space<vmem>>, %arg20: memref<10000x128xf32, #tpu.memory_space<vmem_shared>>, %arg21: memref<!tpu.dma_semaphore, #tpu.memory_space<semaphore_mem>>, %arg22: memref<!tpu.dma_semaphore, #tpu.memory_space<semaphore_mem>>, %arg23: memref<!tpu.dma_semaphore, #tpu.memory_space<semaphore_mem>>, %arg24: memref<!tpu.dma_semaphore, #tpu.memory_space<semaphore_mem>>, %arg25: memref<!tpu.dma_semaphore, #tpu.memory_space<semaphore_mem>>, %arg26: memref<!tpu.dma_semaphore, #tpu.memory_space<semaphore_mem>>, %arg27: memref<!tpu.dma_semaphore, #tpu.memory_space<semaphore_mem>>, %arg28: memref<!tpu.dma_semaphore, #tpu.memory_space<semaphore_mem>>, %arg29: memref<!tpu.dma_semaphore, #tpu.memory_space<semaphore_mem>>, %arg30: memref<!tpu.dma_semaphore, #tpu.memory_space<semaphore_mem>>, %arg31: memref<!tpu.dma_semaphore, #tpu.memory_space<semaphore_mem>>, %arg32: memref<!tpu.dma_semaphore, #tpu.memory_space<semaphore_mem>>, %arg33: memref<!tpu.dma_semaphore, #tpu.memory_space<semaphore_mem>>, %arg34: memref<!tpu.dma_semaphore, #tpu.memory_space<semaphore_mem>>, %arg35: memref<!tpu.dma_semaphore, #tpu.memory_space<semaphore_mem>>) attributes {dimension_semantics = [#tpu.dimension_semantics<core_parallel>, #tpu.dimension_semantics<subcore_parallel>], iteration_bounds = array<i64: 2, 16>, scalar_prefetch = 0 : i64, scratch_operands = 28 : i64, tpu.core_type = #tpu.core_type<sc_vector_subcore>, window_params = [{transform_indices = #map}, {transform_indices = #map1}, {transform_indices = #map1}, {transform_indices = #map}, {transform_indices = #map}, {transform_indices = #map2}]} {
    %mul3A = arith.constant 16 : i32
    %mul3A_0 = arith.muli %arg0, %mul3A : i32
    %add3A = arith.addi %mul3A_0, %arg1 : i32
    %mul3A_1 = arith.constant 10000 : i32
    %mul3A_2 = arith.muli %add3A, %mul3A_1 : i32
    %add3A_3 = arith.constant 0 : i32
    %add3A_4 = arith.addi %mul3A_2, %add3A_3 : i32
    %dma_start3A = tpu.memref_slice %arg3[%add3A_4] : memref<320000xi32, #tpu.memory_space<hbm>> -> memref<40xi32, #tpu.memory_space<hbm>>
    %dma_start3A_5 = tpu.memref_slice %arg3[%add3A_4] : memref<320000xi32, #tpu.memory_space<hbm>> -> memref<40xi32, #tpu.memory_space<hbm>>
    tpu.enqueue_dma source(%dma_start3A_5 : memref<40xi32, #tpu.memory_space<hbm>>) target(%arg8 : memref<40xi32, #tpu.memory_space<vmem>>) target_semaphore(%arg21 : memref<!tpu.dma_semaphore, #tpu.memory_space<semaphore_mem>>)
    %add3A_6 = arith.constant 40 : i32
    %add3A_7 = arith.addi %mul3A_2, %add3A_6 : i32
    %dma_start3A_8 = tpu.memref_slice %arg3[%add3A_7] : memref<320000xi32, #tpu.memory_space<hbm>> -> memref<40xi32, #tpu.memory_space<hbm>>
    %dma_start3A_9 = tpu.memref_slice %arg3[%add3A_7] : memref<320000xi32, #tpu.memory_space<hbm>> -> memref<40xi32, #tpu.memory_space<hbm>>
    tpu.enqueue_dma source(%dma_start3A_9 : memref<40xi32, #tpu.memory_space<hbm>>) target(%arg9 : memref<40xi32, #tpu.memory_space<vmem>>) target_semaphore(%arg22 : memref<!tpu.dma_semaphore, #tpu.memory_space<semaphore_mem>>)
    %add3A_10 = arith.constant 80 : i32
    %add3A_11 = arith.addi %mul3A_2, %add3A_10 : i32
    %dma_start3A_12 = tpu.memref_slice %arg3[%add3A_11] : memref<320000xi32, #tpu.memory_space<hbm>> -> memref<40xi32, #tpu.memory_space<hbm>>
    %dma_start3A_13 = tpu.memref_slice %arg3[%add3A_11] : memref<320000xi32, #tpu.memory_space<hbm>> -> memref<40xi32, #tpu.memory_space<hbm>>
    tpu.enqueue_dma source(%dma_start3A_13 : memref<40xi32, #tpu.memory_space<hbm>>) target(%arg10 : memref<40xi32, #tpu.memory_space<vmem>>) target_semaphore(%arg23 : memref<!tpu.dma_semaphore, #tpu.memory_space<semaphore_mem>>)
    %add3A_14 = arith.constant 0 : i32
    %add3A_15 = arith.addi %mul3A_2, %add3A_14 : i32
    %dma_start3A_16 = tpu.memref_slice %arg4[%add3A_15] : memref<320000xi32, #tpu.memory_space<hbm>> -> memref<40xi32, #tpu.memory_space<hbm>>
    %dma_start3A_17 = tpu.memref_slice %arg4[%add3A_15] : memref<320000xi32, #tpu.memory_space<hbm>> -> memref<40xi32, #tpu.memory_space<hbm>>
    tpu.enqueue_dma source(%dma_start3A_17 : memref<40xi32, #tpu.memory_space<hbm>>) target(%arg11 : memref<40xi32, #tpu.memory_space<vmem>>) target_semaphore(%arg24 : memref<!tpu.dma_semaphore, #tpu.memory_space<semaphore_mem>>)
    %add3A_18 = arith.constant 40 : i32
    %add3A_19 = arith.addi %mul3A_2, %add3A_18 : i32
    %dma_start3A_20 = tpu.memref_slice %arg4[%add3A_19] : memref<320000xi32, #tpu.memory_space<hbm>> -> memref<40xi32, #tpu.memory_space<hbm>>
    %dma_start3A_21 = tpu.memref_slice %arg4[%add3A_19] : memref<320000xi32, #tpu.memory_space<hbm>> -> memref<40xi32, #tpu.memory_space<hbm>>
    tpu.enqueue_dma source(%dma_start3A_21 : memref<40xi32, #tpu.memory_space<hbm>>) target(%arg12 : memref<40xi32, #tpu.memory_space<vmem>>) target_semaphore(%arg25 : memref<!tpu.dma_semaphore, #tpu.memory_space<semaphore_mem>>)
    %dma_wait3A = tpu.memref_slice %arg3[%mul3A_2] : memref<320000xi32, #tpu.memory_space<hbm>> -> memref<40xi32, #tpu.memory_space<hbm>>
    %dma_wait3A_22 = tpu.memref_slice %arg3[%mul3A_2] : memref<320000xi32, #tpu.memory_space<hbm>> -> memref<40xi32, #tpu.memory_space<hbm>>
    tpu.wait_dma2 semaphore(%arg21 : memref<!tpu.dma_semaphore, #tpu.memory_space<semaphore_mem>>) src(%dma_wait3A_22 : memref<40xi32, #tpu.memory_space<hbm>>) dst(%arg8 : memref<40xi32, #tpu.memory_space<vmem>>)
    %dma_start3A_23 = arith.constant 0 : i32
    %dma_start3A_24 = arith.constant 0 : i32
    %dma_start3A_25 = tpu.memref_slice %arg2[%dma_start3A_23, %dma_start3A_24] : memref<10000x128xf32, #tpu.memory_space<hbm>> -> memref<10000x128xf32, #tpu.memory_space<hbm>>
    tpu.enqueue_indirect_dma source(%dma_start3A_25 : memref<10000x128xf32, #tpu.memory_space<hbm>>) target(%arg14 : memref<40x128xf32, #tpu.memory_space<vmem>>) offsets(%arg8 : memref<40xi32, #tpu.memory_space<vmem>>) semaphore(%arg27 : memref<!tpu.dma_semaphore, #tpu.memory_space<semaphore_mem>>)
    %add3A_26 = arith.constant 0 : i32
    %add3A_27 = arith.addi %mul3A_2, %add3A_26 : i32
    %dma_start3A_28 = arith.constant 0 : i32
    %dma_start3A_29 = tpu.memref_slice %arg5[%add3A_27, %dma_start3A_28] : memref<320000x128xf32, #tpu.memory_space<hbm>> -> memref<40x128xf32, #tpu.memory_space<hbm>>
    %dma_start3A_30 = arith.constant 0 : i32
    %dma_start3A_31 = tpu.memref_slice %arg5[%add3A_27, %dma_start3A_30] : memref<320000x128xf32, #tpu.memory_space<hbm>> -> memref<40x128xf32, #tpu.memory_space<hbm>>
    tpu.enqueue_dma source(%dma_start3A_31 : memref<40x128xf32, #tpu.memory_space<hbm>>) target(%arg17 : memref<40x128xf32, #tpu.memory_space<vmem>>) target_semaphore(%arg30 : memref<!tpu.dma_semaphore, #tpu.memory_space<semaphore_mem>>)
    %dma_wait3A_32 = tpu.memref_slice %arg3[%mul3A_2] : memref<320000xi32, #tpu.memory_space<hbm>> -> memref<40xi32, #tpu.memory_space<hbm>>
    %dma_wait3A_33 = tpu.memref_slice %arg3[%mul3A_2] : memref<320000xi32, #tpu.memory_space<hbm>> -> memref<40xi32, #tpu.memory_space<hbm>>
    tpu.wait_dma2 semaphore(%arg22 : memref<!tpu.dma_semaphore, #tpu.memory_space<semaphore_mem>>) src(%dma_wait3A_33 : memref<40xi32, #tpu.memory_space<hbm>>) dst(%arg9 : memref<40xi32, #tpu.memory_space<vmem>>)
    %dma_start3A_34 = arith.constant 0 : i32
    %dma_start3A_35 = arith.constant 0 : i32
    %dma_start3A_36 = tpu.memref_slice %arg2[%dma_start3A_34, %dma_start3A_35] : memref<10000x128xf32, #tpu.memory_space<hbm>> -> memref<10000x128xf32, #tpu.memory_space<hbm>>
    tpu.enqueue_indirect_dma source(%dma_start3A_36 : memref<10000x128xf32, #tpu.memory_space<hbm>>) target(%arg15 : memref<40x128xf32, #tpu.memory_space<vmem>>) offsets(%arg9 : memref<40xi32, #tpu.memory_space<vmem>>) semaphore(%arg28 : memref<!tpu.dma_semaphore, #tpu.memory_space<semaphore_mem>>)
    %add3A_37 = arith.constant 40 : i32
    %add3A_38 = arith.addi %mul3A_2, %add3A_37 : i32
    %dma_start3A_39 = arith.constant 0 : i32
    %dma_start3A_40 = tpu.memref_slice %arg5[%add3A_38, %dma_start3A_39] : memref<320000x128xf32, #tpu.memory_space<hbm>> -> memref<40x128xf32, #tpu.memory_space<hbm>>
    %dma_start3A_41 = arith.constant 0 : i32
    %dma_start3A_42 = tpu.memref_slice %arg5[%add3A_38, %dma_start3A_41] : memref<320000x128xf32, #tpu.memory_space<hbm>> -> memref<40x128xf32, #tpu.memory_space<hbm>>
    tpu.enqueue_dma source(%dma_start3A_42 : memref<40x128xf32, #tpu.memory_space<hbm>>) target(%arg18 : memref<40x128xf32, #tpu.memory_space<vmem>>) target_semaphore(%arg31 : memref<!tpu.dma_semaphore, #tpu.memory_space<semaphore_mem>>)
    %scan3A = arith.constant 0 : i32
    %scan3A_43 = arith.constant 0 : i32
    %scan3A_44 = arith.constant 8 : i32
    %scan3A_45 = arith.addi %scan3A_43, %scan3A_44 : i32
    %scan3A_46 = arith.constant 1 : i32
    scf.for %scan3A_90 = %scan3A_43 to %scan3A_45 step %scan3A_46  : i32 {
      %mul3A_91 = arith.constant 16 : i32
      %mul3A_92 = arith.muli %mul3A_91, %scan3A_90 : i32
      %add3A_93 = arith.addi %arg1, %mul3A_92 : i32
      %lt3A = arith.constant 125 : i32
      %lt3A_94 = arith.cmpi slt, %add3A_93, %lt3A : i32
      %convert_element_type3A = arith.extui %lt3A_94 : i1 to i32
      %cond3A = arith.constant 0 : i32
      %cond3A_95 = arith.cmpi ne, %convert_element_type3A, %cond3A : i32
      scf.if %cond3A_95 {
        %mul3A_96 = arith.constant 80 : i32
        %mul3A_97 = arith.muli %add3A_93, %mul3A_96 : i32
        %mul3A_98 = arith.constant 80 : i32
        %mul3A_99 = arith.muli %add3A_93, %mul3A_98 : i32
        "tpu.region"() ({
          %run_scoped3A = tpu.sem_alloc : memref<!tpu.dma_semaphore, #tpu.memory_space<semaphore_mem>>
          %dma_start3A_100 = arith.constant 0 : i32
          %dma_start3A_101 = tpu.memref_slice %arg20[%mul3A_99, %dma_start3A_100] : memref<10000x128xf32, #tpu.memory_space<vmem_shared>> -> memref<80x128xf32, #tpu.memory_space<vmem_shared>>
          %dma_start3A_102 = arith.constant 0 : i32
          %dma_start3A_103 = tpu.memref_slice %arg6[%mul3A_97, %dma_start3A_102] : memref<10000x128xf32, #tpu.memory_space<hbm>> -> memref<80x128xf32, #tpu.memory_space<hbm>>
          tpu.enqueue_dma source(%dma_start3A_103 : memref<80x128xf32, #tpu.memory_space<hbm>>) target(%dma_start3A_101 : memref<80x128xf32, #tpu.memory_space<vmem_shared>>) target_semaphore(%run_scoped3A : memref<!tpu.dma_semaphore, #tpu.memory_space<semaphore_mem>>)
          %dma_wait3A_104 = arith.constant 0 : i32
          %dma_wait3A_105 = tpu.memref_slice %arg20[%mul3A_99, %dma_wait3A_104] : memref<10000x128xf32, #tpu.memory_space<vmem_shared>> -> memref<80x128xf32, #tpu.memory_space<vmem_shared>>
          %dma_wait3A_106 = arith.constant 0 : i32
          %dma_wait3A_107 = tpu.memref_slice %arg6[%mul3A_97, %dma_wait3A_106] : memref<10000x128xf32, #tpu.memory_space<hbm>> -> memref<80x128xf32, #tpu.memory_space<hbm>>
          tpu.wait_dma2 semaphore(%run_scoped3A : memref<!tpu.dma_semaphore, #tpu.memory_space<semaphore_mem>>) src(%dma_wait3A_107 : memref<80x128xf32, #tpu.memory_space<hbm>>) dst(%dma_wait3A_105 : memref<80x128xf32, #tpu.memory_space<vmem_shared>>)
          tpu.yield
        }) : () -> ()
      } else {
      }
    }
    %scan3A_47 = arith.constant 8 : i32
    %barrier3A = arith.constant 0 : index
    tpu.barrier barrier_id(%barrier3A)
    %scan3A_48 = arith.constant 0 : i32
    %scan3A_49 = arith.constant 0 : i32
    %scan3A_50 = arith.constant 83 : i32
    %scan3A_51 = arith.addi %scan3A_49, %scan3A_50 : i32
    %scan3A_52 = arith.constant 1 : i32
    scf.for %scan3A_90 = %scan3A_49 to %scan3A_51 step %scan3A_52  : i32 {
      %mul3A_91 = arith.constant 3 : i32
      %mul3A_92 = arith.muli %mul3A_91, %scan3A_90 : i32
      %dma_wait3A_93 = arith.constant 0 : i32
      %dma_wait3A_94 = arith.constant 0 : i32
      %dma_wait3A_95 = tpu.memref_slice %arg2[%dma_wait3A_93, %dma_wait3A_94] : memref<10000x128xf32, #tpu.memory_space<hbm>> -> memref<10000x128xf32, #tpu.memory_space<hbm>>
      tpu.wait_indirect_dma semaphore(%arg27 : memref<!tpu.dma_semaphore, #tpu.memory_space<semaphore_mem>>) src(%dma_wait3A_95 : memref<10000x128xf32, #tpu.memory_space<hbm>>) dst(%arg14 : memref<40x128xf32, #tpu.memory_space<vmem>>)
      %mul3A_96 = arith.constant 40 : i32
      %mul3A_97 = arith.muli %mul3A_92, %mul3A_96 : i32
      %add3A_98 = arith.addi %mul3A_2, %mul3A_97 : i32
      %dma_wait3A_99 = arith.constant 0 : i32
      %dma_wait3A_100 = tpu.memref_slice %arg5[%add3A_98, %dma_wait3A_99] : memref<320000x128xf32, #tpu.memory_space<hbm>> -> memref<40x128xf32, #tpu.memory_space<hbm>>
      %dma_wait3A_101 = arith.constant 0 : i32
      %dma_wait3A_102 = tpu.memref_slice %arg5[%add3A_98, %dma_wait3A_101] : memref<320000x128xf32, #tpu.memory_space<hbm>> -> memref<40x128xf32, #tpu.memory_space<hbm>>
      tpu.wait_dma2 semaphore(%arg30 : memref<!tpu.dma_semaphore, #tpu.memory_space<semaphore_mem>>) src(%dma_wait3A_102 : memref<40x128xf32, #tpu.memory_space<hbm>>) dst(%arg17 : memref<40x128xf32, #tpu.memory_space<vmem>>)
      %add3A_103 = arith.constant 3 : i32
      %add3A_104 = arith.addi %mul3A_92, %add3A_103 : i32
      %lt3A = arith.constant 250 : i32
      %lt3A_105 = arith.cmpi slt, %add3A_104, %lt3A : i32
      %convert_element_type3A = arith.extui %lt3A_105 : i1 to i32
      %cond3A = arith.constant 0 : i32
      %cond3A_106 = arith.cmpi ne, %convert_element_type3A, %cond3A : i32
      scf.if %cond3A_106 {
        %add3A_231 = arith.constant 3 : i32
        %add3A_232 = arith.addi %mul3A_92, %add3A_231 : i32
        %mul3A_233 = arith.constant 40 : i32
        %mul3A_234 = arith.muli %add3A_232, %mul3A_233 : i32
        %add3A_235 = arith.addi %mul3A_2, %mul3A_234 : i32
        %dma_start3A_236 = tpu.memref_slice %arg3[%add3A_235] : memref<320000xi32, #tpu.memory_space<hbm>> -> memref<40xi32, #tpu.memory_space<hbm>>
        %dma_start3A_237 = tpu.memref_slice %arg3[%add3A_235] : memref<320000xi32, #tpu.memory_space<hbm>> -> memref<40xi32, #tpu.memory_space<hbm>>
        tpu.enqueue_dma source(%dma_start3A_237 : memref<40xi32, #tpu.memory_space<hbm>>) target(%arg8 : memref<40xi32, #tpu.memory_space<vmem>>) target_semaphore(%arg21 : memref<!tpu.dma_semaphore, #tpu.memory_space<semaphore_mem>>)
      } else {
      }
      %ge3A = arith.constant 1 : i32
      %ge3A_107 = arith.cmpi sge, %mul3A_92, %ge3A : i32
      %add3A_108 = arith.constant 2 : i32
      %add3A_109 = arith.addi %mul3A_92, %add3A_108 : i32
      %lt3A_110 = arith.constant 250 : i32
      %lt3A_111 = arith.cmpi slt, %add3A_109, %lt3A_110 : i32
      %and3A = arith.andi %ge3A_107, %lt3A_111 : i1
      %convert_element_type3A_112 = arith.extui %and3A : i1 to i32
      %cond3A_113 = arith.constant 0 : i32
      %cond3A_114 = arith.cmpi ne, %convert_element_type3A_112, %cond3A_113 : i32
      scf.if %cond3A_114 {
        %dma_wait3A_231 = arith.constant 0 : i32
        %dma_wait3A_232 = arith.constant 0 : i32
        %dma_wait3A_233 = tpu.memref_slice %arg20[%dma_wait3A_231, %dma_wait3A_232] : memref<10000x128xf32, #tpu.memory_space<vmem_shared>> -> memref<10000x128xf32, #tpu.memory_space<vmem_shared>>
        tpu.wait_indirect_dma semaphore(%arg35 : memref<!tpu.dma_semaphore, #tpu.memory_space<semaphore_mem>>) src(%arg16 : memref<40x128xf32, #tpu.memory_space<vmem>>) dst(%dma_wait3A_233 : memref<10000x128xf32, #tpu.memory_space<vmem_shared>>)
      } else {
      }
      %add3A_115 = arith.constant 2 : i32
      %add3A_116 = arith.addi %mul3A_92, %add3A_115 : i32
      %lt3A_117 = arith.constant 250 : i32
      %lt3A_118 = arith.cmpi slt, %add3A_116, %lt3A_117 : i32
      %convert_element_type3A_119 = arith.extui %lt3A_118 : i1 to i32
      %cond3A_120 = arith.constant 0 : i32
      %cond3A_121 = arith.cmpi ne, %convert_element_type3A_119, %cond3A_120 : i32
      scf.if %cond3A_121 {
        %dma_wait3A_231 = tpu.memref_slice %arg3[%mul3A_2] : memref<320000xi32, #tpu.memory_space<hbm>> -> memref<40xi32, #tpu.memory_space<hbm>>
        %dma_wait3A_232 = tpu.memref_slice %arg3[%mul3A_2] : memref<320000xi32, #tpu.memory_space<hbm>> -> memref<40xi32, #tpu.memory_space<hbm>>
        tpu.wait_dma2 semaphore(%arg23 : memref<!tpu.dma_semaphore, #tpu.memory_space<semaphore_mem>>) src(%dma_wait3A_232 : memref<40xi32, #tpu.memory_space<hbm>>) dst(%arg10 : memref<40xi32, #tpu.memory_space<vmem>>)
        %add3A_233 = arith.constant 2 : i32
        %add3A_234 = arith.addi %mul3A_92, %add3A_233 : i32
        %dma_start3A_235 = arith.constant 0 : i32
        %dma_start3A_236 = arith.constant 0 : i32
        %dma_start3A_237 = tpu.memref_slice %arg2[%dma_start3A_235, %dma_start3A_236] : memref<10000x128xf32, #tpu.memory_space<hbm>> -> memref<10000x128xf32, #tpu.memory_space<hbm>>
        tpu.enqueue_indirect_dma source(%dma_start3A_237 : memref<10000x128xf32, #tpu.memory_space<hbm>>) target(%arg16 : memref<40x128xf32, #tpu.memory_space<vmem>>) offsets(%arg10 : memref<40xi32, #tpu.memory_space<vmem>>) semaphore(%arg29 : memref<!tpu.dma_semaphore, #tpu.memory_space<semaphore_mem>>)
        %mul3A_238 = arith.constant 40 : i32
        %mul3A_239 = arith.muli %add3A_234, %mul3A_238 : i32
        %add3A_240 = arith.addi %mul3A_2, %mul3A_239 : i32
        %dma_start3A_241 = arith.constant 0 : i32
        %dma_start3A_242 = tpu.memref_slice %arg5[%add3A_240, %dma_start3A_241] : memref<320000x128xf32, #tpu.memory_space<hbm>> -> memref<40x128xf32, #tpu.memory_space<hbm>>
        %dma_start3A_243 = arith.constant 0 : i32
        %dma_start3A_244 = tpu.memref_slice %arg5[%add3A_240, %dma_start3A_243] : memref<320000x128xf32, #tpu.memory_space<hbm>> -> memref<40x128xf32, #tpu.memory_space<hbm>>
        tpu.enqueue_dma source(%dma_start3A_244 : memref<40x128xf32, #tpu.memory_space<hbm>>) target(%arg19 : memref<40x128xf32, #tpu.memory_space<vmem>>) target_semaphore(%arg32 : memref<!tpu.dma_semaphore, #tpu.memory_space<semaphore_mem>>)
        %add3A_245 = arith.constant 2 : i32
        %add3A_246 = arith.addi %mul3A_92, %add3A_245 : i32
        %mul3A_247 = arith.constant 40 : i32
        %mul3A_248 = arith.muli %add3A_246, %mul3A_247 : i32
        %add3A_249 = arith.addi %mul3A_2, %mul3A_248 : i32
        %dma_start3A_250 = tpu.memref_slice %arg4[%add3A_249] : memref<320000xi32, #tpu.memory_space<hbm>> -> memref<40xi32, #tpu.memory_space<hbm>>
        %dma_start3A_251 = tpu.memref_slice %arg4[%add3A_249] : memref<320000xi32, #tpu.memory_space<hbm>> -> memref<40xi32, #tpu.memory_space<hbm>>
        tpu.enqueue_dma source(%dma_start3A_251 : memref<40xi32, #tpu.memory_space<hbm>>) target(%arg13 : memref<40xi32, #tpu.memory_space<vmem>>) target_semaphore(%arg26 : memref<!tpu.dma_semaphore, #tpu.memory_space<semaphore_mem>>)
      } else {
      }
      %scan3A_122 = arith.constant 0 : i32
      %scan3A_123 = arith.constant 0 : i32
      %scan3A_124 = arith.constant 40 : i32
      %scan3A_125 = arith.addi %scan3A_123, %scan3A_124 : i32
      %scan3A_126 = arith.constant 1 : i32
      scf.for %scan3A_231 = %scan3A_123 to %scan3A_125 step %scan3A_126  : i32 {
        %get3A = arith.index_cast %scan3A_231 : i32 to index
        %get3A_232 = arith.constant 0 : index
        %get3A_233 = tpu.vector_load %arg14[%get3A, %get3A_232] {strides = array<i32>} : memref<40x128xf32, #tpu.memory_space<vmem>>, vector<1x16xf32>,
        %get3A_234 = vector.shape_cast %get3A_233 : vector<1x16xf32> to vector<16xf32>
        %get3A_235 = arith.index_cast %scan3A_231 : i32 to index
        %get3A_236 = arith.constant 0 : index
        %get3A_237 = tpu.vector_load %arg17[%get3A_235, %get3A_236] {strides = array<i32>} : memref<40x128xf32, #tpu.memory_space<vmem>>, vector<1x16xf32>,
        %get3A_238 = vector.shape_cast %get3A_237 : vector<1x16xf32> to vector<16xf32>
        %add3A_239 = arith.addf %get3A_234, %get3A_238 : vector<16xf32>
        %mul3A_240 = arith.constant 1.000000e-01 : f32
        %mul3A_241 = vector.broadcast %mul3A_240 : f32 to vector<16xf32>
        %mul3A_242 = arith.mulf %mul3A_241, %add3A_239 : vector<16xf32>
        %max3A = arith.maximumf %add3A_239, %mul3A_242 : vector<16xf32>
        %swap3A = arith.index_cast %scan3A_231 : i32 to index
        %swap3A_243 = arith.constant 0 : index
        %swap3A_244 = tpu.vector_load %arg14[%swap3A, %swap3A_243] {strides = array<i32>} : memref<40x128xf32, #tpu.memory_space<vmem>>, vector<1x16xf32>,
        %swap3A_245 = vector.shape_cast %swap3A_244 : vector<1x16xf32> to vector<16xf32>
        %swap3A_246 = vector.shape_cast %max3A : vector<16xf32> to vector<1x16xf32>
        tpu.vector_store %arg14[%swap3A, %swap3A_243], %swap3A_246 {strides = array<i32>} : memref<40x128xf32, #tpu.memory_space<vmem>>, vector<1x16xf32>,
        %get3A_247 = arith.index_cast %scan3A_231 : i32 to index
        %get3A_248 = arith.constant 16 : index
        %get3A_249 = tpu.vector_load %arg14[%get3A_247, %get3A_248] {strides = array<i32>} : memref<40x128xf32, #tpu.memory_space<vmem>>, vector<1x16xf32>,
        %get3A_250 = vector.shape_cast %get3A_249 : vector<1x16xf32> to vector<16xf32>
        %get3A_251 = arith.index_cast %scan3A_231 : i32 to index
        %get3A_252 = arith.constant 16 : index
        %get3A_253 = tpu.vector_load %arg17[%get3A_251, %get3A_252] {strides = array<i32>} : memref<40x128xf32, #tpu.memory_space<vmem>>, vector<1x16xf32>,
        %get3A_254 = vector.shape_cast %get3A_253 : vector<1x16xf32> to vector<16xf32>
        %add3A_255 = arith.addf %get3A_250, %get3A_254 : vector<16xf32>
        %mul3A_256 = arith.constant 1.000000e-01 : f32
        %mul3A_257 = vector.broadcast %mul3A_256 : f32 to vector<16xf32>
        %mul3A_258 = arith.mulf %mul3A_257, %add3A_255 : vector<16xf32>
        %max3A_259 = arith.maximumf %add3A_255, %mul3A_258 : vector<16xf32>
        %swap3A_260 = arith.index_cast %scan3A_231 : i32 to index
        %swap3A_261 = arith.constant 16 : index
        %swap3A_262 = tpu.vector_load %arg14[%swap3A_260, %swap3A_261] {strides = array<i32>} : memref<40x128xf32, #tpu.memory_space<vmem>>, vector<1x16xf32>,
        %swap3A_263 = vector.shape_cast %swap3A_262 : vector<1x16xf32> to vector<16xf32>
        %swap3A_264 = vector.shape_cast %max3A_259 : vector<16xf32> to vector<1x16xf32>
        tpu.vector_store %arg14[%swap3A_260, %swap3A_261], %swap3A_264 {strides = array<i32>} : memref<40x128xf32, #tpu.memory_space<vmem>>, vector<1x16xf32>,
        %get3A_265 = arith.index_cast %scan3A_231 : i32 to index
        %get3A_266 = arith.constant 32 : index
        %get3A_267 = tpu.vector_load %arg14[%get3A_265, %get3A_266] {strides = array<i32>} : memref<40x128xf32, #tpu.memory_space<vmem>>, vector<1x16xf32>,
        %get3A_268 = vector.shape_cast %get3A_267 : vector<1x16xf32> to vector<16xf32>
        %get3A_269 = arith.index_cast %scan3A_231 : i32 to index
        %get3A_270 = arith.constant 32 : index
        %get3A_271 = tpu.vector_load %arg17[%get3A_269, %get3A_270] {strides = array<i32>} : memref<40x128xf32, #tpu.memory_space<vmem>>, vector<1x16xf32>,
        %get3A_272 = vector.shape_cast %get3A_271 : vector<1x16xf32> to vector<16xf32>
        %add3A_273 = arith.addf %get3A_268, %get3A_272 : vector<16xf32>
        %mul3A_274 = arith.constant 1.000000e-01 : f32
        %mul3A_275 = vector.broadcast %mul3A_274 : f32 to vector<16xf32>
        %mul3A_276 = arith.mulf %mul3A_275, %add3A_273 : vector<16xf32>
        %max3A_277 = arith.maximumf %add3A_273, %mul3A_276 : vector<16xf32>
        %swap3A_278 = arith.index_cast %scan3A_231 : i32 to index
        %swap3A_279 = arith.constant 32 : index
        %swap3A_280 = tpu.vector_load %arg14[%swap3A_278, %swap3A_279] {strides = array<i32>} : memref<40x128xf32, #tpu.memory_space<vmem>>, vector<1x16xf32>,
        %swap3A_281 = vector.shape_cast %swap3A_280 : vector<1x16xf32> to vector<16xf32>
        %swap3A_282 = vector.shape_cast %max3A_277 : vector<16xf32> to vector<1x16xf32>
        tpu.vector_store %arg14[%swap3A_278, %swap3A_279], %swap3A_282 {strides = array<i32>} : memref<40x128xf32, #tpu.memory_space<vmem>>, vector<1x16xf32>,
        %get3A_283 = arith.index_cast %scan3A_231 : i32 to index
        %get3A_284 = arith.constant 48 : index
        %get3A_285 = tpu.vector_load %arg14[%get3A_283, %get3A_284] {strides = array<i32>} : memref<40x128xf32, #tpu.memory_space<vmem>>, vector<1x16xf32>,
        %get3A_286 = vector.shape_cast %get3A_285 : vector<1x16xf32> to vector<16xf32>
        %get3A_287 = arith.index_cast %scan3A_231 : i32 to index
        %get3A_288 = arith.constant 48 : index
        %get3A_289 = tpu.vector_load %arg17[%get3A_287, %get3A_288] {strides = array<i32>} : memref<40x128xf32, #tpu.memory_space<vmem>>, vector<1x16xf32>,
        %get3A_290 = vector.shape_cast %get3A_289 : vector<1x16xf32> to vector<16xf32>
        %add3A_291 = arith.addf %get3A_286, %get3A_290 : vector<16xf32>
        %mul3A_292 = arith.constant 1.000000e-01 : f32
        %mul3A_293 = vector.broadcast %mul3A_292 : f32 to vector<16xf32>
        %mul3A_294 = arith.mulf %mul3A_293, %add3A_291 : vector<16xf32>
        %max3A_295 = arith.maximumf %add3A_291, %mul3A_294 : vector<16xf32>
        %swap3A_296 = arith.index_cast %scan3A_231 : i32 to index
        %swap3A_297 = arith.constant 48 : index
        %swap3A_298 = tpu.vector_load %arg14[%swap3A_296, %swap3A_297] {strides = array<i32>} : memref<40x128xf32, #tpu.memory_space<vmem>>, vector<1x16xf32>,
        %swap3A_299 = vector.shape_cast %swap3A_298 : vector<1x16xf32> to vector<16xf32>
        %swap3A_300 = vector.shape_cast %max3A_295 : vector<16xf32> to vector<1x16xf32>
        tpu.vector_store %arg14[%swap3A_296, %swap3A_297], %swap3A_300 {strides = array<i32>} : memref<40x128xf32, #tpu.memory_space<vmem>>, vector<1x16xf32>,
        %get3A_301 = arith.index_cast %scan3A_231 : i32 to index
        %get3A_302 = arith.constant 64 : index
        %get3A_303 = tpu.vector_load %arg14[%get3A_301, %get3A_302] {strides = array<i32>} : memref<40x128xf32, #tpu.memory_space<vmem>>, vector<1x16xf32>,
        %get3A_304 = vector.shape_cast %get3A_303 : vector<1x16xf32> to vector<16xf32>
        %get3A_305 = arith.index_cast %scan3A_231 : i32 to index
        %get3A_306 = arith.constant 64 : index
        %get3A_307 = tpu.vector_load %arg17[%get3A_305, %get3A_306] {strides = array<i32>} : memref<40x128xf32, #tpu.memory_space<vmem>>, vector<1x16xf32>,
        %get3A_308 = vector.shape_cast %get3A_307 : vector<1x16xf32> to vector<16xf32>
        %add3A_309 = arith.addf %get3A_304, %get3A_308 : vector<16xf32>
        %mul3A_310 = arith.constant 1.000000e-01 : f32
        %mul3A_311 = vector.broadcast %mul3A_310 : f32 to vector<16xf32>
        %mul3A_312 = arith.mulf %mul3A_311, %add3A_309 : vector<16xf32>
        %max3A_313 = arith.maximumf %add3A_309, %mul3A_312 : vector<16xf32>
        %swap3A_314 = arith.index_cast %scan3A_231 : i32 to index
        %swap3A_315 = arith.constant 64 : index
        %swap3A_316 = tpu.vector_load %arg14[%swap3A_314, %swap3A_315] {strides = array<i32>} : memref<40x128xf32, #tpu.memory_space<vmem>>, vector<1x16xf32>,
        %swap3A_317 = vector.shape_cast %swap3A_316 : vector<1x16xf32> to vector<16xf32>
        %swap3A_318 = vector.shape_cast %max3A_313 : vector<16xf32> to vector<1x16xf32>
        tpu.vector_store %arg14[%swap3A_314, %swap3A_315], %swap3A_318 {strides = array<i32>} : memref<40x128xf32, #tpu.memory_space<vmem>>, vector<1x16xf32>,
        %get3A_319 = arith.index_cast %scan3A_231 : i32 to index
        %get3A_320 = arith.constant 80 : index
        %get3A_321 = tpu.vector_load %arg14[%get3A_319, %get3A_320] {strides = array<i32>} : memref<40x128xf32, #tpu.memory_space<vmem>>, vector<1x16xf32>,
        %get3A_322 = vector.shape_cast %get3A_321 : vector<1x16xf32> to vector<16xf32>
        %get3A_323 = arith.index_cast %scan3A_231 : i32 to index
        %get3A_324 = arith.constant 80 : index
        %get3A_325 = tpu.vector_load %arg17[%get3A_323, %get3A_324] {strides = array<i32>} : memref<40x128xf32, #tpu.memory_space<vmem>>, vector<1x16xf32>,
        %get3A_326 = vector.shape_cast %get3A_325 : vector<1x16xf32> to vector<16xf32>
        %add3A_327 = arith.addf %get3A_322, %get3A_326 : vector<16xf32>
        %mul3A_328 = arith.constant 1.000000e-01 : f32
        %mul3A_329 = vector.broadcast %mul3A_328 : f32 to vector<16xf32>
        %mul3A_330 = arith.mulf %mul3A_329, %add3A_327 : vector<16xf32>
        %max3A_331 = arith.maximumf %add3A_327, %mul3A_330 : vector<16xf32>
        %swap3A_332 = arith.index_cast %scan3A_231 : i32 to index
        %swap3A_333 = arith.constant 80 : index
        %swap3A_334 = tpu.vector_load %arg14[%swap3A_332, %swap3A_333] {strides = array<i32>} : memref<40x128xf32, #tpu.memory_space<vmem>>, vector<1x16xf32>,
        %swap3A_335 = vector.shape_cast %swap3A_334 : vector<1x16xf32> to vector<16xf32>
        %swap3A_336 = vector.shape_cast %max3A_331 : vector<16xf32> to vector<1x16xf32>
        tpu.vector_store %arg14[%swap3A_332, %swap3A_333], %swap3A_336 {strides = array<i32>} : memref<40x128xf32, #tpu.memory_space<vmem>>, vector<1x16xf32>,
        %get3A_337 = arith.index_cast %scan3A_231 : i32 to index
        %get3A_338 = arith.constant 96 : index
        %get3A_339 = tpu.vector_load %arg14[%get3A_337, %get3A_338] {strides = array<i32>} : memref<40x128xf32, #tpu.memory_space<vmem>>, vector<1x16xf32>,
        %get3A_340 = vector.shape_cast %get3A_339 : vector<1x16xf32> to vector<16xf32>
        %get3A_341 = arith.index_cast %scan3A_231 : i32 to index
        %get3A_342 = arith.constant 96 : index
        %get3A_343 = tpu.vector_load %arg17[%get3A_341, %get3A_342] {strides = array<i32>} : memref<40x128xf32, #tpu.memory_space<vmem>>, vector<1x16xf32>,
        %get3A_344 = vector.shape_cast %get3A_343 : vector<1x16xf32> to vector<16xf32>
        %add3A_345 = arith.addf %get3A_340, %get3A_344 : vector<16xf32>
        %mul3A_346 = arith.constant 1.000000e-01 : f32
        %mul3A_347 = vector.broadcast %mul3A_346 : f32 to vector<16xf32>
        %mul3A_348 = arith.mulf %mul3A_347, %add3A_345 : vector<16xf32>
        %max3A_349 = arith.maximumf %add3A_345, %mul3A_348 : vector<16xf32>
        %swap3A_350 = arith.index_cast %scan3A_231 : i32 to index
        %swap3A_351 = arith.constant 96 : index
        %swap3A_352 = tpu.vector_load %arg14[%swap3A_350, %swap3A_351] {strides = array<i32>} : memref<40x128xf32, #tpu.memory_space<vmem>>, vector<1x16xf32>,
        %swap3A_353 = vector.shape_cast %swap3A_352 : vector<1x16xf32> to vector<16xf32>
        %swap3A_354 = vector.shape_cast %max3A_349 : vector<16xf32> to vector<1x16xf32>
        tpu.vector_store %arg14[%swap3A_350, %swap3A_351], %swap3A_354 {strides = array<i32>} : memref<40x128xf32, #tpu.memory_space<vmem>>, vector<1x16xf32>,
        %get3A_355 = arith.index_cast %scan3A_231 : i32 to index
        %get3A_356 = arith.constant 112 : index
        %get3A_357 = tpu.vector_load %arg14[%get3A_355, %get3A_356] {strides = array<i32>} : memref<40x128xf32, #tpu.memory_space<vmem>>, vector<1x16xf32>,
        %get3A_358 = vector.shape_cast %get3A_357 : vector<1x16xf32> to vector<16xf32>
        %get3A_359 = arith.index_cast %scan3A_231 : i32 to index
        %get3A_360 = arith.constant 112 : index
        %get3A_361 = tpu.vector_load %arg17[%get3A_359, %get3A_360] {strides = array<i32>} : memref<40x128xf32, #tpu.memory_space<vmem>>, vector<1x16xf32>,
        %get3A_362 = vector.shape_cast %get3A_361 : vector<1x16xf32> to vector<16xf32>
        %add3A_363 = arith.addf %get3A_358, %get3A_362 : vector<16xf32>
        %mul3A_364 = arith.constant 1.000000e-01 : f32
        %mul3A_365 = vector.broadcast %mul3A_364 : f32 to vector<16xf32>
        %mul3A_366 = arith.mulf %mul3A_365, %add3A_363 : vector<16xf32>
        %max3A_367 = arith.maximumf %add3A_363, %mul3A_366 : vector<16xf32>
        %swap3A_368 = arith.index_cast %scan3A_231 : i32 to index
        %swap3A_369 = arith.constant 112 : index
        %swap3A_370 = tpu.vector_load %arg14[%swap3A_368, %swap3A_369] {strides = array<i32>} : memref<40x128xf32, #tpu.memory_space<vmem>>, vector<1x16xf32>,
        %swap3A_371 = vector.shape_cast %swap3A_370 : vector<1x16xf32> to vector<16xf32>
        %swap3A_372 = vector.shape_cast %max3A_367 : vector<16xf32> to vector<1x16xf32>
        tpu.vector_store %arg14[%swap3A_368, %swap3A_369], %swap3A_372 {strides = array<i32>} : memref<40x128xf32, #tpu.memory_space<vmem>>, vector<1x16xf32>,
      }
      %scan3A_127 = arith.constant 40 : i32
      %dma_wait3A_128 = tpu.memref_slice %arg4[%mul3A_2] : memref<320000xi32, #tpu.memory_space<hbm>> -> memref<40xi32, #tpu.memory_space<hbm>>
      %dma_wait3A_129 = tpu.memref_slice %arg4[%mul3A_2] : memref<320000xi32, #tpu.memory_space<hbm>> -> memref<40xi32, #tpu.memory_space<hbm>>
      tpu.wait_dma2 semaphore(%arg24 : memref<!tpu.dma_semaphore, #tpu.memory_space<semaphore_mem>>) src(%dma_wait3A_129 : memref<40xi32, #tpu.memory_space<hbm>>) dst(%arg11 : memref<40xi32, #tpu.memory_space<vmem>>)
      %dma_start3A_130 = arith.constant 0 : i32
      %dma_start3A_131 = arith.constant 0 : i32
      %dma_start3A_132 = tpu.memref_slice %arg20[%dma_start3A_130, %dma_start3A_131] : memref<10000x128xf32, #tpu.memory_space<vmem_shared>> -> memref<10000x128xf32, #tpu.memory_space<vmem_shared>>
      tpu.enqueue_indirect_dma source(%arg14 : memref<40x128xf32, #tpu.memory_space<vmem>>) target(%dma_start3A_132 : memref<10000x128xf32, #tpu.memory_space<vmem_shared>>) offsets(%arg11 : memref<40xi32, #tpu.memory_space<vmem>>) semaphore(%arg33 : memref<!tpu.dma_semaphore, #tpu.memory_space<semaphore_mem>>) {add = true}
      %mul3A_133 = arith.constant 3 : i32
      %mul3A_134 = arith.muli %mul3A_133, %scan3A_90 : i32
      %add3A_135 = arith.constant 1 : i32
      %add3A_136 = arith.addi %mul3A_134, %add3A_135 : i32
      %dma_wait3A_137 = arith.constant 0 : i32
      %dma_wait3A_138 = arith.constant 0 : i32
      %dma_wait3A_139 = tpu.memref_slice %arg2[%dma_wait3A_137, %dma_wait3A_138] : memref<10000x128xf32, #tpu.memory_space<hbm>> -> memref<10000x128xf32, #tpu.memory_space<hbm>>
      tpu.wait_indirect_dma semaphore(%arg28 : memref<!tpu.dma_semaphore, #tpu.memory_space<semaphore_mem>>) src(%dma_wait3A_139 : memref<10000x128xf32, #tpu.memory_space<hbm>>) dst(%arg15 : memref<40x128xf32, #tpu.memory_space<vmem>>)
      %mul3A_140 = arith.constant 40 : i32
      %mul3A_141 = arith.muli %add3A_136, %mul3A_140 : i32
      %add3A_142 = arith.addi %mul3A_2, %mul3A_141 : i32
      %dma_wait3A_143 = arith.constant 0 : i32
      %dma_wait3A_144 = tpu.memref_slice %arg5[%add3A_142, %dma_wait3A_143] : memref<320000x128xf32, #tpu.memory_space<hbm>> -> memref<40x128xf32, #tpu.memory_space<hbm>>
      %dma_wait3A_145 = arith.constant 0 : i32
      %dma_wait3A_146 = tpu.memref_slice %arg5[%add3A_142, %dma_wait3A_145] : memref<320000x128xf32, #tpu.memory_space<hbm>> -> memref<40x128xf32, #tpu.memory_space<hbm>>
      tpu.wait_dma2 semaphore(%arg31 : memref<!tpu.dma_semaphore, #tpu.memory_space<semaphore_mem>>) src(%dma_wait3A_146 : memref<40x128xf32, #tpu.memory_space<hbm>>) dst(%arg18 : memref<40x128xf32, #tpu.memory_space<vmem>>)
      %add3A_147 = arith.constant 3 : i32
      %add3A_148 = arith.addi %add3A_136, %add3A_147 : i32
      %lt3A_149 = arith.constant 250 : i32
      %lt3A_150 = arith.cmpi slt, %add3A_148, %lt3A_149 : i32
      %convert_element_type3A_151 = arith.extui %lt3A_150 : i1 to i32
      %cond3A_152 = arith.constant 0 : i32
      %cond3A_153 = arith.cmpi ne, %convert_element_type3A_151, %cond3A_152 : i32
      scf.if %cond3A_153 {
        %add3A_231 = arith.constant 3 : i32
        %add3A_232 = arith.addi %add3A_136, %add3A_231 : i32
        %mul3A_233 = arith.constant 40 : i32
        %mul3A_234 = arith.muli %add3A_232, %mul3A_233 : i32
        %add3A_235 = arith.addi %mul3A_2, %mul3A_234 : i32
        %dma_start3A_236 = tpu.memref_slice %arg3[%add3A_235] : memref<320000xi32, #tpu.memory_space<hbm>> -> memref<40xi32, #tpu.memory_space<hbm>>
        %dma_start3A_237 = tpu.memref_slice %arg3[%add3A_235] : memref<320000xi32, #tpu.memory_space<hbm>> -> memref<40xi32, #tpu.memory_space<hbm>>
        tpu.enqueue_dma source(%dma_start3A_237 : memref<40xi32, #tpu.memory_space<hbm>>) target(%arg9 : memref<40xi32, #tpu.memory_space<vmem>>) target_semaphore(%arg22 : memref<!tpu.dma_semaphore, #tpu.memory_space<semaphore_mem>>)
      } else {
      }
      %ge3A_154 = arith.constant 1 : i32
      %ge3A_155 = arith.cmpi sge, %add3A_136, %ge3A_154 : i32
      %add3A_156 = arith.constant 2 : i32
      %add3A_157 = arith.addi %add3A_136, %add3A_156 : i32
      %lt3A_158 = arith.constant 250 : i32
      %lt3A_159 = arith.cmpi slt, %add3A_157, %lt3A_158 : i32
      %and3A_160 = arith.andi %ge3A_155, %lt3A_159 : i1
      %convert_element_type3A_161 = arith.extui %and3A_160 : i1 to i32
      %cond3A_162 = arith.constant 0 : i32
      %cond3A_163 = arith.cmpi ne, %convert_element_type3A_161, %cond3A_162 : i32
      scf.if %cond3A_163 {
        %dma_wait3A_231 = arith.constant 0 : i32
        %dma_wait3A_232 = arith.constant 0 : i32
        %dma_wait3A_233 = tpu.memref_slice %arg20[%dma_wait3A_231, %dma_wait3A_232] : memref<10000x128xf32, #tpu.memory_space<vmem_shared>> -> memref<10000x128xf32, #tpu.memory_space<vmem_shared>>
        tpu.wait_indirect_dma semaphore(%arg33 : memref<!tpu.dma_semaphore, #tpu.memory_space<semaphore_mem>>) src(%arg14 : memref<40x128xf32, #tpu.memory_space<vmem>>) dst(%dma_wait3A_233 : memref<10000x128xf32, #tpu.memory_space<vmem_shared>>)
      } else {
      }
      %add3A_164 = arith.constant 2 : i32
      %add3A_165 = arith.addi %add3A_136, %add3A_164 : i32
      %lt3A_166 = arith.constant 250 : i32
      %lt3A_167 = arith.cmpi slt, %add3A_165, %lt3A_166 : i32
      %convert_element_type3A_168 = arith.extui %lt3A_167 : i1 to i32
      %cond3A_169 = arith.constant 0 : i32
      %cond3A_170 = arith.cmpi ne, %convert_element_type3A_168, %cond3A_169 : i32
      scf.if %cond3A_170 {
        %dma_wait3A_231 = tpu.memref_slice %arg3[%mul3A_2] : memref<320000xi32, #tpu.memory_space<hbm>> -> memref<40xi32, #tpu.memory_space<hbm>>
        %dma_wait3A_232 = tpu.memref_slice %arg3[%mul3A_2] : memref<320000xi32, #tpu.memory_space<hbm>> -> memref<40xi32, #tpu.memory_space<hbm>>
        tpu.wait_dma2 semaphore(%arg21 : memref<!tpu.dma_semaphore, #tpu.memory_space<semaphore_mem>>) src(%dma_wait3A_232 : memref<40xi32, #tpu.memory_space<hbm>>) dst(%arg8 : memref<40xi32, #tpu.memory_space<vmem>>)
        %add3A_233 = arith.constant 2 : i32
        %add3A_234 = arith.addi %add3A_136, %add3A_233 : i32
        %dma_start3A_235 = arith.constant 0 : i32
        %dma_start3A_236 = arith.constant 0 : i32
        %dma_start3A_237 = tpu.memref_slice %arg2[%dma_start3A_235, %dma_start3A_236] : memref<10000x128xf32, #tpu.memory_space<hbm>> -> memref<10000x128xf32, #tpu.memory_space<hbm>>
        tpu.enqueue_indirect_dma source(%dma_start3A_237 : memref<10000x128xf32, #tpu.memory_space<hbm>>) target(%arg14 : memref<40x128xf32, #tpu.memory_space<vmem>>) offsets(%arg8 : memref<40xi32, #tpu.memory_space<vmem>>) semaphore(%arg27 : memref<!tpu.dma_semaphore, #tpu.memory_space<semaphore_mem>>)
        %mul3A_238 = arith.constant 40 : i32
        %mul3A_239 = arith.muli %add3A_234, %mul3A_238 : i32
        %add3A_240 = arith.addi %mul3A_2, %mul3A_239 : i32
        %dma_start3A_241 = arith.constant 0 : i32
        %dma_start3A_242 = tpu.memref_slice %arg5[%add3A_240, %dma_start3A_241] : memref<320000x128xf32, #tpu.memory_space<hbm>> -> memref<40x128xf32, #tpu.memory_space<hbm>>
        %dma_start3A_243 = arith.constant 0 : i32
        %dma_start3A_244 = tpu.memref_slice %arg5[%add3A_240, %dma_start3A_243] : memref<320000x128xf32, #tpu.memory_space<hbm>> -> memref<40x128xf32, #tpu.memory_space<hbm>>
        tpu.enqueue_dma source(%dma_start3A_244 : memref<40x128xf32, #tpu.memory_space<hbm>>) target(%arg17 : memref<40x128xf32, #tpu.memory_space<vmem>>) target_semaphore(%arg30 : memref<!tpu.dma_semaphore, #tpu.memory_space<semaphore_mem>>)
        %add3A_245 = arith.constant 2 : i32
        %add3A_246 = arith.addi %add3A_136, %add3A_245 : i32
        %mul3A_247 = arith.constant 40 : i32
        %mul3A_248 = arith.muli %add3A_246, %mul3A_247 : i32
        %add3A_249 = arith.addi %mul3A_2, %mul3A_248 : i32
        %dma_start3A_250 = tpu.memref_slice %arg4[%add3A_249] : memref<320000xi32, #tpu.memory_space<hbm>> -> memref<40xi32, #tpu.memory_space<hbm>>
        %dma_start3A_251 = tpu.memref_slice %arg4[%add3A_249] : memref<320000xi32, #tpu.memory_space<hbm>> -> memref<40xi32, #tpu.memory_space<hbm>>
        tpu.enqueue_dma source(%dma_start3A_251 : memref<40xi32, #tpu.memory_space<hbm>>) target(%arg11 : memref<40xi32, #tpu.memory_space<vmem>>) target_semaphore(%arg24 : memref<!tpu.dma_semaphore, #tpu.memory_space<semaphore_mem>>)
      } else {
      }
      %scan3A_171 = arith.constant 0 : i32
      %scan3A_172 = arith.constant 0 : i32
      %scan3A_173 = arith.constant 40 : i32
      %scan3A_174 = arith.addi %scan3A_172, %scan3A_173 : i32
      %scan3A_175 = arith.constant 1 : i32
      scf.for %scan3A_231 = %scan3A_172 to %scan3A_174 step %scan3A_175  : i32 {
        %get3A = arith.index_cast %scan3A_231 : i32 to index
        %get3A_232 = arith.constant 0 : index
        %get3A_233 = tpu.vector_load %arg15[%get3A, %get3A_232] {strides = array<i32>} : memref<40x128xf32, #tpu.memory_space<vmem>>, vector<1x16xf32>,
        %get3A_234 = vector.shape_cast %get3A_233 : vector<1x16xf32> to vector<16xf32>
        %get3A_235 = arith.index_cast %scan3A_231 : i32 to index
        %get3A_236 = arith.constant 0 : index
        %get3A_237 = tpu.vector_load %arg18[%get3A_235, %get3A_236] {strides = array<i32>} : memref<40x128xf32, #tpu.memory_space<vmem>>, vector<1x16xf32>,
        %get3A_238 = vector.shape_cast %get3A_237 : vector<1x16xf32> to vector<16xf32>
        %add3A_239 = arith.addf %get3A_234, %get3A_238 : vector<16xf32>
        %mul3A_240 = arith.constant 1.000000e-01 : f32
        %mul3A_241 = vector.broadcast %mul3A_240 : f32 to vector<16xf32>
        %mul3A_242 = arith.mulf %mul3A_241, %add3A_239 : vector<16xf32>
        %max3A = arith.maximumf %add3A_239, %mul3A_242 : vector<16xf32>
        %swap3A = arith.index_cast %scan3A_231 : i32 to index
        %swap3A_243 = arith.constant 0 : index
        %swap3A_244 = tpu.vector_load %arg15[%swap3A, %swap3A_243] {strides = array<i32>} : memref<40x128xf32, #tpu.memory_space<vmem>>, vector<1x16xf32>,
        %swap3A_245 = vector.shape_cast %swap3A_244 : vector<1x16xf32> to vector<16xf32>
        %swap3A_246 = vector.shape_cast %max3A : vector<16xf32> to vector<1x16xf32>
        tpu.vector_store %arg15[%swap3A, %swap3A_243], %swap3A_246 {strides = array<i32>} : memref<40x128xf32, #tpu.memory_space<vmem>>, vector<1x16xf32>,
        %get3A_247 = arith.index_cast %scan3A_231 : i32 to index
        %get3A_248 = arith.constant 16 : index
        %get3A_249 = tpu.vector_load %arg15[%get3A_247, %get3A_248] {strides = array<i32>} : memref<40x128xf32, #tpu.memory_space<vmem>>, vector<1x16xf32>,
        %get3A_250 = vector.shape_cast %get3A_249 : vector<1x16xf32> to vector<16xf32>
        %get3A_251 = arith.index_cast %scan3A_231 : i32 to index
        %get3A_252 = arith.constant 16 : index
        %get3A_253 = tpu.vector_load %arg18[%get3A_251, %get3A_252] {strides = array<i32>} : memref<40x128xf32, #tpu.memory_space<vmem>>, vector<1x16xf32>,
        %get3A_254 = vector.shape_cast %get3A_253 : vector<1x16xf32> to vector<16xf32>
        %add3A_255 = arith.addf %get3A_250, %get3A_254 : vector<16xf32>
        %mul3A_256 = arith.constant 1.000000e-01 : f32
        %mul3A_257 = vector.broadcast %mul3A_256 : f32 to vector<16xf32>
        %mul3A_258 = arith.mulf %mul3A_257, %add3A_255 : vector<16xf32>
        %max3A_259 = arith.maximumf %add3A_255, %mul3A_258 : vector<16xf32>
        %swap3A_260 = arith.index_cast %scan3A_231 : i32 to index
        %swap3A_261 = arith.constant 16 : index
        %swap3A_262 = tpu.vector_load %arg15[%swap3A_260, %swap3A_261] {strides = array<i32>} : memref<40x128xf32, #tpu.memory_space<vmem>>, vector<1x16xf32>,
        %swap3A_263 = vector.shape_cast %swap3A_262 : vector<1x16xf32> to vector<16xf32>
        %swap3A_264 = vector.shape_cast %max3A_259 : vector<16xf32> to vector<1x16xf32>
        tpu.vector_store %arg15[%swap3A_260, %swap3A_261], %swap3A_264 {strides = array<i32>} : memref<40x128xf32, #tpu.memory_space<vmem>>, vector<1x16xf32>,
        %get3A_265 = arith.index_cast %scan3A_231 : i32 to index
        %get3A_266 = arith.constant 32 : index
        %get3A_267 = tpu.vector_load %arg15[%get3A_265, %get3A_266] {strides = array<i32>} : memref<40x128xf32, #tpu.memory_space<vmem>>, vector<1x16xf32>,
        %get3A_268 = vector.shape_cast %get3A_267 : vector<1x16xf32> to vector<16xf32>
        %get3A_269 = arith.index_cast %scan3A_231 : i32 to index
        %get3A_270 = arith.constant 32 : index
        %get3A_271 = tpu.vector_load %arg18[%get3A_269, %get3A_270] {strides = array<i32>} : memref<40x128xf32, #tpu.memory_space<vmem>>, vector<1x16xf32>,
        %get3A_272 = vector.shape_cast %get3A_271 : vector<1x16xf32> to vector<16xf32>
        %add3A_273 = arith.addf %get3A_268, %get3A_272 : vector<16xf32>
        %mul3A_274 = arith.constant 1.000000e-01 : f32
        %mul3A_275 = vector.broadcast %mul3A_274 : f32 to vector<16xf32>
        %mul3A_276 = arith.mulf %mul3A_275, %add3A_273 : vector<16xf32>
        %max3A_277 = arith.maximumf %add3A_273, %mul3A_276 : vector<16xf32>
        %swap3A_278 = arith.index_cast %scan3A_231 : i32 to index
        %swap3A_279 = arith.constant 32 : index
        %swap3A_280 = tpu.vector_load %arg15[%swap3A_278, %swap3A_279] {strides = array<i32>} : memref<40x128xf32, #tpu.memory_space<vmem>>, vector<1x16xf32>,
        %swap3A_281 = vector.shape_cast %swap3A_280 : vector<1x16xf32> to vector<16xf32>
        %swap3A_282 = vector.shape_cast %max3A_277 : vector<16xf32> to vector<1x16xf32>
        tpu.vector_store %arg15[%swap3A_278, %swap3A_279], %swap3A_282 {strides = array<i32>} : memref<40x128xf32, #tpu.memory_space<vmem>>, vector<1x16xf32>,
        %get3A_283 = arith.index_cast %scan3A_231 : i32 to index
        %get3A_284 = arith.constant 48 : index
        %get3A_285 = tpu.vector_load %arg15[%get3A_283, %get3A_284] {strides = array<i32>} : memref<40x128xf32, #tpu.memory_space<vmem>>, vector<1x16xf32>,
        %get3A_286 = vector.shape_cast %get3A_285 : vector<1x16xf32> to vector<16xf32>
        %get3A_287 = arith.index_cast %scan3A_231 : i32 to index
        %get3A_288 = arith.constant 48 : index
        %get3A_289 = tpu.vector_load %arg18[%get3A_287, %get3A_288] {strides = array<i32>} : memref<40x128xf32, #tpu.memory_space<vmem>>, vector<1x16xf32>,
        %get3A_290 = vector.shape_cast %get3A_289 : vector<1x16xf32> to vector<16xf32>
        %add3A_291 = arith.addf %get3A_286, %get3A_290 : vector<16xf32>
        %mul3A_292 = arith.constant 1.000000e-01 : f32
        %mul3A_293 = vector.broadcast %mul3A_292 : f32 to vector<16xf32>
        %mul3A_294 = arith.mulf %mul3A_293, %add3A_291 : vector<16xf32>
        %max3A_295 = arith.maximumf %add3A_291, %mul3A_294 : vector<16xf32>
        %swap3A_296 = arith.index_cast %scan3A_231 : i32 to index
        %swap3A_297 = arith.constant 48 : index
        %swap3A_298 = tpu.vector_load %arg15[%swap3A_296, %swap3A_297] {strides = array<i32>} : memref<40x128xf32, #tpu.memory_space<vmem>>, vector<1x16xf32>,
        %swap3A_299 = vector.shape_cast %swap3A_298 : vector<1x16xf32> to vector<16xf32>
        %swap3A_300 = vector.shape_cast %max3A_295 : vector<16xf32> to vector<1x16xf32>
        tpu.vector_store %arg15[%swap3A_296, %swap3A_297], %swap3A_300 {strides = array<i32>} : memref<40x128xf32, #tpu.memory_space<vmem>>, vector<1x16xf32>,
        %get3A_301 = arith.index_cast %scan3A_231 : i32 to index
        %get3A_302 = arith.constant 64 : index
        %get3A_303 = tpu.vector_load %arg15[%get3A_301, %get3A_302] {strides = array<i32>} : memref<40x128xf32, #tpu.memory_space<vmem>>, vector<1x16xf32>,
        %get3A_304 = vector.shape_cast %get3A_303 : vector<1x16xf32> to vector<16xf32>
        %get3A_305 = arith.index_cast %scan3A_231 : i32 to index
        %get3A_306 = arith.constant 64 : index
        %get3A_307 = tpu.vector_load %arg18[%get3A_305, %get3A_306] {strides = array<i32>} : memref<40x128xf32, #tpu.memory_space<vmem>>, vector<1x16xf32>,
        %get3A_308 = vector.shape_cast %get3A_307 : vector<1x16xf32> to vector<16xf32>
        %add3A_309 = arith.addf %get3A_304, %get3A_308 : vector<16xf32>
        %mul3A_310 = arith.constant 1.000000e-01 : f32
        %mul3A_311 = vector.broadcast %mul3A_310 : f32 to vector<16xf32>
        %mul3A_312 = arith.mulf %mul3A_311, %add3A_309 : vector<16xf32>
        %max3A_313 = arith.maximumf %add3A_309, %mul3A_312 : vector<16xf32>
        %swap3A_314 = arith.index_cast %scan3A_231 : i32 to index
        %swap3A_315 = arith.constant 64 : index
        %swap3A_316 = tpu.vector_load %arg15[%swap3A_314, %swap3A_315] {strides = array<i32>} : memref<40x128xf32, #tpu.memory_space<vmem>>, vector<1x16xf32>,
        %swap3A_317 = vector.shape_cast %swap3A_316 : vector<1x16xf32> to vector<16xf32>
        %swap3A_318 = vector.shape_cast %max3A_313 : vector<16xf32> to vector<1x16xf32>
        tpu.vector_store %arg15[%swap3A_314, %swap3A_315], %swap3A_318 {strides = array<i32>} : memref<40x128xf32, #tpu.memory_space<vmem>>, vector<1x16xf32>,
        %get3A_319 = arith.index_cast %scan3A_231 : i32 to index
        %get3A_320 = arith.constant 80 : index
        %get3A_321 = tpu.vector_load %arg15[%get3A_319, %get3A_320] {strides = array<i32>} : memref<40x128xf32, #tpu.memory_space<vmem>>, vector<1x16xf32>,
        %get3A_322 = vector.shape_cast %get3A_321 : vector<1x16xf32> to vector<16xf32>
        %get3A_323 = arith.index_cast %scan3A_231 : i32 to index
        %get3A_324 = arith.constant 80 : index
        %get3A_325 = tpu.vector_load %arg18[%get3A_323, %get3A_324] {strides = array<i32>} : memref<40x128xf32, #tpu.memory_space<vmem>>, vector<1x16xf32>,
        %get3A_326 = vector.shape_cast %get3A_325 : vector<1x16xf32> to vector<16xf32>
        %add3A_327 = arith.addf %get3A_322, %get3A_326 : vector<16xf32>
        %mul3A_328 = arith.constant 1.000000e-01 : f32
        %mul3A_329 = vector.broadcast %mul3A_328 : f32 to vector<16xf32>
        %mul3A_330 = arith.mulf %mul3A_329, %add3A_327 : vector<16xf32>
        %max3A_331 = arith.maximumf %add3A_327, %mul3A_330 : vector<16xf32>
        %swap3A_332 = arith.index_cast %scan3A_231 : i32 to index
        %swap3A_333 = arith.constant 80 : index
        %swap3A_334 = tpu.vector_load %arg15[%swap3A_332, %swap3A_333] {strides = array<i32>} : memref<40x128xf32, #tpu.memory_space<vmem>>, vector<1x16xf32>,
        %swap3A_335 = vector.shape_cast %swap3A_334 : vector<1x16xf32> to vector<16xf32>
        %swap3A_336 = vector.shape_cast %max3A_331 : vector<16xf32> to vector<1x16xf32>
        tpu.vector_store %arg15[%swap3A_332, %swap3A_333], %swap3A_336 {strides = array<i32>} : memref<40x128xf32, #tpu.memory_space<vmem>>, vector<1x16xf32>,
        %get3A_337 = arith.index_cast %scan3A_231 : i32 to index
        %get3A_338 = arith.constant 96 : index
        %get3A_339 = tpu.vector_load %arg15[%get3A_337, %get3A_338] {strides = array<i32>} : memref<40x128xf32, #tpu.memory_space<vmem>>, vector<1x16xf32>,
        %get3A_340 = vector.shape_cast %get3A_339 : vector<1x16xf32> to vector<16xf32>
        %get3A_341 = arith.index_cast %scan3A_231 : i32 to index
        %get3A_342 = arith.constant 96 : index
        %get3A_343 = tpu.vector_load %arg18[%get3A_341, %get3A_342] {strides = array<i32>} : memref<40x128xf32, #tpu.memory_space<vmem>>, vector<1x16xf32>,
        %get3A_344 = vector.shape_cast %get3A_343 : vector<1x16xf32> to vector<16xf32>
        %add3A_345 = arith.addf %get3A_340, %get3A_344 : vector<16xf32>
        %mul3A_346 = arith.constant 1.000000e-01 : f32
        %mul3A_347 = vector.broadcast %mul3A_346 : f32 to vector<16xf32>
        %mul3A_348 = arith.mulf %mul3A_347, %add3A_345 : vector<16xf32>
        %max3A_349 = arith.maximumf %add3A_345, %mul3A_348 : vector<16xf32>
        %swap3A_350 = arith.index_cast %scan3A_231 : i32 to index
        %swap3A_351 = arith.constant 96 : index
        %swap3A_352 = tpu.vector_load %arg15[%swap3A_350, %swap3A_351] {strides = array<i32>} : memref<40x128xf32, #tpu.memory_space<vmem>>, vector<1x16xf32>,
        %swap3A_353 = vector.shape_cast %swap3A_352 : vector<1x16xf32> to vector<16xf32>
        %swap3A_354 = vector.shape_cast %max3A_349 : vector<16xf32> to vector<1x16xf32>
        tpu.vector_store %arg15[%swap3A_350, %swap3A_351], %swap3A_354 {strides = array<i32>} : memref<40x128xf32, #tpu.memory_space<vmem>>, vector<1x16xf32>,
        %get3A_355 = arith.index_cast %scan3A_231 : i32 to index
        %get3A_356 = arith.constant 112 : index
        %get3A_357 = tpu.vector_load %arg15[%get3A_355, %get3A_356] {strides = array<i32>} : memref<40x128xf32, #tpu.memory_space<vmem>>, vector<1x16xf32>,
        %get3A_358 = vector.shape_cast %get3A_357 : vector<1x16xf32> to vector<16xf32>
        %get3A_359 = arith.index_cast %scan3A_231 : i32 to index
        %get3A_360 = arith.constant 112 : index
        %get3A_361 = tpu.vector_load %arg18[%get3A_359, %get3A_360] {strides = array<i32>} : memref<40x128xf32, #tpu.memory_space<vmem>>, vector<1x16xf32>,
        %get3A_362 = vector.shape_cast %get3A_361 : vector<1x16xf32> to vector<16xf32>
        %add3A_363 = arith.addf %get3A_358, %get3A_362 : vector<16xf32>
        %mul3A_364 = arith.constant 1.000000e-01 : f32
        %mul3A_365 = vector.broadcast %mul3A_364 : f32 to vector<16xf32>
        %mul3A_366 = arith.mulf %mul3A_365, %add3A_363 : vector<16xf32>
        %max3A_367 = arith.maximumf %add3A_363, %mul3A_366 : vector<16xf32>
        %swap3A_368 = arith.index_cast %scan3A_231 : i32 to index
        %swap3A_369 = arith.constant 112 : index
        %swap3A_370 = tpu.vector_load %arg15[%swap3A_368, %swap3A_369] {strides = array<i32>} : memref<40x128xf32, #tpu.memory_space<vmem>>, vector<1x16xf32>,
        %swap3A_371 = vector.shape_cast %swap3A_370 : vector<1x16xf32> to vector<16xf32>
        %swap3A_372 = vector.shape_cast %max3A_367 : vector<16xf32> to vector<1x16xf32>
        tpu.vector_store %arg15[%swap3A_368, %swap3A_369], %swap3A_372 {strides = array<i32>} : memref<40x128xf32, #tpu.memory_space<vmem>>, vector<1x16xf32>,
      }
      %scan3A_176 = arith.constant 40 : i32
      %dma_wait3A_177 = tpu.memref_slice %arg4[%mul3A_2] : memref<320000xi32, #tpu.memory_space<hbm>> -> memref<40xi32, #tpu.memory_space<hbm>>
      %dma_wait3A_178 = tpu.memref_slice %arg4[%mul3A_2] : memref<320000xi32, #tpu.memory_space<hbm>> -> memref<40xi32, #tpu.memory_space<hbm>>
      tpu.wait_dma2 semaphore(%arg25 : memref<!tpu.dma_semaphore, #tpu.memory_space<semaphore_mem>>) src(%dma_wait3A_178 : memref<40xi32, #tpu.memory_space<hbm>>) dst(%arg12 : memref<40xi32, #tpu.memory_space<vmem>>)
      %dma_start3A_179 = arith.constant 0 : i32
      %dma_start3A_180 = arith.constant 0 : i32
      %dma_start3A_181 = tpu.memref_slice %arg20[%dma_start3A_179, %dma_start3A_180] : memref<10000x128xf32, #tpu.memory_space<vmem_shared>> -> memref<10000x128xf32, #tpu.memory_space<vmem_shared>>
      tpu.enqueue_indirect_dma source(%arg15 : memref<40x128xf32, #tpu.memory_space<vmem>>) target(%dma_start3A_181 : memref<10000x128xf32, #tpu.memory_space<vmem_shared>>) offsets(%arg12 : memref<40xi32, #tpu.memory_space<vmem>>) semaphore(%arg34 : memref<!tpu.dma_semaphore, #tpu.memory_space<semaphore_mem>>) {add = true}
      %mul3A_182 = arith.constant 3 : i32
      %mul3A_183 = arith.muli %mul3A_182, %scan3A_90 : i32
      %add3A_184 = arith.constant 2 : i32
      %add3A_185 = arith.addi %mul3A_183, %add3A_184 : i32
      %dma_wait3A_186 = arith.constant 0 : i32
      %dma_wait3A_187 = arith.constant 0 : i32
      %dma_wait3A_188 = tpu.memref_slice %arg2[%dma_wait3A_186, %dma_wait3A_187] : memref<10000x128xf32, #tpu.memory_space<hbm>> -> memref<10000x128xf32, #tpu.memory_space<hbm>>
      tpu.wait_indirect_dma semaphore(%arg29 : memref<!tpu.dma_semaphore, #tpu.memory_space<semaphore_mem>>) src(%dma_wait3A_188 : memref<10000x128xf32, #tpu.memory_space<hbm>>) dst(%arg16 : memref<40x128xf32, #tpu.memory_space<vmem>>)
      %mul3A_189 = arith.constant 40 : i32
      %mul3A_190 = arith.muli %add3A_185, %mul3A_189 : i32
      %add3A_191 = arith.addi %mul3A_2, %mul3A_190 : i32
      %dma_wait3A_192 = arith.constant 0 : i32
      %dma_wait3A_193 = tpu.memref_slice %arg5[%add3A_191, %dma_wait3A_192] : memref<320000x128xf32, #tpu.memory_space<hbm>> -> memref<40x128xf32, #tpu.memory_space<hbm>>
      %dma_wait3A_194 = arith.constant 0 : i32
      %dma_wait3A_195 = tpu.memref_slice %arg5[%add3A_191, %dma_wait3A_194] : memref<320000x128xf32, #tpu.memory_space<hbm>> -> memref<40x128xf32, #tpu.memory_space<hbm>>
      tpu.wait_dma2 semaphore(%arg32 : memref<!tpu.dma_semaphore, #tpu.memory_space<semaphore_mem>>) src(%dma_wait3A_195 : memref<40x128xf32, #tpu.memory_space<hbm>>) dst(%arg19 : memref<40x128xf32, #tpu.memory_space<vmem>>)
      %add3A_196 = arith.constant 3 : i32
      %add3A_197 = arith.addi %add3A_185, %add3A_196 : i32
      %lt3A_198 = arith.constant 250 : i32
      %lt3A_199 = arith.cmpi slt, %add3A_197, %lt3A_198 : i32
      %convert_element_type3A_200 = arith.extui %lt3A_199 : i1 to i32
      %cond3A_201 = arith.constant 0 : i32
      %cond3A_202 = arith.cmpi ne, %convert_element_type3A_200, %cond3A_201 : i32
      scf.if %cond3A_202 {
        %add3A_231 = arith.constant 3 : i32
        %add3A_232 = arith.addi %add3A_185, %add3A_231 : i32
        %mul3A_233 = arith.constant 40 : i32
        %mul3A_234 = arith.muli %add3A_232, %mul3A_233 : i32
        %add3A_235 = arith.addi %mul3A_2, %mul3A_234 : i32
        %dma_start3A_236 = tpu.memref_slice %arg3[%add3A_235] : memref<320000xi32, #tpu.memory_space<hbm>> -> memref<40xi32, #tpu.memory_space<hbm>>
        %dma_start3A_237 = tpu.memref_slice %arg3[%add3A_235] : memref<320000xi32, #tpu.memory_space<hbm>> -> memref<40xi32, #tpu.memory_space<hbm>>
        tpu.enqueue_dma source(%dma_start3A_237 : memref<40xi32, #tpu.memory_space<hbm>>) target(%arg10 : memref<40xi32, #tpu.memory_space<vmem>>) target_semaphore(%arg23 : memref<!tpu.dma_semaphore, #tpu.memory_space<semaphore_mem>>)
      } else {
      }
      %ge3A_203 = arith.constant 1 : i32
      %ge3A_204 = arith.cmpi sge, %add3A_185, %ge3A_203 : i32
      %add3A_205 = arith.constant 2 : i32
      %add3A_206 = arith.addi %add3A_185, %add3A_205 : i32
      %lt3A_207 = arith.constant 250 : i32
      %lt3A_208 = arith.cmpi slt, %add3A_206, %lt3A_207 : i32
      %and3A_209 = arith.andi %ge3A_204, %lt3A_208 : i1
      %convert_element_type3A_210 = arith.extui %and3A_209 : i1 to i32
      %cond3A_211 = arith.constant 0 : i32
      %cond3A_212 = arith.cmpi ne, %convert_element_type3A_210, %cond3A_211 : i32
      scf.if %cond3A_212 {
        %dma_wait3A_231 = arith.constant 0 : i32
        %dma_wait3A_232 = arith.constant 0 : i32
        %dma_wait3A_233 = tpu.memref_slice %arg20[%dma_wait3A_231, %dma_wait3A_232] : memref<10000x128xf32, #tpu.memory_space<vmem_shared>> -> memref<10000x128xf32, #tpu.memory_space<vmem_shared>>
        tpu.wait_indirect_dma semaphore(%arg34 : memref<!tpu.dma_semaphore, #tpu.memory_space<semaphore_mem>>) src(%arg15 : memref<40x128xf32, #tpu.memory_space<vmem>>) dst(%dma_wait3A_233 : memref<10000x128xf32, #tpu.memory_space<vmem_shared>>)
      } else {
      }
      %add3A_213 = arith.constant 2 : i32
      %add3A_214 = arith.addi %add3A_185, %add3A_213 : i32
      %lt3A_215 = arith.constant 250 : i32
      %lt3A_216 = arith.cmpi slt, %add3A_214, %lt3A_215 : i32
      %convert_element_type3A_217 = arith.extui %lt3A_216 : i1 to i32
      %cond3A_218 = arith.constant 0 : i32
      %cond3A_219 = arith.cmpi ne, %convert_element_type3A_217, %cond3A_218 : i32
      scf.if %cond3A_219 {
        %dma_wait3A_231 = tpu.memref_slice %arg3[%mul3A_2] : memref<320000xi32, #tpu.memory_space<hbm>> -> memref<40xi32, #tpu.memory_space<hbm>>
        %dma_wait3A_232 = tpu.memref_slice %arg3[%mul3A_2] : memref<320000xi32, #tpu.memory_space<hbm>> -> memref<40xi32, #tpu.memory_space<hbm>>
        tpu.wait_dma2 semaphore(%arg22 : memref<!tpu.dma_semaphore, #tpu.memory_space<semaphore_mem>>) src(%dma_wait3A_232 : memref<40xi32, #tpu.memory_space<hbm>>) dst(%arg9 : memref<40xi32, #tpu.memory_space<vmem>>)
        %add3A_233 = arith.constant 2 : i32
        %add3A_234 = arith.addi %add3A_185, %add3A_233 : i32
        %dma_start3A_235 = arith.constant 0 : i32
        %dma_start3A_236 = arith.constant 0 : i32
        %dma_start3A_237 = tpu.memref_slice %arg2[%dma_start3A_235, %dma_start3A_236] : memref<10000x128xf32, #tpu.memory_space<hbm>> -> memref<10000x128xf32, #tpu.memory_space<hbm>>
        tpu.enqueue_indirect_dma source(%dma_start3A_237 : memref<10000x128xf32, #tpu.memory_space<hbm>>) target(%arg15 : memref<40x128xf32, #tpu.memory_space<vmem>>) offsets(%arg9 : memref<40xi32, #tpu.memory_space<vmem>>) semaphore(%arg28 : memref<!tpu.dma_semaphore, #tpu.memory_space<semaphore_mem>>)
        %mul3A_238 = arith.constant 40 : i32
        %mul3A_239 = arith.muli %add3A_234, %mul3A_238 : i32
        %add3A_240 = arith.addi %mul3A_2, %mul3A_239 : i32
        %dma_start3A_241 = arith.constant 0 : i32
        %dma_start3A_242 = tpu.memref_slice %arg5[%add3A_240, %dma_start3A_241] : memref<320000x128xf32, #tpu.memory_space<hbm>> -> memref<40x128xf32, #tpu.memory_space<hbm>>
        %dma_start3A_243 = arith.constant 0 : i32
        %dma_start3A_244 = tpu.memref_slice %arg5[%add3A_240, %dma_start3A_243] : memref<320000x128xf32, #tpu.memory_space<hbm>> -> memref<40x128xf32, #tpu.memory_space<hbm>>
        tpu.enqueue_dma source(%dma_start3A_244 : memref<40x128xf32, #tpu.memory_space<hbm>>) target(%arg18 : memref<40x128xf32, #tpu.memory_space<vmem>>) target_semaphore(%arg31 : memref<!tpu.dma_semaphore, #tpu.memory_space<semaphore_mem>>)
        %add3A_245 = arith.constant 2 : i32
        %add3A_246 = arith.addi %add3A_185, %add3A_245 : i32
        %mul3A_247 = arith.constant 40 : i32
        %mul3A_248 = arith.muli %add3A_246, %mul3A_247 : i32
        %add3A_249 = arith.addi %mul3A_2, %mul3A_248 : i32
        %dma_start3A_250 = tpu.memref_slice %arg4[%add3A_249] : memref<320000xi32, #tpu.memory_space<hbm>> -> memref<40xi32, #tpu.memory_space<hbm>>
        %dma_start3A_251 = tpu.memref_slice %arg4[%add3A_249] : memref<320000xi32, #tpu.memory_space<hbm>> -> memref<40xi32, #tpu.memory_space<hbm>>
        tpu.enqueue_dma source(%dma_start3A_251 : memref<40xi32, #tpu.memory_space<hbm>>) target(%arg12 : memref<40xi32, #tpu.memory_space<vmem>>) target_semaphore(%arg25 : memref<!tpu.dma_semaphore, #tpu.memory_space<semaphore_mem>>)
      } else {
      }
      %scan3A_220 = arith.constant 0 : i32
      %scan3A_221 = arith.constant 0 : i32
      %scan3A_222 = arith.constant 40 : i32
      %scan3A_223 = arith.addi %scan3A_221, %scan3A_222 : i32
      %scan3A_224 = arith.constant 1 : i32
      scf.for %scan3A_231 = %scan3A_221 to %scan3A_223 step %scan3A_224  : i32 {
        %get3A = arith.index_cast %scan3A_231 : i32 to index
        %get3A_232 = arith.constant 0 : index
        %get3A_233 = tpu.vector_load %arg16[%get3A, %get3A_232] {strides = array<i32>} : memref<40x128xf32, #tpu.memory_space<vmem>>, vector<1x16xf32>,
        %get3A_234 = vector.shape_cast %get3A_233 : vector<1x16xf32> to vector<16xf32>
        %get3A_235 = arith.index_cast %scan3A_231 : i32 to index
        %get3A_236 = arith.constant 0 : index
        %get3A_237 = tpu.vector_load %arg19[%get3A_235, %get3A_236] {strides = array<i32>} : memref<40x128xf32, #tpu.memory_space<vmem>>, vector<1x16xf32>,
        %get3A_238 = vector.shape_cast %get3A_237 : vector<1x16xf32> to vector<16xf32>
        %add3A_239 = arith.addf %get3A_234, %get3A_238 : vector<16xf32>
        %mul3A_240 = arith.constant 1.000000e-01 : f32
        %mul3A_241 = vector.broadcast %mul3A_240 : f32 to vector<16xf32>
        %mul3A_242 = arith.mulf %mul3A_241, %add3A_239 : vector<16xf32>
        %max3A = arith.maximumf %add3A_239, %mul3A_242 : vector<16xf32>
        %swap3A = arith.index_cast %scan3A_231 : i32 to index
        %swap3A_243 = arith.constant 0 : index
        %swap3A_244 = tpu.vector_load %arg16[%swap3A, %swap3A_243] {strides = array<i32>} : memref<40x128xf32, #tpu.memory_space<vmem>>, vector<1x16xf32>,
        %swap3A_245 = vector.shape_cast %swap3A_244 : vector<1x16xf32> to vector<16xf32>
        %swap3A_246 = vector.shape_cast %max3A : vector<16xf32> to vector<1x16xf32>
        tpu.vector_store %arg16[%swap3A, %swap3A_243], %swap3A_246 {strides = array<i32>} : memref<40x128xf32, #tpu.memory_space<vmem>>, vector<1x16xf32>,
        %get3A_247 = arith.index_cast %scan3A_231 : i32 to index
        %get3A_248 = arith.constant 16 : index
        %get3A_249 = tpu.vector_load %arg16[%get3A_247, %get3A_248] {strides = array<i32>} : memref<40x128xf32, #tpu.memory_space<vmem>>, vector<1x16xf32>,
        %get3A_250 = vector.shape_cast %get3A_249 : vector<1x16xf32> to vector<16xf32>
        %get3A_251 = arith.index_cast %scan3A_231 : i32 to index
        %get3A_252 = arith.constant 16 : index
        %get3A_253 = tpu.vector_load %arg19[%get3A_251, %get3A_252] {strides = array<i32>} : memref<40x128xf32, #tpu.memory_space<vmem>>, vector<1x16xf32>,
        %get3A_254 = vector.shape_cast %get3A_253 : vector<1x16xf32> to vector<16xf32>
        %add3A_255 = arith.addf %get3A_250, %get3A_254 : vector<16xf32>
        %mul3A_256 = arith.constant 1.000000e-01 : f32
        %mul3A_257 = vector.broadcast %mul3A_256 : f32 to vector<16xf32>
        %mul3A_258 = arith.mulf %mul3A_257, %add3A_255 : vector<16xf32>
        %max3A_259 = arith.maximumf %add3A_255, %mul3A_258 : vector<16xf32>
        %swap3A_260 = arith.index_cast %scan3A_231 : i32 to index
        %swap3A_261 = arith.constant 16 : index
        %swap3A_262 = tpu.vector_load %arg16[%swap3A_260, %swap3A_261] {strides = array<i32>} : memref<40x128xf32, #tpu.memory_space<vmem>>, vector<1x16xf32>,
        %swap3A_263 = vector.shape_cast %swap3A_262 : vector<1x16xf32> to vector<16xf32>
        %swap3A_264 = vector.shape_cast %max3A_259 : vector<16xf32> to vector<1x16xf32>
        tpu.vector_store %arg16[%swap3A_260, %swap3A_261], %swap3A_264 {strides = array<i32>} : memref<40x128xf32, #tpu.memory_space<vmem>>, vector<1x16xf32>,
        %get3A_265 = arith.index_cast %scan3A_231 : i32 to index
        %get3A_266 = arith.constant 32 : index
        %get3A_267 = tpu.vector_load %arg16[%get3A_265, %get3A_266] {strides = array<i32>} : memref<40x128xf32, #tpu.memory_space<vmem>>, vector<1x16xf32>,
        %get3A_268 = vector.shape_cast %get3A_267 : vector<1x16xf32> to vector<16xf32>
        %get3A_269 = arith.index_cast %scan3A_231 : i32 to index
        %get3A_270 = arith.constant 32 : index
        %get3A_271 = tpu.vector_load %arg19[%get3A_269, %get3A_270] {strides = array<i32>} : memref<40x128xf32, #tpu.memory_space<vmem>>, vector<1x16xf32>,
        %get3A_272 = vector.shape_cast %get3A_271 : vector<1x16xf32> to vector<16xf32>
        %add3A_273 = arith.addf %get3A_268, %get3A_272 : vector<16xf32>
        %mul3A_274 = arith.constant 1.000000e-01 : f32
        %mul3A_275 = vector.broadcast %mul3A_274 : f32 to vector<16xf32>
        %mul3A_276 = arith.mulf %mul3A_275, %add3A_273 : vector<16xf32>
        %max3A_277 = arith.maximumf %add3A_273, %mul3A_276 : vector<16xf32>
        %swap3A_278 = arith.index_cast %scan3A_231 : i32 to index
        %swap3A_279 = arith.constant 32 : index
        %swap3A_280 = tpu.vector_load %arg16[%swap3A_278, %swap3A_279] {strides = array<i32>} : memref<40x128xf32, #tpu.memory_space<vmem>>, vector<1x16xf32>,
        %swap3A_281 = vector.shape_cast %swap3A_280 : vector<1x16xf32> to vector<16xf32>
        %swap3A_282 = vector.shape_cast %max3A_277 : vector<16xf32> to vector<1x16xf32>
        tpu.vector_store %arg16[%swap3A_278, %swap3A_279], %swap3A_282 {strides = array<i32>} : memref<40x128xf32, #tpu.memory_space<vmem>>, vector<1x16xf32>,
        %get3A_283 = arith.index_cast %scan3A_231 : i32 to index
        %get3A_284 = arith.constant 48 : index
        %get3A_285 = tpu.vector_load %arg16[%get3A_283, %get3A_284] {strides = array<i32>} : memref<40x128xf32, #tpu.memory_space<vmem>>, vector<1x16xf32>,
        %get3A_286 = vector.shape_cast %get3A_285 : vector<1x16xf32> to vector<16xf32>
        %get3A_287 = arith.index_cast %scan3A_231 : i32 to index
        %get3A_288 = arith.constant 48 : index
        %get3A_289 = tpu.vector_load %arg19[%get3A_287, %get3A_288] {strides = array<i32>} : memref<40x128xf32, #tpu.memory_space<vmem>>, vector<1x16xf32>,
        %get3A_290 = vector.shape_cast %get3A_289 : vector<1x16xf32> to vector<16xf32>
        %add3A_291 = arith.addf %get3A_286, %get3A_290 : vector<16xf32>
        %mul3A_292 = arith.constant 1.000000e-01 : f32
        %mul3A_293 = vector.broadcast %mul3A_292 : f32 to vector<16xf32>
        %mul3A_294 = arith.mulf %mul3A_293, %add3A_291 : vector<16xf32>
        %max3A_295 = arith.maximumf %add3A_291, %mul3A_294 : vector<16xf32>
        %swap3A_296 = arith.index_cast %scan3A_231 : i32 to index
        %swap3A_297 = arith.constant 48 : index
        %swap3A_298 = tpu.vector_load %arg16[%swap3A_296, %swap3A_297] {strides = array<i32>} : memref<40x128xf32, #tpu.memory_space<vmem>>, vector<1x16xf32>,
        %swap3A_299 = vector.shape_cast %swap3A_298 : vector<1x16xf32> to vector<16xf32>
        %swap3A_300 = vector.shape_cast %max3A_295 : vector<16xf32> to vector<1x16xf32>
        tpu.vector_store %arg16[%swap3A_296, %swap3A_297], %swap3A_300 {strides = array<i32>} : memref<40x128xf32, #tpu.memory_space<vmem>>, vector<1x16xf32>,
        %get3A_301 = arith.index_cast %scan3A_231 : i32 to index
        %get3A_302 = arith.constant 64 : index
        %get3A_303 = tpu.vector_load %arg16[%get3A_301, %get3A_302] {strides = array<i32>} : memref<40x128xf32, #tpu.memory_space<vmem>>, vector<1x16xf32>,
        %get3A_304 = vector.shape_cast %get3A_303 : vector<1x16xf32> to vector<16xf32>
        %get3A_305 = arith.index_cast %scan3A_231 : i32 to index
        %get3A_306 = arith.constant 64 : index
        %get3A_307 = tpu.vector_load %arg19[%get3A_305, %get3A_306] {strides = array<i32>} : memref<40x128xf32, #tpu.memory_space<vmem>>, vector<1x16xf32>,
        %get3A_308 = vector.shape_cast %get3A_307 : vector<1x16xf32> to vector<16xf32>
        %add3A_309 = arith.addf %get3A_304, %get3A_308 : vector<16xf32>
        %mul3A_310 = arith.constant 1.000000e-01 : f32
        %mul3A_311 = vector.broadcast %mul3A_310 : f32 to vector<16xf32>
        %mul3A_312 = arith.mulf %mul3A_311, %add3A_309 : vector<16xf32>
        %max3A_313 = arith.maximumf %add3A_309, %mul3A_312 : vector<16xf32>
        %swap3A_314 = arith.index_cast %scan3A_231 : i32 to index
        %swap3A_315 = arith.constant 64 : index
        %swap3A_316 = tpu.vector_load %arg16[%swap3A_314, %swap3A_315] {strides = array<i32>} : memref<40x128xf32, #tpu.memory_space<vmem>>, vector<1x16xf32>,
        %swap3A_317 = vector.shape_cast %swap3A_316 : vector<1x16xf32> to vector<16xf32>
        %swap3A_318 = vector.shape_cast %max3A_313 : vector<16xf32> to vector<1x16xf32>
        tpu.vector_store %arg16[%swap3A_314, %swap3A_315], %swap3A_318 {strides = array<i32>} : memref<40x128xf32, #tpu.memory_space<vmem>>, vector<1x16xf32>,
        %get3A_319 = arith.index_cast %scan3A_231 : i32 to index
        %get3A_320 = arith.constant 80 : index
        %get3A_321 = tpu.vector_load %arg16[%get3A_319, %get3A_320] {strides = array<i32>} : memref<40x128xf32, #tpu.memory_space<vmem>>, vector<1x16xf32>,
        %get3A_322 = vector.shape_cast %get3A_321 : vector<1x16xf32> to vector<16xf32>
        %get3A_323 = arith.index_cast %scan3A_231 : i32 to index
        %get3A_324 = arith.constant 80 : index
        %get3A_325 = tpu.vector_load %arg19[%get3A_323, %get3A_324] {strides = array<i32>} : memref<40x128xf32, #tpu.memory_space<vmem>>, vector<1x16xf32>,
        %get3A_326 = vector.shape_cast %get3A_325 : vector<1x16xf32> to vector<16xf32>
        %add3A_327 = arith.addf %get3A_322, %get3A_326 : vector<16xf32>
        %mul3A_328 = arith.constant 1.000000e-01 : f32
        %mul3A_329 = vector.broadcast %mul3A_328 : f32 to vector<16xf32>
        %mul3A_330 = arith.mulf %mul3A_329, %add3A_327 : vector<16xf32>
        %max3A_331 = arith.maximumf %add3A_327, %mul3A_330 : vector<16xf32>
        %swap3A_332 = arith.index_cast %scan3A_231 : i32 to index
        %swap3A_333 = arith.constant 80 : index
        %swap3A_334 = tpu.vector_load %arg16[%swap3A_332, %swap3A_333] {strides = array<i32>} : memref<40x128xf32, #tpu.memory_space<vmem>>, vector<1x16xf32>,
        %swap3A_335 = vector.shape_cast %swap3A_334 : vector<1x16xf32> to vector<16xf32>
        %swap3A_336 = vector.shape_cast %max3A_331 : vector<16xf32> to vector<1x16xf32>
        tpu.vector_store %arg16[%swap3A_332, %swap3A_333], %swap3A_336 {strides = array<i32>} : memref<40x128xf32, #tpu.memory_space<vmem>>, vector<1x16xf32>,
        %get3A_337 = arith.index_cast %scan3A_231 : i32 to index
        %get3A_338 = arith.constant 96 : index
        %get3A_339 = tpu.vector_load %arg16[%get3A_337, %get3A_338] {strides = array<i32>} : memref<40x128xf32, #tpu.memory_space<vmem>>, vector<1x16xf32>,
        %get3A_340 = vector.shape_cast %get3A_339 : vector<1x16xf32> to vector<16xf32>
        %get3A_341 = arith.index_cast %scan3A_231 : i32 to index
        %get3A_342 = arith.constant 96 : index
        %get3A_343 = tpu.vector_load %arg19[%get3A_341, %get3A_342] {strides = array<i32>} : memref<40x128xf32, #tpu.memory_space<vmem>>, vector<1x16xf32>,
        %get3A_344 = vector.shape_cast %get3A_343 : vector<1x16xf32> to vector<16xf32>
        %add3A_345 = arith.addf %get3A_340, %get3A_344 : vector<16xf32>
        %mul3A_346 = arith.constant 1.000000e-01 : f32
        %mul3A_347 = vector.broadcast %mul3A_346 : f32 to vector<16xf32>
        %mul3A_348 = arith.mulf %mul3A_347, %add3A_345 : vector<16xf32>
        %max3A_349 = arith.maximumf %add3A_345, %mul3A_348 : vector<16xf32>
        %swap3A_350 = arith.index_cast %scan3A_231 : i32 to index
        %swap3A_351 = arith.constant 96 : index
        %swap3A_352 = tpu.vector_load %arg16[%swap3A_350, %swap3A_351] {strides = array<i32>} : memref<40x128xf32, #tpu.memory_space<vmem>>, vector<1x16xf32>,
        %swap3A_353 = vector.shape_cast %swap3A_352 : vector<1x16xf32> to vector<16xf32>
        %swap3A_354 = vector.shape_cast %max3A_349 : vector<16xf32> to vector<1x16xf32>
        tpu.vector_store %arg16[%swap3A_350, %swap3A_351], %swap3A_354 {strides = array<i32>} : memref<40x128xf32, #tpu.memory_space<vmem>>, vector<1x16xf32>,
        %get3A_355 = arith.index_cast %scan3A_231 : i32 to index
        %get3A_356 = arith.constant 112 : index
        %get3A_357 = tpu.vector_load %arg16[%get3A_355, %get3A_356] {strides = array<i32>} : memref<40x128xf32, #tpu.memory_space<vmem>>, vector<1x16xf32>,
        %get3A_358 = vector.shape_cast %get3A_357 : vector<1x16xf32> to vector<16xf32>
        %get3A_359 = arith.index_cast %scan3A_231 : i32 to index
        %get3A_360 = arith.constant 112 : index
        %get3A_361 = tpu.vector_load %arg19[%get3A_359, %get3A_360] {strides = array<i32>} : memref<40x128xf32, #tpu.memory_space<vmem>>, vector<1x16xf32>,
        %get3A_362 = vector.shape_cast %get3A_361 : vector<1x16xf32> to vector<16xf32>
        %add3A_363 = arith.addf %get3A_358, %get3A_362 : vector<16xf32>
        %mul3A_364 = arith.constant 1.000000e-01 : f32
        %mul3A_365 = vector.broadcast %mul3A_364 : f32 to vector<16xf32>
        %mul3A_366 = arith.mulf %mul3A_365, %add3A_363 : vector<16xf32>
        %max3A_367 = arith.maximumf %add3A_363, %mul3A_366 : vector<16xf32>
        %swap3A_368 = arith.index_cast %scan3A_231 : i32 to index
        %swap3A_369 = arith.constant 112 : index
        %swap3A_370 = tpu.vector_load %arg16[%swap3A_368, %swap3A_369] {strides = array<i32>} : memref<40x128xf32, #tpu.memory_space<vmem>>, vector<1x16xf32>,
        %swap3A_371 = vector.shape_cast %swap3A_370 : vector<1x16xf32> to vector<16xf32>
        %swap3A_372 = vector.shape_cast %max3A_367 : vector<16xf32> to vector<1x16xf32>
        tpu.vector_store %arg16[%swap3A_368, %swap3A_369], %swap3A_372 {strides = array<i32>} : memref<40x128xf32, #tpu.memory_space<vmem>>, vector<1x16xf32>,
      }
      %scan3A_225 = arith.constant 40 : i32
      %dma_wait3A_226 = tpu.memref_slice %arg4[%mul3A_2] : memref<320000xi32, #tpu.memory_space<hbm>> -> memref<40xi32, #tpu.memory_space<hbm>>
      %dma_wait3A_227 = tpu.memref_slice %arg4[%mul3A_2] : memref<320000xi32, #tpu.memory_space<hbm>> -> memref<40xi32, #tpu.memory_space<hbm>>
      tpu.wait_dma2 semaphore(%arg26 : memref<!tpu.dma_semaphore, #tpu.memory_space<semaphore_mem>>) src(%dma_wait3A_227 : memref<40xi32, #tpu.memory_space<hbm>>) dst(%arg13 : memref<40xi32, #tpu.memory_space<vmem>>)
      %dma_start3A_228 = arith.constant 0 : i32
      %dma_start3A_229 = arith.constant 0 : i32
      %dma_start3A_230 = tpu.memref_slice %arg20[%dma_start3A_228, %dma_start3A_229] : memref<10000x128xf32, #tpu.memory_space<vmem_shared>> -> memref<10000x128xf32, #tpu.memory_space<vmem_shared>>
      tpu.enqueue_indirect_dma source(%arg16 : memref<40x128xf32, #tpu.memory_space<vmem>>) target(%dma_start3A_230 : memref<10000x128xf32, #tpu.memory_space<vmem_shared>>) offsets(%arg13 : memref<40xi32, #tpu.memory_space<vmem>>) semaphore(%arg35 : memref<!tpu.dma_semaphore, #tpu.memory_space<semaphore_mem>>) {add = true}
    }
    %scan3A_53 = arith.constant 83 : i32
    %dma_wait3A_54 = arith.constant 0 : i32
    %dma_wait3A_55 = arith.constant 0 : i32
    %dma_wait3A_56 = tpu.memref_slice %arg2[%dma_wait3A_54, %dma_wait3A_55] : memref<10000x128xf32, #tpu.memory_space<hbm>> -> memref<10000x128xf32, #tpu.memory_space<hbm>>
    tpu.wait_indirect_dma semaphore(%arg27 : memref<!tpu.dma_semaphore, #tpu.memory_space<semaphore_mem>>) src(%dma_wait3A_56 : memref<10000x128xf32, #tpu.memory_space<hbm>>) dst(%arg14 : memref<40x128xf32, #tpu.memory_space<vmem>>)
    %add3A_57 = arith.constant 9960 : i32
    %add3A_58 = arith.addi %mul3A_2, %add3A_57 : i32
    %dma_wait3A_59 = arith.constant 0 : i32
    %dma_wait3A_60 = tpu.memref_slice %arg5[%add3A_58, %dma_wait3A_59] : memref<320000x128xf32, #tpu.memory_space<hbm>> -> memref<40x128xf32, #tpu.memory_space<hbm>>
    %dma_wait3A_61 = arith.constant 0 : i32
    %dma_wait3A_62 = tpu.memref_slice %arg5[%add3A_58, %dma_wait3A_61] : memref<320000x128xf32, #tpu.memory_space<hbm>> -> memref<40x128xf32, #tpu.memory_space<hbm>>
    tpu.wait_dma2 semaphore(%arg30 : memref<!tpu.dma_semaphore, #tpu.memory_space<semaphore_mem>>) src(%dma_wait3A_62 : memref<40x128xf32, #tpu.memory_space<hbm>>) dst(%arg17 : memref<40x128xf32, #tpu.memory_space<vmem>>)
    %scan3A_63 = arith.constant 0 : i32
    %scan3A_64 = arith.constant 0 : i32
    %scan3A_65 = arith.constant 40 : i32
    %scan3A_66 = arith.addi %scan3A_64, %scan3A_65 : i32
    %scan3A_67 = arith.constant 1 : i32
    scf.for %scan3A_90 = %scan3A_64 to %scan3A_66 step %scan3A_67  : i32 {
      %get3A = arith.index_cast %scan3A_90 : i32 to index
      %get3A_91 = arith.constant 0 : index
      %get3A_92 = tpu.vector_load %arg14[%get3A, %get3A_91] {strides = array<i32>} : memref<40x128xf32, #tpu.memory_space<vmem>>, vector<1x16xf32>,
      %get3A_93 = vector.shape_cast %get3A_92 : vector<1x16xf32> to vector<16xf32>
      %get3A_94 = arith.index_cast %scan3A_90 : i32 to index
      %get3A_95 = arith.constant 0 : index
      %get3A_96 = tpu.vector_load %arg17[%get3A_94, %get3A_95] {strides = array<i32>} : memref<40x128xf32, #tpu.memory_space<vmem>>, vector<1x16xf32>,
      %get3A_97 = vector.shape_cast %get3A_96 : vector<1x16xf32> to vector<16xf32>
      %add3A_98 = arith.addf %get3A_93, %get3A_97 : vector<16xf32>
      %mul3A_99 = arith.constant 1.000000e-01 : f32
      %mul3A_100 = vector.broadcast %mul3A_99 : f32 to vector<16xf32>
      %mul3A_101 = arith.mulf %mul3A_100, %add3A_98 : vector<16xf32>
      %max3A = arith.maximumf %add3A_98, %mul3A_101 : vector<16xf32>
      %swap3A = arith.index_cast %scan3A_90 : i32 to index
      %swap3A_102 = arith.constant 0 : index
      %swap3A_103 = tpu.vector_load %arg14[%swap3A, %swap3A_102] {strides = array<i32>} : memref<40x128xf32, #tpu.memory_space<vmem>>, vector<1x16xf32>,
      %swap3A_104 = vector.shape_cast %swap3A_103 : vector<1x16xf32> to vector<16xf32>
      %swap3A_105 = vector.shape_cast %max3A : vector<16xf32> to vector<1x16xf32>
      tpu.vector_store %arg14[%swap3A, %swap3A_102], %swap3A_105 {strides = array<i32>} : memref<40x128xf32, #tpu.memory_space<vmem>>, vector<1x16xf32>,
      %get3A_106 = arith.index_cast %scan3A_90 : i32 to index
      %get3A_107 = arith.constant 16 : index
      %get3A_108 = tpu.vector_load %arg14[%get3A_106, %get3A_107] {strides = array<i32>} : memref<40x128xf32, #tpu.memory_space<vmem>>, vector<1x16xf32>,
      %get3A_109 = vector.shape_cast %get3A_108 : vector<1x16xf32> to vector<16xf32>
      %get3A_110 = arith.index_cast %scan3A_90 : i32 to index
      %get3A_111 = arith.constant 16 : index
      %get3A_112 = tpu.vector_load %arg17[%get3A_110, %get3A_111] {strides = array<i32>} : memref<40x128xf32, #tpu.memory_space<vmem>>, vector<1x16xf32>,
      %get3A_113 = vector.shape_cast %get3A_112 : vector<1x16xf32> to vector<16xf32>
      %add3A_114 = arith.addf %get3A_109, %get3A_113 : vector<16xf32>
      %mul3A_115 = arith.constant 1.000000e-01 : f32
      %mul3A_116 = vector.broadcast %mul3A_115 : f32 to vector<16xf32>
      %mul3A_117 = arith.mulf %mul3A_116, %add3A_114 : vector<16xf32>
      %max3A_118 = arith.maximumf %add3A_114, %mul3A_117 : vector<16xf32>
      %swap3A_119 = arith.index_cast %scan3A_90 : i32 to index
      %swap3A_120 = arith.constant 16 : index
      %swap3A_121 = tpu.vector_load %arg14[%swap3A_119, %swap3A_120] {strides = array<i32>} : memref<40x128xf32, #tpu.memory_space<vmem>>, vector<1x16xf32>,
      %swap3A_122 = vector.shape_cast %swap3A_121 : vector<1x16xf32> to vector<16xf32>
      %swap3A_123 = vector.shape_cast %max3A_118 : vector<16xf32> to vector<1x16xf32>
      tpu.vector_store %arg14[%swap3A_119, %swap3A_120], %swap3A_123 {strides = array<i32>} : memref<40x128xf32, #tpu.memory_space<vmem>>, vector<1x16xf32>,
      %get3A_124 = arith.index_cast %scan3A_90 : i32 to index
      %get3A_125 = arith.constant 32 : index
      %get3A_126 = tpu.vector_load %arg14[%get3A_124, %get3A_125] {strides = array<i32>} : memref<40x128xf32, #tpu.memory_space<vmem>>, vector<1x16xf32>,
      %get3A_127 = vector.shape_cast %get3A_126 : vector<1x16xf32> to vector<16xf32>
      %get3A_128 = arith.index_cast %scan3A_90 : i32 to index
      %get3A_129 = arith.constant 32 : index
      %get3A_130 = tpu.vector_load %arg17[%get3A_128, %get3A_129] {strides = array<i32>} : memref<40x128xf32, #tpu.memory_space<vmem>>, vector<1x16xf32>,
      %get3A_131 = vector.shape_cast %get3A_130 : vector<1x16xf32> to vector<16xf32>
      %add3A_132 = arith.addf %get3A_127, %get3A_131 : vector<16xf32>
      %mul3A_133 = arith.constant 1.000000e-01 : f32
      %mul3A_134 = vector.broadcast %mul3A_133 : f32 to vector<16xf32>
      %mul3A_135 = arith.mulf %mul3A_134, %add3A_132 : vector<16xf32>
      %max3A_136 = arith.maximumf %add3A_132, %mul3A_135 : vector<16xf32>
      %swap3A_137 = arith.index_cast %scan3A_90 : i32 to index
      %swap3A_138 = arith.constant 32 : index
      %swap3A_139 = tpu.vector_load %arg14[%swap3A_137, %swap3A_138] {strides = array<i32>} : memref<40x128xf32, #tpu.memory_space<vmem>>, vector<1x16xf32>,
      %swap3A_140 = vector.shape_cast %swap3A_139 : vector<1x16xf32> to vector<16xf32>
      %swap3A_141 = vector.shape_cast %max3A_136 : vector<16xf32> to vector<1x16xf32>
      tpu.vector_store %arg14[%swap3A_137, %swap3A_138], %swap3A_141 {strides = array<i32>} : memref<40x128xf32, #tpu.memory_space<vmem>>, vector<1x16xf32>,
      %get3A_142 = arith.index_cast %scan3A_90 : i32 to index
      %get3A_143 = arith.constant 48 : index
      %get3A_144 = tpu.vector_load %arg14[%get3A_142, %get3A_143] {strides = array<i32>} : memref<40x128xf32, #tpu.memory_space<vmem>>, vector<1x16xf32>,
      %get3A_145 = vector.shape_cast %get3A_144 : vector<1x16xf32> to vector<16xf32>
      %get3A_146 = arith.index_cast %scan3A_90 : i32 to index
      %get3A_147 = arith.constant 48 : index
      %get3A_148 = tpu.vector_load %arg17[%get3A_146, %get3A_147] {strides = array<i32>} : memref<40x128xf32, #tpu.memory_space<vmem>>, vector<1x16xf32>,
      %get3A_149 = vector.shape_cast %get3A_148 : vector<1x16xf32> to vector<16xf32>
      %add3A_150 = arith.addf %get3A_145, %get3A_149 : vector<16xf32>
      %mul3A_151 = arith.constant 1.000000e-01 : f32
      %mul3A_152 = vector.broadcast %mul3A_151 : f32 to vector<16xf32>
      %mul3A_153 = arith.mulf %mul3A_152, %add3A_150 : vector<16xf32>
      %max3A_154 = arith.maximumf %add3A_150, %mul3A_153 : vector<16xf32>
      %swap3A_155 = arith.index_cast %scan3A_90 : i32 to index
      %swap3A_156 = arith.constant 48 : index
      %swap3A_157 = tpu.vector_load %arg14[%swap3A_155, %swap3A_156] {strides = array<i32>} : memref<40x128xf32, #tpu.memory_space<vmem>>, vector<1x16xf32>,
      %swap3A_158 = vector.shape_cast %swap3A_157 : vector<1x16xf32> to vector<16xf32>
      %swap3A_159 = vector.shape_cast %max3A_154 : vector<16xf32> to vector<1x16xf32>
      tpu.vector_store %arg14[%swap3A_155, %swap3A_156], %swap3A_159 {strides = array<i32>} : memref<40x128xf32, #tpu.memory_space<vmem>>, vector<1x16xf32>,
      %get3A_160 = arith.index_cast %scan3A_90 : i32 to index
      %get3A_161 = arith.constant 64 : index
      %get3A_162 = tpu.vector_load %arg14[%get3A_160, %get3A_161] {strides = array<i32>} : memref<40x128xf32, #tpu.memory_space<vmem>>, vector<1x16xf32>,
      %get3A_163 = vector.shape_cast %get3A_162 : vector<1x16xf32> to vector<16xf32>
      %get3A_164 = arith.index_cast %scan3A_90 : i32 to index
      %get3A_165 = arith.constant 64 : index
      %get3A_166 = tpu.vector_load %arg17[%get3A_164, %get3A_165] {strides = array<i32>} : memref<40x128xf32, #tpu.memory_space<vmem>>, vector<1x16xf32>,
      %get3A_167 = vector.shape_cast %get3A_166 : vector<1x16xf32> to vector<16xf32>
      %add3A_168 = arith.addf %get3A_163, %get3A_167 : vector<16xf32>
      %mul3A_169 = arith.constant 1.000000e-01 : f32
      %mul3A_170 = vector.broadcast %mul3A_169 : f32 to vector<16xf32>
      %mul3A_171 = arith.mulf %mul3A_170, %add3A_168 : vector<16xf32>
      %max3A_172 = arith.maximumf %add3A_168, %mul3A_171 : vector<16xf32>
      %swap3A_173 = arith.index_cast %scan3A_90 : i32 to index
      %swap3A_174 = arith.constant 64 : index
      %swap3A_175 = tpu.vector_load %arg14[%swap3A_173, %swap3A_174] {strides = array<i32>} : memref<40x128xf32, #tpu.memory_space<vmem>>, vector<1x16xf32>,
      %swap3A_176 = vector.shape_cast %swap3A_175 : vector<1x16xf32> to vector<16xf32>
      %swap3A_177 = vector.shape_cast %max3A_172 : vector<16xf32> to vector<1x16xf32>
      tpu.vector_store %arg14[%swap3A_173, %swap3A_174], %swap3A_177 {strides = array<i32>} : memref<40x128xf32, #tpu.memory_space<vmem>>, vector<1x16xf32>,
      %get3A_178 = arith.index_cast %scan3A_90 : i32 to index
      %get3A_179 = arith.constant 80 : index
      %get3A_180 = tpu.vector_load %arg14[%get3A_178, %get3A_179] {strides = array<i32>} : memref<40x128xf32, #tpu.memory_space<vmem>>, vector<1x16xf32>,
      %get3A_181 = vector.shape_cast %get3A_180 : vector<1x16xf32> to vector<16xf32>
      %get3A_182 = arith.index_cast %scan3A_90 : i32 to index
      %get3A_183 = arith.constant 80 : index
      %get3A_184 = tpu.vector_load %arg17[%get3A_182, %get3A_183] {strides = array<i32>} : memref<40x128xf32, #tpu.memory_space<vmem>>, vector<1x16xf32>,
      %get3A_185 = vector.shape_cast %get3A_184 : vector<1x16xf32> to vector<16xf32>
      %add3A_186 = arith.addf %get3A_181, %get3A_185 : vector<16xf32>
      %mul3A_187 = arith.constant 1.000000e-01 : f32
      %mul3A_188 = vector.broadcast %mul3A_187 : f32 to vector<16xf32>
      %mul3A_189 = arith.mulf %mul3A_188, %add3A_186 : vector<16xf32>
      %max3A_190 = arith.maximumf %add3A_186, %mul3A_189 : vector<16xf32>
      %swap3A_191 = arith.index_cast %scan3A_90 : i32 to index
      %swap3A_192 = arith.constant 80 : index
      %swap3A_193 = tpu.vector_load %arg14[%swap3A_191, %swap3A_192] {strides = array<i32>} : memref<40x128xf32, #tpu.memory_space<vmem>>, vector<1x16xf32>,
      %swap3A_194 = vector.shape_cast %swap3A_193 : vector<1x16xf32> to vector<16xf32>
      %swap3A_195 = vector.shape_cast %max3A_190 : vector<16xf32> to vector<1x16xf32>
      tpu.vector_store %arg14[%swap3A_191, %swap3A_192], %swap3A_195 {strides = array<i32>} : memref<40x128xf32, #tpu.memory_space<vmem>>, vector<1x16xf32>,
      %get3A_196 = arith.index_cast %scan3A_90 : i32 to index
      %get3A_197 = arith.constant 96 : index
      %get3A_198 = tpu.vector_load %arg14[%get3A_196, %get3A_197] {strides = array<i32>} : memref<40x128xf32, #tpu.memory_space<vmem>>, vector<1x16xf32>,
      %get3A_199 = vector.shape_cast %get3A_198 : vector<1x16xf32> to vector<16xf32>
      %get3A_200 = arith.index_cast %scan3A_90 : i32 to index
      %get3A_201 = arith.constant 96 : index
      %get3A_202 = tpu.vector_load %arg17[%get3A_200, %get3A_201] {strides = array<i32>} : memref<40x128xf32, #tpu.memory_space<vmem>>, vector<1x16xf32>,
      %get3A_203 = vector.shape_cast %get3A_202 : vector<1x16xf32> to vector<16xf32>
      %add3A_204 = arith.addf %get3A_199, %get3A_203 : vector<16xf32>
      %mul3A_205 = arith.constant 1.000000e-01 : f32
      %mul3A_206 = vector.broadcast %mul3A_205 : f32 to vector<16xf32>
      %mul3A_207 = arith.mulf %mul3A_206, %add3A_204 : vector<16xf32>
      %max3A_208 = arith.maximumf %add3A_204, %mul3A_207 : vector<16xf32>
      %swap3A_209 = arith.index_cast %scan3A_90 : i32 to index
      %swap3A_210 = arith.constant 96 : index
      %swap3A_211 = tpu.vector_load %arg14[%swap3A_209, %swap3A_210] {strides = array<i32>} : memref<40x128xf32, #tpu.memory_space<vmem>>, vector<1x16xf32>,
      %swap3A_212 = vector.shape_cast %swap3A_211 : vector<1x16xf32> to vector<16xf32>
      %swap3A_213 = vector.shape_cast %max3A_208 : vector<16xf32> to vector<1x16xf32>
      tpu.vector_store %arg14[%swap3A_209, %swap3A_210], %swap3A_213 {strides = array<i32>} : memref<40x128xf32, #tpu.memory_space<vmem>>, vector<1x16xf32>,
      %get3A_214 = arith.index_cast %scan3A_90 : i32 to index
      %get3A_215 = arith.constant 112 : index
      %get3A_216 = tpu.vector_load %arg14[%get3A_214, %get3A_215] {strides = array<i32>} : memref<40x128xf32, #tpu.memory_space<vmem>>, vector<1x16xf32>,
      %get3A_217 = vector.shape_cast %get3A_216 : vector<1x16xf32> to vector<16xf32>
      %get3A_218 = arith.index_cast %scan3A_90 : i32 to index
      %get3A_219 = arith.constant 112 : index
      %get3A_220 = tpu.vector_load %arg17[%get3A_218, %get3A_219] {strides = array<i32>} : memref<40x128xf32, #tpu.memory_space<vmem>>, vector<1x16xf32>,
      %get3A_221 = vector.shape_cast %get3A_220 : vector<1x16xf32> to vector<16xf32>
      %add3A_222 = arith.addf %get3A_217, %get3A_221 : vector<16xf32>
      %mul3A_223 = arith.constant 1.000000e-01 : f32
      %mul3A_224 = vector.broadcast %mul3A_223 : f32 to vector<16xf32>
      %mul3A_225 = arith.mulf %mul3A_224, %add3A_222 : vector<16xf32>
      %max3A_226 = arith.maximumf %add3A_222, %mul3A_225 : vector<16xf32>
      %swap3A_227 = arith.index_cast %scan3A_90 : i32 to index
      %swap3A_228 = arith.constant 112 : index
      %swap3A_229 = tpu.vector_load %arg14[%swap3A_227, %swap3A_228] {strides = array<i32>} : memref<40x128xf32, #tpu.memory_space<vmem>>, vector<1x16xf32>,
      %swap3A_230 = vector.shape_cast %swap3A_229 : vector<1x16xf32> to vector<16xf32>
      %swap3A_231 = vector.shape_cast %max3A_226 : vector<16xf32> to vector<1x16xf32>
      tpu.vector_store %arg14[%swap3A_227, %swap3A_228], %swap3A_231 {strides = array<i32>} : memref<40x128xf32, #tpu.memory_space<vmem>>, vector<1x16xf32>,
    }
    %scan3A_68 = arith.constant 40 : i32
    %dma_wait3A_69 = tpu.memref_slice %arg4[%mul3A_2] : memref<320000xi32, #tpu.memory_space<hbm>> -> memref<40xi32, #tpu.memory_space<hbm>>
    %dma_wait3A_70 = tpu.memref_slice %arg4[%mul3A_2] : memref<320000xi32, #tpu.memory_space<hbm>> -> memref<40xi32, #tpu.memory_space<hbm>>
    tpu.wait_dma2 semaphore(%arg24 : memref<!tpu.dma_semaphore, #tpu.memory_space<semaphore_mem>>) src(%dma_wait3A_70 : memref<40xi32, #tpu.memory_space<hbm>>) dst(%arg11 : memref<40xi32, #tpu.memory_space<vmem>>)
    %dma_start3A_71 = arith.constant 0 : i32
    %dma_start3A_72 = arith.constant 0 : i32
    %dma_start3A_73 = tpu.memref_slice %arg20[%dma_start3A_71, %dma_start3A_72] : memref<10000x128xf32, #tpu.memory_space<vmem_shared>> -> memref<10000x128xf32, #tpu.memory_space<vmem_shared>>
    tpu.enqueue_indirect_dma source(%arg14 : memref<40x128xf32, #tpu.memory_space<vmem>>) target(%dma_start3A_73 : memref<10000x128xf32, #tpu.memory_space<vmem_shared>>) offsets(%arg11 : memref<40xi32, #tpu.memory_space<vmem>>) semaphore(%arg33 : memref<!tpu.dma_semaphore, #tpu.memory_space<semaphore_mem>>) {add = true}
    %dma_wait3A_74 = arith.constant 0 : i32
    %dma_wait3A_75 = arith.constant 0 : i32
    %dma_wait3A_76 = tpu.memref_slice %arg20[%dma_wait3A_74, %dma_wait3A_75] : memref<10000x128xf32, #tpu.memory_space<vmem_shared>> -> memref<10000x128xf32, #tpu.memory_space<vmem_shared>>
    tpu.wait_indirect_dma semaphore(%arg34 : memref<!tpu.dma_semaphore, #tpu.memory_space<semaphore_mem>>) src(%arg15 : memref<40x128xf32, #tpu.memory_space<vmem>>) dst(%dma_wait3A_76 : memref<10000x128xf32, #tpu.memory_space<vmem_shared>>)
    %dma_wait3A_77 = arith.constant 0 : i32
    %dma_wait3A_78 = arith.constant 0 : i32
    %dma_wait3A_79 = tpu.memref_slice %arg20[%dma_wait3A_77, %dma_wait3A_78] : memref<10000x128xf32, #tpu.memory_space<vmem_shared>> -> memref<10000x128xf32, #tpu.memory_space<vmem_shared>>
    tpu.wait_indirect_dma semaphore(%arg35 : memref<!tpu.dma_semaphore, #tpu.memory_space<semaphore_mem>>) src(%arg16 : memref<40x128xf32, #tpu.memory_space<vmem>>) dst(%dma_wait3A_79 : memref<10000x128xf32, #tpu.memory_space<vmem_shared>>)
    %dma_wait3A_80 = arith.constant 0 : i32
    %dma_wait3A_81 = arith.constant 0 : i32
    %dma_wait3A_82 = tpu.memref_slice %arg20[%dma_wait3A_80, %dma_wait3A_81] : memref<10000x128xf32, #tpu.memory_space<vmem_shared>> -> memref<10000x128xf32, #tpu.memory_space<vmem_shared>>
    tpu.wait_indirect_dma semaphore(%arg33 : memref<!tpu.dma_semaphore, #tpu.memory_space<semaphore_mem>>) src(%arg14 : memref<40x128xf32, #tpu.memory_space<vmem>>) dst(%dma_wait3A_82 : memref<10000x128xf32, #tpu.memory_space<vmem_shared>>)
    %barrier3A_83 = arith.constant 0 : index
    tpu.barrier barrier_id(%barrier3A_83)
    %scan3A_84 = arith.constant 0 : i32
    %scan3A_85 = arith.constant 0 : i32
    %scan3A_86 = arith.constant 8 : i32
    %scan3A_87 = arith.addi %scan3A_85, %scan3A_86 : i32
    %scan3A_88 = arith.constant 1 : i32
    scf.for %scan3A_90 = %scan3A_85 to %scan3A_87 step %scan3A_88  : i32 {
      %mul3A_91 = arith.constant 16 : i32
      %mul3A_92 = arith.muli %mul3A_91, %scan3A_90 : i32
      %add3A_93 = arith.addi %arg1, %mul3A_92 : i32
      %lt3A = arith.constant 125 : i32
      %lt3A_94 = arith.cmpi slt, %add3A_93, %lt3A : i32
      %convert_element_type3A = arith.extui %lt3A_94 : i1 to i32
      %cond3A = arith.constant 0 : i32
      %cond3A_95 = arith.cmpi ne, %convert_element_type3A, %cond3A : i32
      scf.if %cond3A_95 {
        %mul3A_96 = arith.constant 80 : i32
        %mul3A_97 = arith.muli %add3A_93, %mul3A_96 : i32
        %mul3A_98 = arith.constant 80 : i32
        %mul3A_99 = arith.muli %add3A_93, %mul3A_98 : i32
        "tpu.region"() ({
          %run_scoped3A = tpu.sem_alloc : memref<!tpu.dma_semaphore, #tpu.memory_space<semaphore_mem>>
          %dma_start3A_100 = arith.constant 0 : i32
          %dma_start3A_101 = tpu.memref_slice %arg7[%arg0, %mul3A_99, %dma_start3A_100] : memref<2x10000x128xf32, #tpu.memory_space<hbm>> -> memref<1x80x128xf32, #tpu.memory_space<hbm>>
          %dma_start3A_102 = tpu.memref_squeeze %dma_start3A_101 : memref<1x80x128xf32, #tpu.memory_space<hbm>> -> memref<80x128xf32, #tpu.memory_space<hbm>>
          %dma_start3A_103 = arith.constant 0 : i32
          %dma_start3A_104 = tpu.memref_slice %arg20[%mul3A_97, %dma_start3A_103] : memref<10000x128xf32, #tpu.memory_space<vmem_shared>> -> memref<80x128xf32, #tpu.memory_space<vmem_shared>>
          tpu.enqueue_dma source(%dma_start3A_104 : memref<80x128xf32, #tpu.memory_space<vmem_shared>>) target(%dma_start3A_102 : memref<80x128xf32, #tpu.memory_space<hbm>>) target_semaphore(%run_scoped3A : memref<!tpu.dma_semaphore, #tpu.memory_space<semaphore_mem>>)
          %dma_wait3A_105 = arith.constant 0 : i32
          %dma_wait3A_106 = tpu.memref_slice %arg7[%arg0, %mul3A_99, %dma_wait3A_105] : memref<2x10000x128xf32, #tpu.memory_space<hbm>> -> memref<1x80x128xf32, #tpu.memory_space<hbm>>
          %dma_wait3A_107 = tpu.memref_squeeze %dma_wait3A_106 : memref<1x80x128xf32, #tpu.memory_space<hbm>> -> memref<80x128xf32, #tpu.memory_space<hbm>>
          %dma_wait3A_108 = arith.constant 0 : i32
          %dma_wait3A_109 = tpu.memref_slice %arg20[%mul3A_97, %dma_wait3A_108] : memref<10000x128xf32, #tpu.memory_space<vmem_shared>> -> memref<80x128xf32, #tpu.memory_space<vmem_shared>>
          tpu.wait_dma2 semaphore(%run_scoped3A : memref<!tpu.dma_semaphore, #tpu.memory_space<semaphore_mem>>) src(%dma_wait3A_109 : memref<80x128xf32, #tpu.memory_space<vmem_shared>>) dst(%dma_wait3A_107 : memref<80x128xf32, #tpu.memory_space<hbm>>)
          tpu.yield
        }) : () -> ()
      } else {
      }
    }
    %scan3A_89 = arith.constant 8 : i32
    return
  }
}

module attributes {stable_mosaic.version = 14 : i64} {
  func.func @_prep_body(%arg0: i32, %arg1: memref<2000x128xf32, #tpu.memory_space<vmem>>, %arg2: memref<128x128xf32, #tpu.memory_space<vmem>>, %arg3: memref<1x128xf32, #tpu.memory_space<vmem>>, %arg4: memref<128x128xf32, #tpu.memory_space<vmem>>, %arg5: memref<2000x128xf32, #tpu.memory_space<vmem>>, %arg6: memref<2000x128xf32, #tpu.memory_space<vmem>>) attributes {dimension_semantics = [#tpu.dimension_semantics<arbitrary>], iteration_bounds = array<i64: 5>, scalar_prefetch = 0 : i64, scratch_operands = 0 : i64, tpu.core_type = #tpu.core_type<tc>, window_params = [{transform_indices = @transform_0, window_bounds = array<i64: 2000, 128>}, {pipeline_mode = #tpu.pipeline_mode<synchronous>, transform_indices = @transform_1, window_bounds = array<i64: 128, 128>}, {pipeline_mode = #tpu.pipeline_mode<synchronous>, transform_indices = @transform_2, window_bounds = array<i64: 1, 128>}, {pipeline_mode = #tpu.pipeline_mode<synchronous>, transform_indices = @transform_3, window_bounds = array<i64: 128, 128>}, {transform_indices = @transform_4, window_bounds = array<i64: 2000, 128>}, {transform_indices = @transform_5, window_bounds = array<i64: 2000, 128>}]} {
    %get3A = arith.constant 0 : index
    %get3A_0 = arith.constant 0 : index
    %get3A_1 = vector.load %arg1[%get3A, %get3A_0] : memref<2000x128xf32, #tpu.memory_space<vmem>>, vector<2000x128xf32>
    %get3A_2 = arith.constant 0 : index
    %get3A_3 = arith.constant 0 : index
    %get3A_4 = vector.load %arg2[%get3A_2, %get3A_3] : memref<128x128xf32, #tpu.memory_space<vmem>>, vector<128x128xf32>
    %dot_general3A = arith.constant dense<0.000000e+00> : vector<2000x128xf32>
    %dot_general3A_5 = tpu.matmul %get3A_1, %get3A_4, %dot_general3A {dimension_numbers = #tpu.dot_dimension_numbers<[1], [0], [0], [1], [0, 0, 1, 1], [], []>, transpose_lhs_hint = false} : vector<2000x128xf32>, vector<128x128xf32>, vector<2000x128xf32> -> vector<2000x128xf32>
    %get3A_6 = arith.constant 0 : index
    %get3A_7 = arith.constant 0 : index
    %get3A_8 = vector.load %arg3[%get3A_6, %get3A_7] : memref<1x128xf32, #tpu.memory_space<vmem>>, vector<1x128xf32>
    %add3A = vector.broadcast %get3A_8 : vector<1x128xf32> to vector<2000x128xf32>
    %add3A_9 = arith.addf %dot_general3A_5, %add3A : vector<2000x128xf32>
    %swap3A = arith.constant 0 : index
    %swap3A_10 = arith.constant 0 : index
    %swap3A_11 = vector.load %arg5[%swap3A, %swap3A_10] : memref<2000x128xf32, #tpu.memory_space<vmem>>, vector<2000x128xf32>
    tpu.vector_store %arg5[%swap3A, %swap3A_10], %add3A_9 {strides = array<i32>} : memref<2000x128xf32, #tpu.memory_space<vmem>>, vector<2000x128xf32>,
    %get3A_12 = arith.constant 0 : index
    %get3A_13 = arith.constant 0 : index
    %get3A_14 = vector.load %arg4[%get3A_12, %get3A_13] : memref<128x128xf32, #tpu.memory_space<vmem>>, vector<128x128xf32>
    %dot_general3A_15 = arith.constant dense<0.000000e+00> : vector<2000x128xf32>
    %dot_general3A_16 = tpu.matmul %add3A_9, %get3A_14, %dot_general3A_15 {dimension_numbers = #tpu.dot_dimension_numbers<[1], [0], [0], [1], [0, 0, 1, 1], [], []>, transpose_lhs_hint = false} : vector<2000x128xf32>, vector<128x128xf32>, vector<2000x128xf32> -> vector<2000x128xf32>
    %swap3A_17 = arith.constant 0 : index
    %swap3A_18 = arith.constant 0 : index
    %swap3A_19 = vector.load %arg6[%swap3A_17, %swap3A_18] : memref<2000x128xf32, #tpu.memory_space<vmem>>, vector<2000x128xf32>
    tpu.vector_store %arg6[%swap3A_17, %swap3A_18], %dot_general3A_16 {strides = array<i32>} : memref<2000x128xf32, #tpu.memory_space<vmem>>, vector<2000x128xf32>,
    return
  }
  func.func @transform_0(%arg0: i32) -> (i32, i32) {
    %c0_i32 = arith.constant 0 : i32
    %c0_i32_0 = arith.constant 0 : i32
    return %arg0, %c0_i32 : i32, i32
  }
  func.func @transform_1(%arg0: i32) -> (i32, i32) {
    %c0_i32 = arith.constant 0 : i32
    %c0_i32_0 = arith.constant 0 : i32
    %c0_i32_1 = arith.constant 0 : i32
    return %c0_i32, %c0_i32_0 : i32, i32
  }
  func.func @transform_2(%arg0: i32) -> (i32, i32) {
    %c0_i32 = arith.constant 0 : i32
    %c0_i32_0 = arith.constant 0 : i32
    %c0_i32_1 = arith.constant 0 : i32
    return %c0_i32, %c0_i32_0 : i32, i32
  }
  func.func @transform_3(%arg0: i32) -> (i32, i32) {
    %c0_i32 = arith.constant 0 : i32
    %c0_i32_0 = arith.constant 0 : i32
    %c0_i32_1 = arith.constant 0 : i32
    return %c0_i32, %c0_i32_0 : i32, i32
  }
  func.func @transform_4(%arg0: i32) -> (i32, i32) {
    %c0_i32 = arith.constant 0 : i32
    %c0_i32_0 = arith.constant 0 : i32
    return %arg0, %c0_i32 : i32, i32
  }
  func.func @transform_5(%arg0: i32) -> (i32, i32) {
    %c0_i32 = arith.constant 0 : i32
    %c0_i32_0 = arith.constant 0 : i32
    return %arg0, %c0_i32 : i32, i32
  }
}

module attributes {stable_mosaic.version = 14 : i64} {
  func.func @_eb_body(%arg0: i32, %arg1: memref<8000x16xf32, #tpu.memory_space<vmem>>, %arg2: memref<16x128xf32, #tpu.memory_space<vmem>>, %arg3: memref<1x128xf32, #tpu.memory_space<vmem>>, %arg4: memref<8000x128xf32, #tpu.memory_space<vmem>>) attributes {dimension_semantics = [#tpu.dimension_semantics<arbitrary>], iteration_bounds = array<i64: 40>, scalar_prefetch = 0 : i64, scratch_operands = 0 : i64, tpu.core_type = #tpu.core_type<tc>, window_params = [{transform_indices = @transform_0, window_bounds = array<i64: 8000, 16>}, {pipeline_mode = #tpu.pipeline_mode<synchronous>, transform_indices = @transform_1, window_bounds = array<i64: 16, 128>}, {pipeline_mode = #tpu.pipeline_mode<synchronous>, transform_indices = @transform_2, window_bounds = array<i64: 1, 128>}, {transform_indices = @transform_3, window_bounds = array<i64: 8000, 128>}]} {
    %get3A = arith.constant 0 : index
    %get3A_0 = arith.constant 0 : index
    %get3A_1 = vector.load %arg1[%get3A, %get3A_0] : memref<8000x16xf32, #tpu.memory_space<vmem>>, vector<8000x16xf32>
    %get3A_2 = arith.constant 0 : index
    %get3A_3 = arith.constant 0 : index
    %get3A_4 = vector.load %arg2[%get3A_2, %get3A_3] : memref<16x128xf32, #tpu.memory_space<vmem>>, vector<16x128xf32>
    %dot_general3A = arith.constant dense<0.000000e+00> : vector<8000x128xf32>
    %dot_general3A_5 = tpu.matmul %get3A_1, %get3A_4, %dot_general3A {dimension_numbers = #tpu.dot_dimension_numbers<[1], [0], [0], [1], [0, 0, 1, 1], [], []>, transpose_lhs_hint = false} : vector<8000x16xf32>, vector<16x128xf32>, vector<8000x128xf32> -> vector<8000x128xf32>
    %get3A_6 = arith.constant 0 : index
    %get3A_7 = arith.constant 0 : index
    %get3A_8 = vector.load %arg3[%get3A_6, %get3A_7] : memref<1x128xf32, #tpu.memory_space<vmem>>, vector<1x128xf32>
    %add3A = vector.broadcast %get3A_8 : vector<1x128xf32> to vector<8000x128xf32>
    %add3A_9 = arith.addf %dot_general3A_5, %add3A : vector<8000x128xf32>
    %swap3A = arith.constant 0 : index
    %swap3A_10 = arith.constant 0 : index
    %swap3A_11 = vector.load %arg4[%swap3A, %swap3A_10] : memref<8000x128xf32, #tpu.memory_space<vmem>>, vector<8000x128xf32>
    tpu.vector_store %arg4[%swap3A, %swap3A_10], %add3A_9 {strides = array<i32>} : memref<8000x128xf32, #tpu.memory_space<vmem>>, vector<8000x128xf32>,
    return
  }
  func.func @transform_0(%arg0: i32) -> (i32, i32) {
    %c0_i32 = arith.constant 0 : i32
    %c0_i32_0 = arith.constant 0 : i32
    return %arg0, %c0_i32 : i32, i32
  }
  func.func @transform_1(%arg0: i32) -> (i32, i32) {
    %c0_i32 = arith.constant 0 : i32
    %c0_i32_0 = arith.constant 0 : i32
    %c0_i32_1 = arith.constant 0 : i32
    return %c0_i32, %c0_i32_0 : i32, i32
  }
  func.func @transform_2(%arg0: i32) -> (i32, i32) {
    %c0_i32 = arith.constant 0 : i32
    %c0_i32_0 = arith.constant 0 : i32
    %c0_i32_1 = arith.constant 0 : i32
    return %c0_i32, %c0_i32_0 : i32, i32
  }
  func.func @transform_3(%arg0: i32) -> (i32, i32) {
    %c0_i32 = arith.constant 0 : i32
    %c0_i32_0 = arith.constant 0 : i32
    return %arg0, %c0_i32 : i32, i32
  }
}

module attributes {stable_mosaic.version = 14 : i64} {
  func.func @_upd_body_mid(%arg0: i32, %arg1: memref<2000x128xf32, #tpu.memory_space<vmem>>, %arg2: memref<2x2000x128xf32, #tpu.memory_space<vmem>>, %arg3: memref<128x128xf32, #tpu.memory_space<vmem>>, %arg4: memref<128x128xf32, #tpu.memory_space<vmem>>, %arg5: memref<1x128xf32, #tpu.memory_space<vmem>>, %arg6: memref<128x128xf32, #tpu.memory_space<vmem>>, %arg7: memref<2000x128xf32, #tpu.memory_space<vmem>>, %arg8: memref<2000x128xf32, #tpu.memory_space<vmem>>) attributes {dimension_semantics = [#tpu.dimension_semantics<arbitrary>], iteration_bounds = array<i64: 5>, scalar_prefetch = 0 : i64, scratch_operands = 0 : i64, tpu.core_type = #tpu.core_type<tc>, window_params = [{transform_indices = @transform_0, window_bounds = array<i64: 2000, 128>}, {transform_indices = @transform_1, window_bounds = array<i64: 2, 2000, 128>}, {pipeline_mode = #tpu.pipeline_mode<synchronous>, transform_indices = @transform_2, window_bounds = array<i64: 128, 128>}, {pipeline_mode = #tpu.pipeline_mode<synchronous>, transform_indices = @transform_3, window_bounds = array<i64: 128, 128>}, {pipeline_mode = #tpu.pipeline_mode<synchronous>, transform_indices = @transform_4, window_bounds = array<i64: 1, 128>}, {pipeline_mode = #tpu.pipeline_mode<synchronous>, transform_indices = @transform_5, window_bounds = array<i64: 128, 128>}, {transform_indices = @transform_6, window_bounds = array<i64: 2000, 128>}, {transform_indices = @transform_7, window_bounds = array<i64: 2000, 128>}]} {
    %get3A = arith.constant 0 : index
    %get3A_0 = arith.constant 0 : index
    %get3A_1 = arith.constant 0 : index
    %get3A_2 = vector.load %arg2[%get3A, %get3A_0, %get3A_1] : memref<2x2000x128xf32, #tpu.memory_space<vmem>>, vector<1x2000x128xf32>
    %get3A_3 = vector.shape_cast %get3A_2 : vector<1x2000x128xf32> to vector<2000x128xf32>
    %get3A_4 = arith.constant 1 : index
    %get3A_5 = arith.constant 0 : index
    %get3A_6 = arith.constant 0 : index
    %get3A_7 = vector.load %arg2[%get3A_4, %get3A_5, %get3A_6] : memref<2x2000x128xf32, #tpu.memory_space<vmem>>, vector<1x2000x128xf32>
    %get3A_8 = vector.shape_cast %get3A_7 : vector<1x2000x128xf32> to vector<2000x128xf32>
    %add3A = arith.addf %get3A_3, %get3A_8 : vector<2000x128xf32>
    %get3A_9 = arith.constant 0 : index
    %get3A_10 = arith.constant 0 : index
    %get3A_11 = vector.load %arg1[%get3A_9, %get3A_10] : memref<2000x128xf32, #tpu.memory_space<vmem>>, vector<2000x128xf32>
    %get3A_12 = arith.constant 0 : index
    %get3A_13 = arith.constant 0 : index
    %get3A_14 = vector.load %arg3[%get3A_12, %get3A_13] : memref<128x128xf32, #tpu.memory_space<vmem>>, vector<128x128xf32>
    %dot_general3A = arith.constant dense<0.000000e+00> : vector<2000x128xf32>
    %dot_general3A_15 = tpu.matmul %get3A_11, %get3A_14, %dot_general3A {dimension_numbers = #tpu.dot_dimension_numbers<[1], [0], [0], [1], [0, 0, 1, 1], [], []>, transpose_lhs_hint = false} : vector<2000x128xf32>, vector<128x128xf32>, vector<2000x128xf32> -> vector<2000x128xf32>
    %get3A_16 = arith.constant 0 : index
    %get3A_17 = arith.constant 0 : index
    %get3A_18 = vector.load %arg4[%get3A_16, %get3A_17] : memref<128x128xf32, #tpu.memory_space<vmem>>, vector<128x128xf32>
    %dot_general3A_19 = arith.constant dense<0.000000e+00> : vector<2000x128xf32>
    %dot_general3A_20 = tpu.matmul %add3A, %get3A_18, %dot_general3A_19 {dimension_numbers = #tpu.dot_dimension_numbers<[1], [0], [0], [1], [0, 0, 1, 1], [], []>, transpose_lhs_hint = false} : vector<2000x128xf32>, vector<128x128xf32>, vector<2000x128xf32> -> vector<2000x128xf32>
    %add3A_21 = arith.addf %dot_general3A_15, %dot_general3A_20 : vector<2000x128xf32>
    %get3A_22 = arith.constant 0 : index
    %get3A_23 = arith.constant 0 : index
    %get3A_24 = vector.load %arg5[%get3A_22, %get3A_23] : memref<1x128xf32, #tpu.memory_space<vmem>>, vector<1x128xf32>
    %add3A_25 = vector.broadcast %get3A_24 : vector<1x128xf32> to vector<2000x128xf32>
    %add3A_26 = arith.addf %add3A_21, %add3A_25 : vector<2000x128xf32>
    %swap3A = arith.constant 0 : index
    %swap3A_27 = arith.constant 0 : index
    %swap3A_28 = vector.load %arg7[%swap3A, %swap3A_27] : memref<2000x128xf32, #tpu.memory_space<vmem>>, vector<2000x128xf32>
    tpu.vector_store %arg7[%swap3A, %swap3A_27], %add3A_26 {strides = array<i32>} : memref<2000x128xf32, #tpu.memory_space<vmem>>, vector<2000x128xf32>,
    %get3A_29 = arith.constant 0 : index
    %get3A_30 = arith.constant 0 : index
    %get3A_31 = vector.load %arg6[%get3A_29, %get3A_30] : memref<128x128xf32, #tpu.memory_space<vmem>>, vector<128x128xf32>
    %dot_general3A_32 = arith.constant dense<0.000000e+00> : vector<2000x128xf32>
    %dot_general3A_33 = tpu.matmul %add3A_26, %get3A_31, %dot_general3A_32 {dimension_numbers = #tpu.dot_dimension_numbers<[1], [0], [0], [1], [0, 0, 1, 1], [], []>, transpose_lhs_hint = false} : vector<2000x128xf32>, vector<128x128xf32>, vector<2000x128xf32> -> vector<2000x128xf32>
    %swap3A_34 = arith.constant 0 : index
    %swap3A_35 = arith.constant 0 : index
    %swap3A_36 = vector.load %arg8[%swap3A_34, %swap3A_35] : memref<2000x128xf32, #tpu.memory_space<vmem>>, vector<2000x128xf32>
    tpu.vector_store %arg8[%swap3A_34, %swap3A_35], %dot_general3A_33 {strides = array<i32>} : memref<2000x128xf32, #tpu.memory_space<vmem>>, vector<2000x128xf32>,
    return
  }
  func.func @transform_0(%arg0: i32) -> (i32, i32) {
    %c0_i32 = arith.constant 0 : i32
    %c0_i32_0 = arith.constant 0 : i32
    return %arg0, %c0_i32 : i32, i32
  }
  func.func @transform_1(%arg0: i32) -> (i32, i32, i32) {
    %c0_i32 = arith.constant 0 : i32
    %c0_i32_0 = arith.constant 0 : i32
    %c0_i32_1 = arith.constant 0 : i32
    return %c0_i32, %arg0, %c0_i32_0 : i32, i32, i32
  }
  func.func @transform_2(%arg0: i32) -> (i32, i32) {
    %c0_i32 = arith.constant 0 : i32
    %c0_i32_0 = arith.constant 0 : i32
    %c0_i32_1 = arith.constant 0 : i32
    return %c0_i32, %c0_i32_0 : i32, i32
  }
  func.func @transform_3(%arg0: i32) -> (i32, i32) {
    %c0_i32 = arith.constant 0 : i32
    %c0_i32_0 = arith.constant 0 : i32
    %c0_i32_1 = arith.constant 0 : i32
    return %c0_i32, %c0_i32_0 : i32, i32
  }
  func.func @transform_4(%arg0: i32) -> (i32, i32) {
    %c0_i32 = arith.constant 0 : i32
    %c0_i32_0 = arith.constant 0 : i32
    %c0_i32_1 = arith.constant 0 : i32
    return %c0_i32, %c0_i32_0 : i32, i32
  }
  func.func @transform_5(%arg0: i32) -> (i32, i32) {
    %c0_i32 = arith.constant 0 : i32
    %c0_i32_0 = arith.constant 0 : i32
    %c0_i32_1 = arith.constant 0 : i32
    return %c0_i32, %c0_i32_0 : i32, i32
  }
  func.func @transform_6(%arg0: i32) -> (i32, i32) {
    %c0_i32 = arith.constant 0 : i32
    %c0_i32_0 = arith.constant 0 : i32
    return %arg0, %c0_i32 : i32, i32
  }
  func.func @transform_7(%arg0: i32) -> (i32, i32) {
    %c0_i32 = arith.constant 0 : i32
    %c0_i32_0 = arith.constant 0 : i32
    return %arg0, %c0_i32 : i32, i32
  }
}

module attributes {stable_mosaic.version = 14 : i64} {
  func.func @_upd_body_last(%arg0: i32, %arg1: memref<2000x128xf32, #tpu.memory_space<vmem>>, %arg2: memref<2x2000x128xf32, #tpu.memory_space<vmem>>, %arg3: memref<128x128xf32, #tpu.memory_space<vmem>>, %arg4: memref<128x128xf32, #tpu.memory_space<vmem>>, %arg5: memref<1x128xf32, #tpu.memory_space<vmem>>, %arg6: memref<2000x128xf32, #tpu.memory_space<vmem>>) attributes {dimension_semantics = [#tpu.dimension_semantics<arbitrary>], iteration_bounds = array<i64: 5>, scalar_prefetch = 0 : i64, scratch_operands = 0 : i64, tpu.core_type = #tpu.core_type<tc>, window_params = [{transform_indices = @transform_0, window_bounds = array<i64: 2000, 128>}, {transform_indices = @transform_1, window_bounds = array<i64: 2, 2000, 128>}, {pipeline_mode = #tpu.pipeline_mode<synchronous>, transform_indices = @transform_2, window_bounds = array<i64: 128, 128>}, {pipeline_mode = #tpu.pipeline_mode<synchronous>, transform_indices = @transform_3, window_bounds = array<i64: 128, 128>}, {pipeline_mode = #tpu.pipeline_mode<synchronous>, transform_indices = @transform_4, window_bounds = array<i64: 1, 128>}, {transform_indices = @transform_5, window_bounds = array<i64: 2000, 128>}]} {
    %get3A = arith.constant 0 : index
    %get3A_0 = arith.constant 0 : index
    %get3A_1 = arith.constant 0 : index
    %get3A_2 = vector.load %arg2[%get3A, %get3A_0, %get3A_1] : memref<2x2000x128xf32, #tpu.memory_space<vmem>>, vector<1x2000x128xf32>
    %get3A_3 = vector.shape_cast %get3A_2 : vector<1x2000x128xf32> to vector<2000x128xf32>
    %get3A_4 = arith.constant 1 : index
    %get3A_5 = arith.constant 0 : index
    %get3A_6 = arith.constant 0 : index
    %get3A_7 = vector.load %arg2[%get3A_4, %get3A_5, %get3A_6] : memref<2x2000x128xf32, #tpu.memory_space<vmem>>, vector<1x2000x128xf32>
    %get3A_8 = vector.shape_cast %get3A_7 : vector<1x2000x128xf32> to vector<2000x128xf32>
    %add3A = arith.addf %get3A_3, %get3A_8 : vector<2000x128xf32>
    %get3A_9 = arith.constant 0 : index
    %get3A_10 = arith.constant 0 : index
    %get3A_11 = vector.load %arg1[%get3A_9, %get3A_10] : memref<2000x128xf32, #tpu.memory_space<vmem>>, vector<2000x128xf32>
    %get3A_12 = arith.constant 0 : index
    %get3A_13 = arith.constant 0 : index
    %get3A_14 = vector.load %arg3[%get3A_12, %get3A_13] : memref<128x128xf32, #tpu.memory_space<vmem>>, vector<128x128xf32>
    %dot_general3A = arith.constant dense<0.000000e+00> : vector<2000x128xf32>
    %dot_general3A_15 = tpu.matmul %get3A_11, %get3A_14, %dot_general3A {dimension_numbers = #tpu.dot_dimension_numbers<[1], [0], [0], [1], [0, 0, 1, 1], [], []>, transpose_lhs_hint = false} : vector<2000x128xf32>, vector<128x128xf32>, vector<2000x128xf32> -> vector<2000x128xf32>
    %get3A_16 = arith.constant 0 : index
    %get3A_17 = arith.constant 0 : index
    %get3A_18 = vector.load %arg4[%get3A_16, %get3A_17] : memref<128x128xf32, #tpu.memory_space<vmem>>, vector<128x128xf32>
    %dot_general3A_19 = arith.constant dense<0.000000e+00> : vector<2000x128xf32>
    %dot_general3A_20 = tpu.matmul %add3A, %get3A_18, %dot_general3A_19 {dimension_numbers = #tpu.dot_dimension_numbers<[1], [0], [0], [1], [0, 0, 1, 1], [], []>, transpose_lhs_hint = false} : vector<2000x128xf32>, vector<128x128xf32>, vector<2000x128xf32> -> vector<2000x128xf32>
    %add3A_21 = arith.addf %dot_general3A_15, %dot_general3A_20 : vector<2000x128xf32>
    %get3A_22 = arith.constant 0 : index
    %get3A_23 = arith.constant 0 : index
    %get3A_24 = vector.load %arg5[%get3A_22, %get3A_23] : memref<1x128xf32, #tpu.memory_space<vmem>>, vector<1x128xf32>
    %add3A_25 = vector.broadcast %get3A_24 : vector<1x128xf32> to vector<2000x128xf32>
    %add3A_26 = arith.addf %add3A_21, %add3A_25 : vector<2000x128xf32>
    %swap3A = arith.constant 0 : index
    %swap3A_27 = arith.constant 0 : index
    %swap3A_28 = vector.load %arg6[%swap3A, %swap3A_27] : memref<2000x128xf32, #tpu.memory_space<vmem>>, vector<2000x128xf32>
    tpu.vector_store %arg6[%swap3A, %swap3A_27], %add3A_26 {strides = array<i32>} : memref<2000x128xf32, #tpu.memory_space<vmem>>, vector<2000x128xf32>,
    return
  }
  func.func @transform_0(%arg0: i32) -> (i32, i32) {
    %c0_i32 = arith.constant 0 : i32
    %c0_i32_0 = arith.constant 0 : i32
    return %arg0, %c0_i32 : i32, i32
  }
  func.func @transform_1(%arg0: i32) -> (i32, i32, i32) {
    %c0_i32 = arith.constant 0 : i32
    %c0_i32_0 = arith.constant 0 : i32
    %c0_i32_1 = arith.constant 0 : i32
    return %c0_i32, %arg0, %c0_i32_0 : i32, i32, i32
  }
  func.func @transform_2(%arg0: i32) -> (i32, i32) {
    %c0_i32 = arith.constant 0 : i32
    %c0_i32_0 = arith.constant 0 : i32
    %c0_i32_1 = arith.constant 0 : i32
    return %c0_i32, %c0_i32_0 : i32, i32
  }
  func.func @transform_3(%arg0: i32) -> (i32, i32) {
    %c0_i32 = arith.constant 0 : i32
    %c0_i32_0 = arith.constant 0 : i32
    %c0_i32_1 = arith.constant 0 : i32
    return %c0_i32, %c0_i32_0 : i32, i32
  }
  func.func @transform_4(%arg0: i32) -> (i32, i32) {
    %c0_i32 = arith.constant 0 : i32
    %c0_i32_0 = arith.constant 0 : i32
    %c0_i32_1 = arith.constant 0 : i32
    return %c0_i32, %c0_i32_0 : i32, i32
  }
  func.func @transform_5(%arg0: i32) -> (i32, i32) {
    %c0_i32 = arith.constant 0 : i32
    %c0_i32_0 = arith.constant 0 : i32
    return %arg0, %c0_i32 : i32, i32
  }
}

</mosaic_0001>

<sc_bundles>
// kernel: kernel.12.cloned.1.call-start
scs
__scs_entry_jumppad:
0x0: {  	(pc) =	sbr.rel $0x88, $3  }
0x1: {  	(tag) =	ssettag $0x0;
	lr =	simm.s32 $0x1  }
0x2: {  	[smem:$0x3F98] =	sst lr;
	_ =	strace $0xD0000000  }
0x3: {  	_ = 	snop  }
0x4: {  	_ = 	snop  }
0x5: {  	_ = 	snop  }
0x6: {  	_ = 	snop  }
0x7: {  	_ = 	snop  }
__scs_overlays_trampoline_lowered:
0x8: {  	[smem:$0x3FA7] =	sst s0  }
0x9: {  	[smem:$0x3FA8] =	sst s1  }
0xa: {  	[smem:$0x3FA9] =	sst s2  }
0xb: {  	[smem:$0x3FAA] =	sst s3  }
0xc: {  	[smem:$0x3FAB] =	sst s4  }
0xd: {  	[smem:$0x3FAC] =	sst s5  }
0xe: {  	[smem:$0x3FAD] =	sst s6  }
0xf: {  	[smem:$0x3FAE] =	sst s7  }
0x10: {  	[smem:$0x3FAF] =	sst s8  }
0x11: {  	[smem:$0x3FB0] =	sst s9;
	s0 =	simm.s32 @!p0 $0x0  }
0x12: {  	s1 =	sld [smem:$0x3F96];
	s0 =	simm.s32 @p0 $0x1  }
0x13: {  	[smem:$0x3FB1] =	sst s0;
	s0 =	simm.s32 @!p1 $0x0  }
0x14: {  	s2 =	sld [smem:$0x3F95];
	s0 =	simm.s32 @p1 $0x1  }
0x15: {  	[smem:$0x3FB2] =	sst s0;
	s0 =	simm.s32 @!p2 $0x0  }
0x16: {  	s3 =	sld [smem:$0x3FDB];
	s0 =	simm.s32 @p2 $0x1  }
0x17: {  	s4 =	simm.s32 $0x1BF5;
	[smem:$0x3FB4] =	sst s0  }
0x18: {  	s0 =	sld [smem:$0x3F97];
	_ =	swait.ge [sflag:s4], $0x0  }
0x19: {  	s7 =	sld [smem:$0x3F98]  }
0x1a: {  	s8 =	sadd.s32 $0xFFFFE003, lr  }
0x1b: {  	s9 =	sadd.s32 $0xFFFFFEF7, lr;
	s5 =	simm.s32 $0xFFFFFFFF;
	p2 =	slt.u32 s8, $0xFFFFF086  }
0x1c: {  	p1 =	slt.u32 s9, $0xF7A;
	s5 =	simm.s32 @!p2 $0x0  }
0x1d: {  	s5 =	simm.s32 @p1 $0x1;
	p0 =	seq.s32 s7, s2  }
0x1e: {  	s7 =	smul.u32 @!p0 $0xF7A, s2;
	p2 =	seq.s32 @!p0 s5, $0x0  }
0x1f: {  	s9 =	smul.u32 $0xF7A, s1;
	s8 =	simm.s32 @!p0 $0x1BF5;
	p2 =	por !p2, p0  }
0x20: {  	[sflag:s8] =	ssyncset.s32 @!p0 $0xFFFFF086;
	s6 =	sadd.s32 @!p0 s3, s7;
	s7 =	simm.s32 @!p0 $0x108  }
0x21: {  	s3 =	sadd.s32 s3, s9;
	s6 =	sadd.s32 @!p0 $0x88, s6;
	s7 =	simm.s32 @p2 $0x1082  }
0x22: {  	[simem:s7], [sflag:s8] =	dma.local @!p0 [hbm:s6], $0xF7A  }
0x23: {  	s9 =	sor.u32 $0xD0000000, s2;
	s6 =	simm.s32 $0x108;
	_ =	swait.ge @!p0 [sflag:s8], $0x0  }
0x24: {  	s3 =	sadd.s32 $0x88, s3;
	s6 =	simm.s32 @!p1 $0x1082;
	[sflag:s4] =	ssyncset.s32 $0xFFFFF086  }
0x25: {  	[simem:s6], [sflag:s4] =	dma.local [hbm:s3], $0xF7A  }
0x26: {  	[smem:$0x3F98] =	sst s1;
	(tag) =	ssettag s2;
	_ =	strace s9  }
0x27: {  	s1 =	sld [smem:$0x3FA8]  }
0x28: {  	s2 =	sld [smem:$0x3FA9]  }
0x29: {  	s4 =	sld [smem:$0x3FAB]  }
0x2a: {  	p0 =	seq.s32 s5, $0x0;
	s5 =	sld [smem:$0x3FAC]  }
0x2b: {  	s6 =	sld [smem:$0x3FAD]  }
0x2c: {  	s7 =	sld [smem:$0x3FAE]  }
0x2d: {  	s3 =	simm.s32 $0x108;
	s8 =	sld [smem:$0x3FAF]  }
0x2e: {  	s3 =	simm.s32 @!p0 $0x1082;
	s9 =	sld [smem:$0x3FB0]  }
0x2f: {  	lr =	sadd.s32 s0, s3;
	s0 =	sld [smem:$0x3FA7]  }
0x30: {  	s3 =	sld [smem:$0x3FAA]  }
0x31: {  	[smem:$0x3FB3] =	sst s10  }
0x32: {  	s10 =	sld [smem:$0x3FB1];
	_ =	sdelay $0x3  }
0x33: {  	p0 =	seq.s32 s10, $0x1;
	s10 =	sld [smem:$0x3FB3];
	_ =	sdelay $0x3  }
0x34: {  	[smem:$0x3FB3] =	sst s10  }
0x35: {  	s10 =	sld [smem:$0x3FB2];
	_ =	sdelay $0x3  }
0x36: {  	p1 =	seq.s32 s10, $0x1;
	s10 =	sld [smem:$0x3FB3];
	_ =	sdelay $0x3  }
0x37: {  	[smem:$0x3FB3] =	sst s10  }
0x38: {  	s10 =	sld [smem:$0x3FB4]  }
0x39: {  	_ = 	snop;
	(pc) =	sbr.ind lr, $3  }
0x3a: {  	_ = 	snop  }
0x3b: {  	_ = 	snop  }
0x3c: {  	p2 =	seq.s32 s10, $0x1;
	s10 =	sld [smem:$0x3FB3]  }
0x3d: {  	_ =	shalt  }
0x3e: {  	_ =	shalt  }
0x3f: {  	_ =	shalt  }
0x40: {  	_ =	shalt  }
0x41: {  	_ =	shalt  }
0x42: {  	_ =	shalt  }
0x43: {  	_ =	shalt  }
0x44: {  	_ =	shalt  }
0x45: {  	_ =	shalt  }
0x46: {  	_ =	shalt  }
0x47: {  	_ =	shalt  }
0x48: {  	_ =	shalt  }
0x49: {  	_ =	shalt  }
0x4a: {  	_ =	shalt  }
0x4b: {  	_ =	shalt  }
0x4c: {  	_ =	shalt  }
0x4d: {  	_ =	shalt  }
0x4e: {  	_ =	shalt  }
0x4f: {  	_ =	shalt  }
0x50: {  	_ =	shalt  }
0x51: {  	_ =	shalt  }
0x52: {  	_ =	shalt  }
0x53: {  	_ =	shalt  }
0x54: {  	_ =	shalt  }
0x55: {  	_ =	shalt  }
0x56: {  	_ =	shalt  }
0x57: {  	_ =	shalt  }
0x58: {  	_ =	shalt  }
0x59: {  	_ =	shalt  }
0x5a: {  	_ =	shalt  }
0x5b: {  	_ =	shalt  }
0x5c: {  	_ =	shalt  }
0x5d: {  	_ =	shalt  }
0x5e: {  	_ =	shalt  }
0x5f: {  	_ =	shalt  }
0x60: {  	_ =	shalt  }
0x61: {  	_ =	shalt  }
0x62: {  	_ =	shalt  }
0x63: {  	_ =	shalt  }
0x64: {  	_ =	shalt  }
0x65: {  	_ =	shalt  }
0x66: {  	_ =	shalt  }
0x67: {  	_ =	shalt  }
0x68: {  	_ =	shalt  }
0x69: {  	_ =	shalt  }
0x6a: {  	_ =	shalt  }
0x6b: {  	_ =	shalt  }
0x6c: {  	_ =	shalt  }
0x6d: {  	_ =	shalt  }
0x6e: {  	_ =	shalt  }
0x6f: {  	_ =	shalt  }
0x70: {  	_ =	shalt  }
0x71: {  	_ =	shalt  }
0x72: {  	_ =	shalt  }
0x73: {  	_ =	shalt  }
0x74: {  	_ =	shalt  }
0x75: {  	_ =	shalt  }
0x76: {  	_ =	shalt  }
0x77: {  	_ =	shalt  }
0x78: {  	_ =	shalt  }
0x79: {  	_ =	shalt  }
0x7a: {  	_ =	shalt  }
0x7b: {  	_ =	shalt  }
0x7c: {  	_ =	shalt  }
0x7d: {  	_ =	shalt  }
0x7e: {  	_ =	shalt  }
0x7f: {  	_ =	shalt  }
0x80: {  	_ =	shalt  }
0x81: {  	_ =	shalt  }
0x82: {  	_ =	shalt  }
0x83: {  	_ =	shalt  }
0x84: {  	_ =	shalt  }
0x85: {  	_ =	shalt  }
0x86: {  	_ =	shalt  }
0x87: {  	_ =	shalt  }
.Lfunc_end0:
.L_simem_size_0:
called_computation_lowered:
.L_overlay_start_0:
0x88: {  	s2 =	sld [smem:$0x3FD9]  }
0x89: {  	s3 =	sld [smem:$0x3FFE];
	_ =	sdelay $0x1  }
0x8a: {  	s1 =	srdreg.scid  }
0x8b: {  	s0 =	sand.u32 $0x1, s1  }
0x8c: {  	s16 =	sshll.u32 s0, $0xA;
	s2 =	sadd.s32 s3, s2  }
0x8d: {  	s2 =	sadd.s32 s2, s16  }
0x8e: {  	[smem:$0x3FBF] =	sst s2  }
0x8f: {  	_ = 	snop  }
0x90: {  	(tm) =	ssettm $0x1  }
0x91: {  	s17 =	sld [smem:$0x3FFB];
	_ =	sdelay $0x3  }
0x92: {  	_ =	strace s17  }
0x93: {  	s2 =	sld [smem:$0x3FFC];
	_ =	sdelay $0x3  }
0x94: {  	_ =	strace s2  }
0x95: {  	s2 =	sld [smem:$0x3FFD];
	_ =	sdelay $0x3  }
0x96: {  	_ =	strace s2  }
0x97: {  	_ =	strace $0x8FFFFFFF  }
0x98: {  	s18 =	sld [smem:$0x3FDB];
	_ =	sdelay $0x1  }
0x99: {  	s19 =	simm.s32 $_scs_section_size  }
0x9a: {  	s4 =	simm.s32 $_size__tile_overlayer_lowered;
	s5 =	simm.s32 $_tile_overlayer_lowered  }
0x9b: {  	s22 =	simm.s32 $0x1BFF;
	s21 =	sshll.u32 s5, $0x1;
	s2 =	sadd.s32 s19, s18  }
0x9c: {  	s6 =	simm.s32 $0x0;
	s20 =	sshll.u32 s4, $0x1;
	s4 =	sadd.s32 s21, s2  }
0x9d: {  	[timem:s6], [sflag:s22] =	dma.local [hbm:s4], s20  }
0x9e: {  	_ =	swait.ge [sflag:s22], s20  }
0x9f: {  	s3 =	ssub.s32 $0x0, s20;
	[sflag:s22] =	ssyncset.done $0x0  }
0xa0: {  	[sflag:s22] =	ssyncadd.s32 s3;
	_ =	sdelay $0x1  }
0xa1: {  	s23 =	simm.s32 $0x1B8B  }
0xa2: {  	_ =	swait.ge [sflag:s23], $0x1  }
0xa3: {  	[sflag:s23] =	ssyncset.done $0x0  }
0xa4: {  	s25 =	simm.s32 $0x1B8E;
	s24 =	sld [smem:$0x3FFE];
	[sflag:s23] =	ssyncadd.s32 $0xFFFFFFFF  }
0xa5: {  	s26 =	simm.s32 $execute0_lowered;
	[smem:$0x3FD2] =	sst s25  }
0xa6: {  	s4 =	sshll.u32 s26, $0x1;
	_ =	strace $0x80000046;
	[dreg:$0x1] =	wrdreg $0xFFFFFFFF  }
0xa7: {  	s28 =	simm.s32 $_size_execute0_lowered;
	s2 =	sadd.s32 s2, s4;
	[dreg:$0x0] =	wrdreg $0x0  }
0xa8: {  	s4 =	sshll.u32 s28, $0x1;
	[dreg:$0x2] =	wrdreg s2  }
0xa9: {  	[dreg:$0x3] =	wrdreg s4  }
0xaa: {  	[dreg:$0x4] =	wrdreg $0xC0  }
0xab: {  	_ =	task [dreg:s6], $0x5FFFF  }
0xac: {  	[dreg:$0x1] =	wrdreg $0xFFFFFFFF  }
0xad: {  	[dreg:$0x0] =	wrdreg $0x60  }
0xae: {  	[dreg:$0x2] =	wrdreg s24  }
0xaf: {  	[dreg:$0x3] =	wrdreg $0x7B000  }
0xb0: {  	[dreg:$0x4] =	wrdreg $0x9  }
0xb1: {  	_ =	task.clear_ibuf [dreg:s6], $0x5FFFF;
	_ =	strace $0x90000046  }
0xb2: {  	s29 =	simm.s32 $0x9;
	_ =	strace $0x80000048  }
0xb3: {  	_ =	swait.ge [sflag:s29], $0x1  }
0xb4: {  	[sflag:s29] =	ssyncadd.s32 $0xFFFFFFFF  }
0xb5: {  	_ =	strace $0x90000048  }
0xb6: {  	_ =	sfence  }
0xb7: {  	s30 =	sld [smem:$0x0];
	_ =	sdelay $0x2  }
0xb8: {  	s31 =	sshll.u32 s1, $0xD;
	s1 =	sshrl.u32 s1, $0x2  }
0xb9: {  	s3 =	sand.u32 $0x4000, s31;
	s1 =	sadd.s32 s1, s30  }
0xba: {  	s0 =	sor.u32 s3, s0;
	s1 =	sshll.u32 s1, $0x11  }
0xbb: {  	s0 =	sor.u32 s1, s0  }
0xbc: {  	s0 =	sadd.s32 $0x8F2B, s0  }
0xbd: {  	[sflag:s0] =	ssyncadd.remote.s32 $0x1  }
0xbe: {  	_ =	sfence.sel $0xFFFF  }
0xbf: {  	[dreg:$0x0] =	wrdreg $0xFFFFFFFF;
	(pc) =	sbr.abs _section_cstart, $3  }
0xc0: {  	[dreg:$0x1] =	wrdreg $0xFFFFFFFF  }
0xc1: {  	_ =	task.clear_ibuf [dreg:s6], $0x2FFFF;
	_ =	strace $0x9FFFFFFF  }
0xc2: {  	(tm) =	ssettm $0x7FFFFFFF  }
0xc3: {  	_ =	shalt  }
tec
execute0_lowered:
.L_overlay_start_1:
0x0: {  	(tag) =	ssettag $0x1  }
0x1: {  	s23 =	stileid.u32  }
0x2: {  	s0 =	srdreg.scid;
	s10 =	smul.u32 $0x500, s23  }
0x3: {  	s8 =	sand.u32 $0x1, s0;
	s24 =	smul.u32 $0x2800, s23  }
0x4: {  	s6 =	sor.u32 $0x10, s23;
	s9 =	smul.u32 $0x138800, s8  }
0x5: {  	s5 =	sor.u32 $0x20, s23;
	s11 =	smul.u32 $0x500, s6  }
0x6: {  	s4 =	sor.u32 $0x30, s23;
	s12 =	smul.u32 $0x500, s5  }
0x7: {  	s3 =	sor.u32 $0x40, s23;
	s13 =	smul.u32 $0x500, s4  }
0x8: {  	s2 =	sor.u32 $0x50, s23;
	s14 =	smul.u32 $0x500, s3  }
0x9: {  	s1 =	sor.u32 $0x60, s23;
	s15 =	smul.u32 $0x500, s2  }
0xa: {  	s0 =	sor.u32 $0x70, s23;
	s16 =	smul.u32 $0x500, s1  }
0xb: {  	s19 =	smul.u32 $0x500, s0  }
0xc: {  	s18 =	rddreg [dreg:$0x0];
	s28 =	simm.s32 $0x300;
	s31 =	smul.u32 $0x2800, s4  }
0xd: {  	s30 =	simm.s32 $0x9;
	s20 =	sadd.s32 $0xA08800, s18;
	s21 =	smul.u32 $0x2800, s3  }
0xe: {  	s7 =	ssub.s32 $0x2, s8;
	s8 =	sshll.u32 s8, $0x4;
	s4 =	smul.u32 $0xA000, s4  }
0xf: {  	s3 =	smul.u32 $0xA000, s3;
	p0 =	sgt.u32 s0, $0x7C;
	s17 =	sshrl.u32 s7, $0x1  }
0x10: {  	s10 =	sadd.s32 s20, s10;
	s8 =	sor.u32 s23, s8;
	s7 =	ssub.s32 s7, s17  }
0x11: {  	[dreg:$0x3] =	wrdreg s10;
	s10 =	smul.u32 $0x2800, s6;
	s11 =	sadd.s32 s20, s11  }
0x12: {  	s25 =	sadd.s32 s20, s12;
	s26 =	sadd.s32 s20, s13;
	s29 =	sadd.s32 s20, s14  }
0x13: {  	s15 =	sadd.s32 s20, s15;
	s16 =	sadd.s32 s20, s16;
	s17 =	rddreg [dreg:$0x1]  }
0x14: {  	s22 =	sadd.s32 s20, s19;
	s24 =	sadd.s32 s9, s24;
	[dreg:$0x4] =	wrdreg s11  }
0x15: {  	s12 =	sadd.s32 s9, s31;
	s6 =	smul.u32 $0xA000, s6;
	[dreg:$0x5] =	wrdreg s25  }
0x16: {  	s13 =	sadd.s32 s9, s21;
	s11 =	smul.u32 $0x2800, s5;
	[dreg:$0x6] =	wrdreg s26  }
0x17: {  	s31 =	simm.s32 $0x0;
	[dreg:$0x7] =	wrdreg s29;
	s25 =	smul.u32 $0x2800, s2  }
0x18: {  	s20 =	sadd.s32 $0xA2FA00, s18;
	[dreg:$0x8] =	wrdreg s15;
	s26 =	smul.u32 $0x2800, s1  }
0x19: {  	s4 =	sshrl.u32 s4, $0x2;
	[dreg:$0x9] =	wrdreg s16;
	s29 =	smul.u32 $0x2800, s0  }
0x1a: {  	[dreg:$0xa] =	wrdreg s22;
	s22 =	sshrl.u32 s12, $0x3;
	s12 =	smul.u32 $0x2710, s8  }
0x1b: {  	s3 =	sshrl.u32 s3, $0x2;
	[smem:$0x7FF] =	sst s31;
	s8 =	smul.u32 $0x27100, s8  }
0x1c: {  	s14 =	sshrl.u32 s24, $0x3;
	s24 =	sshrl.u32 s13, $0x3;
	s5 =	smul.u32 $0xA000, s5  }
0x1d: {  	s7 =	smax.u32 s7, $0x1;
	s10 =	sadd.s32 s9, s10;
	s14 =	sadd.s32 s20, s14  }
0x1e: {  	s11 =	sadd.s32 s9, s11;
	s15 =	sadd.s32 s9, s25;
	s16 =	sadd.s32 s9, s26  }
0x1f: {  	s9 =	sadd.s32 s9, s29;
	s10 =	sshrl.u32 s10, $0x3;
	[dreg:$0xb] =	wrdreg s14  }
0x20: {  	s25 =	sadd.s32 s20, s24;
	s31 =	sadd.s32 $0x50, s12;
	s24 =	sadd.s32 $0x9600, s18  }
0x21: {  	s10 =	sadd.s32 s20, s10;
	s21 =	sshrl.u32 s11, $0x3;
	[dreg:$0xf] =	wrdreg s25  }
0x22: {  	s9 =	sshrl.u32 s9, $0x3;
	[dreg:$0xc] =	wrdreg s10;
	s10 =	sadd.s32 s20, s21  }
0x23: {  	s13 =	sadd.s32 $0x28, s12;
	s9 =	sadd.s32 s20, s9;
	[dreg:$0xd] =	wrdreg s10  }
0x24: {  	s26 =	sshrl.u32 s15, $0x3;
	s10 =	sadd.s32 s20, s22;
	[dreg:$0x13] =	wrdreg s9  }
0x25: {  	s29 =	sshrl.u32 s16, $0x3;
	[dreg:$0xe] =	wrdreg s10;
	s10 =	sadd.s32 s20, s26  }
0x26: {  	s15 =	sshrl.u32 s13, $0x3;
	[dreg:$0x10] =	wrdreg s10;
	s10 =	sadd.s32 s20, s29  }
0x27: {  	s22 =	sadd.s32 $0x13400, s18;
	s9 =	sshrl.u32 s31, $0x3;
	[dreg:$0x12] =	wrdreg s10  }
0x28: {  	s9 =	sadd.s32 s22, s9;
	_ =	strace $0x80000047;
	[dreg:$0x14] =	wrdreg s31  }
0x29: {  	s25 =	sadd.s32 $0x4FF600, s18;
	s16 =	sadd.s32 s22, s15;
	[dreg:$0x15] =	wrdreg s9  }
0x2a: {  	s21 =	sadd.s32 $0x9E1600, s18;
	s18 =	sadd.s32 s24, s15;
	[dreg:$0x18] =	wrdreg s16  }
0x2b: {  	s19 =	sshll.u32 s13, $0x4;
	s8 =	sadd.s32 s25, s8;
	[dreg:$0x19] =	wrdreg s18  }
0x2c: {  	s20 =	smul.u32 $0xA000, s23;
	s23 =	sadd.s32 s25, s19;
	[dreg:$0x1a] =	wrdreg s8  }
0x2d: {  	s2 =	smul.u32 $0xA000, s2;
	s6 =	sshrl.u32 s6, $0x2;
	[dreg:$0x1b] =	wrdreg s23  }
0x2e: {  	s6 =	sadd.s32 s6, s17;
	s5 =	sshrl.u32 s5, $0x2;
	[dreg:$0x1c] =	wrdreg s7  }
0x2f: {  	s1 =	smul.u32 $0xA000, s1;
	s5 =	sadd.s32 s5, s17;
	[dreg:$0x1e] =	wrdreg s6  }
0x30: {  	s0 =	smul.u32 $0xA000, s0;
	s4 =	sadd.s32 s4, s17;
	[dreg:$0x1f] =	wrdreg s5  }
0x31: {  	s3 =	sadd.s32 s3, s17;
	s2 =	sshrl.u32 s2, $0x2;
	[smem:$0x7F7] =	sst s4  }
0x32: {  	s1 =	sshrl.u32 s1, $0x2;
	s2 =	sadd.s32 s2, s17;
	[smem:$0x7F8] =	sst s3  }
0x33: {  	s0 =	sshrl.u32 s0, $0x2;
	s1 =	sadd.s32 s1, s17;
	[smem:$0x7F9] =	sst s2  }
0x34: {  	s0 =	sadd.s32 s0, s17;
	s13 =	simm.s32 $0x280;
	[smem:$0x7FA] =	sst s1  }
0x35: {  	s29 =	sadd.s32 $0x78, s12;
	s10 =	sshrl.u32 s12, $0x3;
	[smem:$0x7FB] =	sst s0  }
0x36: {  	s15 =	simm.s32 $0x6;
	s14 =	sadd.s32 s22, s10;
	[smem:$0x7FC] =	sst s29  }
0x37: {  	s9 =	sadd.s32 s24, s10;
	s26 =	sshrl.u32 s20, $0x2;
	[dreg:$0x11] =	wrdreg s12  }
0x38: {  	s31 =	sadd.s32 $0xC8, s12;
	s16 =	simm.s32 $0x180;
	s20 =	simm.s32 $0x1  }
0x39: {  	s18 =	simm.s32 $0x10;
	s0 =	simm.s32 $0x7;
	s1 =	simm.s32 $0xA  }
0x3a: {  	s2 =	simm.s32 $0x3;
	s3 =	simm.s32 $0x2B00;
	s5 =	simm.s32 $0x4  }
0x3b: {  	s6 =	simm.s32 $0x8;
	s8 =	simm.s32 $0xD;
	[dreg:$0x16] =	wrdreg s14  }
0x3c: {  	s10 =	simm.s32 $0x5;
	s4 =	simm.s32 $0xC;
	[dreg:$0x17] =	wrdreg s9  }
0x3d: {  	s12 =	simm.s32 $0x0;
	s7 =	sadd.s32 s26, s17;
	[smem:$0x7FD] =	sst s31  }
0x3e: {  	s26 =	simm.s32 $0x28;
	[dreg:$0x1d] =	wrdreg s7;
	s7 =	simm.s32 $0xB  }
.LBB2_1:
0x3f: {  	[smem:$0x7ED] =	sst s12  }
0x40: {  	s9 =	simm.s32 $0x0;
	s11 =	rddreg [dreg:$0x16]  }
0x41: {  	[tilespmem:s9], [sflag:$0x1] =	stream.linear.gather [hbm4b:s11+s9], $0x28, $0x38;
	[tilespmem:$0x1B380] =	vst v63  }
0x42: {  	s19 =	rddreg [dreg:$0x18];
	s12 =	simm.s32 $0x80  }
0x43: {  	[tilespmem:s12], [sflag:$0x2] =	stream.linear.gather [hbm4b:s19+s9], $0x28, $0x38;
	[tilespmem:$0x1B380] =	vst v63  }
0x44: {  	s23 =	rddreg [dreg:$0x15];
	s14 =	simm.s32 $0x100  }
0x45: {  	[tilespmem:s14], [sflag:$0x3] =	stream.linear.gather [hbm4b:s23+s9], $0x28, $0x38;
	[tilespmem:$0x1B380] =	vst v63  }
0x46: {  	s31 =	rddreg [dreg:$0x17]  }
0x47: {  	[tilespmem:s16], [sflag:$0x4] =	stream.linear.gather [hbm4b:s31+s9], $0x28, $0x38;
	[tilespmem:$0x1B380] =	vst v63  }
0x48: {  	s19 =	simm.s32 $0x200;
	s14 =	rddreg [dreg:$0x19]  }
0x49: {  	[tilespmem:s19], [sflag:$0x5] =	stream.linear.gather [hbm4b:s14+s9], $0x28, $0x38;
	[tilespmem:$0x1B380] =	vst v63  }
0x4a: {  	_ =	swait.ge [sflag:s20], $0x28  }
0x4b: {  	[sflag:s20] =	ssyncset.done $0x0  }
0x4c: {  	[sflag:s20] =	ssyncadd.s32 $0xFFFFFFD8  }
0x4d: {  	[tilespmem:s28], [sflag:$0x7] =	stream.indirect.gather [hbm4b:s21+s26], $0x80, s9, s26, $0xb8;
	[tilespmem:$0x1B380] =	vst v63  }
0x4e: {  	s31 =	simm.s32 $0x3F00;
	s14 =	simm.s32 $0x2;
	s23 =	rddreg [dreg:$0x1a]  }
0x4f: {  	[tilespmem:s31], [sflag:$0xA] =	stream.linear.gather [hbm4b:s23+s9], $0x1400, $0x38;
	[tilespmem:$0x1B380] =	vst v63  }
0x50: {  	_ =	swait.ge [sflag:s14], $0x28  }
0x51: {  	[sflag:s14] =	ssyncset.done $0x0  }
0x52: {  	s19 =	simm.s32 $0x1700;
	s23 =	rddreg [dreg:$0x1b];
	[sflag:s14] =	ssyncadd.s32 $0xFFFFFFD8  }
0x53: {  	[tilespmem:s19], [sflag:$0x8] =	stream.indirect.gather [hbm4b:s21+s26], $0x80, s12, s26, $0xb8;
	[tilespmem:$0x1B380] =	vst v63  }
0x54: {  	s31 =	simm.s32 $0x5300;
	s14 =	stileid.u32;
	s19 =	rddreg [dreg:$0x1d]  }
0x55: {  	[tilespmem:s31], [sflag:$0xB] =	stream.linear.gather [hbm4b:s23+s9], $0x1400, $0x38;
	[tilespmem:$0x1B380] =	vst v63  }
0x56: {  	s9 =	sshll.u32 s14, $0x6;
	s23 =	sshrl.u32 s19, $0x3;
	s31 =	rddreg [dreg:$0x3]  }
0x57: {  	s11 =	sor.u32 $0x1C10, s9;
	[smem:$0x7EE] =	sst s23  }
0x58: {  	[spmem:s23], [sflag:s11] =	dma.local [hbm:s31], $0x500  }
0x59: {  	_ =	swait.ge [sflag:s18], $0x500  }
0x5a: {  	s14 =	rddreg [dreg:$0x1e]  }
0x5b: {  	[sflag:s18] =	ssyncset.done $0x0;
	s23 =	rddreg [dreg:$0x4];
	s19 =	sshrl.u32 s14, $0x3  }
0x5c: {  	[sflag:s18] =	ssyncadd.s32 $0xFFFFFB00;
	[smem:$0x7EF] =	sst s19  }
0x5d: {  	[spmem:s19], [sflag:s11] =	dma.local [hbm:s23], $0x500  }
0x5e: {  	_ =	swait.ge [sflag:s18], $0x500  }
0x5f: {  	s31 =	rddreg [dreg:$0x1f]  }
0x60: {  	[sflag:s18] =	ssyncset.done $0x0;
	s14 =	rddreg [dreg:$0x5];
	s9 =	sshrl.u32 s31, $0x3  }
0x61: {  	[sflag:s18] =	ssyncadd.s32 $0xFFFFFB00;
	[smem:$0x7F0] =	sst s9  }
0x62: {  	[spmem:s9], [sflag:s11] =	dma.local [hbm:s14], $0x500  }
0x63: {  	_ =	swait.ge [sflag:s18], $0x500  }
0x64: {  	s19 =	sld [smem:$0x7F7];
	_ =	sdelay $0x2  }
0x65: {  	[sflag:s18] =	ssyncset.done $0x0;
	s31 =	rddreg [dreg:$0x6];
	s23 =	sshrl.u32 s19, $0x3  }
0x66: {  	[sflag:s18] =	ssyncadd.s32 $0xFFFFFB00;
	[smem:$0x7F1] =	sst s23  }
0x67: {  	[spmem:s23], [sflag:s11] =	dma.local [hbm:s31], $0x500  }
0x68: {  	_ =	swait.ge [sflag:s18], $0x500  }
0x69: {  	s14 =	sld [smem:$0x7F8];
	_ =	sdelay $0x2  }
0x6a: {  	[sflag:s18] =	ssyncset.done $0x0;
	s23 =	rddreg [dreg:$0x7];
	s19 =	sshrl.u32 s14, $0x3  }
0x6b: {  	[sflag:s18] =	ssyncadd.s32 $0xFFFFFB00;
	[smem:$0x7F2] =	sst s19  }
0x6c: {  	[spmem:s19], [sflag:s11] =	dma.local [hbm:s23], $0x500  }
0x6d: {  	_ =	swait.ge [sflag:s18], $0x500  }
0x6e: {  	s31 =	sld [smem:$0x7F9];
	_ =	sdelay $0x2  }
0x6f: {  	[sflag:s18] =	ssyncset.done $0x0;
	s14 =	rddreg [dreg:$0x8];
	s9 =	sshrl.u32 s31, $0x3  }
0x70: {  	[sflag:s18] =	ssyncadd.s32 $0xFFFFFB00;
	[smem:$0x7F3] =	sst s9  }
0x71: {  	[spmem:s9], [sflag:s11] =	dma.local [hbm:s14], $0x500  }
0x72: {  	_ =	swait.ge [sflag:s18], $0x500  }
0x73: {  	s19 =	sld [smem:$0x7FA];
	_ =	sdelay $0x2  }
0x74: {  	[sflag:s18] =	ssyncset.done $0x0;
	s31 =	rddreg [dreg:$0x9];
	s23 =	sshrl.u32 s19, $0x3  }
0x75: {  	[sflag:s18] =	ssyncadd.s32 $0xFFFFFB00;
	[smem:$0x7F4] =	sst s23  }
0x76: {  	[spmem:s23], [sflag:s11] =	dma.local [hbm:s31], $0x500  }
0x77: {  	_ =	swait.ge [sflag:s18], $0x500  }
0x78: {  	s9 =	sld [smem:$0x7FB];
	_ =	sdelay $0x1  }
0x79: {  	[smem:$0x7F5] =	sst s11  }
0x7a: {  	[sflag:s18] =	ssyncset.done $0x0;
	s12 =	sshrl.u32 @!p0 s9, $0x3;
	s9 =	rddreg [dreg:$0xa]  }
0x7b: {  	[sflag:s18] =	ssyncadd.s32 $0xFFFFFB00;
	[smem:$0x7F6] =	sst s12  }
0x7c: {  	[spmem:s12], [sflag:s11] =	dma.local @!p0 [hbm:s9], $0x500  }
0x7d: {  	s9 =	simm.s32 @!p0 $0x10  }
0x7e: {  	_ =	swait.ge @!p0 [sflag:s9], $0x500  }
0x7f: {  	[sflag:s9] =	ssyncset.done @!p0 $0x0  }
0x80: {  	[sflag:s9] =	ssyncadd.s32 @!p0 $0xFFFFFB00  }
0x81: {  	s29 =	simm.s32 $0x0;
	[bflag:$0x0] =	sbarrier.arrive $0xFFFF  }
.LBB2_2:
0x82: {  	_ =	swait.ge [sflag:s0], $0x1400  }
0x83: {  	[sflag:s0] =	ssyncset.done $0x0  }
0x84: {  	[sflag:s0] =	ssyncadd.s32 $0xFFFFEC00  }
0x85: {  	_ =	swait.ge [sflag:s1], $0x1400  }
0x86: {  	s9 =	sld [smem:$0x7FC]  }
0x87: {  	s31 =	smul.u32 $0x78, s29;
	_ =	sdelay $0x1  }
0x88: {  	s9 =	sadd.s32 s31, s9  }
0x89: {  	s11 =	simm.s32 $0x0;
	[sflag:s1] =	ssyncset.done $0x0;
	s19 =	sshrl.u32 s9, $0x3  }
0x8a: {  	p1 =	seq.s32 s29, $0x0;
	[sflag:s1] =	ssyncadd.s32 $0xFFFFEC00;
	s14 =	sadd.s32 s22, s19  }
0x8b: {  	[tilespmem:s11], [sflag:$0x1] =	stream.linear.gather [hbm4b:s14+s11], $0x28, $0x38;
	[tilespmem:$0x1B380] =	vst v63  }
0x8c: {  	s14 =	simm.s32 @!p1 $0xF  }
0x8d: {  	_ =	swait.ge @!p1 [sflag:s14], $0x1400  }
0x8e: {  	[sflag:s14] =	ssyncset.done @!p1 $0x0  }
0x8f: {  	[sflag:s14] =	ssyncadd.s32 @!p1 $0xFFFFEC00  }
0x90: {  	_ =	swait.ge [sflag:s2], $0x28  }
0x91: {  	[sflag:s2] =	ssyncset.done $0x0;
	s23 =	rddreg [dreg:$0x14]  }
0x92: {  	s18 =	simm.s32 $0x100;
	[sflag:s2] =	ssyncadd.s32 $0xFFFFFFD8;
	s14 =	sadd.s32 s31, s23  }
0x93: {  	[tilespmem:s3], [sflag:$0x9] =	stream.indirect.gather [hbm4b:s21+s26], $0x80, s18, s26, $0xb8;
	[tilespmem:$0x1B380] =	vst v63  }
0x94: {  	s12 =	simm.s32 $0x6700;
	s18 =	sshll.u32 s14, $0x4  }
0x95: {  	s23 =	simm.s32 $0x0;
	s14 =	sshrl.u32 s14, $0x3;
	s18 =	sadd.s32 s25, s18  }
0x96: {  	[tilespmem:s12], [sflag:$0xC] =	stream.linear.gather [hbm4b:s18+s23], $0x1400, $0x38;
	[tilespmem:$0x1B380] =	vst v63  }
0x97: {  	s14 =	sadd.s32 s24, s14  }
0x98: {  	[tilespmem:s13], [sflag:$0x6] =	stream.linear.gather [hbm4b:s14+s23], $0x28, $0x38;
	[tilespmem:$0x1B380] =	vst v63  }
0x99: {  	s14 =	simm.s32 $0x0  }
0x9a: {  	v6 =	vld [tilespmem:s14+$0x3F00]  }
0x9b: {  	v9 =	vld [tilespmem:s14+$0x3F10]  }
0x9c: {  	v5 =	vld [tilespmem:s14+$0x3F20]  }
0x9d: {  	v4 =	vld [tilespmem:s14+$0x3F30]  }
0x9e: {  	v3 =	vld [tilespmem:s14+$0x3F40]  }
0x9f: {  	v2 =	vld [tilespmem:s14+$0x3F50]  }
0xa0: {  	v1 =	vld [tilespmem:s14+$0x3F60]  }
0xa1: {  	v0 =	vld [tilespmem:s14+$0x3F70]  }
0xa2: {  	v11 =	vld [tilespmem:s14+$0x300]  }
0xa3: {  	v13 =	vld [tilespmem:s14+$0x310]  }
0xa4: {  	v12 =	vld [tilespmem:s14+$0x320]  }
0xa5: {  	v10 =	vld [tilespmem:s14+$0x330]  }
0xa6: {  	v8 =	vld [tilespmem:s14+$0x340]  }
0xa7: {  	v7 =	vld [tilespmem:s14+$0x350];
	v11 =	vadd.f32 v6, v11  }
0xa8: {  	s18 =	smul.u32 $0x3, s29;
	s23 =	simm.s32 $0x200;
	v9 =	vadd.f32 v9, v13;
	v6 =	vld [tilespmem:s14+$0x360]  }
.LBB2_3:
0xa9: {  	s11 =	sshra.s32 s23, $0x2;
	p1 =	sne.s32 s23, $0x4E00;
	v13 =	vmul.f32 $1.000000010e-01, v11;
	v12 =	vadd.f32 v5, v12;
	v14 =	vld [tilespmem:s14+$0x370]  }
0xaa: {  	v15 =	vld [tilespmem:s11+$0x3F00];
	v16 =	vmul.f32 $1.000000010e-01, v9;
	v10 =	vadd.f32 v4, v10  }
0xab: {  	v17 =	vld [tilespmem:s11+$0x3F10];
	v4 =	vmax.f32 v11, v13;
	v11 =	vmul.f32 $1.000000010e-01, v12;
	v8 =	vadd.f32 v3, v8  }
0xac: {  	v5 =	vld [tilespmem:s11+$0x3F20];
	[tilespmem:s14+$0x300] =	vst v4;
	v3 =	vmax.f32 v9, v16;
	v9 =	vmul.f32 $1.000000010e-01, v10;
	v7 =	vadd.f32 v2, v7  }
0xad: {  	v4 =	vld [tilespmem:s11+$0x3F30];
	[tilespmem:s14+$0x310] =	vst v3;
	v2 =	vmax.f32 v12, v11;
	v11 =	vmul.f32 $1.000000010e-01, v8;
	v6 =	vadd.f32 v1, v6  }
0xae: {  	v3 =	vld [tilespmem:s11+$0x3F40];
	[tilespmem:s14+$0x320] =	vst v2;
	v1 =	vmax.f32 v10, v9;
	v9 =	vmul.f32 $1.000000010e-01, v7;
	v10 =	vadd.f32 v0, v14  }
0xaf: {  	v2 =	vld [tilespmem:s11+$0x3F50];
	[tilespmem:s14+$0x330] =	vst v1;
	v0 =	vmax.f32 v8, v11;
	v8 =	vmul.f32 $1.000000010e-01, v6  }
0xb0: {  	v1 =	vld [tilespmem:s11+$0x3F60];
	[tilespmem:s14+$0x340] =	vst v0;
	v7 =	vmax.f32 v7, v9;
	v9 =	vmul.f32 $1.000000010e-01, v10  }
0xb1: {  	v0 =	vld [tilespmem:s11+$0x3F70];
	[tilespmem:s14+$0x350] =	vst v7;
	v6 =	vmax.f32 v6, v8  }
0xb2: {  	v7 =	vld [tilespmem:s11+$0x300];
	[tilespmem:s14+$0x360] =	vst v6;
	v6 =	vmax.f32 v10, v9  }
0xb3: {  	v9 =	vld [tilespmem:s11+$0x310];
	[tilespmem:s14+$0x370] =	vst v6;
	s14 =	smov.u32 s11  }
.Ltmp0:
0xb4: {  	v12 =	vld [tilespmem:s14+$0x320];
	(pc) =	sbr.rel @p1 .LBB2_3-.Ltmp0, $4  }
0xb5: {  	v10 =	vld [tilespmem:s14+$0x330]  }
0xb6: {  	v8 =	vld [tilespmem:s14+$0x340]  }
0xb7: {  	v11 =	vadd.f32 v15, v7;
	v7 =	vld [tilespmem:s14+$0x350]  }
0xb8: {  	s23 =	sadd.s32 $0x200, s23;
	v9 =	vadd.f32 v17, v9;
	v6 =	vld [tilespmem:s14+$0x360]  }
0xb9: {  	v13 =	vmul.f32 $1.000000010e-01, v11;
	v5 =	vadd.f32 v5, v12;
	v12 =	vld [tilespmem:s14+$0x370]  }
0xba: {  	v14 =	vmul.f32 $1.000000010e-01, v9;
	v4 =	vadd.f32 v4, v10  }
0xbb: {  	v10 =	vmax.f32 v11, v13;
	v11 =	vmul.f32 $1.000000010e-01, v5;
	v3 =	vadd.f32 v3, v8  }
0xbc: {  	[tilespmem:s14+$0x300] =	vst v10;
	v8 =	vmax.f32 v9, v14;
	v9 =	vmul.f32 $1.000000010e-01, v4;
	v2 =	vadd.f32 v2, v7  }
0xbd: {  	[tilespmem:s14+$0x310] =	vst v8;
	v5 =	vmax.f32 v5, v11;
	v7 =	vmul.f32 $1.000000010e-01, v3;
	v1 =	vadd.f32 v1, v6  }
0xbe: {  	[tilespmem:s14+$0x320] =	vst v5;
	v4 =	vmax.f32 v4, v9;
	v5 =	vmul.f32 $1.000000010e-01, v2;
	v0 =	vadd.f32 v0, v12  }
0xbf: {  	[tilespmem:s14+$0x330] =	vst v4;
	v3 =	vmax.f32 v3, v7;
	v4 =	vmul.f32 $1.000000010e-01, v1  }
0xc0: {  	[tilespmem:s14+$0x340] =	vst v3;
	v2 =	vmax.f32 v2, v5;
	v3 =	vmul.f32 $1.000000010e-01, v0  }
0xc1: {  	[tilespmem:s14+$0x350] =	vst v2;
	v1 =	vmax.f32 v1, v4  }
0xc2: {  	[tilespmem:s14+$0x360] =	vst v1;
	v0 =	vmax.f32 v0, v3  }
0xc3: {  	[tilespmem:s14+$0x370] =	vst v0  }
0xc4: {  	_ =	swait.ge [sflag:s5], $0x28  }
0xc5: {  	[sflag:s5] =	ssyncset.done $0x0  }
0xc6: {  	[sflag:s5] =	ssyncadd.s32 $0xFFFFFFD8  }
0xc7: {  	[spmem:s17] =	stream.indirect.scatter.add.f32 [tilespmem:s28], [sflag:$0xD], $0x80, s16, s26, $0xb8;
	[tilespmem:$0x1B380] =	vst v63  }
0xc8: {  	_ =	swait.ge [sflag:s6], $0x1400  }
0xc9: {  	[sflag:s6] =	ssyncset.done $0x0  }
0xca: {  	s11 =	sadd.s32 $0x4, s18;
	p1 =	seq.s32 s29, $0x52;
	[sflag:s6] =	ssyncadd.s32 $0xFFFFEC00  }
0xcb: {  	s11 =	smul.u32 @!p1 $0x28, s11;
	_ =	swait.ge [sflag:s7], $0x1400  }
0xcc: {  	s12 =	rddreg [dreg:$0x11]  }
0xcd: {  	s18 =	sadd.s32 @!p1 s12, s11  }
0xce: {  	s23 =	simm.s32 @!p1 $0x0;
	[sflag:s7] =	ssyncset.done $0x0;
	s14 =	sshrl.u32 @!p1 s18, $0x3  }
0xcf: {  	[sflag:s7] =	ssyncadd.s32 $0xFFFFEC00;
	s12 =	simm.s32 @!p1 $0x80;
	s11 =	sadd.s32 @!p1 s22, s14  }
0xd0: {  	[tilespmem:s12], [sflag:$0x2] =	stream.linear.gather @!p1 [hbm4b:s11+s23], $0x28, $0x38;
	[tilespmem:$0x1B380] =	vst v63  }
0xd1: {  	_ =	swait.ge [sflag:s8], $0x1400  }
0xd2: {  	[sflag:s8] =	ssyncset.done $0x0  }
0xd3: {  	[sflag:s8] =	ssyncadd.s32 $0xFFFFEC00  }
0xd4: {  	_ =	swait.ge [sflag:s20], $0x28  }
0xd5: {  	[sflag:s20] =	ssyncset.done $0x0  }
0xd6: {  	s9 =	sshll.u32 s9, $0x4;
	s11 =	simm.s32 $0x0;
	[sflag:s20] =	ssyncadd.s32 $0xFFFFFFD8  }
0xd7: {  	[tilespmem:s28], [sflag:$0x7] =	stream.indirect.gather [hbm4b:s21+s26], $0x80, s11, s26, $0xb8;
	[tilespmem:$0x1B380] =	vst v63  }
0xd8: {  	s9 =	sadd.s32 s25, s9;
	s23 =	simm.s32 $0x3F00  }
0xd9: {  	[tilespmem:s23], [sflag:$0xA] =	stream.linear.gather [hbm4b:s9+s11], $0x1400, $0x38;
	[tilespmem:$0x1B380] =	vst v63  }
0xda: {  	s23 =	sadd.s32 s24, s19;
	s9 =	simm.s32 $0x0  }
0xdb: {  	[tilespmem:s16], [sflag:$0x4] =	stream.linear.gather [hbm4b:s23+s11], $0x28, $0x38;
	[tilespmem:$0x1B380] =	vst v63  }
0xdc: {  	v6 =	vld [tilespmem:s9+$0x5300]  }
0xdd: {  	v9 =	vld [tilespmem:s9+$0x5310]  }
0xde: {  	v5 =	vld [tilespmem:s9+$0x5320]  }
0xdf: {  	v4 =	vld [tilespmem:s9+$0x5330]  }
0xe0: {  	v3 =	vld [tilespmem:s9+$0x5340]  }
0xe1: {  	v2 =	vld [tilespmem:s9+$0x5350]  }
0xe2: {  	v1 =	vld [tilespmem:s9+$0x5360]  }
0xe3: {  	v0 =	vld [tilespmem:s9+$0x5370]  }
0xe4: {  	v11 =	vld [tilespmem:s9+$0x1700]  }
0xe5: {  	v13 =	vld [tilespmem:s9+$0x1710]  }
0xe6: {  	v12 =	vld [tilespmem:s9+$0x1720]  }
0xe7: {  	v10 =	vld [tilespmem:s9+$0x1730]  }
0xe8: {  	v8 =	vld [tilespmem:s9+$0x1740]  }
0xe9: {  	v7 =	vld [tilespmem:s9+$0x1750];
	v11 =	vadd.f32 v6, v11  }
0xea: {  	s19 =	simm.s32 $0x200;
	v9 =	vadd.f32 v9, v13;
	v6 =	vld [tilespmem:s9+$0x1760]  }
.LBB2_5:
0xeb: {  	s11 =	sshra.s32 s19, $0x2;
	p2 =	sne.s32 s19, $0x4E00;
	v13 =	vmul.f32 $1.000000010e-01, v11;
	v12 =	vadd.f32 v5, v12;
	v14 =	vld [tilespmem:s9+$0x1770]  }
0xec: {  	v15 =	vld [tilespmem:s11+$0x5300];
	v16 =	vmul.f32 $1.000000010e-01, v9;
	v10 =	vadd.f32 v4, v10  }
0xed: {  	v17 =	vld [tilespmem:s11+$0x5310];
	v4 =	vmax.f32 v11, v13;
	v11 =	vmul.f32 $1.000000010e-01, v12;
	v8 =	vadd.f32 v3, v8  }
0xee: {  	v5 =	vld [tilespmem:s11+$0x5320];
	[tilespmem:s9+$0x1700] =	vst v4;
	v3 =	vmax.f32 v9, v16;
	v9 =	vmul.f32 $1.000000010e-01, v10;
	v7 =	vadd.f32 v2, v7  }
0xef: {  	v4 =	vld [tilespmem:s11+$0x5330];
	[tilespmem:s9+$0x1710] =	vst v3;
	v2 =	vmax.f32 v12, v11;
	v11 =	vmul.f32 $1.000000010e-01, v8;
	v6 =	vadd.f32 v1, v6  }
0xf0: {  	v3 =	vld [tilespmem:s11+$0x5340];
	[tilespmem:s9+$0x1720] =	vst v2;
	v1 =	vmax.f32 v10, v9;
	v9 =	vmul.f32 $1.000000010e-01, v7;
	v10 =	vadd.f32 v0, v14  }
0xf1: {  	v2 =	vld [tilespmem:s11+$0x5350];
	[tilespmem:s9+$0x1730] =	vst v1;
	v0 =	vmax.f32 v8, v11;
	v8 =	vmul.f32 $1.000000010e-01, v6  }
0xf2: {  	v1 =	vld [tilespmem:s11+$0x5360];
	[tilespmem:s9+$0x1740] =	vst v0;
	v7 =	vmax.f32 v7, v9;
	v9 =	vmul.f32 $1.000000010e-01, v10  }
0xf3: {  	v0 =	vld [tilespmem:s11+$0x5370];
	[tilespmem:s9+$0x1750] =	vst v7;
	v6 =	vmax.f32 v6, v8  }
0xf4: {  	v7 =	vld [tilespmem:s11+$0x1700];
	[tilespmem:s9+$0x1760] =	vst v6;
	v6 =	vmax.f32 v10, v9  }
0xf5: {  	v9 =	vld [tilespmem:s11+$0x1710];
	[tilespmem:s9+$0x1770] =	vst v6;
	s9 =	smov.u32 s11  }
.Ltmp1:
0xf6: {  	v12 =	vld [tilespmem:s9+$0x1720];
	(pc) =	sbr.rel @p2 .LBB2_5-.Ltmp1, $4  }
0xf7: {  	v10 =	vld [tilespmem:s9+$0x1730]  }
0xf8: {  	v8 =	vld [tilespmem:s9+$0x1740]  }
0xf9: {  	v11 =	vadd.f32 v15, v7;
	v7 =	vld [tilespmem:s9+$0x1750]  }
0xfa: {  	s19 =	sadd.s32 $0x200, s19;
	v9 =	vadd.f32 v17, v9;
	v6 =	vld [tilespmem:s9+$0x1760]  }
0xfb: {  	v13 =	vmul.f32 $1.000000010e-01, v11;
	v5 =	vadd.f32 v5, v12;
	v12 =	vld [tilespmem:s9+$0x1770]  }
0xfc: {  	v14 =	vmul.f32 $1.000000010e-01, v9;
	v4 =	vadd.f32 v4, v10  }
0xfd: {  	v10 =	vmax.f32 v11, v13;
	v11 =	vmul.f32 $1.000000010e-01, v5;
	v3 =	vadd.f32 v3, v8  }
0xfe: {  	[tilespmem:s9+$0x1700] =	vst v10;
	v8 =	vmax.f32 v9, v14;
	v9 =	vmul.f32 $1.000000010e-01, v4;
	v2 =	vadd.f32 v2, v7  }
0xff: {  	[tilespmem:s9+$0x1710] =	vst v8;
	v5 =	vmax.f32 v5, v11;
	v7 =	vmul.f32 $1.000000010e-01, v3;
	v1 =	vadd.f32 v1, v6  }
0x100: {  	[tilespmem:s9+$0x1720] =	vst v5;
	v4 =	vmax.f32 v4, v9;
	v5 =	vmul.f32 $1.000000010e-01, v2;
	v0 =	vadd.f32 v0, v12  }
0x101: {  	[tilespmem:s9+$0x1730] =	vst v4;
	v3 =	vmax.f32 v3, v7;
	v4 =	vmul.f32 $1.000000010e-01, v1  }
0x102: {  	[tilespmem:s9+$0x1740] =	vst v3;
	v2 =	vmax.f32 v2, v5;
	v3 =	vmul.f32 $1.000000010e-01, v0  }
0x103: {  	[tilespmem:s9+$0x1750] =	vst v2;
	v1 =	vmax.f32 v1, v4  }
0x104: {  	[tilespmem:s9+$0x1760] =	vst v1;
	v0 =	vmax.f32 v0, v3  }
0x105: {  	[tilespmem:s9+$0x1770] =	vst v0  }
0x106: {  	_ =	swait.ge [sflag:s10], $0x28  }
0x107: {  	[sflag:s10] =	ssyncset.done $0x0  }
0x108: {  	s23 =	simm.s32 $0x200;
	s11 =	simm.s32 $0x1700;
	[sflag:s10] =	ssyncadd.s32 $0xFFFFFFD8  }
0x109: {  	[spmem:s17] =	stream.indirect.scatter.add.f32 [tilespmem:s11], [sflag:$0xE], $0x80, s23, s26, $0xb8;
	[tilespmem:$0x1B380] =	vst v63  }
0x10a: {  	_ =	swait.ge [sflag:s30], $0x1400  }
0x10b: {  	[sflag:s30] =	ssyncset.done $0x0  }
0x10c: {  	[sflag:s30] =	ssyncadd.s32 $0xFFFFEC00  }
0x10d: {  	_ =	swait.ge [sflag:s4], $0x1400  }
0x10e: {  	s9 =	sld [smem:$0x7FD];
	_ =	sdelay $0x2  }
0x10f: {  	s9 =	sadd.s32 @!p1 s31, s9  }
0x110: {  	s12 =	simm.s32 @!p1 $0x100;
	[sflag:s4] =	ssyncset.done $0x0;
	s9 =	sshrl.u32 @!p1 s9, $0x3  }
0x111: {  	s11 =	simm.s32 @!p1 $0x0;
	[sflag:s4] =	ssyncadd.s32 $0xFFFFEC00;
	s9 =	sadd.s32 @!p1 s22, s9  }
0x112: {  	[tilespmem:s12], [sflag:$0x3] =	stream.linear.gather @!p1 [hbm4b:s9+s11], $0x28, $0x38;
	[tilespmem:$0x1B380] =	vst v63  }
0x113: {  	s9 =	simm.s32 @!p1 $0xE  }
0x114: {  	_ =	swait.ge @!p1 [sflag:s9], $0x1400  }
0x115: {  	[sflag:s9] =	ssyncset.done @!p1 $0x0  }
0x116: {  	[sflag:s9] =	ssyncadd.s32 @!p1 $0xFFFFEC00;
	s9 =	simm.s32 @!p1 $0x2  }
0x117: {  	_ =	swait.ge @!p1 [sflag:s9], $0x28  }
0x118: {  	s19 =	simm.s32 @!p1 $0x1700;
	[sflag:s9] =	ssyncset.done @!p1 $0x0  }
0x119: {  	s12 =	simm.s32 @!p1 $0x80;
	[sflag:s9] =	ssyncadd.s32 @!p1 $0xFFFFFFD8;
	s9 =	simm.s32 @!p1 $0x28  }
0x11a: {  	[tilespmem:s19], [sflag:$0x8] =	stream.indirect.gather @!p1 [hbm4b:s21+s9], $0x80, s12, s9, $0xb8;
	[tilespmem:$0x1B380] =	vst v63  }
0x11b: {  	s9 =	sshll.u32 @!p1 s18, $0x4  }
0x11c: {  	s12 =	simm.s32 @!p1 $0x5300;
	s9 =	sadd.s32 @!p1 s25, s9  }
0x11d: {  	[tilespmem:s12], [sflag:$0xB] =	stream.linear.gather @!p1 [hbm4b:s9+s11], $0x1400, $0x38;
	[tilespmem:$0x1B380] =	vst v63  }
0x11e: {  	s9 =	sadd.s32 @!p1 s24, s14;
	s12 =	simm.s32 @!p1 $0x200  }
0x11f: {  	[tilespmem:s12], [sflag:$0x5] =	stream.linear.gather @!p1 [hbm4b:s9+s11], $0x28, $0x38;
	[tilespmem:$0x1B380] =	vst v63  }
0x120: {  	s9 =	simm.s32 $0x0  }
0x121: {  	v6 =	vld [tilespmem:s9+$0x6700]  }
0x122: {  	v9 =	vld [tilespmem:s9+$0x6710]  }
0x123: {  	v5 =	vld [tilespmem:s9+$0x6720]  }
0x124: {  	v4 =	vld [tilespmem:s9+$0x6730]  }
0x125: {  	v3 =	vld [tilespmem:s9+$0x6740]  }
0x126: {  	v2 =	vld [tilespmem:s9+$0x6750]  }
0x127: {  	v1 =	vld [tilespmem:s9+$0x6760]  }
0x128: {  	v0 =	vld [tilespmem:s9+$0x6770]  }
0x129: {  	v11 =	vld [tilespmem:s9+$0x2B00]  }
0x12a: {  	v13 =	vld [tilespmem:s9+$0x2B10]  }
0x12b: {  	v12 =	vld [tilespmem:s9+$0x2B20]  }
0x12c: {  	v10 =	vld [tilespmem:s9+$0x2B30]  }
0x12d: {  	v8 =	vld [tilespmem:s9+$0x2B40]  }
0x12e: {  	v7 =	vld [tilespmem:s9+$0x2B50];
	v11 =	vadd.f32 v6, v11  }
0x12f: {  	s14 =	simm.s32 $0x200;
	v9 =	vadd.f32 v9, v13;
	v6 =	vld [tilespmem:s9+$0x2B60]  }
.LBB2_7:
0x130: {  	s11 =	sshra.s32 s14, $0x2;
	p1 =	sne.s32 s14, $0x4E00;
	v13 =	vmul.f32 $1.000000010e-01, v11;
	v12 =	vadd.f32 v5, v12;
	v14 =	vld [tilespmem:s9+$0x2B70]  }
0x131: {  	v15 =	vld [tilespmem:s11+$0x6700];
	v16 =	vmul.f32 $1.000000010e-01, v9;
	v10 =	vadd.f32 v4, v10  }
0x132: {  	v17 =	vld [tilespmem:s11+$0x6710];
	v4 =	vmax.f32 v11, v13;
	v11 =	vmul.f32 $1.000000010e-01, v12;
	v8 =	vadd.f32 v3, v8  }
0x133: {  	v5 =	vld [tilespmem:s11+$0x6720];
	[tilespmem:s9+$0x2B00] =	vst v4;
	v3 =	vmax.f32 v9, v16;
	v9 =	vmul.f32 $1.000000010e-01, v10;
	v7 =	vadd.f32 v2, v7  }
0x134: {  	v4 =	vld [tilespmem:s11+$0x6730];
	[tilespmem:s9+$0x2B10] =	vst v3;
	v2 =	vmax.f32 v12, v11;
	v11 =	vmul.f32 $1.000000010e-01, v8;
	v6 =	vadd.f32 v1, v6  }
0x135: {  	v3 =	vld [tilespmem:s11+$0x6740];
	[tilespmem:s9+$0x2B20] =	vst v2;
	v1 =	vmax.f32 v10, v9;
	v9 =	vmul.f32 $1.000000010e-01, v7;
	v10 =	vadd.f32 v0, v14  }
0x136: {  	v2 =	vld [tilespmem:s11+$0x6750];
	[tilespmem:s9+$0x2B30] =	vst v1;
	v0 =	vmax.f32 v8, v11;
	v8 =	vmul.f32 $1.000000010e-01, v6  }
0x137: {  	v1 =	vld [tilespmem:s11+$0x6760];
	[tilespmem:s9+$0x2B40] =	vst v0;
	v7 =	vmax.f32 v7, v9;
	v9 =	vmul.f32 $1.000000010e-01, v10  }
0x138: {  	v0 =	vld [tilespmem:s11+$0x6770];
	[tilespmem:s9+$0x2B50] =	vst v7;
	v6 =	vmax.f32 v6, v8  }
0x139: {  	v7 =	vld [tilespmem:s11+$0x2B00];
	[tilespmem:s9+$0x2B60] =	vst v6;
	v6 =	vmax.f32 v10, v9  }
0x13a: {  	v9 =	vld [tilespmem:s11+$0x2B10];
	[tilespmem:s9+$0x2B70] =	vst v6;
	s9 =	smov.u32 s11  }
.Ltmp2:
0x13b: {  	v12 =	vld [tilespmem:s9+$0x2B20];
	(pc) =	sbr.rel @p1 .LBB2_7-.Ltmp2, $4  }
0x13c: {  	v10 =	vld [tilespmem:s9+$0x2B30]  }
0x13d: {  	v8 =	vld [tilespmem:s9+$0x2B40]  }
0x13e: {  	v11 =	vadd.f32 v15, v7;
	v7 =	vld [tilespmem:s9+$0x2B50]  }
0x13f: {  	s14 =	sadd.s32 $0x200, s14;
	v9 =	vadd.f32 v17, v9;
	v6 =	vld [tilespmem:s9+$0x2B60]  }
0x140: {  	v13 =	vmul.f32 $1.000000010e-01, v11;
	v5 =	vadd.f32 v5, v12;
	v55 =	vld [tilespmem:s9+$0x2B70]  }
0x141: {  	v14 =	vmul.f32 $1.000000010e-01, v9;
	v4 =	vadd.f32 v4, v10  }
0x142: {  	v56 =	vmax.f32 v11, v13;
	v57 =	vmul.f32 $1.000000010e-01, v5;
	v3 =	vadd.f32 v3, v8  }
0x143: {  	[tilespmem:s9+$0x2B00] =	vst v56;
	v58 =	vmax.f32 v9, v14;
	v59 =	vmul.f32 $1.000000010e-01, v4;
	v2 =	vadd.f32 v2, v7  }
0x144: {  	[tilespmem:s9+$0x2B10] =	vst v58;
	v5 =	vmax.f32 v5, v57;
	v60 =	vmul.f32 $1.000000010e-01, v3;
	v1 =	vadd.f32 v1, v6  }
0x145: {  	[tilespmem:s9+$0x2B20] =	vst v5;
	v4 =	vmax.f32 v4, v59;
	v61 =	vmul.f32 $1.000000010e-01, v2;
	v0 =	vadd.f32 v0, v55  }
0x146: {  	[tilespmem:s9+$0x2B30] =	vst v4;
	v3 =	vmax.f32 v3, v60;
	v62 =	vmul.f32 $1.000000010e-01, v1  }
0x147: {  	[tilespmem:s9+$0x2B40] =	vst v3;
	v2 =	vmax.f32 v2, v61;
	v63 =	vmul.f32 $1.000000010e-01, v0  }
0x148: {  	s29 =	sadd.s32 $0x1, s29;
	[tilespmem:s9+$0x2B50] =	vst v2;
	v1 =	vmax.f32 v1, v62  }
0x149: {  	p1 =	sne.s32 s29, $0x53;
	[tilespmem:s9+$0x2B60] =	vst v1;
	v0 =	vmax.f32 v0, v63  }
.Ltmp3:
0x14a: {  	[tilespmem:s9+$0x2B70] =	vst v0;
	(pc) =	sbr.rel @p1 .LBB2_2-.Ltmp3, $4  }
0x14b: {  	_ =	swait.ge [sflag:s15], $0x28  }
0x14c: {  	[sflag:s15] =	ssyncset.done $0x0  }
0x14d: {  	[sflag:s15] =	ssyncadd.s32 $0xFFFFFFD8  }
0x14e: {  	[spmem:s17] =	stream.indirect.scatter.add.f32 [tilespmem:s3], [sflag:$0xF], $0x80, s13, s26, $0xb8;
	[tilespmem:$0x1B380] =	vst v63  }
0x14f: {  	_ =	swait.ge [sflag:s0], $0x1400  }
0x150: {  	[sflag:s0] =	ssyncset.done $0x0  }
0x151: {  	[sflag:s0] =	ssyncadd.s32 $0xFFFFEC00  }
0x152: {  	_ =	swait.ge [sflag:s1], $0x1400  }
0x153: {  	[sflag:s1] =	ssyncset.done $0x0  }
0x154: {  	s9 =	simm.s32 $0x0;
	[sflag:s1] =	ssyncadd.s32 $0xFFFFEC00  }
0x155: {  	v6 =	vld [tilespmem:s9+$0x3F00]  }
0x156: {  	v9 =	vld [tilespmem:s9+$0x3F10]  }
0x157: {  	v5 =	vld [tilespmem:s9+$0x3F20]  }
0x158: {  	v4 =	vld [tilespmem:s9+$0x3F30]  }
0x159: {  	v3 =	vld [tilespmem:s9+$0x3F40]  }
0x15a: {  	v2 =	vld [tilespmem:s9+$0x3F50]  }
0x15b: {  	v1 =	vld [tilespmem:s9+$0x3F60]  }
0x15c: {  	v0 =	vld [tilespmem:s9+$0x3F70]  }
0x15d: {  	v11 =	vld [tilespmem:s9+$0x300]  }
0x15e: {  	v13 =	vld [tilespmem:s9+$0x310]  }
0x15f: {  	v12 =	vld [tilespmem:s9+$0x320]  }
0x160: {  	v10 =	vld [tilespmem:s9+$0x330]  }
0x161: {  	v8 =	vld [tilespmem:s9+$0x340]  }
0x162: {  	v7 =	vld [tilespmem:s9+$0x350];
	v11 =	vadd.f32 v6, v11  }
0x163: {  	s14 =	simm.s32 $0x200;
	s12 =	sld [smem:$0x7ED];
	v9 =	vadd.f32 v9, v13;
	v6 =	vld [tilespmem:s9+$0x360]  }
.LBB2_10:
0x164: {  	s11 =	sshra.s32 s14, $0x2;
	p1 =	sne.s32 s14, $0x4E00;
	v13 =	vmul.f32 $1.000000010e-01, v11;
	v12 =	vadd.f32 v5, v12;
	v14 =	vld [tilespmem:s9+$0x370]  }
0x165: {  	v15 =	vld [tilespmem:s11+$0x3F00];
	v16 =	vmul.f32 $1.000000010e-01, v9;
	v10 =	vadd.f32 v4, v10  }
0x166: {  	v17 =	vld [tilespmem:s11+$0x3F10];
	v4 =	vmax.f32 v11, v13;
	v11 =	vmul.f32 $1.000000010e-01, v12;
	v8 =	vadd.f32 v3, v8  }
0x167: {  	v5 =	vld [tilespmem:s11+$0x3F20];
	[tilespmem:s9+$0x300] =	vst v4;
	v3 =	vmax.f32 v9, v16;
	v9 =	vmul.f32 $1.000000010e-01, v10;
	v7 =	vadd.f32 v2, v7  }
0x168: {  	v4 =	vld [tilespmem:s11+$0x3F30];
	[tilespmem:s9+$0x310] =	vst v3;
	v2 =	vmax.f32 v12, v11;
	v11 =	vmul.f32 $1.000000010e-01, v8;
	v6 =	vadd.f32 v1, v6  }
0x169: {  	v3 =	vld [tilespmem:s11+$0x3F40];
	[tilespmem:s9+$0x320] =	vst v2;
	v1 =	vmax.f32 v10, v9;
	v9 =	vmul.f32 $1.000000010e-01, v7;
	v10 =	vadd.f32 v0, v14  }
0x16a: {  	v2 =	vld [tilespmem:s11+$0x3F50];
	[tilespmem:s9+$0x330] =	vst v1;
	v0 =	vmax.f32 v8, v11;
	v8 =	vmul.f32 $1.000000010e-01, v6  }
0x16b: {  	v1 =	vld [tilespmem:s11+$0x3F60];
	[tilespmem:s9+$0x340] =	vst v0;
	v7 =	vmax.f32 v7, v9;
	v9 =	vmul.f32 $1.000000010e-01, v10  }
0x16c: {  	v0 =	vld [tilespmem:s11+$0x3F70];
	[tilespmem:s9+$0x350] =	vst v7;
	v6 =	vmax.f32 v6, v8  }
0x16d: {  	v7 =	vld [tilespmem:s11+$0x300];
	[tilespmem:s9+$0x360] =	vst v6;
	v6 =	vmax.f32 v10, v9  }
0x16e: {  	v9 =	vld [tilespmem:s11+$0x310];
	[tilespmem:s9+$0x370] =	vst v6;
	s9 =	smov.u32 s11  }
.Ltmp4:
0x16f: {  	v12 =	vld [tilespmem:s9+$0x320];
	(pc) =	sbr.rel @p1 .LBB2_10-.Ltmp4, $4  }
0x170: {  	v10 =	vld [tilespmem:s9+$0x330]  }
0x171: {  	v8 =	vld [tilespmem:s9+$0x340]  }
0x172: {  	v11 =	vadd.f32 v15, v7;
	v7 =	vld [tilespmem:s9+$0x350]  }
0x173: {  	s14 =	sadd.s32 $0x200, s14;
	v9 =	vadd.f32 v17, v9;
	v6 =	vld [tilespmem:s9+$0x360]  }
0x174: {  	v13 =	vmul.f32 $1.000000010e-01, v11;
	v5 =	vadd.f32 v5, v12;
	v55 =	vld [tilespmem:s9+$0x370]  }
0x175: {  	v14 =	vmul.f32 $1.000000010e-01, v9;
	v4 =	vadd.f32 v4, v10  }
0x176: {  	v56 =	vmax.f32 v11, v13;
	v57 =	vmul.f32 $1.000000010e-01, v5;
	v3 =	vadd.f32 v3, v8  }
0x177: {  	[tilespmem:s9+$0x300] =	vst v56;
	v58 =	vmax.f32 v9, v14;
	v59 =	vmul.f32 $1.000000010e-01, v4;
	v2 =	vadd.f32 v2, v7  }
0x178: {  	[tilespmem:s9+$0x310] =	vst v58;
	v5 =	vmax.f32 v5, v57;
	v60 =	vmul.f32 $1.000000010e-01, v3;
	v1 =	vadd.f32 v1, v6  }
0x179: {  	[tilespmem:s9+$0x320] =	vst v5;
	v4 =	vmax.f32 v4, v59;
	v61 =	vmul.f32 $1.000000010e-01, v2;
	v0 =	vadd.f32 v0, v55  }
0x17a: {  	[tilespmem:s9+$0x330] =	vst v4;
	v3 =	vmax.f32 v3, v60;
	v62 =	vmul.f32 $1.000000010e-01, v1  }
0x17b: {  	[tilespmem:s9+$0x340] =	vst v3;
	v2 =	vmax.f32 v2, v61;
	v63 =	vmul.f32 $1.000000010e-01, v0  }
0x17c: {  	[tilespmem:s9+$0x350] =	vst v2;
	v1 =	vmax.f32 v1, v62  }
0x17d: {  	[tilespmem:s9+$0x360] =	vst v1;
	v0 =	vmax.f32 v0, v63  }
0x17e: {  	[tilespmem:s9+$0x370] =	vst v0  }
0x17f: {  	_ =	swait.ge [sflag:s5], $0x28  }
0x180: {  	[sflag:s5] =	ssyncset.done $0x0  }
0x181: {  	s11 =	simm.s32 $0xE;
	[sflag:s5] =	ssyncadd.s32 $0xFFFFFFD8  }
0x182: {  	[spmem:s17] =	stream.indirect.scatter.add.f32 [tilespmem:s28], [sflag:$0xD], $0x80, s16, s26, $0xb8;
	[tilespmem:$0x1B380] =	vst v63  }
0x183: {  	_ =	swait.ge [sflag:s11], $0x1400  }
0x184: {  	[sflag:s11] =	ssyncset.done $0x0  }
0x185: {  	s14 =	simm.s32 $0xF;
	[sflag:s11] =	ssyncadd.s32 $0xFFFFEC00  }
0x186: {  	_ =	swait.ge [sflag:s14], $0x1400  }
0x187: {  	[sflag:s14] =	ssyncset.done $0x0  }
0x188: {  	[sflag:s14] =	ssyncadd.s32 $0xFFFFEC00  }
0x189: {  	_ =	swait.ge [sflag:s8], $0x1400  }
0x18a: {  	[sflag:s8] =	ssyncset.done $0x0  }
0x18b: {  	[sflag:s8] =	ssyncadd.s32 $0xFFFFEC00  }
0x18c: {  	[bflag:$0x0] =	sbarrier.arrive $0xFFFF  }
0x18d: {  	s11 =	sld [smem:$0x7F5]  }
0x18e: {  	s14 =	sld [smem:$0x7EE];
	_ =	sdelay $0x1  }
0x18f: {  	s18 =	rddreg [dreg:$0xb]  }
0x190: {  	[hbm:s18], [sflag:s11] =	dma.local [spmem:s14], $0x500  }
0x191: {  	s18 =	simm.s32 $0x10  }
0x192: {  	_ =	swait.ge [sflag:s18], $0x500  }
0x193: {  	s23 =	sld [smem:$0x7EF]  }
0x194: {  	[sflag:s18] =	ssyncset.done $0x0  }
0x195: {  	s19 =	rddreg [dreg:$0xc];
	[sflag:s18] =	ssyncadd.s32 $0xFFFFFB00  }
0x196: {  	[hbm:s19], [sflag:s11] =	dma.local [spmem:s23], $0x500  }
0x197: {  	_ =	swait.ge [sflag:s18], $0x500  }
0x198: {  	s31 =	sld [smem:$0x7F0]  }
0x199: {  	[sflag:s18] =	ssyncset.done $0x0  }
0x19a: {  	s29 =	rddreg [dreg:$0xd];
	[sflag:s18] =	ssyncadd.s32 $0xFFFFFB00  }
0x19b: {  	[hbm:s29], [sflag:s11] =	dma.local [spmem:s31], $0x500  }
0x19c: {  	_ =	swait.ge [sflag:s18], $0x500  }
0x19d: {  	s23 =	sld [smem:$0x7F1]  }
0x19e: {  	[sflag:s18] =	ssyncset.done $0x0  }
0x19f: {  	s19 =	rddreg [dreg:$0xe];
	[sflag:s18] =	ssyncadd.s32 $0xFFFFFB00  }
0x1a0: {  	[hbm:s19], [sflag:s11] =	dma.local [spmem:s23], $0x500  }
0x1a1: {  	_ =	swait.ge [sflag:s18], $0x500  }
0x1a2: {  	s31 =	sld [smem:$0x7F2]  }
0x1a3: {  	[sflag:s18] =	ssyncset.done $0x0  }
0x1a4: {  	s29 =	rddreg [dreg:$0xf];
	[sflag:s18] =	ssyncadd.s32 $0xFFFFFB00  }
0x1a5: {  	[hbm:s29], [sflag:s11] =	dma.local [spmem:s31], $0x500  }
0x1a6: {  	_ =	swait.ge [sflag:s18], $0x500  }
0x1a7: {  	s19 =	sld [smem:$0x7F3]  }
0x1a8: {  	[sflag:s18] =	ssyncset.done $0x0  }
0x1a9: {  	s14 =	rddreg [dreg:$0x10];
	[sflag:s18] =	ssyncadd.s32 $0xFFFFFB00  }
0x1aa: {  	[hbm:s14], [sflag:s11] =	dma.local [spmem:s19], $0x500  }
0x1ab: {  	_ =	swait.ge [sflag:s18], $0x500  }
0x1ac: {  	s29 =	sld [smem:$0x7F4]  }
0x1ad: {  	[sflag:s18] =	ssyncset.done $0x0  }
0x1ae: {  	s23 =	rddreg [dreg:$0x12];
	[sflag:s18] =	ssyncadd.s32 $0xFFFFFB00  }
0x1af: {  	[hbm:s23], [sflag:s11] =	dma.local [spmem:s29], $0x500  }
0x1b0: {  	_ =	swait.ge [sflag:s18], $0x500  }
0x1b1: {  	s14 =	sld [smem:$0x7F6]  }
0x1b2: {  	[sflag:s18] =	ssyncset.done $0x0  }
0x1b3: {  	s9 =	rddreg [dreg:$0x13];
	[sflag:s18] =	ssyncadd.s32 $0xFFFFFB00  }
0x1b4: {  	[hbm:s9], [sflag:s11] =	dma.local @!p0 [spmem:s14], $0x500  }
0x1b5: {  	s9 =	simm.s32 @!p0 $0x10  }
0x1b6: {  	_ =	swait.ge @!p0 [sflag:s9], $0x500  }
0x1b7: {  	s12 =	sadd.s32 $0x1, s12;
	s31 =	rddreg [dreg:$0x1c]  }
0x1b8: {  	p1 =	sne.s32 s12, s31  }
.Ltmp5:
0x1b9: {  	_ = 	snop;
	(pc) =	sbr.rel @p1 .LBB2_1-.Ltmp5, $3  }
0x1ba: {  	_ =	sdelay $0x1  }
0x1bb: {  	[sflag:s9] =	ssyncset.done @!p0 $0x0  }
0x1bc: {  	[sflag:s9] =	ssyncadd.s32 @!p0 $0xFFFFFB00  }
0x1bd: {  	_ =	sfence.sel $0x180000  }
0x1be: {  	[bflag:$0x0] =	sbarrier.arrive $0xFFFF  }
0x1bf: {  	_ =	strace $0x90000047  }
0x1c0: {  	s0 =	stileid.u32;
	[bflag:$0x2] =	sbarrier.arrive $0xFFFF  }
0x1c1: {  	p0 =	sne.s32 s0, $0x0;
	s0 =	rddreg [dreg:$0x2]  }
0x1c2: {  	s0 =	sadd.s32 @!p0 $0x100000, s0  }
0x1c3: {  	[sflag:s0] =	ssyncadd.tile.s32 @!p0 $0x1;
	_ =	shalt  }
.Lfunc_end2:
_tile_overlayer_lowered:
.L_overlay_start_2:
0x1c4: {  	(tag) =	ssettag $0x2  }
0x1c5: {  	s0 =	rddreg [dreg:$0x0];
	s2 =	stileid.u32  }
0x1c6: {  	s1 =	rddreg [dreg:$0x1];
	p0 =	sne.s32 s2, $0x0  }
0x1c7: {  	s3 =	rddreg [dreg:$0x2];
	[bflag:$0x3] =	sbarrier.arrive $0xFFFF;
	s2 =	simm.s32 @!p0 $0x1C10  }
0x1c8: {  	[timem:s3], [sflag:s2] =	dma.local @!p0 [hbm:s0], s1  }
0x1c9: {  	s0 =	simm.s32 @!p0 $0x10  }
0x1ca: {  	_ =	swait.ge @!p0 [sflag:s0], s1  }
0x1cb: {  	s1 =	ssub.s32 @!p0 $0x0, s1;
	[sflag:s0] =	ssyncset.done @!p0 $0x0  }
0x1cc: {  	[sflag:s0] =	ssyncadd.s32 @!p0 s1  }
0x1cd: {  	[bflag:$0x3] =	sbarrier.arrive $0xFFFF  }
0x1ce: {  	_ =	shalt  }

// kernel: kernel.15.cloned.1.call-start
scs
__scs_entry_jumppad:
0x0: {  	(pc) =	sbr.rel $0x88, $3  }
0x1: {  	(tag) =	ssettag $0x0;
	lr =	simm.s32 $0x1  }
0x2: {  	[smem:$0x3F98] =	sst lr;
	_ =	strace $0xD0000000  }
0x3: {  	_ = 	snop  }
0x4: {  	_ = 	snop  }
0x5: {  	_ = 	snop  }
0x6: {  	_ = 	snop  }
0x7: {  	_ = 	snop  }
__scs_overlays_trampoline_lowered:
0x8: {  	[smem:$0x3FA7] =	sst s0  }
0x9: {  	[smem:$0x3FA8] =	sst s1  }
0xa: {  	[smem:$0x3FA9] =	sst s2  }
0xb: {  	[smem:$0x3FAA] =	sst s3  }
0xc: {  	[smem:$0x3FAB] =	sst s4  }
0xd: {  	[smem:$0x3FAC] =	sst s5  }
0xe: {  	[smem:$0x3FAD] =	sst s6  }
0xf: {  	[smem:$0x3FAE] =	sst s7  }
0x10: {  	[smem:$0x3FAF] =	sst s8  }
0x11: {  	[smem:$0x3FB0] =	sst s9;
	s0 =	simm.s32 @!p0 $0x0  }
0x12: {  	s1 =	sld [smem:$0x3F96];
	s0 =	simm.s32 @p0 $0x1  }
0x13: {  	[smem:$0x3FB1] =	sst s0;
	s0 =	simm.s32 @!p1 $0x0  }
0x14: {  	s2 =	sld [smem:$0x3F95];
	s0 =	simm.s32 @p1 $0x1  }
0x15: {  	[smem:$0x3FB2] =	sst s0;
	s0 =	simm.s32 @!p2 $0x0  }
0x16: {  	s3 =	sld [smem:$0x3FDB];
	s0 =	simm.s32 @p2 $0x1  }
0x17: {  	s4 =	simm.s32 $0x1BF5;
	[smem:$0x3FB4] =	sst s0  }
0x18: {  	s0 =	sld [smem:$0x3F97];
	_ =	swait.ge [sflag:s4], $0x0  }
0x19: {  	s7 =	sld [smem:$0x3F98]  }
0x1a: {  	s8 =	sadd.s32 $0xFFFFE003, lr  }
0x1b: {  	s9 =	sadd.s32 $0xFFFFFEF7, lr;
	s5 =	simm.s32 $0xFFFFFFFF;
	p2 =	slt.u32 s8, $0xFFFFF086  }
0x1c: {  	p1 =	slt.u32 s9, $0xF7A;
	s5 =	simm.s32 @!p2 $0x0  }
0x1d: {  	s5 =	simm.s32 @p1 $0x1;
	p0 =	seq.s32 s7, s2  }
0x1e: {  	s7 =	smul.u32 @!p0 $0xF7A, s2;
	p2 =	seq.s32 @!p0 s5, $0x0  }
0x1f: {  	s9 =	smul.u32 $0xF7A, s1;
	s8 =	simm.s32 @!p0 $0x1BF5;
	p2 =	por !p2, p0  }
0x20: {  	[sflag:s8] =	ssyncset.s32 @!p0 $0xFFFFF086;
	s6 =	sadd.s32 @!p0 s3, s7;
	s7 =	simm.s32 @!p0 $0x108  }
0x21: {  	s3 =	sadd.s32 s3, s9;
	s6 =	sadd.s32 @!p0 $0x88, s6;
	s7 =	simm.s32 @p2 $0x1082  }
0x22: {  	[simem:s7], [sflag:s8] =	dma.local @!p0 [hbm:s6], $0xF7A  }
0x23: {  	s9 =	sor.u32 $0xD0000000, s2;
	s6 =	simm.s32 $0x108;
	_ =	swait.ge @!p0 [sflag:s8], $0x0  }
0x24: {  	s3 =	sadd.s32 $0x88, s3;
	s6 =	simm.s32 @!p1 $0x1082;
	[sflag:s4] =	ssyncset.s32 $0xFFFFF086  }
0x25: {  	[simem:s6], [sflag:s4] =	dma.local [hbm:s3], $0xF7A  }
0x26: {  	[smem:$0x3F98] =	sst s1;
	(tag) =	ssettag s2;
	_ =	strace s9  }
0x27: {  	s1 =	sld [smem:$0x3FA8]  }
0x28: {  	s2 =	sld [smem:$0x3FA9]  }
0x29: {  	s4 =	sld [smem:$0x3FAB]  }
0x2a: {  	p0 =	seq.s32 s5, $0x0;
	s5 =	sld [smem:$0x3FAC]  }
0x2b: {  	s6 =	sld [smem:$0x3FAD]  }
0x2c: {  	s7 =	sld [smem:$0x3FAE]  }
0x2d: {  	s3 =	simm.s32 $0x108;
	s8 =	sld [smem:$0x3FAF]  }
0x2e: {  	s3 =	simm.s32 @!p0 $0x1082;
	s9 =	sld [smem:$0x3FB0]  }
0x2f: {  	lr =	sadd.s32 s0, s3;
	s0 =	sld [smem:$0x3FA7]  }
0x30: {  	s3 =	sld [smem:$0x3FAA]  }
0x31: {  	[smem:$0x3FB3] =	sst s10  }
0x32: {  	s10 =	sld [smem:$0x3FB1];
	_ =	sdelay $0x3  }
0x33: {  	p0 =	seq.s32 s10, $0x1;
	s10 =	sld [smem:$0x3FB3];
	_ =	sdelay $0x3  }
0x34: {  	[smem:$0x3FB3] =	sst s10  }
0x35: {  	s10 =	sld [smem:$0x3FB2];
	_ =	sdelay $0x3  }
0x36: {  	p1 =	seq.s32 s10, $0x1;
	s10 =	sld [smem:$0x3FB3];
	_ =	sdelay $0x3  }
0x37: {  	[smem:$0x3FB3] =	sst s10  }
0x38: {  	s10 =	sld [smem:$0x3FB4]  }
0x39: {  	_ = 	snop;
	(pc) =	sbr.ind lr, $3  }
0x3a: {  	_ = 	snop  }
0x3b: {  	_ = 	snop  }
0x3c: {  	p2 =	seq.s32 s10, $0x1;
	s10 =	sld [smem:$0x3FB3]  }
0x3d: {  	_ =	shalt  }
0x3e: {  	_ =	shalt  }
0x3f: {  	_ =	shalt  }
0x40: {  	_ =	shalt  }
0x41: {  	_ =	shalt  }
0x42: {  	_ =	shalt  }
0x43: {  	_ =	shalt  }
0x44: {  	_ =	shalt  }
0x45: {  	_ =	shalt  }
0x46: {  	_ =	shalt  }
0x47: {  	_ =	shalt  }
0x48: {  	_ =	shalt  }
0x49: {  	_ =	shalt  }
0x4a: {  	_ =	shalt  }
0x4b: {  	_ =	shalt  }
0x4c: {  	_ =	shalt  }
0x4d: {  	_ =	shalt  }
0x4e: {  	_ =	shalt  }
0x4f: {  	_ =	shalt  }
0x50: {  	_ =	shalt  }
0x51: {  	_ =	shalt  }
0x52: {  	_ =	shalt  }
0x53: {  	_ =	shalt  }
0x54: {  	_ =	shalt  }
0x55: {  	_ =	shalt  }
0x56: {  	_ =	shalt  }
0x57: {  	_ =	shalt  }
0x58: {  	_ =	shalt  }
0x59: {  	_ =	shalt  }
0x5a: {  	_ =	shalt  }
0x5b: {  	_ =	shalt  }
0x5c: {  	_ =	shalt  }
0x5d: {  	_ =	shalt  }
0x5e: {  	_ =	shalt  }
0x5f: {  	_ =	shalt  }
0x60: {  	_ =	shalt  }
0x61: {  	_ =	shalt  }
0x62: {  	_ =	shalt  }
0x63: {  	_ =	shalt  }
0x64: {  	_ =	shalt  }
0x65: {  	_ =	shalt  }
0x66: {  	_ =	shalt  }
0x67: {  	_ =	shalt  }
0x68: {  	_ =	shalt  }
0x69: {  	_ =	shalt  }
0x6a: {  	_ =	shalt  }
0x6b: {  	_ =	shalt  }
0x6c: {  	_ =	shalt  }
0x6d: {  	_ =	shalt  }
0x6e: {  	_ =	shalt  }
0x6f: {  	_ =	shalt  }
0x70: {  	_ =	shalt  }
0x71: {  	_ =	shalt  }
0x72: {  	_ =	shalt  }
0x73: {  	_ =	shalt  }
0x74: {  	_ =	shalt  }
0x75: {  	_ =	shalt  }
0x76: {  	_ =	shalt  }
0x77: {  	_ =	shalt  }
0x78: {  	_ =	shalt  }
0x79: {  	_ =	shalt  }
0x7a: {  	_ =	shalt  }
0x7b: {  	_ =	shalt  }
0x7c: {  	_ =	shalt  }
0x7d: {  	_ =	shalt  }
0x7e: {  	_ =	shalt  }
0x7f: {  	_ =	shalt  }
0x80: {  	_ =	shalt  }
0x81: {  	_ =	shalt  }
0x82: {  	_ =	shalt  }
0x83: {  	_ =	shalt  }
0x84: {  	_ =	shalt  }
0x85: {  	_ =	shalt  }
0x86: {  	_ =	shalt  }
0x87: {  	_ =	shalt  }
.Lfunc_end0:
.L_simem_size_0:
called_computation.1_lowered:
.L_overlay_start_0:
0x88: {  	s2 =	sld [smem:$0x3FD9]  }
0x89: {  	s3 =	sld [smem:$0x3FFE];
	_ =	sdelay $0x1  }
0x8a: {  	s1 =	srdreg.scid  }
0x8b: {  	s0 =	sand.u32 $0x1, s1  }
0x8c: {  	s16 =	sshll.u32 s0, $0xA;
	s2 =	sadd.s32 s3, s2  }
0x8d: {  	s2 =	sadd.s32 s2, s16  }
0x8e: {  	[smem:$0x3FBF] =	sst s2  }
0x8f: {  	_ = 	snop  }
0x90: {  	(tm) =	ssettm $0x1  }
0x91: {  	s17 =	sld [smem:$0x3FFB];
	_ =	sdelay $0x3  }
0x92: {  	_ =	strace s17  }
0x93: {  	s2 =	sld [smem:$0x3FFC];
	_ =	sdelay $0x3  }
0x94: {  	_ =	strace s2  }
0x95: {  	s2 =	sld [smem:$0x3FFD];
	_ =	sdelay $0x3  }
0x96: {  	_ =	strace s2  }
0x97: {  	_ =	strace $0x8FFFFFFF  }
0x98: {  	s18 =	sld [smem:$0x3FDB];
	_ =	sdelay $0x1  }
0x99: {  	s19 =	simm.s32 $_scs_section_size  }
0x9a: {  	s4 =	simm.s32 $_size__tile_overlayer_lowered;
	s5 =	simm.s32 $_tile_overlayer_lowered  }
0x9b: {  	s22 =	simm.s32 $0x1BFF;
	s21 =	sshll.u32 s5, $0x1;
	s2 =	sadd.s32 s19, s18  }
0x9c: {  	s6 =	simm.s32 $0x0;
	s20 =	sshll.u32 s4, $0x1;
	s4 =	sadd.s32 s21, s2  }
0x9d: {  	[timem:s6], [sflag:s22] =	dma.local [hbm:s4], s20  }
0x9e: {  	_ =	swait.ge [sflag:s22], s20  }
0x9f: {  	s3 =	ssub.s32 $0x0, s20;
	[sflag:s22] =	ssyncset.done $0x0  }
0xa0: {  	[sflag:s22] =	ssyncadd.s32 s3;
	_ =	sdelay $0x1  }
0xa1: {  	s23 =	simm.s32 $0x1B8B  }
0xa2: {  	_ =	swait.ge [sflag:s23], $0x1  }
0xa3: {  	[sflag:s23] =	ssyncset.done $0x0  }
0xa4: {  	s25 =	simm.s32 $0x1B8E;
	s24 =	sld [smem:$0x3FFE];
	[sflag:s23] =	ssyncadd.s32 $0xFFFFFFFF  }
0xa5: {  	s26 =	simm.s32 $execute0_lowered;
	[smem:$0x3FD2] =	sst s25  }
0xa6: {  	s4 =	sshll.u32 s26, $0x1;
	_ =	strace $0x80000049;
	[dreg:$0x1] =	wrdreg $0xFFFFFFFF  }
0xa7: {  	s28 =	simm.s32 $_size_execute0_lowered;
	s2 =	sadd.s32 s2, s4;
	[dreg:$0x0] =	wrdreg $0x0  }
0xa8: {  	s4 =	sshll.u32 s28, $0x1;
	[dreg:$0x2] =	wrdreg s2  }
0xa9: {  	[dreg:$0x3] =	wrdreg s4  }
0xaa: {  	[dreg:$0x4] =	wrdreg $0xC0  }
0xab: {  	_ =	task [dreg:s6], $0x5FFFF  }
0xac: {  	[dreg:$0x1] =	wrdreg $0xFFFFFFFF  }
0xad: {  	[dreg:$0x0] =	wrdreg $0x60  }
0xae: {  	[dreg:$0x2] =	wrdreg s24  }
0xaf: {  	[dreg:$0x3] =	wrdreg $0x7B000  }
0xb0: {  	[dreg:$0x4] =	wrdreg $0x9  }
0xb1: {  	_ =	task.clear_ibuf [dreg:s6], $0x5FFFF;
	_ =	strace $0x90000049  }
0xb2: {  	s29 =	simm.s32 $0x9;
	_ =	strace $0x8000004B  }
0xb3: {  	_ =	swait.ge [sflag:s29], $0x1  }
0xb4: {  	[sflag:s29] =	ssyncadd.s32 $0xFFFFFFFF  }
0xb5: {  	_ =	strace $0x9000004B  }
0xb6: {  	_ =	sfence  }
0xb7: {  	s30 =	sld [smem:$0x0];
	_ =	sdelay $0x2  }
0xb8: {  	s31 =	sshll.u32 s1, $0xD;
	s1 =	sshrl.u32 s1, $0x2  }
0xb9: {  	s3 =	sand.u32 $0x4000, s31;
	s1 =	sadd.s32 s1, s30  }
0xba: {  	s0 =	sor.u32 s3, s0;
	s1 =	sshll.u32 s1, $0x11  }
0xbb: {  	s0 =	sor.u32 s1, s0  }
0xbc: {  	s0 =	sadd.s32 $0x8F2B, s0  }
0xbd: {  	[sflag:s0] =	ssyncadd.remote.s32 $0x1  }
0xbe: {  	_ =	sfence.sel $0xFFFF  }
0xbf: {  	[dreg:$0x0] =	wrdreg $0xFFFFFFFF;
	(pc) =	sbr.abs _section_cstart, $3  }
0xc0: {  	[dreg:$0x1] =	wrdreg $0xFFFFFFFF  }
0xc1: {  	_ =	task.clear_ibuf [dreg:s6], $0x2FFFF;
	_ =	strace $0x9FFFFFFF  }
0xc2: {  	(tm) =	ssettm $0x7FFFFFFF  }
0xc3: {  	_ =	shalt  }
tec
execute0_lowered:
.L_overlay_start_1:
0x0: {  	(tag) =	ssettag $0x1  }
0x1: {  	s23 =	stileid.u32  }
0x2: {  	s0 =	srdreg.scid;
	s10 =	smul.u32 $0x500, s23  }
0x3: {  	s8 =	sand.u32 $0x1, s0;
	s24 =	smul.u32 $0x2800, s23  }
0x4: {  	s6 =	sor.u32 $0x10, s23;
	s9 =	smul.u32 $0x138800, s8  }
0x5: {  	s5 =	sor.u32 $0x20, s23;
	s11 =	smul.u32 $0x500, s6  }
0x6: {  	s4 =	sor.u32 $0x30, s23;
	s12 =	smul.u32 $0x500, s5  }
0x7: {  	s3 =	sor.u32 $0x40, s23;
	s13 =	smul.u32 $0x500, s4  }
0x8: {  	s2 =	sor.u32 $0x50, s23;
	s14 =	smul.u32 $0x500, s3  }
0x9: {  	s1 =	sor.u32 $0x60, s23;
	s15 =	smul.u32 $0x500, s2  }
0xa: {  	s0 =	sor.u32 $0x70, s23;
	s16 =	smul.u32 $0x500, s1  }
0xb: {  	s19 =	smul.u32 $0x500, s0  }
0xc: {  	s18 =	rddreg [dreg:$0x0];
	s28 =	simm.s32 $0x300;
	s31 =	smul.u32 $0x2800, s4  }
0xd: {  	s30 =	simm.s32 $0x9;
	s20 =	sadd.s32 $0xA08800, s18;
	s21 =	smul.u32 $0x2800, s3  }
0xe: {  	s7 =	ssub.s32 $0x2, s8;
	s8 =	sshll.u32 s8, $0x4;
	s4 =	smul.u32 $0xA000, s4  }
0xf: {  	s3 =	smul.u32 $0xA000, s3;
	p0 =	sgt.u32 s0, $0x7C;
	s17 =	sshrl.u32 s7, $0x1  }
0x10: {  	s10 =	sadd.s32 s20, s10;
	s8 =	sor.u32 s23, s8;
	s7 =	ssub.s32 s7, s17  }
0x11: {  	[dreg:$0x3] =	wrdreg s10;
	s10 =	smul.u32 $0x2800, s6;
	s11 =	sadd.s32 s20, s11  }
0x12: {  	s25 =	sadd.s32 s20, s12;
	s26 =	sadd.s32 s20, s13;
	s29 =	sadd.s32 s20, s14  }
0x13: {  	s15 =	sadd.s32 s20, s15;
	s16 =	sadd.s32 s20, s16;
	s17 =	rddreg [dreg:$0x1]  }
0x14: {  	s22 =	sadd.s32 s20, s19;
	s24 =	sadd.s32 s9, s24;
	[dreg:$0x4] =	wrdreg s11  }
0x15: {  	s12 =	sadd.s32 s9, s31;
	s6 =	smul.u32 $0xA000, s6;
	[dreg:$0x5] =	wrdreg s25  }
0x16: {  	s13 =	sadd.s32 s9, s21;
	s11 =	smul.u32 $0x2800, s5;
	[dreg:$0x6] =	wrdreg s26  }
0x17: {  	s31 =	simm.s32 $0x0;
	[dreg:$0x7] =	wrdreg s29;
	s25 =	smul.u32 $0x2800, s2  }
0x18: {  	s20 =	sadd.s32 $0x4FF600, s18;
	[dreg:$0x8] =	wrdreg s15;
	s26 =	smul.u32 $0x2800, s1  }
0x19: {  	s4 =	sshrl.u32 s4, $0x2;
	[dreg:$0x9] =	wrdreg s16;
	s29 =	smul.u32 $0x2800, s0  }
0x1a: {  	[dreg:$0xa] =	wrdreg s22;
	s22 =	sshrl.u32 s12, $0x3;
	s12 =	smul.u32 $0x2710, s8  }
0x1b: {  	s3 =	sshrl.u32 s3, $0x2;
	[smem:$0x7FF] =	sst s31;
	s8 =	smul.u32 $0x27100, s8  }
0x1c: {  	s14 =	sshrl.u32 s24, $0x3;
	s24 =	sshrl.u32 s13, $0x3;
	s5 =	smul.u32 $0xA000, s5  }
0x1d: {  	s7 =	smax.u32 s7, $0x1;
	s10 =	sadd.s32 s9, s10;
	s14 =	sadd.s32 s20, s14  }
0x1e: {  	s11 =	sadd.s32 s9, s11;
	s15 =	sadd.s32 s9, s25;
	s16 =	sadd.s32 s9, s26  }
0x1f: {  	s9 =	sadd.s32 s9, s29;
	s10 =	sshrl.u32 s10, $0x3;
	[dreg:$0xb] =	wrdreg s14  }
0x20: {  	s25 =	sadd.s32 s20, s24;
	s31 =	sadd.s32 $0x50, s12;
	s24 =	sadd.s32 $0x9600, s18  }
0x21: {  	s10 =	sadd.s32 s20, s10;
	s21 =	sshrl.u32 s11, $0x3;
	[dreg:$0xf] =	wrdreg s25  }
0x22: {  	s9 =	sshrl.u32 s9, $0x3;
	[dreg:$0xc] =	wrdreg s10;
	s10 =	sadd.s32 s20, s21  }
0x23: {  	s13 =	sadd.s32 $0x28, s12;
	s9 =	sadd.s32 s20, s9;
	[dreg:$0xd] =	wrdreg s10  }
0x24: {  	s26 =	sshrl.u32 s15, $0x3;
	s10 =	sadd.s32 s20, s22;
	[dreg:$0x13] =	wrdreg s9  }
0x25: {  	s29 =	sshrl.u32 s16, $0x3;
	[dreg:$0xe] =	wrdreg s10;
	s10 =	sadd.s32 s20, s26  }
0x26: {  	s15 =	sshrl.u32 s13, $0x3;
	[dreg:$0x10] =	wrdreg s10;
	s10 =	sadd.s32 s20, s29  }
0x27: {  	s22 =	sadd.s32 $0x13400, s18;
	s9 =	sshrl.u32 s31, $0x3;
	[dreg:$0x12] =	wrdreg s10  }
0x28: {  	s9 =	sadd.s32 s22, s9;
	_ =	strace $0x8000004A;
	[dreg:$0x14] =	wrdreg s31  }
0x29: {  	s25 =	sadd.s32 $0xA7DC00, s18;
	s16 =	sadd.s32 s22, s15;
	[dreg:$0x15] =	wrdreg s9  }
0x2a: {  	s21 =	sadd.s32 $0xA2FA00, s18;
	s18 =	sadd.s32 s24, s15;
	[dreg:$0x18] =	wrdreg s16  }
0x2b: {  	s19 =	sshll.u32 s13, $0x4;
	s8 =	sadd.s32 s25, s8;
	[dreg:$0x19] =	wrdreg s18  }
0x2c: {  	s20 =	smul.u32 $0xA000, s23;
	s23 =	sadd.s32 s25, s19;
	[dreg:$0x1a] =	wrdreg s8  }
0x2d: {  	s2 =	smul.u32 $0xA000, s2;
	s6 =	sshrl.u32 s6, $0x2;
	[dreg:$0x1b] =	wrdreg s23  }
0x2e: {  	s6 =	sadd.s32 s6, s17;
	s5 =	sshrl.u32 s5, $0x2;
	[dreg:$0x1c] =	wrdreg s7  }
0x2f: {  	s1 =	smul.u32 $0xA000, s1;
	s5 =	sadd.s32 s5, s17;
	[dreg:$0x1e] =	wrdreg s6  }
0x30: {  	s0 =	smul.u32 $0xA000, s0;
	s4 =	sadd.s32 s4, s17;
	[dreg:$0x1f] =	wrdreg s5  }
0x31: {  	s3 =	sadd.s32 s3, s17;
	s2 =	sshrl.u32 s2, $0x2;
	[smem:$0x7F7] =	sst s4  }
0x32: {  	s1 =	sshrl.u32 s1, $0x2;
	s2 =	sadd.s32 s2, s17;
	[smem:$0x7F8] =	sst s3  }
0x33: {  	s0 =	sshrl.u32 s0, $0x2;
	s1 =	sadd.s32 s1, s17;
	[smem:$0x7F9] =	sst s2  }
0x34: {  	s0 =	sadd.s32 s0, s17;
	s13 =	simm.s32 $0x280;
	[smem:$0x7FA] =	sst s1  }
0x35: {  	s29 =	sadd.s32 $0x78, s12;
	s10 =	sshrl.u32 s12, $0x3;
	[smem:$0x7FB] =	sst s0  }
0x36: {  	s15 =	simm.s32 $0x6;
	s14 =	sadd.s32 s22, s10;
	[smem:$0x7FC] =	sst s29  }
0x37: {  	s9 =	sadd.s32 s24, s10;
	s26 =	sshrl.u32 s20, $0x2;
	[dreg:$0x11] =	wrdreg s12  }
0x38: {  	s31 =	sadd.s32 $0xC8, s12;
	s16 =	simm.s32 $0x180;
	s20 =	simm.s32 $0x1  }
0x39: {  	s18 =	simm.s32 $0x10;
	s0 =	simm.s32 $0x7;
	s1 =	simm.s32 $0xA  }
0x3a: {  	s2 =	simm.s32 $0x3;
	s3 =	simm.s32 $0x2B00;
	s5 =	simm.s32 $0x4  }
0x3b: {  	s6 =	simm.s32 $0x8;
	s8 =	simm.s32 $0xD;
	[dreg:$0x16] =	wrdreg s14  }
0x3c: {  	s10 =	simm.s32 $0x5;
	s4 =	simm.s32 $0xC;
	[dreg:$0x17] =	wrdreg s9  }
0x3d: {  	s12 =	simm.s32 $0x0;
	s7 =	sadd.s32 s26, s17;
	[smem:$0x7FD] =	sst s31  }
0x3e: {  	s26 =	simm.s32 $0x28;
	[dreg:$0x1d] =	wrdreg s7;
	s7 =	simm.s32 $0xB  }
.LBB2_1:
0x3f: {  	[smem:$0x7ED] =	sst s12  }
0x40: {  	s9 =	simm.s32 $0x0;
	s11 =	rddreg [dreg:$0x16]  }
0x41: {  	[tilespmem:s9], [sflag:$0x1] =	stream.linear.gather [hbm4b:s11+s9], $0x28, $0x38;
	[tilespmem:$0x1B380] =	vst v63  }
0x42: {  	s19 =	rddreg [dreg:$0x18];
	s12 =	simm.s32 $0x80  }
0x43: {  	[tilespmem:s12], [sflag:$0x2] =	stream.linear.gather [hbm4b:s19+s9], $0x28, $0x38;
	[tilespmem:$0x1B380] =	vst v63  }
0x44: {  	s23 =	rddreg [dreg:$0x15];
	s14 =	simm.s32 $0x100  }
0x45: {  	[tilespmem:s14], [sflag:$0x3] =	stream.linear.gather [hbm4b:s23+s9], $0x28, $0x38;
	[tilespmem:$0x1B380] =	vst v63  }
0x46: {  	s31 =	rddreg [dreg:$0x17]  }
0x47: {  	[tilespmem:s16], [sflag:$0x4] =	stream.linear.gather [hbm4b:s31+s9], $0x28, $0x38;
	[tilespmem:$0x1B380] =	vst v63  }
0x48: {  	s19 =	simm.s32 $0x200;
	s14 =	rddreg [dreg:$0x19]  }
0x49: {  	[tilespmem:s19], [sflag:$0x5] =	stream.linear.gather [hbm4b:s14+s9], $0x28, $0x38;
	[tilespmem:$0x1B380] =	vst v63  }
0x4a: {  	_ =	swait.ge [sflag:s20], $0x28  }
0x4b: {  	[sflag:s20] =	ssyncset.done $0x0  }
0x4c: {  	[sflag:s20] =	ssyncadd.s32 $0xFFFFFFD8  }
0x4d: {  	[tilespmem:s28], [sflag:$0x7] =	stream.indirect.gather [hbm4b:s21+s26], $0x80, s9, s26, $0xb8;
	[tilespmem:$0x1B380] =	vst v63  }
0x4e: {  	s31 =	simm.s32 $0x3F00;
	s14 =	simm.s32 $0x2;
	s23 =	rddreg [dreg:$0x1a]  }
0x4f: {  	[tilespmem:s31], [sflag:$0xA] =	stream.linear.gather [hbm4b:s23+s9], $0x1400, $0x38;
	[tilespmem:$0x1B380] =	vst v63  }
0x50: {  	_ =	swait.ge [sflag:s14], $0x28  }
0x51: {  	[sflag:s14] =	ssyncset.done $0x0  }
0x52: {  	s19 =	simm.s32 $0x1700;
	s23 =	rddreg [dreg:$0x1b];
	[sflag:s14] =	ssyncadd.s32 $0xFFFFFFD8  }
0x53: {  	[tilespmem:s19], [sflag:$0x8] =	stream.indirect.gather [hbm4b:s21+s26], $0x80, s12, s26, $0xb8;
	[tilespmem:$0x1B380] =	vst v63  }
0x54: {  	s31 =	simm.s32 $0x5300;
	s14 =	stileid.u32;
	s19 =	rddreg [dreg:$0x1d]  }
0x55: {  	[tilespmem:s31], [sflag:$0xB] =	stream.linear.gather [hbm4b:s23+s9], $0x1400, $0x38;
	[tilespmem:$0x1B380] =	vst v63  }
0x56: {  	s9 =	sshll.u32 s14, $0x6;
	s23 =	sshrl.u32 s19, $0x3;
	s31 =	rddreg [dreg:$0x3]  }
0x57: {  	s11 =	sor.u32 $0x1C10, s9;
	[smem:$0x7EE] =	sst s23  }
0x58: {  	[spmem:s23], [sflag:s11] =	dma.local [hbm:s31], $0x500  }
0x59: {  	_ =	swait.ge [sflag:s18], $0x500  }
0x5a: {  	s14 =	rddreg [dreg:$0x1e]  }
0x5b: {  	[sflag:s18] =	ssyncset.done $0x0;
	s23 =	rddreg [dreg:$0x4];
	s19 =	sshrl.u32 s14, $0x3  }
0x5c: {  	[sflag:s18] =	ssyncadd.s32 $0xFFFFFB00;
	[smem:$0x7EF] =	sst s19  }
0x5d: {  	[spmem:s19], [sflag:s11] =	dma.local [hbm:s23], $0x500  }
0x5e: {  	_ =	swait.ge [sflag:s18], $0x500  }
0x5f: {  	s31 =	rddreg [dreg:$0x1f]  }
0x60: {  	[sflag:s18] =	ssyncset.done $0x0;
	s14 =	rddreg [dreg:$0x5];
	s9 =	sshrl.u32 s31, $0x3  }
0x61: {  	[sflag:s18] =	ssyncadd.s32 $0xFFFFFB00;
	[smem:$0x7F0] =	sst s9  }
0x62: {  	[spmem:s9], [sflag:s11] =	dma.local [hbm:s14], $0x500  }
0x63: {  	_ =	swait.ge [sflag:s18], $0x500  }
0x64: {  	s19 =	sld [smem:$0x7F7];
	_ =	sdelay $0x2  }
0x65: {  	[sflag:s18] =	ssyncset.done $0x0;
	s31 =	rddreg [dreg:$0x6];
	s23 =	sshrl.u32 s19, $0x3  }
0x66: {  	[sflag:s18] =	ssyncadd.s32 $0xFFFFFB00;
	[smem:$0x7F1] =	sst s23  }
0x67: {  	[spmem:s23], [sflag:s11] =	dma.local [hbm:s31], $0x500  }
0x68: {  	_ =	swait.ge [sflag:s18], $0x500  }
0x69: {  	s14 =	sld [smem:$0x7F8];
	_ =	sdelay $0x2  }
0x6a: {  	[sflag:s18] =	ssyncset.done $0x0;
	s23 =	rddreg [dreg:$0x7];
	s19 =	sshrl.u32 s14, $0x3  }
0x6b: {  	[sflag:s18] =	ssyncadd.s32 $0xFFFFFB00;
	[smem:$0x7F2] =	sst s19  }
0x6c: {  	[spmem:s19], [sflag:s11] =	dma.local [hbm:s23], $0x500  }
0x6d: {  	_ =	swait.ge [sflag:s18], $0x500  }
0x6e: {  	s31 =	sld [smem:$0x7F9];
	_ =	sdelay $0x2  }
0x6f: {  	[sflag:s18] =	ssyncset.done $0x0;
	s14 =	rddreg [dreg:$0x8];
	s9 =	sshrl.u32 s31, $0x3  }
0x70: {  	[sflag:s18] =	ssyncadd.s32 $0xFFFFFB00;
	[smem:$0x7F3] =	sst s9  }
0x71: {  	[spmem:s9], [sflag:s11] =	dma.local [hbm:s14], $0x500  }
0x72: {  	_ =	swait.ge [sflag:s18], $0x500  }
0x73: {  	s19 =	sld [smem:$0x7FA];
	_ =	sdelay $0x2  }
0x74: {  	[sflag:s18] =	ssyncset.done $0x0;
	s31 =	rddreg [dreg:$0x9];
	s23 =	sshrl.u32 s19, $0x3  }
0x75: {  	[sflag:s18] =	ssyncadd.s32 $0xFFFFFB00;
	[smem:$0x7F4] =	sst s23  }
0x76: {  	[spmem:s23], [sflag:s11] =	dma.local [hbm:s31], $0x500  }
0x77: {  	_ =	swait.ge [sflag:s18], $0x500  }
0x78: {  	s9 =	sld [smem:$0x7FB];
	_ =	sdelay $0x1  }
0x79: {  	[smem:$0x7F5] =	sst s11  }
0x7a: {  	[sflag:s18] =	ssyncset.done $0x0;
	s12 =	sshrl.u32 @!p0 s9, $0x3;
	s9 =	rddreg [dreg:$0xa]  }
0x7b: {  	[sflag:s18] =	ssyncadd.s32 $0xFFFFFB00;
	[smem:$0x7F6] =	sst s12  }
0x7c: {  	[spmem:s12], [sflag:s11] =	dma.local @!p0 [hbm:s9], $0x500  }
0x7d: {  	s9 =	simm.s32 @!p0 $0x10  }
0x7e: {  	_ =	swait.ge @!p0 [sflag:s9], $0x500  }
0x7f: {  	[sflag:s9] =	ssyncset.done @!p0 $0x0  }
0x80: {  	[sflag:s9] =	ssyncadd.s32 @!p0 $0xFFFFFB00  }
0x81: {  	s29 =	simm.s32 $0x0;
	[bflag:$0x0] =	sbarrier.arrive $0xFFFF  }
.LBB2_2:
0x82: {  	_ =	swait.ge [sflag:s0], $0x1400  }
0x83: {  	[sflag:s0] =	ssyncset.done $0x0  }
0x84: {  	[sflag:s0] =	ssyncadd.s32 $0xFFFFEC00  }
0x85: {  	_ =	swait.ge [sflag:s1], $0x1400  }
0x86: {  	s9 =	sld [smem:$0x7FC]  }
0x87: {  	s31 =	smul.u32 $0x78, s29;
	_ =	sdelay $0x1  }
0x88: {  	s9 =	sadd.s32 s31, s9  }
0x89: {  	s11 =	simm.s32 $0x0;
	[sflag:s1] =	ssyncset.done $0x0;
	s19 =	sshrl.u32 s9, $0x3  }
0x8a: {  	p1 =	seq.s32 s29, $0x0;
	[sflag:s1] =	ssyncadd.s32 $0xFFFFEC00;
	s14 =	sadd.s32 s22, s19  }
0x8b: {  	[tilespmem:s11], [sflag:$0x1] =	stream.linear.gather [hbm4b:s14+s11], $0x28, $0x38;
	[tilespmem:$0x1B380] =	vst v63  }
0x8c: {  	s14 =	simm.s32 @!p1 $0xF  }
0x8d: {  	_ =	swait.ge @!p1 [sflag:s14], $0x1400  }
0x8e: {  	[sflag:s14] =	ssyncset.done @!p1 $0x0  }
0x8f: {  	[sflag:s14] =	ssyncadd.s32 @!p1 $0xFFFFEC00  }
0x90: {  	_ =	swait.ge [sflag:s2], $0x28  }
0x91: {  	[sflag:s2] =	ssyncset.done $0x0;
	s23 =	rddreg [dreg:$0x14]  }
0x92: {  	s18 =	simm.s32 $0x100;
	[sflag:s2] =	ssyncadd.s32 $0xFFFFFFD8;
	s14 =	sadd.s32 s31, s23  }
0x93: {  	[tilespmem:s3], [sflag:$0x9] =	stream.indirect.gather [hbm4b:s21+s26], $0x80, s18, s26, $0xb8;
	[tilespmem:$0x1B380] =	vst v63  }
0x94: {  	s12 =	simm.s32 $0x6700;
	s18 =	sshll.u32 s14, $0x4  }
0x95: {  	s23 =	simm.s32 $0x0;
	s14 =	sshrl.u32 s14, $0x3;
	s18 =	sadd.s32 s25, s18  }
0x96: {  	[tilespmem:s12], [sflag:$0xC] =	stream.linear.gather [hbm4b:s18+s23], $0x1400, $0x38;
	[tilespmem:$0x1B380] =	vst v63  }
0x97: {  	s14 =	sadd.s32 s24, s14  }
0x98: {  	[tilespmem:s13], [sflag:$0x6] =	stream.linear.gather [hbm4b:s14+s23], $0x28, $0x38;
	[tilespmem:$0x1B380] =	vst v63  }
0x99: {  	s14 =	simm.s32 $0x0  }
0x9a: {  	v6 =	vld [tilespmem:s14+$0x3F00]  }
0x9b: {  	v9 =	vld [tilespmem:s14+$0x3F10]  }
0x9c: {  	v5 =	vld [tilespmem:s14+$0x3F20]  }
0x9d: {  	v4 =	vld [tilespmem:s14+$0x3F30]  }
0x9e: {  	v3 =	vld [tilespmem:s14+$0x3F40]  }
0x9f: {  	v2 =	vld [tilespmem:s14+$0x3F50]  }
0xa0: {  	v1 =	vld [tilespmem:s14+$0x3F60]  }
0xa1: {  	v0 =	vld [tilespmem:s14+$0x3F70]  }
0xa2: {  	v11 =	vld [tilespmem:s14+$0x300]  }
0xa3: {  	v13 =	vld [tilespmem:s14+$0x310]  }
0xa4: {  	v12 =	vld [tilespmem:s14+$0x320]  }
0xa5: {  	v10 =	vld [tilespmem:s14+$0x330]  }
0xa6: {  	v8 =	vld [tilespmem:s14+$0x340]  }
0xa7: {  	v7 =	vld [tilespmem:s14+$0x350];
	v11 =	vadd.f32 v6, v11  }
0xa8: {  	s18 =	smul.u32 $0x3, s29;
	s23 =	simm.s32 $0x200;
	v9 =	vadd.f32 v9, v13;
	v6 =	vld [tilespmem:s14+$0x360]  }
.LBB2_3:
0xa9: {  	s11 =	sshra.s32 s23, $0x2;
	p1 =	sne.s32 s23, $0x4E00;
	v13 =	vmul.f32 $1.000000010e-01, v11;
	v12 =	vadd.f32 v5, v12;
	v14 =	vld [tilespmem:s14+$0x370]  }
0xaa: {  	v15 =	vld [tilespmem:s11+$0x3F00];
	v16 =	vmul.f32 $1.000000010e-01, v9;
	v10 =	vadd.f32 v4, v10  }
0xab: {  	v17 =	vld [tilespmem:s11+$0x3F10];
	v4 =	vmax.f32 v11, v13;
	v11 =	vmul.f32 $1.000000010e-01, v12;
	v8 =	vadd.f32 v3, v8  }
0xac: {  	v5 =	vld [tilespmem:s11+$0x3F20];
	[tilespmem:s14+$0x300] =	vst v4;
	v3 =	vmax.f32 v9, v16;
	v9 =	vmul.f32 $1.000000010e-01, v10;
	v7 =	vadd.f32 v2, v7  }
0xad: {  	v4 =	vld [tilespmem:s11+$0x3F30];
	[tilespmem:s14+$0x310] =	vst v3;
	v2 =	vmax.f32 v12, v11;
	v11 =	vmul.f32 $1.000000010e-01, v8;
	v6 =	vadd.f32 v1, v6  }
0xae: {  	v3 =	vld [tilespmem:s11+$0x3F40];
	[tilespmem:s14+$0x320] =	vst v2;
	v1 =	vmax.f32 v10, v9;
	v9 =	vmul.f32 $1.000000010e-01, v7;
	v10 =	vadd.f32 v0, v14  }
0xaf: {  	v2 =	vld [tilespmem:s11+$0x3F50];
	[tilespmem:s14+$0x330] =	vst v1;
	v0 =	vmax.f32 v8, v11;
	v8 =	vmul.f32 $1.000000010e-01, v6  }
0xb0: {  	v1 =	vld [tilespmem:s11+$0x3F60];
	[tilespmem:s14+$0x340] =	vst v0;
	v7 =	vmax.f32 v7, v9;
	v9 =	vmul.f32 $1.000000010e-01, v10  }
0xb1: {  	v0 =	vld [tilespmem:s11+$0x3F70];
	[tilespmem:s14+$0x350] =	vst v7;
	v6 =	vmax.f32 v6, v8  }
0xb2: {  	v7 =	vld [tilespmem:s11+$0x300];
	[tilespmem:s14+$0x360] =	vst v6;
	v6 =	vmax.f32 v10, v9  }
0xb3: {  	v9 =	vld [tilespmem:s11+$0x310];
	[tilespmem:s14+$0x370] =	vst v6;
	s14 =	smov.u32 s11  }
.Ltmp0:
0xb4: {  	v12 =	vld [tilespmem:s14+$0x320];
	(pc) =	sbr.rel @p1 .LBB2_3-.Ltmp0, $4  }
0xb5: {  	v10 =	vld [tilespmem:s14+$0x330]  }
0xb6: {  	v8 =	vld [tilespmem:s14+$0x340]  }
0xb7: {  	v11 =	vadd.f32 v15, v7;
	v7 =	vld [tilespmem:s14+$0x350]  }
0xb8: {  	s23 =	sadd.s32 $0x200, s23;
	v9 =	vadd.f32 v17, v9;
	v6 =	vld [tilespmem:s14+$0x360]  }
0xb9: {  	v13 =	vmul.f32 $1.000000010e-01, v11;
	v5 =	vadd.f32 v5, v12;
	v12 =	vld [tilespmem:s14+$0x370]  }
0xba: {  	v14 =	vmul.f32 $1.000000010e-01, v9;
	v4 =	vadd.f32 v4, v10  }
0xbb: {  	v10 =	vmax.f32 v11, v13;
	v11 =	vmul.f32 $1.000000010e-01, v5;
	v3 =	vadd.f32 v3, v8  }
0xbc: {  	[tilespmem:s14+$0x300] =	vst v10;
	v8 =	vmax.f32 v9, v14;
	v9 =	vmul.f32 $1.000000010e-01, v4;
	v2 =	vadd.f32 v2, v7  }
0xbd: {  	[tilespmem:s14+$0x310] =	vst v8;
	v5 =	vmax.f32 v5, v11;
	v7 =	vmul.f32 $1.000000010e-01, v3;
	v1 =	vadd.f32 v1, v6  }
0xbe: {  	[tilespmem:s14+$0x320] =	vst v5;
	v4 =	vmax.f32 v4, v9;
	v5 =	vmul.f32 $1.000000010e-01, v2;
	v0 =	vadd.f32 v0, v12  }
0xbf: {  	[tilespmem:s14+$0x330] =	vst v4;
	v3 =	vmax.f32 v3, v7;
	v4 =	vmul.f32 $1.000000010e-01, v1  }
0xc0: {  	[tilespmem:s14+$0x340] =	vst v3;
	v2 =	vmax.f32 v2, v5;
	v3 =	vmul.f32 $1.000000010e-01, v0  }
0xc1: {  	[tilespmem:s14+$0x350] =	vst v2;
	v1 =	vmax.f32 v1, v4  }
0xc2: {  	[tilespmem:s14+$0x360] =	vst v1;
	v0 =	vmax.f32 v0, v3  }
0xc3: {  	[tilespmem:s14+$0x370] =	vst v0  }
0xc4: {  	_ =	swait.ge [sflag:s5], $0x28  }
0xc5: {  	[sflag:s5] =	ssyncset.done $0x0  }
0xc6: {  	[sflag:s5] =	ssyncadd.s32 $0xFFFFFFD8  }
0xc7: {  	[spmem:s17] =	stream.indirect.scatter.add.f32 [tilespmem:s28], [sflag:$0xD], $0x80, s16, s26, $0xb8;
	[tilespmem:$0x1B380] =	vst v63  }
0xc8: {  	_ =	swait.ge [sflag:s6], $0x1400  }
0xc9: {  	[sflag:s6] =	ssyncset.done $0x0  }
0xca: {  	s11 =	sadd.s32 $0x4, s18;
	p1 =	seq.s32 s29, $0x52;
	[sflag:s6] =	ssyncadd.s32 $0xFFFFEC00  }
0xcb: {  	s11 =	smul.u32 @!p1 $0x28, s11;
	_ =	swait.ge [sflag:s7], $0x1400  }
0xcc: {  	s12 =	rddreg [dreg:$0x11]  }
0xcd: {  	s18 =	sadd.s32 @!p1 s12, s11  }
0xce: {  	s23 =	simm.s32 @!p1 $0x0;
	[sflag:s7] =	ssyncset.done $0x0;
	s14 =	sshrl.u32 @!p1 s18, $0x3  }
0xcf: {  	[sflag:s7] =	ssyncadd.s32 $0xFFFFEC00;
	s12 =	simm.s32 @!p1 $0x80;
	s11 =	sadd.s32 @!p1 s22, s14  }
0xd0: {  	[tilespmem:s12], [sflag:$0x2] =	stream.linear.gather @!p1 [hbm4b:s11+s23], $0x28, $0x38;
	[tilespmem:$0x1B380] =	vst v63  }
0xd1: {  	_ =	swait.ge [sflag:s8], $0x1400  }
0xd2: {  	[sflag:s8] =	ssyncset.done $0x0  }
0xd3: {  	[sflag:s8] =	ssyncadd.s32 $0xFFFFEC00  }
0xd4: {  	_ =	swait.ge [sflag:s20], $0x28  }
0xd5: {  	[sflag:s20] =	ssyncset.done $0x0  }
0xd6: {  	s9 =	sshll.u32 s9, $0x4;
	s11 =	simm.s32 $0x0;
	[sflag:s20] =	ssyncadd.s32 $0xFFFFFFD8  }
0xd7: {  	[tilespmem:s28], [sflag:$0x7] =	stream.indirect.gather [hbm4b:s21+s26], $0x80, s11, s26, $0xb8;
	[tilespmem:$0x1B380] =	vst v63  }
0xd8: {  	s9 =	sadd.s32 s25, s9;
	s23 =	simm.s32 $0x3F00  }
0xd9: {  	[tilespmem:s23], [sflag:$0xA] =	stream.linear.gather [hbm4b:s9+s11], $0x1400, $0x38;
	[tilespmem:$0x1B380] =	vst v63  }
0xda: {  	s23 =	sadd.s32 s24, s19;
	s9 =	simm.s32 $0x0  }
0xdb: {  	[tilespmem:s16], [sflag:$0x4] =	stream.linear.gather [hbm4b:s23+s11], $0x28, $0x38;
	[tilespmem:$0x1B380] =	vst v63  }
0xdc: {  	v6 =	vld [tilespmem:s9+$0x5300]  }
0xdd: {  	v9 =	vld [tilespmem:s9+$0x5310]  }
0xde: {  	v5 =	vld [tilespmem:s9+$0x5320]  }
0xdf: {  	v4 =	vld [tilespmem:s9+$0x5330]  }
0xe0: {  	v3 =	vld [tilespmem:s9+$0x5340]  }
0xe1: {  	v2 =	vld [tilespmem:s9+$0x5350]  }
0xe2: {  	v1 =	vld [tilespmem:s9+$0x5360]  }
0xe3: {  	v0 =	vld [tilespmem:s9+$0x5370]  }
0xe4: {  	v11 =	vld [tilespmem:s9+$0x1700]  }
0xe5: {  	v13 =	vld [tilespmem:s9+$0x1710]  }
0xe6: {  	v12 =	vld [tilespmem:s9+$0x1720]  }
0xe7: {  	v10 =	vld [tilespmem:s9+$0x1730]  }
0xe8: {  	v8 =	vld [tilespmem:s9+$0x1740]  }
0xe9: {  	v7 =	vld [tilespmem:s9+$0x1750];
	v11 =	vadd.f32 v6, v11  }
0xea: {  	s19 =	simm.s32 $0x200;
	v9 =	vadd.f32 v9, v13;
	v6 =	vld [tilespmem:s9+$0x1760]  }
.LBB2_5:
0xeb: {  	s11 =	sshra.s32 s19, $0x2;
	p2 =	sne.s32 s19, $0x4E00;
	v13 =	vmul.f32 $1.000000010e-01, v11;
	v12 =	vadd.f32 v5, v12;
	v14 =	vld [tilespmem:s9+$0x1770]  }
0xec: {  	v15 =	vld [tilespmem:s11+$0x5300];
	v16 =	vmul.f32 $1.000000010e-01, v9;
	v10 =	vadd.f32 v4, v10  }
0xed: {  	v17 =	vld [tilespmem:s11+$0x5310];
	v4 =	vmax.f32 v11, v13;
	v11 =	vmul.f32 $1.000000010e-01, v12;
	v8 =	vadd.f32 v3, v8  }
0xee: {  	v5 =	vld [tilespmem:s11+$0x5320];
	[tilespmem:s9+$0x1700] =	vst v4;
	v3 =	vmax.f32 v9, v16;
	v9 =	vmul.f32 $1.000000010e-01, v10;
	v7 =	vadd.f32 v2, v7  }
0xef: {  	v4 =	vld [tilespmem:s11+$0x5330];
	[tilespmem:s9+$0x1710] =	vst v3;
	v2 =	vmax.f32 v12, v11;
	v11 =	vmul.f32 $1.000000010e-01, v8;
	v6 =	vadd.f32 v1, v6  }
0xf0: {  	v3 =	vld [tilespmem:s11+$0x5340];
	[tilespmem:s9+$0x1720] =	vst v2;
	v1 =	vmax.f32 v10, v9;
	v9 =	vmul.f32 $1.000000010e-01, v7;
	v10 =	vadd.f32 v0, v14  }
0xf1: {  	v2 =	vld [tilespmem:s11+$0x5350];
	[tilespmem:s9+$0x1730] =	vst v1;
	v0 =	vmax.f32 v8, v11;
	v8 =	vmul.f32 $1.000000010e-01, v6  }
0xf2: {  	v1 =	vld [tilespmem:s11+$0x5360];
	[tilespmem:s9+$0x1740] =	vst v0;
	v7 =	vmax.f32 v7, v9;
	v9 =	vmul.f32 $1.000000010e-01, v10  }
0xf3: {  	v0 =	vld [tilespmem:s11+$0x5370];
	[tilespmem:s9+$0x1750] =	vst v7;
	v6 =	vmax.f32 v6, v8  }
0xf4: {  	v7 =	vld [tilespmem:s11+$0x1700];
	[tilespmem:s9+$0x1760] =	vst v6;
	v6 =	vmax.f32 v10, v9  }
0xf5: {  	v9 =	vld [tilespmem:s11+$0x1710];
	[tilespmem:s9+$0x1770] =	vst v6;
	s9 =	smov.u32 s11  }
.Ltmp1:
0xf6: {  	v12 =	vld [tilespmem:s9+$0x1720];
	(pc) =	sbr.rel @p2 .LBB2_5-.Ltmp1, $4  }
0xf7: {  	v10 =	vld [tilespmem:s9+$0x1730]  }
0xf8: {  	v8 =	vld [tilespmem:s9+$0x1740]  }
0xf9: {  	v11 =	vadd.f32 v15, v7;
	v7 =	vld [tilespmem:s9+$0x1750]  }
0xfa: {  	s19 =	sadd.s32 $0x200, s19;
	v9 =	vadd.f32 v17, v9;
	v6 =	vld [tilespmem:s9+$0x1760]  }
0xfb: {  	v13 =	vmul.f32 $1.000000010e-01, v11;
	v5 =	vadd.f32 v5, v12;
	v12 =	vld [tilespmem:s9+$0x1770]  }
0xfc: {  	v14 =	vmul.f32 $1.000000010e-01, v9;
	v4 =	vadd.f32 v4, v10  }
0xfd: {  	v10 =	vmax.f32 v11, v13;
	v11 =	vmul.f32 $1.000000010e-01, v5;
	v3 =	vadd.f32 v3, v8  }
0xfe: {  	[tilespmem:s9+$0x1700] =	vst v10;
	v8 =	vmax.f32 v9, v14;
	v9 =	vmul.f32 $1.000000010e-01, v4;
	v2 =	vadd.f32 v2, v7  }
0xff: {  	[tilespmem:s9+$0x1710] =	vst v8;
	v5 =	vmax.f32 v5, v11;
	v7 =	vmul.f32 $1.000000010e-01, v3;
	v1 =	vadd.f32 v1, v6  }
0x100: {  	[tilespmem:s9+$0x1720] =	vst v5;
	v4 =	vmax.f32 v4, v9;
	v5 =	vmul.f32 $1.000000010e-01, v2;
	v0 =	vadd.f32 v0, v12  }
0x101: {  	[tilespmem:s9+$0x1730] =	vst v4;
	v3 =	vmax.f32 v3, v7;
	v4 =	vmul.f32 $1.000000010e-01, v1  }
0x102: {  	[tilespmem:s9+$0x1740] =	vst v3;
	v2 =	vmax.f32 v2, v5;
	v3 =	vmul.f32 $1.000000010e-01, v0  }
0x103: {  	[tilespmem:s9+$0x1750] =	vst v2;
	v1 =	vmax.f32 v1, v4  }
0x104: {  	[tilespmem:s9+$0x1760] =	vst v1;
	v0 =	vmax.f32 v0, v3  }
0x105: {  	[tilespmem:s9+$0x1770] =	vst v0  }
0x106: {  	_ =	swait.ge [sflag:s10], $0x28  }
0x107: {  	[sflag:s10] =	ssyncset.done $0x0  }
0x108: {  	s23 =	simm.s32 $0x200;
	s11 =	simm.s32 $0x1700;
	[sflag:s10] =	ssyncadd.s32 $0xFFFFFFD8  }
0x109: {  	[spmem:s17] =	stream.indirect.scatter.add.f32 [tilespmem:s11], [sflag:$0xE], $0x80, s23, s26, $0xb8;
	[tilespmem:$0x1B380] =	vst v63  }
0x10a: {  	_ =	swait.ge [sflag:s30], $0x1400  }
0x10b: {  	[sflag:s30] =	ssyncset.done $0x0  }
0x10c: {  	[sflag:s30] =	ssyncadd.s32 $0xFFFFEC00  }
0x10d: {  	_ =	swait.ge [sflag:s4], $0x1400  }
0x10e: {  	s9 =	sld [smem:$0x7FD];
	_ =	sdelay $0x2  }
0x10f: {  	s9 =	sadd.s32 @!p1 s31, s9  }
0x110: {  	s12 =	simm.s32 @!p1 $0x100;
	[sflag:s4] =	ssyncset.done $0x0;
	s9 =	sshrl.u32 @!p1 s9, $0x3  }
0x111: {  	s11 =	simm.s32 @!p1 $0x0;
	[sflag:s4] =	ssyncadd.s32 $0xFFFFEC00;
	s9 =	sadd.s32 @!p1 s22, s9  }
0x112: {  	[tilespmem:s12], [sflag:$0x3] =	stream.linear.gather @!p1 [hbm4b:s9+s11], $0x28, $0x38;
	[tilespmem:$0x1B380] =	vst v63  }
0x113: {  	s9 =	simm.s32 @!p1 $0xE  }
0x114: {  	_ =	swait.ge @!p1 [sflag:s9], $0x1400  }
0x115: {  	[sflag:s9] =	ssyncset.done @!p1 $0x0  }
0x116: {  	[sflag:s9] =	ssyncadd.s32 @!p1 $0xFFFFEC00;
	s9 =	simm.s32 @!p1 $0x2  }
0x117: {  	_ =	swait.ge @!p1 [sflag:s9], $0x28  }
0x118: {  	s19 =	simm.s32 @!p1 $0x1700;
	[sflag:s9] =	ssyncset.done @!p1 $0x0  }
0x119: {  	s12 =	simm.s32 @!p1 $0x80;
	[sflag:s9] =	ssyncadd.s32 @!p1 $0xFFFFFFD8;
	s9 =	simm.s32 @!p1 $0x28  }
0x11a: {  	[tilespmem:s19], [sflag:$0x8] =	stream.indirect.gather @!p1 [hbm4b:s21+s9], $0x80, s12, s9, $0xb8;
	[tilespmem:$0x1B380] =	vst v63  }
0x11b: {  	s9 =	sshll.u32 @!p1 s18, $0x4  }
0x11c: {  	s12 =	simm.s32 @!p1 $0x5300;
	s9 =	sadd.s32 @!p1 s25, s9  }
0x11d: {  	[tilespmem:s12], [sflag:$0xB] =	stream.linear.gather @!p1 [hbm4b:s9+s11], $0x1400, $0x38;
	[tilespmem:$0x1B380] =	vst v63  }
0x11e: {  	s9 =	sadd.s32 @!p1 s24, s14;
	s12 =	simm.s32 @!p1 $0x200  }
0x11f: {  	[tilespmem:s12], [sflag:$0x5] =	stream.linear.gather @!p1 [hbm4b:s9+s11], $0x28, $0x38;
	[tilespmem:$0x1B380] =	vst v63  }
0x120: {  	s9 =	simm.s32 $0x0  }
0x121: {  	v6 =	vld [tilespmem:s9+$0x6700]  }
0x122: {  	v9 =	vld [tilespmem:s9+$0x6710]  }
0x123: {  	v5 =	vld [tilespmem:s9+$0x6720]  }
0x124: {  	v4 =	vld [tilespmem:s9+$0x6730]  }
0x125: {  	v3 =	vld [tilespmem:s9+$0x6740]  }
0x126: {  	v2 =	vld [tilespmem:s9+$0x6750]  }
0x127: {  	v1 =	vld [tilespmem:s9+$0x6760]  }
0x128: {  	v0 =	vld [tilespmem:s9+$0x6770]  }
0x129: {  	v11 =	vld [tilespmem:s9+$0x2B00]  }
0x12a: {  	v13 =	vld [tilespmem:s9+$0x2B10]  }
0x12b: {  	v12 =	vld [tilespmem:s9+$0x2B20]  }
0x12c: {  	v10 =	vld [tilespmem:s9+$0x2B30]  }
0x12d: {  	v8 =	vld [tilespmem:s9+$0x2B40]  }
0x12e: {  	v7 =	vld [tilespmem:s9+$0x2B50];
	v11 =	vadd.f32 v6, v11  }
0x12f: {  	s14 =	simm.s32 $0x200;
	v9 =	vadd.f32 v9, v13;
	v6 =	vld [tilespmem:s9+$0x2B60]  }
.LBB2_7:
0x130: {  	s11 =	sshra.s32 s14, $0x2;
	p1 =	sne.s32 s14, $0x4E00;
	v13 =	vmul.f32 $1.000000010e-01, v11;
	v12 =	vadd.f32 v5, v12;
	v14 =	vld [tilespmem:s9+$0x2B70]  }
0x131: {  	v15 =	vld [tilespmem:s11+$0x6700];
	v16 =	vmul.f32 $1.000000010e-01, v9;
	v10 =	vadd.f32 v4, v10  }
0x132: {  	v17 =	vld [tilespmem:s11+$0x6710];
	v4 =	vmax.f32 v11, v13;
	v11 =	vmul.f32 $1.000000010e-01, v12;
	v8 =	vadd.f32 v3, v8  }
0x133: {  	v5 =	vld [tilespmem:s11+$0x6720];
	[tilespmem:s9+$0x2B00] =	vst v4;
	v3 =	vmax.f32 v9, v16;
	v9 =	vmul.f32 $1.000000010e-01, v10;
	v7 =	vadd.f32 v2, v7  }
0x134: {  	v4 =	vld [tilespmem:s11+$0x6730];
	[tilespmem:s9+$0x2B10] =	vst v3;
	v2 =	vmax.f32 v12, v11;
	v11 =	vmul.f32 $1.000000010e-01, v8;
	v6 =	vadd.f32 v1, v6  }
0x135: {  	v3 =	vld [tilespmem:s11+$0x6740];
	[tilespmem:s9+$0x2B20] =	vst v2;
	v1 =	vmax.f32 v10, v9;
	v9 =	vmul.f32 $1.000000010e-01, v7;
	v10 =	vadd.f32 v0, v14  }
0x136: {  	v2 =	vld [tilespmem:s11+$0x6750];
	[tilespmem:s9+$0x2B30] =	vst v1;
	v0 =	vmax.f32 v8, v11;
	v8 =	vmul.f32 $1.000000010e-01, v6  }
0x137: {  	v1 =	vld [tilespmem:s11+$0x6760];
	[tilespmem:s9+$0x2B40] =	vst v0;
	v7 =	vmax.f32 v7, v9;
	v9 =	vmul.f32 $1.000000010e-01, v10  }
0x138: {  	v0 =	vld [tilespmem:s11+$0x6770];
	[tilespmem:s9+$0x2B50] =	vst v7;
	v6 =	vmax.f32 v6, v8  }
0x139: {  	v7 =	vld [tilespmem:s11+$0x2B00];
	[tilespmem:s9+$0x2B60] =	vst v6;
	v6 =	vmax.f32 v10, v9  }
0x13a: {  	v9 =	vld [tilespmem:s11+$0x2B10];
	[tilespmem:s9+$0x2B70] =	vst v6;
	s9 =	smov.u32 s11  }
.Ltmp2:
0x13b: {  	v12 =	vld [tilespmem:s9+$0x2B20];
	(pc) =	sbr.rel @p1 .LBB2_7-.Ltmp2, $4  }
0x13c: {  	v10 =	vld [tilespmem:s9+$0x2B30]  }
0x13d: {  	v8 =	vld [tilespmem:s9+$0x2B40]  }
0x13e: {  	v11 =	vadd.f32 v15, v7;
	v7 =	vld [tilespmem:s9+$0x2B50]  }
0x13f: {  	s14 =	sadd.s32 $0x200, s14;
	v9 =	vadd.f32 v17, v9;
	v6 =	vld [tilespmem:s9+$0x2B60]  }
0x140: {  	v13 =	vmul.f32 $1.000000010e-01, v11;
	v5 =	vadd.f32 v5, v12;
	v55 =	vld [tilespmem:s9+$0x2B70]  }
0x141: {  	v14 =	vmul.f32 $1.000000010e-01, v9;
	v4 =	vadd.f32 v4, v10  }
0x142: {  	v56 =	vmax.f32 v11, v13;
	v57 =	vmul.f32 $1.000000010e-01, v5;
	v3 =	vadd.f32 v3, v8  }
0x143: {  	[tilespmem:s9+$0x2B00] =	vst v56;
	v58 =	vmax.f32 v9, v14;
	v59 =	vmul.f32 $1.000000010e-01, v4;
	v2 =	vadd.f32 v2, v7  }
0x144: {  	[tilespmem:s9+$0x2B10] =	vst v58;
	v5 =	vmax.f32 v5, v57;
	v60 =	vmul.f32 $1.000000010e-01, v3;
	v1 =	vadd.f32 v1, v6  }
0x145: {  	[tilespmem:s9+$0x2B20] =	vst v5;
	v4 =	vmax.f32 v4, v59;
	v61 =	vmul.f32 $1.000000010e-01, v2;
	v0 =	vadd.f32 v0, v55  }
0x146: {  	[tilespmem:s9+$0x2B30] =	vst v4;
	v3 =	vmax.f32 v3, v60;
	v62 =	vmul.f32 $1.000000010e-01, v1  }
0x147: {  	[tilespmem:s9+$0x2B40] =	vst v3;
	v2 =	vmax.f32 v2, v61;
	v63 =	vmul.f32 $1.000000010e-01, v0  }
0x148: {  	s29 =	sadd.s32 $0x1, s29;
	[tilespmem:s9+$0x2B50] =	vst v2;
	v1 =	vmax.f32 v1, v62  }
0x149: {  	p1 =	sne.s32 s29, $0x53;
	[tilespmem:s9+$0x2B60] =	vst v1;
	v0 =	vmax.f32 v0, v63  }
.Ltmp3:
0x14a: {  	[tilespmem:s9+$0x2B70] =	vst v0;
	(pc) =	sbr.rel @p1 .LBB2_2-.Ltmp3, $4  }
0x14b: {  	_ =	swait.ge [sflag:s15], $0x28  }
0x14c: {  	[sflag:s15] =	ssyncset.done $0x0  }
0x14d: {  	[sflag:s15] =	ssyncadd.s32 $0xFFFFFFD8  }
0x14e: {  	[spmem:s17] =	stream.indirect.scatter.add.f32 [tilespmem:s3], [sflag:$0xF], $0x80, s13, s26, $0xb8;
	[tilespmem:$0x1B380] =	vst v63  }
0x14f: {  	_ =	swait.ge [sflag:s0], $0x1400  }
0x150: {  	[sflag:s0] =	ssyncset.done $0x0  }
0x151: {  	[sflag:s0] =	ssyncadd.s32 $0xFFFFEC00  }
0x152: {  	_ =	swait.ge [sflag:s1], $0x1400  }
0x153: {  	[sflag:s1] =	ssyncset.done $0x0  }
0x154: {  	s9 =	simm.s32 $0x0;
	[sflag:s1] =	ssyncadd.s32 $0xFFFFEC00  }
0x155: {  	v6 =	vld [tilespmem:s9+$0x3F00]  }
0x156: {  	v9 =	vld [tilespmem:s9+$0x3F10]  }
0x157: {  	v5 =	vld [tilespmem:s9+$0x3F20]  }
0x158: {  	v4 =	vld [tilespmem:s9+$0x3F30]  }
0x159: {  	v3 =	vld [tilespmem:s9+$0x3F40]  }
0x15a: {  	v2 =	vld [tilespmem:s9+$0x3F50]  }
0x15b: {  	v1 =	vld [tilespmem:s9+$0x3F60]  }
0x15c: {  	v0 =	vld [tilespmem:s9+$0x3F70]  }
0x15d: {  	v11 =	vld [tilespmem:s9+$0x300]  }
0x15e: {  	v13 =	vld [tilespmem:s9+$0x310]  }
0x15f: {  	v12 =	vld [tilespmem:s9+$0x320]  }
0x160: {  	v10 =	vld [tilespmem:s9+$0x330]  }
0x161: {  	v8 =	vld [tilespmem:s9+$0x340]  }
0x162: {  	v7 =	vld [tilespmem:s9+$0x350];
	v11 =	vadd.f32 v6, v11  }
0x163: {  	s14 =	simm.s32 $0x200;
	s12 =	sld [smem:$0x7ED];
	v9 =	vadd.f32 v9, v13;
	v6 =	vld [tilespmem:s9+$0x360]  }
.LBB2_10:
0x164: {  	s11 =	sshra.s32 s14, $0x2;
	p1 =	sne.s32 s14, $0x4E00;
	v13 =	vmul.f32 $1.000000010e-01, v11;
	v12 =	vadd.f32 v5, v12;
	v14 =	vld [tilespmem:s9+$0x370]  }
0x165: {  	v15 =	vld [tilespmem:s11+$0x3F00];
	v16 =	vmul.f32 $1.000000010e-01, v9;
	v10 =	vadd.f32 v4, v10  }
0x166: {  	v17 =	vld [tilespmem:s11+$0x3F10];
	v4 =	vmax.f32 v11, v13;
	v11 =	vmul.f32 $1.000000010e-01, v12;
	v8 =	vadd.f32 v3, v8  }
0x167: {  	v5 =	vld [tilespmem:s11+$0x3F20];
	[tilespmem:s9+$0x300] =	vst v4;
	v3 =	vmax.f32 v9, v16;
	v9 =	vmul.f32 $1.000000010e-01, v10;
	v7 =	vadd.f32 v2, v7  }
0x168: {  	v4 =	vld [tilespmem:s11+$0x3F30];
	[tilespmem:s9+$0x310] =	vst v3;
	v2 =	vmax.f32 v12, v11;
	v11 =	vmul.f32 $1.000000010e-01, v8;
	v6 =	vadd.f32 v1, v6  }
0x169: {  	v3 =	vld [tilespmem:s11+$0x3F40];
	[tilespmem:s9+$0x320] =	vst v2;
	v1 =	vmax.f32 v10, v9;
	v9 =	vmul.f32 $1.000000010e-01, v7;
	v10 =	vadd.f32 v0, v14  }
0x16a: {  	v2 =	vld [tilespmem:s11+$0x3F50];
	[tilespmem:s9+$0x330] =	vst v1;
	v0 =	vmax.f32 v8, v11;
	v8 =	vmul.f32 $1.000000010e-01, v6  }
0x16b: {  	v1 =	vld [tilespmem:s11+$0x3F60];
	[tilespmem:s9+$0x340] =	vst v0;
	v7 =	vmax.f32 v7, v9;
	v9 =	vmul.f32 $1.000000010e-01, v10  }
0x16c: {  	v0 =	vld [tilespmem:s11+$0x3F70];
	[tilespmem:s9+$0x350] =	vst v7;
	v6 =	vmax.f32 v6, v8  }
0x16d: {  	v7 =	vld [tilespmem:s11+$0x300];
	[tilespmem:s9+$0x360] =	vst v6;
	v6 =	vmax.f32 v10, v9  }
0x16e: {  	v9 =	vld [tilespmem:s11+$0x310];
	[tilespmem:s9+$0x370] =	vst v6;
	s9 =	smov.u32 s11  }
.Ltmp4:
0x16f: {  	v12 =	vld [tilespmem:s9+$0x320];
	(pc) =	sbr.rel @p1 .LBB2_10-.Ltmp4, $4  }
0x170: {  	v10 =	vld [tilespmem:s9+$0x330]  }
0x171: {  	v8 =	vld [tilespmem:s9+$0x340]  }
0x172: {  	v11 =	vadd.f32 v15, v7;
	v7 =	vld [tilespmem:s9+$0x350]  }
0x173: {  	s14 =	sadd.s32 $0x200, s14;
	v9 =	vadd.f32 v17, v9;
	v6 =	vld [tilespmem:s9+$0x360]  }
0x174: {  	v13 =	vmul.f32 $1.000000010e-01, v11;
	v5 =	vadd.f32 v5, v12;
	v55 =	vld [tilespmem:s9+$0x370]  }
0x175: {  	v14 =	vmul.f32 $1.000000010e-01, v9;
	v4 =	vadd.f32 v4, v10  }
0x176: {  	v56 =	vmax.f32 v11, v13;
	v57 =	vmul.f32 $1.000000010e-01, v5;
	v3 =	vadd.f32 v3, v8  }
0x177: {  	[tilespmem:s9+$0x300] =	vst v56;
	v58 =	vmax.f32 v9, v14;
	v59 =	vmul.f32 $1.000000010e-01, v4;
	v2 =	vadd.f32 v2, v7  }
0x178: {  	[tilespmem:s9+$0x310] =	vst v58;
	v5 =	vmax.f32 v5, v57;
	v60 =	vmul.f32 $1.000000010e-01, v3;
	v1 =	vadd.f32 v1, v6  }
0x179: {  	[tilespmem:s9+$0x320] =	vst v5;
	v4 =	vmax.f32 v4, v59;
	v61 =	vmul.f32 $1.000000010e-01, v2;
	v0 =	vadd.f32 v0, v55  }
0x17a: {  	[tilespmem:s9+$0x330] =	vst v4;
	v3 =	vmax.f32 v3, v60;
	v62 =	vmul.f32 $1.000000010e-01, v1  }
0x17b: {  	[tilespmem:s9+$0x340] =	vst v3;
	v2 =	vmax.f32 v2, v61;
	v63 =	vmul.f32 $1.000000010e-01, v0  }
0x17c: {  	[tilespmem:s9+$0x350] =	vst v2;
	v1 =	vmax.f32 v1, v62  }
0x17d: {  	[tilespmem:s9+$0x360] =	vst v1;
	v0 =	vmax.f32 v0, v63  }
0x17e: {  	[tilespmem:s9+$0x370] =	vst v0  }
0x17f: {  	_ =	swait.ge [sflag:s5], $0x28  }
0x180: {  	[sflag:s5] =	ssyncset.done $0x0  }
0x181: {  	s11 =	simm.s32 $0xE;
	[sflag:s5] =	ssyncadd.s32 $0xFFFFFFD8  }
0x182: {  	[spmem:s17] =	stream.indirect.scatter.add.f32 [tilespmem:s28], [sflag:$0xD], $0x80, s16, s26, $0xb8;
	[tilespmem:$0x1B380] =	vst v63  }
0x183: {  	_ =	swait.ge [sflag:s11], $0x1400  }
0x184: {  	[sflag:s11] =	ssyncset.done $0x0  }
0x185: {  	s14 =	simm.s32 $0xF;
	[sflag:s11] =	ssyncadd.s32 $0xFFFFEC00  }
0x186: {  	_ =	swait.ge [sflag:s14], $0x1400  }
0x187: {  	[sflag:s14] =	ssyncset.done $0x0  }
0x188: {  	[sflag:s14] =	ssyncadd.s32 $0xFFFFEC00  }
0x189: {  	_ =	swait.ge [sflag:s8], $0x1400  }
0x18a: {  	[sflag:s8] =	ssyncset.done $0x0  }
0x18b: {  	[sflag:s8] =	ssyncadd.s32 $0xFFFFEC00  }
0x18c: {  	[bflag:$0x0] =	sbarrier.arrive $0xFFFF  }
0x18d: {  	s11 =	sld [smem:$0x7F5]  }
0x18e: {  	s14 =	sld [smem:$0x7EE];
	_ =	sdelay $0x1  }
0x18f: {  	s18 =	rddreg [dreg:$0xb]  }
0x190: {  	[hbm:s18], [sflag:s11] =	dma.local [spmem:s14], $0x500  }
0x191: {  	s18 =	simm.s32 $0x10  }
0x192: {  	_ =	swait.ge [sflag:s18], $0x500  }
0x193: {  	s23 =	sld [smem:$0x7EF]  }
0x194: {  	[sflag:s18] =	ssyncset.done $0x0  }
0x195: {  	s19 =	rddreg [dreg:$0xc];
	[sflag:s18] =	ssyncadd.s32 $0xFFFFFB00  }
0x196: {  	[hbm:s19], [sflag:s11] =	dma.local [spmem:s23], $0x500  }
0x197: {  	_ =	swait.ge [sflag:s18], $0x500  }
0x198: {  	s31 =	sld [smem:$0x7F0]  }
0x199: {  	[sflag:s18] =	ssyncset.done $0x0  }
0x19a: {  	s29 =	rddreg [dreg:$0xd];
	[sflag:s18] =	ssyncadd.s32 $0xFFFFFB00  }
0x19b: {  	[hbm:s29], [sflag:s11] =	dma.local [spmem:s31], $0x500  }
0x19c: {  	_ =	swait.ge [sflag:s18], $0x500  }
0x19d: {  	s23 =	sld [smem:$0x7F1]  }
0x19e: {  	[sflag:s18] =	ssyncset.done $0x0  }
0x19f: {  	s19 =	rddreg [dreg:$0xe];
	[sflag:s18] =	ssyncadd.s32 $0xFFFFFB00  }
0x1a0: {  	[hbm:s19], [sflag:s11] =	dma.local [spmem:s23], $0x500  }
0x1a1: {  	_ =	swait.ge [sflag:s18], $0x500  }
0x1a2: {  	s31 =	sld [smem:$0x7F2]  }
0x1a3: {  	[sflag:s18] =	ssyncset.done $0x0  }
0x1a4: {  	s29 =	rddreg [dreg:$0xf];
	[sflag:s18] =	ssyncadd.s32 $0xFFFFFB00  }
0x1a5: {  	[hbm:s29], [sflag:s11] =	dma.local [spmem:s31], $0x500  }
0x1a6: {  	_ =	swait.ge [sflag:s18], $0x500  }
0x1a7: {  	s19 =	sld [smem:$0x7F3]  }
0x1a8: {  	[sflag:s18] =	ssyncset.done $0x0  }
0x1a9: {  	s14 =	rddreg [dreg:$0x10];
	[sflag:s18] =	ssyncadd.s32 $0xFFFFFB00  }
0x1aa: {  	[hbm:s14], [sflag:s11] =	dma.local [spmem:s19], $0x500  }
0x1ab: {  	_ =	swait.ge [sflag:s18], $0x500  }
0x1ac: {  	s29 =	sld [smem:$0x7F4]  }
0x1ad: {  	[sflag:s18] =	ssyncset.done $0x0  }
0x1ae: {  	s23 =	rddreg [dreg:$0x12];
	[sflag:s18] =	ssyncadd.s32 $0xFFFFFB00  }
0x1af: {  	[hbm:s23], [sflag:s11] =	dma.local [spmem:s29], $0x500  }
0x1b0: {  	_ =	swait.ge [sflag:s18], $0x500  }
0x1b1: {  	s14 =	sld [smem:$0x7F6]  }
0x1b2: {  	[sflag:s18] =	ssyncset.done $0x0  }
0x1b3: {  	s9 =	rddreg [dreg:$0x13];
	[sflag:s18] =	ssyncadd.s32 $0xFFFFFB00  }
0x1b4: {  	[hbm:s9], [sflag:s11] =	dma.local @!p0 [spmem:s14], $0x500  }
0x1b5: {  	s9 =	simm.s32 @!p0 $0x10  }
0x1b6: {  	_ =	swait.ge @!p0 [sflag:s9], $0x500  }
0x1b7: {  	s12 =	sadd.s32 $0x1, s12;
	s31 =	rddreg [dreg:$0x1c]  }
0x1b8: {  	p1 =	sne.s32 s12, s31  }
.Ltmp5:
0x1b9: {  	_ = 	snop;
	(pc) =	sbr.rel @p1 .LBB2_1-.Ltmp5, $3  }
0x1ba: {  	_ =	sdelay $0x1  }
0x1bb: {  	[sflag:s9] =	ssyncset.done @!p0 $0x0  }
0x1bc: {  	[sflag:s9] =	ssyncadd.s32 @!p0 $0xFFFFFB00  }
0x1bd: {  	_ =	sfence.sel $0x180000  }
0x1be: {  	[bflag:$0x0] =	sbarrier.arrive $0xFFFF  }
0x1bf: {  	_ =	strace $0x9000004A  }
0x1c0: {  	s0 =	stileid.u32;
	[bflag:$0x2] =	sbarrier.arrive $0xFFFF  }
0x1c1: {  	p0 =	sne.s32 s0, $0x0;
	s0 =	rddreg [dreg:$0x2]  }
0x1c2: {  	s0 =	sadd.s32 @!p0 $0x100000, s0  }
0x1c3: {  	[sflag:s0] =	ssyncadd.tile.s32 @!p0 $0x1;
	_ =	shalt  }
.Lfunc_end2:
_tile_overlayer_lowered:
.L_overlay_start_2:
0x1c4: {  	(tag) =	ssettag $0x2  }
0x1c5: {  	s0 =	rddreg [dreg:$0x0];
	s2 =	stileid.u32  }
0x1c6: {  	s1 =	rddreg [dreg:$0x1];
	p0 =	sne.s32 s2, $0x0  }
0x1c7: {  	s3 =	rddreg [dreg:$0x2];
	[bflag:$0x3] =	sbarrier.arrive $0xFFFF;
	s2 =	simm.s32 @!p0 $0x1C10  }
0x1c8: {  	[timem:s3], [sflag:s2] =	dma.local @!p0 [hbm:s0], s1  }
0x1c9: {  	s0 =	simm.s32 @!p0 $0x10  }
0x1ca: {  	_ =	swait.ge @!p0 [sflag:s0], s1  }
0x1cb: {  	s1 =	ssub.s32 @!p0 $0x0, s1;
	[sflag:s0] =	ssyncset.done @!p0 $0x0  }
0x1cc: {  	[sflag:s0] =	ssyncadd.s32 @!p0 s1  }
0x1cd: {  	[bflag:$0x3] =	sbarrier.arrive $0xFFFF  }
0x1ce: {  	_ =	shalt  }

// kernel: kernel.18.cloned.1.call-start
scs
__scs_entry_jumppad:
0x0: {  	(pc) =	sbr.rel $0x88, $3  }
0x1: {  	(tag) =	ssettag $0x0;
	lr =	simm.s32 $0x1  }
0x2: {  	[smem:$0x3F98] =	sst lr;
	_ =	strace $0xD0000000  }
0x3: {  	_ = 	snop  }
0x4: {  	_ = 	snop  }
0x5: {  	_ = 	snop  }
0x6: {  	_ = 	snop  }
0x7: {  	_ = 	snop  }
__scs_overlays_trampoline_lowered:
0x8: {  	[smem:$0x3FA7] =	sst s0  }
0x9: {  	[smem:$0x3FA8] =	sst s1  }
0xa: {  	[smem:$0x3FA9] =	sst s2  }
0xb: {  	[smem:$0x3FAA] =	sst s3  }
0xc: {  	[smem:$0x3FAB] =	sst s4  }
0xd: {  	[smem:$0x3FAC] =	sst s5  }
0xe: {  	[smem:$0x3FAD] =	sst s6  }
0xf: {  	[smem:$0x3FAE] =	sst s7  }
0x10: {  	[smem:$0x3FAF] =	sst s8  }
0x11: {  	[smem:$0x3FB0] =	sst s9;
	s0 =	simm.s32 @!p0 $0x0  }
0x12: {  	s1 =	sld [smem:$0x3F96];
	s0 =	simm.s32 @p0 $0x1  }
0x13: {  	[smem:$0x3FB1] =	sst s0;
	s0 =	simm.s32 @!p1 $0x0  }
0x14: {  	s2 =	sld [smem:$0x3F95];
	s0 =	simm.s32 @p1 $0x1  }
0x15: {  	[smem:$0x3FB2] =	sst s0;
	s0 =	simm.s32 @!p2 $0x0  }
0x16: {  	s3 =	sld [smem:$0x3FDB];
	s0 =	simm.s32 @p2 $0x1  }
0x17: {  	s4 =	simm.s32 $0x1BF5;
	[smem:$0x3FB4] =	sst s0  }
0x18: {  	s0 =	sld [smem:$0x3F97];
	_ =	swait.ge [sflag:s4], $0x0  }
0x19: {  	s7 =	sld [smem:$0x3F98]  }
0x1a: {  	s8 =	sadd.s32 $0xFFFFE003, lr  }
0x1b: {  	s9 =	sadd.s32 $0xFFFFFEF7, lr;
	s5 =	simm.s32 $0xFFFFFFFF;
	p2 =	slt.u32 s8, $0xFFFFF086  }
0x1c: {  	p1 =	slt.u32 s9, $0xF7A;
	s5 =	simm.s32 @!p2 $0x0  }
0x1d: {  	s5 =	simm.s32 @p1 $0x1;
	p0 =	seq.s32 s7, s2  }
0x1e: {  	s7 =	smul.u32 @!p0 $0xF7A, s2;
	p2 =	seq.s32 @!p0 s5, $0x0  }
0x1f: {  	s9 =	smul.u32 $0xF7A, s1;
	s8 =	simm.s32 @!p0 $0x1BF5;
	p2 =	por !p2, p0  }
0x20: {  	[sflag:s8] =	ssyncset.s32 @!p0 $0xFFFFF086;
	s6 =	sadd.s32 @!p0 s3, s7;
	s7 =	simm.s32 @!p0 $0x108  }
0x21: {  	s3 =	sadd.s32 s3, s9;
	s6 =	sadd.s32 @!p0 $0x88, s6;
	s7 =	simm.s32 @p2 $0x1082  }
0x22: {  	[simem:s7], [sflag:s8] =	dma.local @!p0 [hbm:s6], $0xF7A  }
0x23: {  	s9 =	sor.u32 $0xD0000000, s2;
	s6 =	simm.s32 $0x108;
	_ =	swait.ge @!p0 [sflag:s8], $0x0  }
0x24: {  	s3 =	sadd.s32 $0x88, s3;
	s6 =	simm.s32 @!p1 $0x1082;
	[sflag:s4] =	ssyncset.s32 $0xFFFFF086  }
0x25: {  	[simem:s6], [sflag:s4] =	dma.local [hbm:s3], $0xF7A  }
0x26: {  	[smem:$0x3F98] =	sst s1;
	(tag) =	ssettag s2;
	_ =	strace s9  }
0x27: {  	s1 =	sld [smem:$0x3FA8]  }
0x28: {  	s2 =	sld [smem:$0x3FA9]  }
0x29: {  	s4 =	sld [smem:$0x3FAB]  }
0x2a: {  	p0 =	seq.s32 s5, $0x0;
	s5 =	sld [smem:$0x3FAC]  }
0x2b: {  	s6 =	sld [smem:$0x3FAD]  }
0x2c: {  	s7 =	sld [smem:$0x3FAE]  }
0x2d: {  	s3 =	simm.s32 $0x108;
	s8 =	sld [smem:$0x3FAF]  }
0x2e: {  	s3 =	simm.s32 @!p0 $0x1082;
	s9 =	sld [smem:$0x3FB0]  }
0x2f: {  	lr =	sadd.s32 s0, s3;
	s0 =	sld [smem:$0x3FA7]  }
0x30: {  	s3 =	sld [smem:$0x3FAA]  }
0x31: {  	[smem:$0x3FB3] =	sst s10  }
0x32: {  	s10 =	sld [smem:$0x3FB1];
	_ =	sdelay $0x3  }
0x33: {  	p0 =	seq.s32 s10, $0x1;
	s10 =	sld [smem:$0x3FB3];
	_ =	sdelay $0x3  }
0x34: {  	[smem:$0x3FB3] =	sst s10  }
0x35: {  	s10 =	sld [smem:$0x3FB2];
	_ =	sdelay $0x3  }
0x36: {  	p1 =	seq.s32 s10, $0x1;
	s10 =	sld [smem:$0x3FB3];
	_ =	sdelay $0x3  }
0x37: {  	[smem:$0x3FB3] =	sst s10  }
0x38: {  	s10 =	sld [smem:$0x3FB4]  }
0x39: {  	_ = 	snop;
	(pc) =	sbr.ind lr, $3  }
0x3a: {  	_ = 	snop  }
0x3b: {  	_ = 	snop  }
0x3c: {  	p2 =	seq.s32 s10, $0x1;
	s10 =	sld [smem:$0x3FB3]  }
0x3d: {  	_ =	shalt  }
0x3e: {  	_ =	shalt  }
0x3f: {  	_ =	shalt  }
0x40: {  	_ =	shalt  }
0x41: {  	_ =	shalt  }
0x42: {  	_ =	shalt  }
0x43: {  	_ =	shalt  }
0x44: {  	_ =	shalt  }
0x45: {  	_ =	shalt  }
0x46: {  	_ =	shalt  }
0x47: {  	_ =	shalt  }
0x48: {  	_ =	shalt  }
0x49: {  	_ =	shalt  }
0x4a: {  	_ =	shalt  }
0x4b: {  	_ =	shalt  }
0x4c: {  	_ =	shalt  }
0x4d: {  	_ =	shalt  }
0x4e: {  	_ =	shalt  }
0x4f: {  	_ =	shalt  }
0x50: {  	_ =	shalt  }
0x51: {  	_ =	shalt  }
0x52: {  	_ =	shalt  }
0x53: {  	_ =	shalt  }
0x54: {  	_ =	shalt  }
0x55: {  	_ =	shalt  }
0x56: {  	_ =	shalt  }
0x57: {  	_ =	shalt  }
0x58: {  	_ =	shalt  }
0x59: {  	_ =	shalt  }
0x5a: {  	_ =	shalt  }
0x5b: {  	_ =	shalt  }
0x5c: {  	_ =	shalt  }
0x5d: {  	_ =	shalt  }
0x5e: {  	_ =	shalt  }
0x5f: {  	_ =	shalt  }
0x60: {  	_ =	shalt  }
0x61: {  	_ =	shalt  }
0x62: {  	_ =	shalt  }
0x63: {  	_ =	shalt  }
0x64: {  	_ =	shalt  }
0x65: {  	_ =	shalt  }
0x66: {  	_ =	shalt  }
0x67: {  	_ =	shalt  }
0x68: {  	_ =	shalt  }
0x69: {  	_ =	shalt  }
0x6a: {  	_ =	shalt  }
0x6b: {  	_ =	shalt  }
0x6c: {  	_ =	shalt  }
0x6d: {  	_ =	shalt  }
0x6e: {  	_ =	shalt  }
0x6f: {  	_ =	shalt  }
0x70: {  	_ =	shalt  }
0x71: {  	_ =	shalt  }
0x72: {  	_ =	shalt  }
0x73: {  	_ =	shalt  }
0x74: {  	_ =	shalt  }
0x75: {  	_ =	shalt  }
0x76: {  	_ =	shalt  }
0x77: {  	_ =	shalt  }
0x78: {  	_ =	shalt  }
0x79: {  	_ =	shalt  }
0x7a: {  	_ =	shalt  }
0x7b: {  	_ =	shalt  }
0x7c: {  	_ =	shalt  }
0x7d: {  	_ =	shalt  }
0x7e: {  	_ =	shalt  }
0x7f: {  	_ =	shalt  }
0x80: {  	_ =	shalt  }
0x81: {  	_ =	shalt  }
0x82: {  	_ =	shalt  }
0x83: {  	_ =	shalt  }
0x84: {  	_ =	shalt  }
0x85: {  	_ =	shalt  }
0x86: {  	_ =	shalt  }
0x87: {  	_ =	shalt  }
.Lfunc_end0:
.L_simem_size_0:
called_computation.2_lowered:
.L_overlay_start_0:
0x88: {  	s2 =	sld [smem:$0x3FD9]  }
0x89: {  	s3 =	sld [smem:$0x3FFE];
	_ =	sdelay $0x1  }
0x8a: {  	s1 =	srdreg.scid  }
0x8b: {  	s0 =	sand.u32 $0x1, s1  }
0x8c: {  	s16 =	sshll.u32 s0, $0xA;
	s2 =	sadd.s32 s3, s2  }
0x8d: {  	s2 =	sadd.s32 s2, s16  }
0x8e: {  	[smem:$0x3FBF] =	sst s2  }
0x8f: {  	_ = 	snop  }
0x90: {  	(tm) =	ssettm $0x1  }
0x91: {  	s17 =	sld [smem:$0x3FFB];
	_ =	sdelay $0x3  }
0x92: {  	_ =	strace s17  }
0x93: {  	s2 =	sld [smem:$0x3FFC];
	_ =	sdelay $0x3  }
0x94: {  	_ =	strace s2  }
0x95: {  	s2 =	sld [smem:$0x3FFD];
	_ =	sdelay $0x3  }
0x96: {  	_ =	strace s2  }
0x97: {  	_ =	strace $0x8FFFFFFF  }
0x98: {  	s18 =	sld [smem:$0x3FDB];
	_ =	sdelay $0x1  }
0x99: {  	s19 =	simm.s32 $_scs_section_size  }
0x9a: {  	s4 =	simm.s32 $_size__tile_overlayer_lowered;
	s5 =	simm.s32 $_tile_overlayer_lowered  }
0x9b: {  	s22 =	simm.s32 $0x1BFF;
	s21 =	sshll.u32 s5, $0x1;
	s2 =	sadd.s32 s19, s18  }
0x9c: {  	s6 =	simm.s32 $0x0;
	s20 =	sshll.u32 s4, $0x1;
	s4 =	sadd.s32 s21, s2  }
0x9d: {  	[timem:s6], [sflag:s22] =	dma.local [hbm:s4], s20  }
0x9e: {  	_ =	swait.ge [sflag:s22], s20  }
0x9f: {  	s3 =	ssub.s32 $0x0, s20;
	[sflag:s22] =	ssyncset.done $0x0  }
0xa0: {  	[sflag:s22] =	ssyncadd.s32 s3;
	_ =	sdelay $0x1  }
0xa1: {  	s23 =	simm.s32 $0x1B8B  }
0xa2: {  	_ =	swait.ge [sflag:s23], $0x1  }
0xa3: {  	[sflag:s23] =	ssyncset.done $0x0  }
0xa4: {  	s25 =	simm.s32 $0x1B8E;
	s24 =	sld [smem:$0x3FFE];
	[sflag:s23] =	ssyncadd.s32 $0xFFFFFFFF  }
0xa5: {  	s26 =	simm.s32 $execute0_lowered;
	[smem:$0x3FD2] =	sst s25  }
0xa6: {  	s4 =	sshll.u32 s26, $0x1;
	_ =	strace $0x8000004C;
	[dreg:$0x1] =	wrdreg $0xFFFFFFFF  }
0xa7: {  	s28 =	simm.s32 $_size_execute0_lowered;
	s2 =	sadd.s32 s2, s4;
	[dreg:$0x0] =	wrdreg $0x0  }
0xa8: {  	s4 =	sshll.u32 s28, $0x1;
	[dreg:$0x2] =	wrdreg s2  }
0xa9: {  	[dreg:$0x3] =	wrdreg s4  }
0xaa: {  	[dreg:$0x4] =	wrdreg $0xC0  }
0xab: {  	_ =	task [dreg:s6], $0x5FFFF  }
0xac: {  	[dreg:$0x1] =	wrdreg $0xFFFFFFFF  }
0xad: {  	[dreg:$0x0] =	wrdreg $0x60  }
0xae: {  	[dreg:$0x2] =	wrdreg s24  }
0xaf: {  	[dreg:$0x3] =	wrdreg $0x7B000  }
0xb0: {  	[dreg:$0x4] =	wrdreg $0x9  }
0xb1: {  	_ =	task.clear_ibuf [dreg:s6], $0x5FFFF;
	_ =	strace $0x9000004C  }
0xb2: {  	s29 =	simm.s32 $0x9;
	_ =	strace $0x8000004E  }
0xb3: {  	_ =	swait.ge [sflag:s29], $0x1  }
0xb4: {  	[sflag:s29] =	ssyncadd.s32 $0xFFFFFFFF  }
0xb5: {  	_ =	strace $0x9000004E  }
0xb6: {  	_ =	sfence  }
0xb7: {  	s30 =	sld [smem:$0x0];
	_ =	sdelay $0x2  }
0xb8: {  	s31 =	sshll.u32 s1, $0xD;
	s1 =	sshrl.u32 s1, $0x2  }
0xb9: {  	s3 =	sand.u32 $0x4000, s31;
	s1 =	sadd.s32 s1, s30  }
0xba: {  	s0 =	sor.u32 s3, s0;
	s1 =	sshll.u32 s1, $0x11  }
0xbb: {  	s0 =	sor.u32 s1, s0  }
0xbc: {  	s0 =	sadd.s32 $0x8F2B, s0  }
0xbd: {  	[sflag:s0] =	ssyncadd.remote.s32 $0x1  }
0xbe: {  	_ =	sfence.sel $0xFFFF  }
0xbf: {  	[dreg:$0x0] =	wrdreg $0xFFFFFFFF;
	(pc) =	sbr.abs _section_cstart, $3  }
0xc0: {  	[dreg:$0x1] =	wrdreg $0xFFFFFFFF  }
0xc1: {  	_ =	task.clear_ibuf [dreg:s6], $0x2FFFF;
	_ =	strace $0x9FFFFFFF  }
0xc2: {  	(tm) =	ssettm $0x7FFFFFFF  }
0xc3: {  	_ =	shalt  }
tec
execute0_lowered:
.L_overlay_start_1:
0x0: {  	(tag) =	ssettag $0x1  }
0x1: {  	s23 =	stileid.u32  }
0x2: {  	s0 =	srdreg.scid;
	s10 =	smul.u32 $0x500, s23  }
0x3: {  	s8 =	sand.u32 $0x1, s0;
	s24 =	smul.u32 $0x2800, s23  }
0x4: {  	s6 =	sor.u32 $0x10, s23;
	s9 =	smul.u32 $0x138800, s8  }
0x5: {  	s5 =	sor.u32 $0x20, s23;
	s11 =	smul.u32 $0x500, s6  }
0x6: {  	s4 =	sor.u32 $0x30, s23;
	s12 =	smul.u32 $0x500, s5  }
0x7: {  	s3 =	sor.u32 $0x40, s23;
	s13 =	smul.u32 $0x500, s4  }
0x8: {  	s2 =	sor.u32 $0x50, s23;
	s14 =	smul.u32 $0x500, s3  }
0x9: {  	s1 =	sor.u32 $0x60, s23;
	s15 =	smul.u32 $0x500, s2  }
0xa: {  	s0 =	sor.u32 $0x70, s23;
	s16 =	smul.u32 $0x500, s1  }
0xb: {  	s19 =	smul.u32 $0x500, s0  }
0xc: {  	s18 =	rddreg [dreg:$0x0];
	s28 =	simm.s32 $0x300;
	s31 =	smul.u32 $0x2800, s4  }
0xd: {  	s30 =	simm.s32 $0x9;
	s20 =	sadd.s32 $0xA08800, s18;
	s21 =	smul.u32 $0x2800, s3  }
0xe: {  	s7 =	ssub.s32 $0x2, s8;
	s8 =	sshll.u32 s8, $0x4;
	s4 =	smul.u32 $0xA000, s4  }
0xf: {  	s3 =	smul.u32 $0xA000, s3;
	p0 =	sgt.u32 s0, $0x7C;
	s17 =	sshrl.u32 s7, $0x1  }
0x10: {  	s10 =	sadd.s32 s20, s10;
	s8 =	sor.u32 s23, s8;
	s7 =	ssub.s32 s7, s17  }
0x11: {  	[dreg:$0x3] =	wrdreg s10;
	s10 =	smul.u32 $0x2800, s6;
	s11 =	sadd.s32 s20, s11  }
0x12: {  	s25 =	sadd.s32 s20, s12;
	s26 =	sadd.s32 s20, s13;
	s29 =	sadd.s32 s20, s14  }
0x13: {  	s15 =	sadd.s32 s20, s15;
	s16 =	sadd.s32 s20, s16;
	s17 =	rddreg [dreg:$0x1]  }
0x14: {  	s22 =	sadd.s32 s20, s19;
	s24 =	sadd.s32 s9, s24;
	[dreg:$0x4] =	wrdreg s11  }
0x15: {  	s12 =	sadd.s32 s9, s31;
	s6 =	smul.u32 $0xA000, s6;
	[dreg:$0x5] =	wrdreg s25  }
0x16: {  	s13 =	sadd.s32 s9, s21;
	s11 =	smul.u32 $0x2800, s5;
	[dreg:$0x6] =	wrdreg s26  }
0x17: {  	s31 =	simm.s32 $0x0;
	[dreg:$0x7] =	wrdreg s29;
	s25 =	smul.u32 $0x2800, s2  }
0x18: {  	s20 =	sadd.s32 $0xA56C00, s18;
	[dreg:$0x8] =	wrdreg s15;
	s26 =	smul.u32 $0x2800, s1  }
0x19: {  	s4 =	sshrl.u32 s4, $0x2;
	[dreg:$0x9] =	wrdreg s16;
	s29 =	smul.u32 $0x2800, s0  }
0x1a: {  	[dreg:$0xa] =	wrdreg s22;
	s22 =	sshrl.u32 s12, $0x3;
	s12 =	smul.u32 $0x2710, s8  }
0x1b: {  	s3 =	sshrl.u32 s3, $0x2;
	[smem:$0x7FF] =	sst s31;
	s8 =	smul.u32 $0x27100, s8  }
0x1c: {  	s14 =	sshrl.u32 s24, $0x3;
	s24 =	sshrl.u32 s13, $0x3;
	s5 =	smul.u32 $0xA000, s5  }
0x1d: {  	s7 =	smax.u32 s7, $0x1;
	s10 =	sadd.s32 s9, s10;
	s14 =	sadd.s32 s20, s14  }
0x1e: {  	s11 =	sadd.s32 s9, s11;
	s15 =	sadd.s32 s9, s25;
	s16 =	sadd.s32 s9, s26  }
0x1f: {  	s9 =	sadd.s32 s9, s29;
	s10 =	sshrl.u32 s10, $0x3;
	[dreg:$0xb] =	wrdreg s14  }
0x20: {  	s25 =	sadd.s32 s20, s24;
	s31 =	sadd.s32 $0x50, s12;
	s24 =	sadd.s32 $0x9600, s18  }
0x21: {  	s10 =	sadd.s32 s20, s10;
	s21 =	sshrl.u32 s11, $0x3;
	[dreg:$0xf] =	wrdreg s25  }
0x22: {  	s9 =	sshrl.u32 s9, $0x3;
	[dreg:$0xc] =	wrdreg s10;
	s10 =	sadd.s32 s20, s21  }
0x23: {  	s13 =	sadd.s32 $0x28, s12;
	s9 =	sadd.s32 s20, s9;
	[dreg:$0xd] =	wrdreg s10  }
0x24: {  	s26 =	sshrl.u32 s15, $0x3;
	s10 =	sadd.s32 s20, s22;
	[dreg:$0x13] =	wrdreg s9  }
0x25: {  	s29 =	sshrl.u32 s16, $0x3;
	[dreg:$0xe] =	wrdreg s10;
	s10 =	sadd.s32 s20, s26  }
0x26: {  	s15 =	sshrl.u32 s13, $0x3;
	[dreg:$0x10] =	wrdreg s10;
	s10 =	sadd.s32 s20, s29  }
0x27: {  	s22 =	sadd.s32 $0x13400, s18;
	s9 =	sshrl.u32 s31, $0x3;
	[dreg:$0x12] =	wrdreg s10  }
0x28: {  	s9 =	sadd.s32 s22, s9;
	_ =	strace $0x8000004D;
	[dreg:$0x14] =	wrdreg s31  }
0x29: {  	s25 =	sadd.s32 $0xF5FC00, s18;
	s16 =	sadd.s32 s22, s15;
	[dreg:$0x15] =	wrdreg s9  }
0x2a: {  	s21 =	sadd.s32 $0xA2FA00, s18;
	s18 =	sadd.s32 s24, s15;
	[dreg:$0x18] =	wrdreg s16  }
0x2b: {  	s19 =	sshll.u32 s13, $0x4;
	s8 =	sadd.s32 s25, s8;
	[dreg:$0x19] =	wrdreg s18  }
0x2c: {  	s20 =	smul.u32 $0xA000, s23;
	s23 =	sadd.s32 s25, s19;
	[dreg:$0x1a] =	wrdreg s8  }
0x2d: {  	s2 =	smul.u32 $0xA000, s2;
	s6 =	sshrl.u32 s6, $0x2;
	[dreg:$0x1b] =	wrdreg s23  }
0x2e: {  	s6 =	sadd.s32 s6, s17;
	s5 =	sshrl.u32 s5, $0x2;
	[dreg:$0x1c] =	wrdreg s7  }
0x2f: {  	s1 =	smul.u32 $0xA000, s1;
	s5 =	sadd.s32 s5, s17;
	[dreg:$0x1e] =	wrdreg s6  }
0x30: {  	s0 =	smul.u32 $0xA000, s0;
	s4 =	sadd.s32 s4, s17;
	[dreg:$0x1f] =	wrdreg s5  }
0x31: {  	s3 =	sadd.s32 s3, s17;
	s2 =	sshrl.u32 s2, $0x2;
	[smem:$0x7F7] =	sst s4  }
0x32: {  	s1 =	sshrl.u32 s1, $0x2;
	s2 =	sadd.s32 s2, s17;
	[smem:$0x7F8] =	sst s3  }
0x33: {  	s0 =	sshrl.u32 s0, $0x2;
	s1 =	sadd.s32 s1, s17;
	[smem:$0x7F9] =	sst s2  }
0x34: {  	s0 =	sadd.s32 s0, s17;
	s13 =	simm.s32 $0x280;
	[smem:$0x7FA] =	sst s1  }
0x35: {  	s29 =	sadd.s32 $0x78, s12;
	s10 =	sshrl.u32 s12, $0x3;
	[smem:$0x7FB] =	sst s0  }
0x36: {  	s15 =	simm.s32 $0x6;
	s14 =	sadd.s32 s22, s10;
	[smem:$0x7FC] =	sst s29  }
0x37: {  	s9 =	sadd.s32 s24, s10;
	s26 =	sshrl.u32 s20, $0x2;
	[dreg:$0x11] =	wrdreg s12  }
0x38: {  	s31 =	sadd.s32 $0xC8, s12;
	s16 =	simm.s32 $0x180;
	s20 =	simm.s32 $0x1  }
0x39: {  	s18 =	simm.s32 $0x10;
	s0 =	simm.s32 $0x7;
	s1 =	simm.s32 $0xA  }
0x3a: {  	s2 =	simm.s32 $0x3;
	s3 =	simm.s32 $0x2B00;
	s5 =	simm.s32 $0x4  }
0x3b: {  	s6 =	simm.s32 $0x8;
	s8 =	simm.s32 $0xD;
	[dreg:$0x16] =	wrdreg s14  }
0x3c: {  	s10 =	simm.s32 $0x5;
	s4 =	simm.s32 $0xC;
	[dreg:$0x17] =	wrdreg s9  }
0x3d: {  	s12 =	simm.s32 $0x0;
	s7 =	sadd.s32 s26, s17;
	[smem:$0x7FD] =	sst s31  }
0x3e: {  	s26 =	simm.s32 $0x28;
	[dreg:$0x1d] =	wrdreg s7;
	s7 =	simm.s32 $0xB  }
.LBB2_1:
0x3f: {  	[smem:$0x7ED] =	sst s12  }
0x40: {  	s9 =	simm.s32 $0x0;
	s11 =	rddreg [dreg:$0x16]  }
0x41: {  	[tilespmem:s9], [sflag:$0x1] =	stream.linear.gather [hbm4b:s11+s9], $0x28, $0x38;
	[tilespmem:$0x1B380] =	vst v63  }
0x42: {  	s19 =	rddreg [dreg:$0x18];
	s12 =	simm.s32 $0x80  }
0x43: {  	[tilespmem:s12], [sflag:$0x2] =	stream.linear.gather [hbm4b:s19+s9], $0x28, $0x38;
	[tilespmem:$0x1B380] =	vst v63  }
0x44: {  	s23 =	rddreg [dreg:$0x15];
	s14 =	simm.s32 $0x100  }
0x45: {  	[tilespmem:s14], [sflag:$0x3] =	stream.linear.gather [hbm4b:s23+s9], $0x28, $0x38;
	[tilespmem:$0x1B380] =	vst v63  }
0x46: {  	s31 =	rddreg [dreg:$0x17]  }
0x47: {  	[tilespmem:s16], [sflag:$0x4] =	stream.linear.gather [hbm4b:s31+s9], $0x28, $0x38;
	[tilespmem:$0x1B380] =	vst v63  }
0x48: {  	s19 =	simm.s32 $0x200;
	s14 =	rddreg [dreg:$0x19]  }
0x49: {  	[tilespmem:s19], [sflag:$0x5] =	stream.linear.gather [hbm4b:s14+s9], $0x28, $0x38;
	[tilespmem:$0x1B380] =	vst v63  }
0x4a: {  	_ =	swait.ge [sflag:s20], $0x28  }
0x4b: {  	[sflag:s20] =	ssyncset.done $0x0  }
0x4c: {  	[sflag:s20] =	ssyncadd.s32 $0xFFFFFFD8  }
0x4d: {  	[tilespmem:s28], [sflag:$0x7] =	stream.indirect.gather [hbm4b:s21+s26], $0x80, s9, s26, $0xb8;
	[tilespmem:$0x1B380] =	vst v63  }
0x4e: {  	s31 =	simm.s32 $0x3F00;
	s14 =	simm.s32 $0x2;
	s23 =	rddreg [dreg:$0x1a]  }
0x4f: {  	[tilespmem:s31], [sflag:$0xA] =	stream.linear.gather [hbm4b:s23+s9], $0x1400, $0x38;
	[tilespmem:$0x1B380] =	vst v63  }
0x50: {  	_ =	swait.ge [sflag:s14], $0x28  }
0x51: {  	[sflag:s14] =	ssyncset.done $0x0  }
0x52: {  	s19 =	simm.s32 $0x1700;
	s23 =	rddreg [dreg:$0x1b];
	[sflag:s14] =	ssyncadd.s32 $0xFFFFFFD8  }
0x53: {  	[tilespmem:s19], [sflag:$0x8] =	stream.indirect.gather [hbm4b:s21+s26], $0x80, s12, s26, $0xb8;
	[tilespmem:$0x1B380] =	vst v63  }
0x54: {  	s31 =	simm.s32 $0x5300;
	s14 =	stileid.u32;
	s19 =	rddreg [dreg:$0x1d]  }
0x55: {  	[tilespmem:s31], [sflag:$0xB] =	stream.linear.gather [hbm4b:s23+s9], $0x1400, $0x38;
	[tilespmem:$0x1B380] =	vst v63  }
0x56: {  	s9 =	sshll.u32 s14, $0x6;
	s23 =	sshrl.u32 s19, $0x3;
	s31 =	rddreg [dreg:$0x3]  }
0x57: {  	s11 =	sor.u32 $0x1C10, s9;
	[smem:$0x7EE] =	sst s23  }
0x58: {  	[spmem:s23], [sflag:s11] =	dma.local [hbm:s31], $0x500  }
0x59: {  	_ =	swait.ge [sflag:s18], $0x500  }
0x5a: {  	s14 =	rddreg [dreg:$0x1e]  }
0x5b: {  	[sflag:s18] =	ssyncset.done $0x0;
	s23 =	rddreg [dreg:$0x4];
	s19 =	sshrl.u32 s14, $0x3  }
0x5c: {  	[sflag:s18] =	ssyncadd.s32 $0xFFFFFB00;
	[smem:$0x7EF] =	sst s19  }
0x5d: {  	[spmem:s19], [sflag:s11] =	dma.local [hbm:s23], $0x500  }
0x5e: {  	_ =	swait.ge [sflag:s18], $0x500  }
0x5f: {  	s31 =	rddreg [dreg:$0x1f]  }
0x60: {  	[sflag:s18] =	ssyncset.done $0x0;
	s14 =	rddreg [dreg:$0x5];
	s9 =	sshrl.u32 s31, $0x3  }
0x61: {  	[sflag:s18] =	ssyncadd.s32 $0xFFFFFB00;
	[smem:$0x7F0] =	sst s9  }
0x62: {  	[spmem:s9], [sflag:s11] =	dma.local [hbm:s14], $0x500  }
0x63: {  	_ =	swait.ge [sflag:s18], $0x500  }
0x64: {  	s19 =	sld [smem:$0x7F7];
	_ =	sdelay $0x2  }
0x65: {  	[sflag:s18] =	ssyncset.done $0x0;
	s31 =	rddreg [dreg:$0x6];
	s23 =	sshrl.u32 s19, $0x3  }
0x66: {  	[sflag:s18] =	ssyncadd.s32 $0xFFFFFB00;
	[smem:$0x7F1] =	sst s23  }
0x67: {  	[spmem:s23], [sflag:s11] =	dma.local [hbm:s31], $0x500  }
0x68: {  	_ =	swait.ge [sflag:s18], $0x500  }
0x69: {  	s14 =	sld [smem:$0x7F8];
	_ =	sdelay $0x2  }
0x6a: {  	[sflag:s18] =	ssyncset.done $0x0;
	s23 =	rddreg [dreg:$0x7];
	s19 =	sshrl.u32 s14, $0x3  }
0x6b: {  	[sflag:s18] =	ssyncadd.s32 $0xFFFFFB00;
	[smem:$0x7F2] =	sst s19  }
0x6c: {  	[spmem:s19], [sflag:s11] =	dma.local [hbm:s23], $0x500  }
0x6d: {  	_ =	swait.ge [sflag:s18], $0x500  }
0x6e: {  	s31 =	sld [smem:$0x7F9];
	_ =	sdelay $0x2  }
0x6f: {  	[sflag:s18] =	ssyncset.done $0x0;
	s14 =	rddreg [dreg:$0x8];
	s9 =	sshrl.u32 s31, $0x3  }
0x70: {  	[sflag:s18] =	ssyncadd.s32 $0xFFFFFB00;
	[smem:$0x7F3] =	sst s9  }
0x71: {  	[spmem:s9], [sflag:s11] =	dma.local [hbm:s14], $0x500  }
0x72: {  	_ =	swait.ge [sflag:s18], $0x500  }
0x73: {  	s19 =	sld [smem:$0x7FA];
	_ =	sdelay $0x2  }
0x74: {  	[sflag:s18] =	ssyncset.done $0x0;
	s31 =	rddreg [dreg:$0x9];
	s23 =	sshrl.u32 s19, $0x3  }
0x75: {  	[sflag:s18] =	ssyncadd.s32 $0xFFFFFB00;
	[smem:$0x7F4] =	sst s23  }
0x76: {  	[spmem:s23], [sflag:s11] =	dma.local [hbm:s31], $0x500  }
0x77: {  	_ =	swait.ge [sflag:s18], $0x500  }
0x78: {  	s9 =	sld [smem:$0x7FB];
	_ =	sdelay $0x1  }
0x79: {  	[smem:$0x7F5] =	sst s11  }
0x7a: {  	[sflag:s18] =	ssyncset.done $0x0;
	s12 =	sshrl.u32 @!p0 s9, $0x3;
	s9 =	rddreg [dreg:$0xa]  }
0x7b: {  	[sflag:s18] =	ssyncadd.s32 $0xFFFFFB00;
	[smem:$0x7F6] =	sst s12  }
0x7c: {  	[spmem:s12], [sflag:s11] =	dma.local @!p0 [hbm:s9], $0x500  }
0x7d: {  	s9 =	simm.s32 @!p0 $0x10  }
0x7e: {  	_ =	swait.ge @!p0 [sflag:s9], $0x500  }
0x7f: {  	[sflag:s9] =	ssyncset.done @!p0 $0x0  }
0x80: {  	[sflag:s9] =	ssyncadd.s32 @!p0 $0xFFFFFB00  }
0x81: {  	s29 =	simm.s32 $0x0;
	[bflag:$0x0] =	sbarrier.arrive $0xFFFF  }
.LBB2_2:
0x82: {  	_ =	swait.ge [sflag:s0], $0x1400  }
0x83: {  	[sflag:s0] =	ssyncset.done $0x0  }
0x84: {  	[sflag:s0] =	ssyncadd.s32 $0xFFFFEC00  }
0x85: {  	_ =	swait.ge [sflag:s1], $0x1400  }
0x86: {  	s9 =	sld [smem:$0x7FC]  }
0x87: {  	s31 =	smul.u32 $0x78, s29;
	_ =	sdelay $0x1  }
0x88: {  	s9 =	sadd.s32 s31, s9  }
0x89: {  	s11 =	simm.s32 $0x0;
	[sflag:s1] =	ssyncset.done $0x0;
	s19 =	sshrl.u32 s9, $0x3  }
0x8a: {  	p1 =	seq.s32 s29, $0x0;
	[sflag:s1] =	ssyncadd.s32 $0xFFFFEC00;
	s14 =	sadd.s32 s22, s19  }
0x8b: {  	[tilespmem:s11], [sflag:$0x1] =	stream.linear.gather [hbm4b:s14+s11], $0x28, $0x38;
	[tilespmem:$0x1B380] =	vst v63  }
0x8c: {  	s14 =	simm.s32 @!p1 $0xF  }
0x8d: {  	_ =	swait.ge @!p1 [sflag:s14], $0x1400  }
0x8e: {  	[sflag:s14] =	ssyncset.done @!p1 $0x0  }
0x8f: {  	[sflag:s14] =	ssyncadd.s32 @!p1 $0xFFFFEC00  }
0x90: {  	_ =	swait.ge [sflag:s2], $0x28  }
0x91: {  	[sflag:s2] =	ssyncset.done $0x0;
	s23 =	rddreg [dreg:$0x14]  }
0x92: {  	s18 =	simm.s32 $0x100;
	[sflag:s2] =	ssyncadd.s32 $0xFFFFFFD8;
	s14 =	sadd.s32 s31, s23  }
0x93: {  	[tilespmem:s3], [sflag:$0x9] =	stream.indirect.gather [hbm4b:s21+s26], $0x80, s18, s26, $0xb8;
	[tilespmem:$0x1B380] =	vst v63  }
0x94: {  	s12 =	simm.s32 $0x6700;
	s18 =	sshll.u32 s14, $0x4  }
0x95: {  	s23 =	simm.s32 $0x0;
	s14 =	sshrl.u32 s14, $0x3;
	s18 =	sadd.s32 s25, s18  }
0x96: {  	[tilespmem:s12], [sflag:$0xC] =	stream.linear.gather [hbm4b:s18+s23], $0x1400, $0x38;
	[tilespmem:$0x1B380] =	vst v63  }
0x97: {  	s14 =	sadd.s32 s24, s14  }
0x98: {  	[tilespmem:s13], [sflag:$0x6] =	stream.linear.gather [hbm4b:s14+s23], $0x28, $0x38;
	[tilespmem:$0x1B380] =	vst v63  }
0x99: {  	s14 =	simm.s32 $0x0  }
0x9a: {  	v6 =	vld [tilespmem:s14+$0x3F00]  }
0x9b: {  	v9 =	vld [tilespmem:s14+$0x3F10]  }
0x9c: {  	v5 =	vld [tilespmem:s14+$0x3F20]  }
0x9d: {  	v4 =	vld [tilespmem:s14+$0x3F30]  }
0x9e: {  	v3 =	vld [tilespmem:s14+$0x3F40]  }
0x9f: {  	v2 =	vld [tilespmem:s14+$0x3F50]  }
0xa0: {  	v1 =	vld [tilespmem:s14+$0x3F60]  }
0xa1: {  	v0 =	vld [tilespmem:s14+$0x3F70]  }
0xa2: {  	v11 =	vld [tilespmem:s14+$0x300]  }
0xa3: {  	v13 =	vld [tilespmem:s14+$0x310]  }
0xa4: {  	v12 =	vld [tilespmem:s14+$0x320]  }
0xa5: {  	v10 =	vld [tilespmem:s14+$0x330]  }
0xa6: {  	v8 =	vld [tilespmem:s14+$0x340]  }
0xa7: {  	v7 =	vld [tilespmem:s14+$0x350];
	v11 =	vadd.f32 v6, v11  }
0xa8: {  	s18 =	smul.u32 $0x3, s29;
	s23 =	simm.s32 $0x200;
	v9 =	vadd.f32 v9, v13;
	v6 =	vld [tilespmem:s14+$0x360]  }
.LBB2_3:
0xa9: {  	s11 =	sshra.s32 s23, $0x2;
	p1 =	sne.s32 s23, $0x4E00;
	v13 =	vmul.f32 $1.000000010e-01, v11;
	v12 =	vadd.f32 v5, v12;
	v14 =	vld [tilespmem:s14+$0x370]  }
0xaa: {  	v15 =	vld [tilespmem:s11+$0x3F00];
	v16 =	vmul.f32 $1.000000010e-01, v9;
	v10 =	vadd.f32 v4, v10  }
0xab: {  	v17 =	vld [tilespmem:s11+$0x3F10];
	v4 =	vmax.f32 v11, v13;
	v11 =	vmul.f32 $1.000000010e-01, v12;
	v8 =	vadd.f32 v3, v8  }
0xac: {  	v5 =	vld [tilespmem:s11+$0x3F20];
	[tilespmem:s14+$0x300] =	vst v4;
	v3 =	vmax.f32 v9, v16;
	v9 =	vmul.f32 $1.000000010e-01, v10;
	v7 =	vadd.f32 v2, v7  }
0xad: {  	v4 =	vld [tilespmem:s11+$0x3F30];
	[tilespmem:s14+$0x310] =	vst v3;
	v2 =	vmax.f32 v12, v11;
	v11 =	vmul.f32 $1.000000010e-01, v8;
	v6 =	vadd.f32 v1, v6  }
0xae: {  	v3 =	vld [tilespmem:s11+$0x3F40];
	[tilespmem:s14+$0x320] =	vst v2;
	v1 =	vmax.f32 v10, v9;
	v9 =	vmul.f32 $1.000000010e-01, v7;
	v10 =	vadd.f32 v0, v14  }
0xaf: {  	v2 =	vld [tilespmem:s11+$0x3F50];
	[tilespmem:s14+$0x330] =	vst v1;
	v0 =	vmax.f32 v8, v11;
	v8 =	vmul.f32 $1.000000010e-01, v6  }
0xb0: {  	v1 =	vld [tilespmem:s11+$0x3F60];
	[tilespmem:s14+$0x340] =	vst v0;
	v7 =	vmax.f32 v7, v9;
	v9 =	vmul.f32 $1.000000010e-01, v10  }
0xb1: {  	v0 =	vld [tilespmem:s11+$0x3F70];
	[tilespmem:s14+$0x350] =	vst v7;
	v6 =	vmax.f32 v6, v8  }
0xb2: {  	v7 =	vld [tilespmem:s11+$0x300];
	[tilespmem:s14+$0x360] =	vst v6;
	v6 =	vmax.f32 v10, v9  }
0xb3: {  	v9 =	vld [tilespmem:s11+$0x310];
	[tilespmem:s14+$0x370] =	vst v6;
	s14 =	smov.u32 s11  }
.Ltmp0:
0xb4: {  	v12 =	vld [tilespmem:s14+$0x320];
	(pc) =	sbr.rel @p1 .LBB2_3-.Ltmp0, $4  }
0xb5: {  	v10 =	vld [tilespmem:s14+$0x330]  }
0xb6: {  	v8 =	vld [tilespmem:s14+$0x340]  }
0xb7: {  	v11 =	vadd.f32 v15, v7;
	v7 =	vld [tilespmem:s14+$0x350]  }
0xb8: {  	s23 =	sadd.s32 $0x200, s23;
	v9 =	vadd.f32 v17, v9;
	v6 =	vld [tilespmem:s14+$0x360]  }
0xb9: {  	v13 =	vmul.f32 $1.000000010e-01, v11;
	v5 =	vadd.f32 v5, v12;
	v12 =	vld [tilespmem:s14+$0x370]  }
0xba: {  	v14 =	vmul.f32 $1.000000010e-01, v9;
	v4 =	vadd.f32 v4, v10  }
0xbb: {  	v10 =	vmax.f32 v11, v13;
	v11 =	vmul.f32 $1.000000010e-01, v5;
	v3 =	vadd.f32 v3, v8  }
0xbc: {  	[tilespmem:s14+$0x300] =	vst v10;
	v8 =	vmax.f32 v9, v14;
	v9 =	vmul.f32 $1.000000010e-01, v4;
	v2 =	vadd.f32 v2, v7  }
0xbd: {  	[tilespmem:s14+$0x310] =	vst v8;
	v5 =	vmax.f32 v5, v11;
	v7 =	vmul.f32 $1.000000010e-01, v3;
	v1 =	vadd.f32 v1, v6  }
0xbe: {  	[tilespmem:s14+$0x320] =	vst v5;
	v4 =	vmax.f32 v4, v9;
	v5 =	vmul.f32 $1.000000010e-01, v2;
	v0 =	vadd.f32 v0, v12  }
0xbf: {  	[tilespmem:s14+$0x330] =	vst v4;
	v3 =	vmax.f32 v3, v7;
	v4 =	vmul.f32 $1.000000010e-01, v1  }
0xc0: {  	[tilespmem:s14+$0x340] =	vst v3;
	v2 =	vmax.f32 v2, v5;
	v3 =	vmul.f32 $1.000000010e-01, v0  }
0xc1: {  	[tilespmem:s14+$0x350] =	vst v2;
	v1 =	vmax.f32 v1, v4  }
0xc2: {  	[tilespmem:s14+$0x360] =	vst v1;
	v0 =	vmax.f32 v0, v3  }
0xc3: {  	[tilespmem:s14+$0x370] =	vst v0  }
0xc4: {  	_ =	swait.ge [sflag:s5], $0x28  }
0xc5: {  	[sflag:s5] =	ssyncset.done $0x0  }
0xc6: {  	[sflag:s5] =	ssyncadd.s32 $0xFFFFFFD8  }
0xc7: {  	[spmem:s17] =	stream.indirect.scatter.add.f32 [tilespmem:s28], [sflag:$0xD], $0x80, s16, s26, $0xb8;
	[tilespmem:$0x1B380] =	vst v63  }
0xc8: {  	_ =	swait.ge [sflag:s6], $0x1400  }
0xc9: {  	[sflag:s6] =	ssyncset.done $0x0  }
0xca: {  	s11 =	sadd.s32 $0x4, s18;
	p1 =	seq.s32 s29, $0x52;
	[sflag:s6] =	ssyncadd.s32 $0xFFFFEC00  }
0xcb: {  	s11 =	smul.u32 @!p1 $0x28, s11;
	_ =	swait.ge [sflag:s7], $0x1400  }
0xcc: {  	s12 =	rddreg [dreg:$0x11]  }
0xcd: {  	s18 =	sadd.s32 @!p1 s12, s11  }
0xce: {  	s23 =	simm.s32 @!p1 $0x0;
	[sflag:s7] =	ssyncset.done $0x0;
	s14 =	sshrl.u32 @!p1 s18, $0x3  }
0xcf: {  	[sflag:s7] =	ssyncadd.s32 $0xFFFFEC00;
	s12 =	simm.s32 @!p1 $0x80;
	s11 =	sadd.s32 @!p1 s22, s14  }
0xd0: {  	[tilespmem:s12], [sflag:$0x2] =	stream.linear.gather @!p1 [hbm4b:s11+s23], $0x28, $0x38;
	[tilespmem:$0x1B380] =	vst v63  }
0xd1: {  	_ =	swait.ge [sflag:s8], $0x1400  }
0xd2: {  	[sflag:s8] =	ssyncset.done $0x0  }
0xd3: {  	[sflag:s8] =	ssyncadd.s32 $0xFFFFEC00  }
0xd4: {  	_ =	swait.ge [sflag:s20], $0x28  }
0xd5: {  	[sflag:s20] =	ssyncset.done $0x0  }
0xd6: {  	s9 =	sshll.u32 s9, $0x4;
	s11 =	simm.s32 $0x0;
	[sflag:s20] =	ssyncadd.s32 $0xFFFFFFD8  }
0xd7: {  	[tilespmem:s28], [sflag:$0x7] =	stream.indirect.gather [hbm4b:s21+s26], $0x80, s11, s26, $0xb8;
	[tilespmem:$0x1B380] =	vst v63  }
0xd8: {  	s9 =	sadd.s32 s25, s9;
	s23 =	simm.s32 $0x3F00  }
0xd9: {  	[tilespmem:s23], [sflag:$0xA] =	stream.linear.gather [hbm4b:s9+s11], $0x1400, $0x38;
	[tilespmem:$0x1B380] =	vst v63  }
0xda: {  	s23 =	sadd.s32 s24, s19;
	s9 =	simm.s32 $0x0  }
0xdb: {  	[tilespmem:s16], [sflag:$0x4] =	stream.linear.gather [hbm4b:s23+s11], $0x28, $0x38;
	[tilespmem:$0x1B380] =	vst v63  }
0xdc: {  	v6 =	vld [tilespmem:s9+$0x5300]  }
0xdd: {  	v9 =	vld [tilespmem:s9+$0x5310]  }
0xde: {  	v5 =	vld [tilespmem:s9+$0x5320]  }
0xdf: {  	v4 =	vld [tilespmem:s9+$0x5330]  }
0xe0: {  	v3 =	vld [tilespmem:s9+$0x5340]  }
0xe1: {  	v2 =	vld [tilespmem:s9+$0x5350]  }
0xe2: {  	v1 =	vld [tilespmem:s9+$0x5360]  }
0xe3: {  	v0 =	vld [tilespmem:s9+$0x5370]  }
0xe4: {  	v11 =	vld [tilespmem:s9+$0x1700]  }
0xe5: {  	v13 =	vld [tilespmem:s9+$0x1710]  }
0xe6: {  	v12 =	vld [tilespmem:s9+$0x1720]  }
0xe7: {  	v10 =	vld [tilespmem:s9+$0x1730]  }
0xe8: {  	v8 =	vld [tilespmem:s9+$0x1740]  }
0xe9: {  	v7 =	vld [tilespmem:s9+$0x1750];
	v11 =	vadd.f32 v6, v11  }
0xea: {  	s19 =	simm.s32 $0x200;
	v9 =	vadd.f32 v9, v13;
	v6 =	vld [tilespmem:s9+$0x1760]  }
.LBB2_5:
0xeb: {  	s11 =	sshra.s32 s19, $0x2;
	p2 =	sne.s32 s19, $0x4E00;
	v13 =	vmul.f32 $1.000000010e-01, v11;
	v12 =	vadd.f32 v5, v12;
	v14 =	vld [tilespmem:s9+$0x1770]  }
0xec: {  	v15 =	vld [tilespmem:s11+$0x5300];
	v16 =	vmul.f32 $1.000000010e-01, v9;
	v10 =	vadd.f32 v4, v10  }
0xed: {  	v17 =	vld [tilespmem:s11+$0x5310];
	v4 =	vmax.f32 v11, v13;
	v11 =	vmul.f32 $1.000000010e-01, v12;
	v8 =	vadd.f32 v3, v8  }
0xee: {  	v5 =	vld [tilespmem:s11+$0x5320];
	[tilespmem:s9+$0x1700] =	vst v4;
	v3 =	vmax.f32 v9, v16;
	v9 =	vmul.f32 $1.000000010e-01, v10;
	v7 =	vadd.f32 v2, v7  }
0xef: {  	v4 =	vld [tilespmem:s11+$0x5330];
	[tilespmem:s9+$0x1710] =	vst v3;
	v2 =	vmax.f32 v12, v11;
	v11 =	vmul.f32 $1.000000010e-01, v8;
	v6 =	vadd.f32 v1, v6  }
0xf0: {  	v3 =	vld [tilespmem:s11+$0x5340];
	[tilespmem:s9+$0x1720] =	vst v2;
	v1 =	vmax.f32 v10, v9;
	v9 =	vmul.f32 $1.000000010e-01, v7;
	v10 =	vadd.f32 v0, v14  }
0xf1: {  	v2 =	vld [tilespmem:s11+$0x5350];
	[tilespmem:s9+$0x1730] =	vst v1;
	v0 =	vmax.f32 v8, v11;
	v8 =	vmul.f32 $1.000000010e-01, v6  }
0xf2: {  	v1 =	vld [tilespmem:s11+$0x5360];
	[tilespmem:s9+$0x1740] =	vst v0;
	v7 =	vmax.f32 v7, v9;
	v9 =	vmul.f32 $1.000000010e-01, v10  }
0xf3: {  	v0 =	vld [tilespmem:s11+$0x5370];
	[tilespmem:s9+$0x1750] =	vst v7;
	v6 =	vmax.f32 v6, v8  }
0xf4: {  	v7 =	vld [tilespmem:s11+$0x1700];
	[tilespmem:s9+$0x1760] =	vst v6;
	v6 =	vmax.f32 v10, v9  }
0xf5: {  	v9 =	vld [tilespmem:s11+$0x1710];
	[tilespmem:s9+$0x1770] =	vst v6;
	s9 =	smov.u32 s11  }
.Ltmp1:
0xf6: {  	v12 =	vld [tilespmem:s9+$0x1720];
	(pc) =	sbr.rel @p2 .LBB2_5-.Ltmp1, $4  }
0xf7: {  	v10 =	vld [tilespmem:s9+$0x1730]  }
0xf8: {  	v8 =	vld [tilespmem:s9+$0x1740]  }
0xf9: {  	v11 =	vadd.f32 v15, v7;
	v7 =	vld [tilespmem:s9+$0x1750]  }
0xfa: {  	s19 =	sadd.s32 $0x200, s19;
	v9 =	vadd.f32 v17, v9;
	v6 =	vld [tilespmem:s9+$0x1760]  }
0xfb: {  	v13 =	vmul.f32 $1.000000010e-01, v11;
	v5 =	vadd.f32 v5, v12;
	v12 =	vld [tilespmem:s9+$0x1770]  }
0xfc: {  	v14 =	vmul.f32 $1.000000010e-01, v9;
	v4 =	vadd.f32 v4, v10  }
0xfd: {  	v10 =	vmax.f32 v11, v13;
	v11 =	vmul.f32 $1.000000010e-01, v5;
	v3 =	vadd.f32 v3, v8  }
0xfe: {  	[tilespmem:s9+$0x1700] =	vst v10;
	v8 =	vmax.f32 v9, v14;
	v9 =	vmul.f32 $1.000000010e-01, v4;
	v2 =	vadd.f32 v2, v7  }
0xff: {  	[tilespmem:s9+$0x1710] =	vst v8;
	v5 =	vmax.f32 v5, v11;
	v7 =	vmul.f32 $1.000000010e-01, v3;
	v1 =	vadd.f32 v1, v6  }
0x100: {  	[tilespmem:s9+$0x1720] =	vst v5;
	v4 =	vmax.f32 v4, v9;
	v5 =	vmul.f32 $1.000000010e-01, v2;
	v0 =	vadd.f32 v0, v12  }
0x101: {  	[tilespmem:s9+$0x1730] =	vst v4;
	v3 =	vmax.f32 v3, v7;
	v4 =	vmul.f32 $1.000000010e-01, v1  }
0x102: {  	[tilespmem:s9+$0x1740] =	vst v3;
	v2 =	vmax.f32 v2, v5;
	v3 =	vmul.f32 $1.000000010e-01, v0  }
0x103: {  	[tilespmem:s9+$0x1750] =	vst v2;
	v1 =	vmax.f32 v1, v4  }
0x104: {  	[tilespmem:s9+$0x1760] =	vst v1;
	v0 =	vmax.f32 v0, v3  }
0x105: {  	[tilespmem:s9+$0x1770] =	vst v0  }
0x106: {  	_ =	swait.ge [sflag:s10], $0x28  }
0x107: {  	[sflag:s10] =	ssyncset.done $0x0  }
0x108: {  	s23 =	simm.s32 $0x200;
	s11 =	simm.s32 $0x1700;
	[sflag:s10] =	ssyncadd.s32 $0xFFFFFFD8  }
0x109: {  	[spmem:s17] =	stream.indirect.scatter.add.f32 [tilespmem:s11], [sflag:$0xE], $0x80, s23, s26, $0xb8;
	[tilespmem:$0x1B380] =	vst v63  }
0x10a: {  	_ =	swait.ge [sflag:s30], $0x1400  }
0x10b: {  	[sflag:s30] =	ssyncset.done $0x0  }
0x10c: {  	[sflag:s30] =	ssyncadd.s32 $0xFFFFEC00  }
0x10d: {  	_ =	swait.ge [sflag:s4], $0x1400  }
0x10e: {  	s9 =	sld [smem:$0x7FD];
	_ =	sdelay $0x2  }
0x10f: {  	s9 =	sadd.s32 @!p1 s31, s9  }
0x110: {  	s12 =	simm.s32 @!p1 $0x100;
	[sflag:s4] =	ssyncset.done $0x0;
	s9 =	sshrl.u32 @!p1 s9, $0x3  }
0x111: {  	s11 =	simm.s32 @!p1 $0x0;
	[sflag:s4] =	ssyncadd.s32 $0xFFFFEC00;
	s9 =	sadd.s32 @!p1 s22, s9  }
0x112: {  	[tilespmem:s12], [sflag:$0x3] =	stream.linear.gather @!p1 [hbm4b:s9+s11], $0x28, $0x38;
	[tilespmem:$0x1B380] =	vst v63  }
0x113: {  	s9 =	simm.s32 @!p1 $0xE  }
0x114: {  	_ =	swait.ge @!p1 [sflag:s9], $0x1400  }
0x115: {  	[sflag:s9] =	ssyncset.done @!p1 $0x0  }
0x116: {  	[sflag:s9] =	ssyncadd.s32 @!p1 $0xFFFFEC00;
	s9 =	simm.s32 @!p1 $0x2  }
0x117: {  	_ =	swait.ge @!p1 [sflag:s9], $0x28  }
0x118: {  	s19 =	simm.s32 @!p1 $0x1700;
	[sflag:s9] =	ssyncset.done @!p1 $0x0  }
0x119: {  	s12 =	simm.s32 @!p1 $0x80;
	[sflag:s9] =	ssyncadd.s32 @!p1 $0xFFFFFFD8;
	s9 =	simm.s32 @!p1 $0x28  }
0x11a: {  	[tilespmem:s19], [sflag:$0x8] =	stream.indirect.gather @!p1 [hbm4b:s21+s9], $0x80, s12, s9, $0xb8;
	[tilespmem:$0x1B380] =	vst v63  }
0x11b: {  	s9 =	sshll.u32 @!p1 s18, $0x4  }
0x11c: {  	s12 =	simm.s32 @!p1 $0x5300;
	s9 =	sadd.s32 @!p1 s25, s9  }
0x11d: {  	[tilespmem:s12], [sflag:$0xB] =	stream.linear.gather @!p1 [hbm4b:s9+s11], $0x1400, $0x38;
	[tilespmem:$0x1B380] =	vst v63  }
0x11e: {  	s9 =	sadd.s32 @!p1 s24, s14;
	s12 =	simm.s32 @!p1 $0x200  }
0x11f: {  	[tilespmem:s12], [sflag:$0x5] =	stream.linear.gather @!p1 [hbm4b:s9+s11], $0x28, $0x38;
	[tilespmem:$0x1B380] =	vst v63  }
0x120: {  	s9 =	simm.s32 $0x0  }
0x121: {  	v6 =	vld [tilespmem:s9+$0x6700]  }
0x122: {  	v9 =	vld [tilespmem:s9+$0x6710]  }
0x123: {  	v5 =	vld [tilespmem:s9+$0x6720]  }
0x124: {  	v4 =	vld [tilespmem:s9+$0x6730]  }
0x125: {  	v3 =	vld [tilespmem:s9+$0x6740]  }
0x126: {  	v2 =	vld [tilespmem:s9+$0x6750]  }
0x127: {  	v1 =	vld [tilespmem:s9+$0x6760]  }
0x128: {  	v0 =	vld [tilespmem:s9+$0x6770]  }
0x129: {  	v11 =	vld [tilespmem:s9+$0x2B00]  }
0x12a: {  	v13 =	vld [tilespmem:s9+$0x2B10]  }
0x12b: {  	v12 =	vld [tilespmem:s9+$0x2B20]  }
0x12c: {  	v10 =	vld [tilespmem:s9+$0x2B30]  }
0x12d: {  	v8 =	vld [tilespmem:s9+$0x2B40]  }
0x12e: {  	v7 =	vld [tilespmem:s9+$0x2B50];
	v11 =	vadd.f32 v6, v11  }
0x12f: {  	s14 =	simm.s32 $0x200;
	v9 =	vadd.f32 v9, v13;
	v6 =	vld [tilespmem:s9+$0x2B60]  }
.LBB2_7:
0x130: {  	s11 =	sshra.s32 s14, $0x2;
	p1 =	sne.s32 s14, $0x4E00;
	v13 =	vmul.f32 $1.000000010e-01, v11;
	v12 =	vadd.f32 v5, v12;
	v14 =	vld [tilespmem:s9+$0x2B70]  }
0x131: {  	v15 =	vld [tilespmem:s11+$0x6700];
	v16 =	vmul.f32 $1.000000010e-01, v9;
	v10 =	vadd.f32 v4, v10  }
0x132: {  	v17 =	vld [tilespmem:s11+$0x6710];
	v4 =	vmax.f32 v11, v13;
	v11 =	vmul.f32 $1.000000010e-01, v12;
	v8 =	vadd.f32 v3, v8  }
0x133: {  	v5 =	vld [tilespmem:s11+$0x6720];
	[tilespmem:s9+$0x2B00] =	vst v4;
	v3 =	vmax.f32 v9, v16;
	v9 =	vmul.f32 $1.000000010e-01, v10;
	v7 =	vadd.f32 v2, v7  }
0x134: {  	v4 =	vld [tilespmem:s11+$0x6730];
	[tilespmem:s9+$0x2B10] =	vst v3;
	v2 =	vmax.f32 v12, v11;
	v11 =	vmul.f32 $1.000000010e-01, v8;
	v6 =	vadd.f32 v1, v6  }
0x135: {  	v3 =	vld [tilespmem:s11+$0x6740];
	[tilespmem:s9+$0x2B20] =	vst v2;
	v1 =	vmax.f32 v10, v9;
	v9 =	vmul.f32 $1.000000010e-01, v7;
	v10 =	vadd.f32 v0, v14  }
0x136: {  	v2 =	vld [tilespmem:s11+$0x6750];
	[tilespmem:s9+$0x2B30] =	vst v1;
	v0 =	vmax.f32 v8, v11;
	v8 =	vmul.f32 $1.000000010e-01, v6  }
0x137: {  	v1 =	vld [tilespmem:s11+$0x6760];
	[tilespmem:s9+$0x2B40] =	vst v0;
	v7 =	vmax.f32 v7, v9;
	v9 =	vmul.f32 $1.000000010e-01, v10  }
0x138: {  	v0 =	vld [tilespmem:s11+$0x6770];
	[tilespmem:s9+$0x2B50] =	vst v7;
	v6 =	vmax.f32 v6, v8  }
0x139: {  	v7 =	vld [tilespmem:s11+$0x2B00];
	[tilespmem:s9+$0x2B60] =	vst v6;
	v6 =	vmax.f32 v10, v9  }
0x13a: {  	v9 =	vld [tilespmem:s11+$0x2B10];
	[tilespmem:s9+$0x2B70] =	vst v6;
	s9 =	smov.u32 s11  }
.Ltmp2:
0x13b: {  	v12 =	vld [tilespmem:s9+$0x2B20];
	(pc) =	sbr.rel @p1 .LBB2_7-.Ltmp2, $4  }
0x13c: {  	v10 =	vld [tilespmem:s9+$0x2B30]  }
0x13d: {  	v8 =	vld [tilespmem:s9+$0x2B40]  }
0x13e: {  	v11 =	vadd.f32 v15, v7;
	v7 =	vld [tilespmem:s9+$0x2B50]  }
0x13f: {  	s14 =	sadd.s32 $0x200, s14;
	v9 =	vadd.f32 v17, v9;
	v6 =	vld [tilespmem:s9+$0x2B60]  }
0x140: {  	v13 =	vmul.f32 $1.000000010e-01, v11;
	v5 =	vadd.f32 v5, v12;
	v55 =	vld [tilespmem:s9+$0x2B70]  }
0x141: {  	v14 =	vmul.f32 $1.000000010e-01, v9;
	v4 =	vadd.f32 v4, v10  }
0x142: {  	v56 =	vmax.f32 v11, v13;
	v57 =	vmul.f32 $1.000000010e-01, v5;
	v3 =	vadd.f32 v3, v8  }
0x143: {  	[tilespmem:s9+$0x2B00] =	vst v56;
	v58 =	vmax.f32 v9, v14;
	v59 =	vmul.f32 $1.000000010e-01, v4;
	v2 =	vadd.f32 v2, v7  }
0x144: {  	[tilespmem:s9+$0x2B10] =	vst v58;
	v5 =	vmax.f32 v5, v57;
	v60 =	vmul.f32 $1.000000010e-01, v3;
	v1 =	vadd.f32 v1, v6  }
0x145: {  	[tilespmem:s9+$0x2B20] =	vst v5;
	v4 =	vmax.f32 v4, v59;
	v61 =	vmul.f32 $1.000000010e-01, v2;
	v0 =	vadd.f32 v0, v55  }
0x146: {  	[tilespmem:s9+$0x2B30] =	vst v4;
	v3 =	vmax.f32 v3, v60;
	v62 =	vmul.f32 $1.000000010e-01, v1  }
0x147: {  	[tilespmem:s9+$0x2B40] =	vst v3;
	v2 =	vmax.f32 v2, v61;
	v63 =	vmul.f32 $1.000000010e-01, v0  }
0x148: {  	s29 =	sadd.s32 $0x1, s29;
	[tilespmem:s9+$0x2B50] =	vst v2;
	v1 =	vmax.f32 v1, v62  }
0x149: {  	p1 =	sne.s32 s29, $0x53;
	[tilespmem:s9+$0x2B60] =	vst v1;
	v0 =	vmax.f32 v0, v63  }
.Ltmp3:
0x14a: {  	[tilespmem:s9+$0x2B70] =	vst v0;
	(pc) =	sbr.rel @p1 .LBB2_2-.Ltmp3, $4  }
0x14b: {  	_ =	swait.ge [sflag:s15], $0x28  }
0x14c: {  	[sflag:s15] =	ssyncset.done $0x0  }
0x14d: {  	[sflag:s15] =	ssyncadd.s32 $0xFFFFFFD8  }
0x14e: {  	[spmem:s17] =	stream.indirect.scatter.add.f32 [tilespmem:s3], [sflag:$0xF], $0x80, s13, s26, $0xb8;
	[tilespmem:$0x1B380] =	vst v63  }
0x14f: {  	_ =	swait.ge [sflag:s0], $0x1400  }
0x150: {  	[sflag:s0] =	ssyncset.done $0x0  }
0x151: {  	[sflag:s0] =	ssyncadd.s32 $0xFFFFEC00  }
0x152: {  	_ =	swait.ge [sflag:s1], $0x1400  }
0x153: {  	[sflag:s1] =	ssyncset.done $0x0  }
0x154: {  	s9 =	simm.s32 $0x0;
	[sflag:s1] =	ssyncadd.s32 $0xFFFFEC00  }
0x155: {  	v6 =	vld [tilespmem:s9+$0x3F00]  }
0x156: {  	v9 =	vld [tilespmem:s9+$0x3F10]  }
0x157: {  	v5 =	vld [tilespmem:s9+$0x3F20]  }
0x158: {  	v4 =	vld [tilespmem:s9+$0x3F30]  }
0x159: {  	v3 =	vld [tilespmem:s9+$0x3F40]  }
0x15a: {  	v2 =	vld [tilespmem:s9+$0x3F50]  }
0x15b: {  	v1 =	vld [tilespmem:s9+$0x3F60]  }
0x15c: {  	v0 =	vld [tilespmem:s9+$0x3F70]  }
0x15d: {  	v11 =	vld [tilespmem:s9+$0x300]  }
0x15e: {  	v13 =	vld [tilespmem:s9+$0x310]  }
0x15f: {  	v12 =	vld [tilespmem:s9+$0x320]  }
0x160: {  	v10 =	vld [tilespmem:s9+$0x330]  }
0x161: {  	v8 =	vld [tilespmem:s9+$0x340]  }
0x162: {  	v7 =	vld [tilespmem:s9+$0x350];
	v11 =	vadd.f32 v6, v11  }
0x163: {  	s14 =	simm.s32 $0x200;
	s12 =	sld [smem:$0x7ED];
	v9 =	vadd.f32 v9, v13;
	v6 =	vld [tilespmem:s9+$0x360]  }
.LBB2_10:
0x164: {  	s11 =	sshra.s32 s14, $0x2;
	p1 =	sne.s32 s14, $0x4E00;
	v13 =	vmul.f32 $1.000000010e-01, v11;
	v12 =	vadd.f32 v5, v12;
	v14 =	vld [tilespmem:s9+$0x370]  }
0x165: {  	v15 =	vld [tilespmem:s11+$0x3F00];
	v16 =	vmul.f32 $1.000000010e-01, v9;
	v10 =	vadd.f32 v4, v10  }
0x166: {  	v17 =	vld [tilespmem:s11+$0x3F10];
	v4 =	vmax.f32 v11, v13;
	v11 =	vmul.f32 $1.000000010e-01, v12;
	v8 =	vadd.f32 v3, v8  }
0x167: {  	v5 =	vld [tilespmem:s11+$0x3F20];
	[tilespmem:s9+$0x300] =	vst v4;
	v3 =	vmax.f32 v9, v16;
	v9 =	vmul.f32 $1.000000010e-01, v10;
	v7 =	vadd.f32 v2, v7  }
0x168: {  	v4 =	vld [tilespmem:s11+$0x3F30];
	[tilespmem:s9+$0x310] =	vst v3;
	v2 =	vmax.f32 v12, v11;
	v11 =	vmul.f32 $1.000000010e-01, v8;
	v6 =	vadd.f32 v1, v6  }
0x169: {  	v3 =	vld [tilespmem:s11+$0x3F40];
	[tilespmem:s9+$0x320] =	vst v2;
	v1 =	vmax.f32 v10, v9;
	v9 =	vmul.f32 $1.000000010e-01, v7;
	v10 =	vadd.f32 v0, v14  }
0x16a: {  	v2 =	vld [tilespmem:s11+$0x3F50];
	[tilespmem:s9+$0x330] =	vst v1;
	v0 =	vmax.f32 v8, v11;
	v8 =	vmul.f32 $1.000000010e-01, v6  }
0x16b: {  	v1 =	vld [tilespmem:s11+$0x3F60];
	[tilespmem:s9+$0x340] =	vst v0;
	v7 =	vmax.f32 v7, v9;
	v9 =	vmul.f32 $1.000000010e-01, v10  }
0x16c: {  	v0 =	vld [tilespmem:s11+$0x3F70];
	[tilespmem:s9+$0x350] =	vst v7;
	v6 =	vmax.f32 v6, v8  }
0x16d: {  	v7 =	vld [tilespmem:s11+$0x300];
	[tilespmem:s9+$0x360] =	vst v6;
	v6 =	vmax.f32 v10, v9  }
0x16e: {  	v9 =	vld [tilespmem:s11+$0x310];
	[tilespmem:s9+$0x370] =	vst v6;
	s9 =	smov.u32 s11  }
.Ltmp4:
0x16f: {  	v12 =	vld [tilespmem:s9+$0x320];
	(pc) =	sbr.rel @p1 .LBB2_10-.Ltmp4, $4  }
0x170: {  	v10 =	vld [tilespmem:s9+$0x330]  }
0x171: {  	v8 =	vld [tilespmem:s9+$0x340]  }
0x172: {  	v11 =	vadd.f32 v15, v7;
	v7 =	vld [tilespmem:s9+$0x350]  }
0x173: {  	s14 =	sadd.s32 $0x200, s14;
	v9 =	vadd.f32 v17, v9;
	v6 =	vld [tilespmem:s9+$0x360]  }
0x174: {  	v13 =	vmul.f32 $1.000000010e-01, v11;
	v5 =	vadd.f32 v5, v12;
	v55 =	vld [tilespmem:s9+$0x370]  }
0x175: {  	v14 =	vmul.f32 $1.000000010e-01, v9;
	v4 =	vadd.f32 v4, v10  }
0x176: {  	v56 =	vmax.f32 v11, v13;
	v57 =	vmul.f32 $1.000000010e-01, v5;
	v3 =	vadd.f32 v3, v8  }
0x177: {  	[tilespmem:s9+$0x300] =	vst v56;
	v58 =	vmax.f32 v9, v14;
	v59 =	vmul.f32 $1.000000010e-01, v4;
	v2 =	vadd.f32 v2, v7  }
0x178: {  	[tilespmem:s9+$0x310] =	vst v58;
	v5 =	vmax.f32 v5, v57;
	v60 =	vmul.f32 $1.000000010e-01, v3;
	v1 =	vadd.f32 v1, v6  }
0x179: {  	[tilespmem:s9+$0x320] =	vst v5;
	v4 =	vmax.f32 v4, v59;
	v61 =	vmul.f32 $1.000000010e-01, v2;
	v0 =	vadd.f32 v0, v55  }
0x17a: {  	[tilespmem:s9+$0x330] =	vst v4;
	v3 =	vmax.f32 v3, v60;
	v62 =	vmul.f32 $1.000000010e-01, v1  }
0x17b: {  	[tilespmem:s9+$0x340] =	vst v3;
	v2 =	vmax.f32 v2, v61;
	v63 =	vmul.f32 $1.000000010e-01, v0  }
0x17c: {  	[tilespmem:s9+$0x350] =	vst v2;
	v1 =	vmax.f32 v1, v62  }
0x17d: {  	[tilespmem:s9+$0x360] =	vst v1;
	v0 =	vmax.f32 v0, v63  }
0x17e: {  	[tilespmem:s9+$0x370] =	vst v0  }
0x17f: {  	_ =	swait.ge [sflag:s5], $0x28  }
0x180: {  	[sflag:s5] =	ssyncset.done $0x0  }
0x181: {  	s11 =	simm.s32 $0xE;
	[sflag:s5] =	ssyncadd.s32 $0xFFFFFFD8  }
0x182: {  	[spmem:s17] =	stream.indirect.scatter.add.f32 [tilespmem:s28], [sflag:$0xD], $0x80, s16, s26, $0xb8;
	[tilespmem:$0x1B380] =	vst v63  }
0x183: {  	_ =	swait.ge [sflag:s11], $0x1400  }
0x184: {  	[sflag:s11] =	ssyncset.done $0x0  }
0x185: {  	s14 =	simm.s32 $0xF;
	[sflag:s11] =	ssyncadd.s32 $0xFFFFEC00  }
0x186: {  	_ =	swait.ge [sflag:s14], $0x1400  }
0x187: {  	[sflag:s14] =	ssyncset.done $0x0  }
0x188: {  	[sflag:s14] =	ssyncadd.s32 $0xFFFFEC00  }
0x189: {  	_ =	swait.ge [sflag:s8], $0x1400  }
0x18a: {  	[sflag:s8] =	ssyncset.done $0x0  }
0x18b: {  	[sflag:s8] =	ssyncadd.s32 $0xFFFFEC00  }
0x18c: {  	[bflag:$0x0] =	sbarrier.arrive $0xFFFF  }
0x18d: {  	s11 =	sld [smem:$0x7F5]  }
0x18e: {  	s14 =	sld [smem:$0x7EE];
	_ =	sdelay $0x1  }
0x18f: {  	s18 =	rddreg [dreg:$0xb]  }
0x190: {  	[hbm:s18], [sflag:s11] =	dma.local [spmem:s14], $0x500  }
0x191: {  	s18 =	simm.s32 $0x10  }
0x192: {  	_ =	swait.ge [sflag:s18], $0x500  }
0x193: {  	s23 =	sld [smem:$0x7EF]  }
0x194: {  	[sflag:s18] =	ssyncset.done $0x0  }
0x195: {  	s19 =	rddreg [dreg:$0xc];
	[sflag:s18] =	ssyncadd.s32 $0xFFFFFB00  }
0x196: {  	[hbm:s19], [sflag:s11] =	dma.local [spmem:s23], $0x500  }
0x197: {  	_ =	swait.ge [sflag:s18], $0x500  }
0x198: {  	s31 =	sld [smem:$0x7F0]  }
0x199: {  	[sflag:s18] =	ssyncset.done $0x0  }
0x19a: {  	s29 =	rddreg [dreg:$0xd];
	[sflag:s18] =	ssyncadd.s32 $0xFFFFFB00  }
0x19b: {  	[hbm:s29], [sflag:s11] =	dma.local [spmem:s31], $0x500  }
0x19c: {  	_ =	swait.ge [sflag:s18], $0x500  }
0x19d: {  	s23 =	sld [smem:$0x7F1]  }
0x19e: {  	[sflag:s18] =	ssyncset.done $0x0  }
0x19f: {  	s19 =	rddreg [dreg:$0xe];
	[sflag:s18] =	ssyncadd.s32 $0xFFFFFB00  }
0x1a0: {  	[hbm:s19], [sflag:s11] =	dma.local [spmem:s23], $0x500  }
0x1a1: {  	_ =	swait.ge [sflag:s18], $0x500  }
0x1a2: {  	s31 =	sld [smem:$0x7F2]  }
0x1a3: {  	[sflag:s18] =	ssyncset.done $0x0  }
0x1a4: {  	s29 =	rddreg [dreg:$0xf];
	[sflag:s18] =	ssyncadd.s32 $0xFFFFFB00  }
0x1a5: {  	[hbm:s29], [sflag:s11] =	dma.local [spmem:s31], $0x500  }
0x1a6: {  	_ =	swait.ge [sflag:s18], $0x500  }
0x1a7: {  	s19 =	sld [smem:$0x7F3]  }
0x1a8: {  	[sflag:s18] =	ssyncset.done $0x0  }
0x1a9: {  	s14 =	rddreg [dreg:$0x10];
	[sflag:s18] =	ssyncadd.s32 $0xFFFFFB00  }
0x1aa: {  	[hbm:s14], [sflag:s11] =	dma.local [spmem:s19], $0x500  }
0x1ab: {  	_ =	swait.ge [sflag:s18], $0x500  }
0x1ac: {  	s29 =	sld [smem:$0x7F4]  }
0x1ad: {  	[sflag:s18] =	ssyncset.done $0x0  }
0x1ae: {  	s23 =	rddreg [dreg:$0x12];
	[sflag:s18] =	ssyncadd.s32 $0xFFFFFB00  }
0x1af: {  	[hbm:s23], [sflag:s11] =	dma.local [spmem:s29], $0x500  }
0x1b0: {  	_ =	swait.ge [sflag:s18], $0x500  }
0x1b1: {  	s14 =	sld [smem:$0x7F6]  }
0x1b2: {  	[sflag:s18] =	ssyncset.done $0x0  }
0x1b3: {  	s9 =	rddreg [dreg:$0x13];
	[sflag:s18] =	ssyncadd.s32 $0xFFFFFB00  }
0x1b4: {  	[hbm:s9], [sflag:s11] =	dma.local @!p0 [spmem:s14], $0x500  }
0x1b5: {  	s9 =	simm.s32 @!p0 $0x10  }
0x1b6: {  	_ =	swait.ge @!p0 [sflag:s9], $0x500  }
0x1b7: {  	s12 =	sadd.s32 $0x1, s12;
	s31 =	rddreg [dreg:$0x1c]  }
0x1b8: {  	p1 =	sne.s32 s12, s31  }
.Ltmp5:
0x1b9: {  	_ = 	snop;
	(pc) =	sbr.rel @p1 .LBB2_1-.Ltmp5, $3  }
0x1ba: {  	_ =	sdelay $0x1  }
0x1bb: {  	[sflag:s9] =	ssyncset.done @!p0 $0x0  }
0x1bc: {  	[sflag:s9] =	ssyncadd.s32 @!p0 $0xFFFFFB00  }
0x1bd: {  	_ =	sfence.sel $0x180000  }
0x1be: {  	[bflag:$0x0] =	sbarrier.arrive $0xFFFF  }
0x1bf: {  	_ =	strace $0x9000004D  }
0x1c0: {  	s0 =	stileid.u32;
	[bflag:$0x2] =	sbarrier.arrive $0xFFFF  }
0x1c1: {  	p0 =	sne.s32 s0, $0x0;
	s0 =	rddreg [dreg:$0x2]  }
0x1c2: {  	s0 =	sadd.s32 @!p0 $0x100000, s0  }
0x1c3: {  	[sflag:s0] =	ssyncadd.tile.s32 @!p0 $0x1;
	_ =	shalt  }
.Lfunc_end2:
_tile_overlayer_lowered:
.L_overlay_start_2:
0x1c4: {  	(tag) =	ssettag $0x2  }
0x1c5: {  	s0 =	rddreg [dreg:$0x0];
	s2 =	stileid.u32  }
0x1c6: {  	s1 =	rddreg [dreg:$0x1];
	p0 =	sne.s32 s2, $0x0  }
0x1c7: {  	s3 =	rddreg [dreg:$0x2];
	[bflag:$0x3] =	sbarrier.arrive $0xFFFF;
	s2 =	simm.s32 @!p0 $0x1C10  }
0x1c8: {  	[timem:s3], [sflag:s2] =	dma.local @!p0 [hbm:s0], s1  }
0x1c9: {  	s0 =	simm.s32 @!p0 $0x10  }
0x1ca: {  	_ =	swait.ge @!p0 [sflag:s0], s1  }
0x1cb: {  	s1 =	ssub.s32 @!p0 $0x0, s1;
	[sflag:s0] =	ssyncset.done @!p0 $0x0  }
0x1cc: {  	[sflag:s0] =	ssyncadd.s32 @!p0 s1  }
0x1cd: {  	[bflag:$0x3] =	sbarrier.arrive $0xFFFF  }
0x1ce: {  	_ =	shalt  }

</sc_bundles>
